<compile_context>
chip_gen: v7x
topology: tpu7x:2x2x1
jax: 0.10.2.dev20260603
libtpu: 0.0.44.dev20260713+nightly
codegen_flags: <defaults>
</compile_context>

<pallas_src>
import jax
import jax.numpy as jnp
from jax.experimental import pallas as pl
from jax.experimental.pallas import tpu as pltpu

_C = 2048
_G = 128
_H = 64
_CH = 512
_KB = 512
_NEG = -1e30
_SCALE = 0.125


def _dot(a, b):
    return jax.lax.dot(a, b, preferred_element_type=jnp.float32)


def _dot_t(a, b):
    return jax.lax.dot_general(a, b, (((1,), (1,)), ((), ())),
                               preferred_element_type=jnp.float32)


def _tl_kernel(m_ref, ddi_ref, unr_ref, h0_ref, mrow_ref,
               ddi_c_ref, unr_c_ref, m2c_ref, m3c_ref, n2_ref, n3_ref,
               wir_ref, wiz_ref, win_ref, whr_ref, whz_ref, whn_ref,
               bir_ref, biz_ref, bin_ref, bhr_ref, bhz_ref, bhn_ref,
               wq_ref, bq_ref, wk_ref, bk_ref, wv_ref, bv_ref,
               out_ref, hnew_ref):
    f32 = jnp.float32
    bf16 = jnp.bfloat16
    mm = m_ref[:]
    h0 = h0_ref[:]

    r = jax.nn.sigmoid(_dot(mm, wir_ref[:]) + bir_ref[:]
                       + _dot(h0, whr_ref[:]) + bhr_ref[:])
    z = jax.nn.sigmoid(_dot(mm, wiz_ref[:]) + biz_ref[:]
                       + _dot(h0, whz_ref[:]) + bhz_ref[:])
    n = jnp.tanh(_dot(mm, win_ref[:]) + bin_ref[:]
                 + r * (_dot(h0, whn_ref[:]) + bhn_ref[:]))
    h_m1 = (1.0 - z) * n + z * h0

    qd = (_dot(ddi_ref[:], wq_ref[:]) + bq_ref[:]) * _SCALE
    qu = (_dot(unr_ref[:], wq_ref[:]) + bq_ref[:]) * _SCALE

    n2 = n2_ref[0, 0]
    n3 = n3_ref[0, 0]
    row_iota = jax.lax.broadcasted_iota(jnp.int32, (_C, 1), 0)
    bias2 = jnp.where(row_iota < n2, 0.0, _NEG).astype(f32)
    bias3 = jnp.where(row_iota < n3, 0.0, _NEG).astype(f32)
    kd = _dot(ddi_c_ref[:], wk_ref[:]) + bk_ref[:]
    ku = _dot(unr_c_ref[:], wk_ref[:]) + bk_ref[:]
    vd = _dot(m2c_ref[:], wv_ref[:]) + bv_ref[:]
    vu = _dot(m3c_ref[:], wv_ref[:]) + bv_ref[:]
    ones_c = jnp.ones((_C, 1), f32)
    kdh = jnp.concatenate([kd, bias2], axis=1).astype(bf16)
    kuh = jnp.concatenate([ku, bias3], axis=1).astype(bf16)
    vdh = jnp.concatenate([vd, ones_c], axis=1).astype(bf16)
    vuh = jnp.concatenate([vu, ones_c], axis=1).astype(bf16)

    nkb = _C // _KB

    def att_chunk(x):
        xh = jnp.concatenate(
            [x, jnp.ones((_CH, 1), f32)], axis=1).astype(bf16)
        o = jnp.zeros((_CH, _H + 1), f32)
        mx = jnp.full((_CH, 1), _NEG, f32)

        def block(kh, vh, cnt, o, mx):
            for kb in range(nkb):
                def do(o=o, mx=mx, kb=kb):
                    l = _dot_t(xh, kh[kb * _KB:(kb + 1) * _KB, :])
                    nmx = jnp.maximum(mx, jnp.max(l, axis=1, keepdims=True))
                    alpha = jnp.exp(mx - nmx)
                    e = jnp.exp(l - nmx).astype(bf16)
                    return (o * alpha
                            + _dot(e, vh[kb * _KB:(kb + 1) * _KB, :]), nmx)
                o, mx = jax.lax.cond(kb * _KB < cnt, do, lambda: (o, mx))
            return o, mx

        o, mx = block(kdh, vdh, n2, o, mx)
        o, mx = block(kuh, vuh, n3, o, mx)
        return jnp.tanh(o[:, 0:_H] / o[:, _H:_H + 1])

    h2 = jnp.concatenate(
        [att_chunk(qd[c * _CH:(c + 1) * _CH, :]) for c in range(_C // _CH)],
        axis=0)
    h3 = jnp.concatenate(
        [att_chunk(qu[c * _CH:(c + 1) * _CH, :]) for c in range(_C // _CH)],
        axis=0)

    m1r = mrow_ref[:, 0:1]
    m2r = mrow_ref[:, 1:2]
    m3r = mrow_ref[:, 2:3]

    hnew = jnp.where(m1r > 0, h_m1, 0.0)
    hnew = jnp.where(m2r > 0, h2, hnew)
    hnew = jnp.where(m3r > 0, h3, hnew)
    hnew_ref[:] = hnew

    o1 = jnp.max(jnp.where(m1r > 0, h_m1, _NEG), axis=0, keepdims=True)
    o2 = jnp.max(jnp.where(m2r > 0, h2, _NEG), axis=0, keepdims=True)
    o3 = jnp.max(jnp.where(m3r > 0, h3, _NEG), axis=0, keepdims=True)
    out_ref[:] = jnp.maximum(o1, jnp.maximum(o2, o3))


def kernel(m_embeddings, divided, ddi_embeddings, unrelated_embeddings,
           hidden_state, W_ih, b_ih, W_hh, b_hh, Wq, bq, Wk, bk, Wv, bv):
    f32 = jnp.float32
    i32 = jnp.int32
    mrow = (divided > 0).astype(f32)
    mask2 = divided[:, 1] > 0
    mask3 = divided[:, 2] > 0
    idx2 = jnp.nonzero(mask2, size=_C, fill_value=0)[0]
    idx3 = jnp.nonzero(mask3, size=_C, fill_value=0)[0]
    n2 = jnp.sum(mask2, dtype=i32).reshape(1, 1)
    n3 = jnp.sum(mask3, dtype=i32).reshape(1, 1)
    ddi_c = jnp.take(ddi_embeddings, idx2, axis=0)
    unr_c = jnp.take(unrelated_embeddings, idx3, axis=0)
    m2_c = jnp.take(m_embeddings, idx2, axis=0)
    m3_c = jnp.take(m_embeddings, idx3, axis=0)

    wih_t = W_ih.T
    whh_t = W_hh.T
    wir, wiz, win = (wih_t[:, :_H], wih_t[:, _H:2 * _H], wih_t[:, 2 * _H:])
    whr, whz, whn = (whh_t[:, :_H], whh_t[:, _H:2 * _H], whh_t[:, 2 * _H:])
    bir, biz, bin_ = (b_ih[None, :_H], b_ih[None, _H:2 * _H],
                      b_ih[None, 2 * _H:])
    bhr, bhz, bhn = (b_hh[None, :_H], b_hh[None, _H:2 * _H],
                     b_hh[None, 2 * _H:])

    out, h_new = pl.pallas_call(
        _tl_kernel,
        out_shape=(jax.ShapeDtypeStruct((1, _H), f32),
                   jax.ShapeDtypeStruct((_C, _H), f32)),
        compiler_params=pltpu.CompilerParams(
            vmem_limit_bytes=112 * 1024 * 1024),
    )(m_embeddings, ddi_embeddings, unrelated_embeddings, hidden_state,
      mrow,
      ddi_c, unr_c, m2_c, m3_c, n2, n3,
      wir, wiz, win, whr, whz, whn,
      bir, biz, bin_, bhr, bhz, bhn,
      Wq.T, bq[None, :], Wk.T, bk[None, :], Wv.T, bv[None, :])

    return out.reshape(_H), h_new

# --- scband reference (transcript-rebuilt; emitter-appended) ---
"""Pipeline reference for scband-transition-layer-40218073760241 (READ-ONLY COPY).

The authoritative reference and input builder live on the scoring server;
editing this copy changes nothing except your own understanding.
"""

import jax, jax.numpy as jnp
import numpy as np
import math

CODE_NUM = 2048
GRAPH = 128
HIDDEN = 64
ATT = 64
TOUT = 64


def setup_inputs(seed: int = 0) -> dict:
    key = jax.random.key(seed)
    ks = jax.random.split(key, 16)
    inp = {}
    inp["m_embeddings"] = jax.random.normal(ks[0], (CODE_NUM, GRAPH), dtype=jnp.float32)
    inp["divided"] = jax.random.randint(ks[1], (CODE_NUM, 3), 0, 2, dtype=jnp.int32)
    inp["ddi_embeddings"] = jax.random.normal(ks[2], (CODE_NUM, GRAPH), dtype=jnp.float32)
    inp["unrelated_embeddings"] = jax.random.normal(ks[3], (CODE_NUM, GRAPH), dtype=jnp.float32)
    inp["hidden_state"] = jax.random.normal(ks[4], (CODE_NUM, HIDDEN), dtype=jnp.float32)
    # GRUCell parameters (torch layout: weight_ih [3H, in], weight_hh [3H, H])
    inp["W_ih"] = jax.random.normal(ks[5], (3 * HIDDEN, GRAPH), dtype=jnp.float32) * 0.05
    inp["b_ih"] = jax.random.normal(ks[6], (3 * HIDDEN,), dtype=jnp.float32) * 0.05
    inp["W_hh"] = jax.random.normal(ks[7], (3 * HIDDEN, HIDDEN), dtype=jnp.float32) * 0.05
    inp["b_hh"] = jax.random.normal(ks[8], (3 * HIDDEN,), dtype=jnp.float32) * 0.05
    # SingleHeadAttentionLayer parameters
    inp["Wq"] = jax.random.normal(ks[9], (ATT, GRAPH), dtype=jnp.float32) * 0.05
    inp["bq"] = jax.random.normal(ks[10], (ATT,), dtype=jnp.float32) * 0.05
    inp["Wk"] = jax.random.normal(ks[11], (ATT, GRAPH), dtype=jnp.float32) * 0.05
    inp["bk"] = jax.random.normal(ks[12], (ATT,), dtype=jnp.float32) * 0.05
    inp["Wv"] = jax.random.normal(ks[13], (TOUT, GRAPH), dtype=jnp.float32) * 0.05
    inp["bv"] = jax.random.normal(ks[14], (TOUT,), dtype=jnp.float32) * 0.05
    return inp


def _gru_cell(x, h, W_ih, b_ih, W_hh, b_hh):
    gi = x @ W_ih.T + b_ih
    gh = h @ W_hh.T + b_hh
    i_r, i_z, i_n = jnp.split(gi, 3, axis=-1)
    h_r, h_z, h_n = jnp.split(gh, 3, axis=-1)
    r = jax.nn.sigmoid(i_r + h_r)
    z = jax.nn.sigmoid(i_z + h_z)
    n = jnp.tanh(i_n + r * h_n)
    return (1.0 - z) * n + z * h


def _attention(q, k, v, Wq, bq, Wk, bk, Wv, bv, key_mask):
    query = q @ Wq.T + bq
    key = k @ Wk.T + bk
    value = v @ Wv.T + bv
    g = (query @ key.T) / math.sqrt(ATT)
    g = jnp.where(key_mask[None, :], g, -jnp.inf)
    score = jax.nn.softmax(g, axis=-1)
    # equivalent to sum(score[..., None] * value, axis=-2)
    return score @ value


def reference(m_embeddings, divided, ddi_embeddings, unrelated_embeddings, hidden_state,
              W_ih, b_ih, W_hh, b_hh, Wq, bq, Wk, bk, Wv, bv):
    mask1 = divided[:, 0] > 0
    mask2 = divided[:, 1] > 0
    mask3 = divided[:, 2] > 0
    h_m1 = _gru_cell(m_embeddings, hidden_state, W_ih, b_ih, W_hh, b_hh)
    q = jnp.vstack([ddi_embeddings, unrelated_embeddings])
    v = jnp.vstack([m_embeddings, m_embeddings])
    key_mask = jnp.concatenate([mask2, mask3])
    h_m23 = jnp.tanh(_attention(q, q, v, Wq, bq, Wk, bk, Wv, bv, key_mask))
    h2 = h_m23[:CODE_NUM]
    h3 = h_m23[CODE_NUM:]
    h_new = jnp.where(mask1[:, None], h_m1,
                      jnp.zeros((CODE_NUM, HIDDEN), dtype=m_embeddings.dtype))
    h_new = jnp.where(mask2[:, None], h2, h_new)
    h_new = jnp.where(mask3[:, None], h3, h_new)
    neg_inf = jnp.array(-jnp.inf, dtype=m_embeddings.dtype)
    output_m1 = jnp.max(jnp.where(mask1[:, None], h_m1, neg_inf), axis=-2)
    output_m23 = jnp.max(jnp.where(key_mask[:, None], h_m23, neg_inf), axis=-2)
    output = jnp.maximum(output_m1, output_m23)
    return (output, h_new)

if __name__ == "__main__":
    import jax
    _d = setup_inputs()
    print(jax.jit(kernel)(*tuple(_d.values())))

</pallas_src>

<mosaic_0001>
module attributes {stable_mosaic.version = 14 : i64} {
  func.func @_tl_kernel(%arg0: memref<2048x128xf32, #tpu.memory_space<vmem>>, %arg1: memref<2048x128xf32, #tpu.memory_space<vmem>>, %arg2: memref<2048x128xf32, #tpu.memory_space<vmem>>, %arg3: memref<2048x64xf32, #tpu.memory_space<vmem>>, %arg4: memref<2048x3xf32, #tpu.memory_space<vmem>>, %arg5: memref<2048x128xf32, #tpu.memory_space<vmem>>, %arg6: memref<2048x128xf32, #tpu.memory_space<vmem>>, %arg7: memref<2048x128xf32, #tpu.memory_space<vmem>>, %arg8: memref<2048x128xf32, #tpu.memory_space<vmem>>, %arg9: memref<1x1xi32, #tpu.memory_space<vmem>>, %arg10: memref<1x1xi32, #tpu.memory_space<vmem>>, %arg11: memref<128x64xf32, #tpu.memory_space<vmem>>, %arg12: memref<128x64xf32, #tpu.memory_space<vmem>>, %arg13: memref<128x64xf32, #tpu.memory_space<vmem>>, %arg14: memref<64x64xf32, #tpu.memory_space<vmem>>, %arg15: memref<64x64xf32, #tpu.memory_space<vmem>>, %arg16: memref<64x64xf32, #tpu.memory_space<vmem>>, %arg17: memref<1x64xf32, #tpu.memory_space<vmem>>, %arg18: memref<1x64xf32, #tpu.memory_space<vmem>>, %arg19: memref<1x64xf32, #tpu.memory_space<vmem>>, %arg20: memref<1x64xf32, #tpu.memory_space<vmem>>, %arg21: memref<1x64xf32, #tpu.memory_space<vmem>>, %arg22: memref<1x64xf32, #tpu.memory_space<vmem>>, %arg23: memref<128x64xf32, #tpu.memory_space<vmem>>, %arg24: memref<1x64xf32, #tpu.memory_space<vmem>>, %arg25: memref<128x64xf32, #tpu.memory_space<vmem>>, %arg26: memref<1x64xf32, #tpu.memory_space<vmem>>, %arg27: memref<128x64xf32, #tpu.memory_space<vmem>>, %arg28: memref<1x64xf32, #tpu.memory_space<vmem>>, %arg29: memref<1x64xf32, #tpu.memory_space<vmem>>, %arg30: memref<2048x64xf32, #tpu.memory_space<vmem>>) attributes {dimension_semantics = [], scalar_prefetch = 0 : i64, scratch_operands = 0 : i64, tpu.core_type = #tpu.core_type<tc>} {
    %get3A = arith.constant 0 : index
    %get3A_0 = arith.constant 0 : index
    %get3A_1 = vector.load %arg0[%get3A, %get3A_0] : memref<2048x128xf32, #tpu.memory_space<vmem>>, vector<2048x128xf32>
    %get3A_2 = arith.constant 0 : index
    %get3A_3 = arith.constant 0 : index
    %get3A_4 = vector.load %arg3[%get3A_2, %get3A_3] : memref<2048x64xf32, #tpu.memory_space<vmem>>, vector<2048x64xf32>
    %get3A_5 = arith.constant 0 : index
    %get3A_6 = arith.constant 0 : index
    %get3A_7 = vector.load %arg11[%get3A_5, %get3A_6] : memref<128x64xf32, #tpu.memory_space<vmem>>, vector<128x64xf32>
    %dot_general3A = arith.constant dense<0.000000e+00> : vector<2048x64xf32>
    %dot_general3A_8 = tpu.matmul %get3A_1, %get3A_7, %dot_general3A {dimension_numbers = #tpu.dot_dimension_numbers<[1], [0], [0], [1], [0, 0, 1, 1], [], []>, transpose_lhs_hint = false} : vector<2048x128xf32>, vector<128x64xf32>, vector<2048x64xf32> -> vector<2048x64xf32>
    %get3A_9 = arith.constant 0 : index
    %get3A_10 = arith.constant 0 : index
    %get3A_11 = vector.load %arg17[%get3A_9, %get3A_10] : memref<1x64xf32, #tpu.memory_space<vmem>>, vector<1x64xf32>
    %add3A = vector.broadcast %get3A_11 : vector<1x64xf32> to vector<2048x64xf32>
    %add3A_12 = arith.addf %dot_general3A_8, %add3A : vector<2048x64xf32>
    %get3A_13 = arith.constant 0 : index
    %get3A_14 = arith.constant 0 : index
    %get3A_15 = vector.load %arg14[%get3A_13, %get3A_14] : memref<64x64xf32, #tpu.memory_space<vmem>>, vector<64x64xf32>
    %dot_general3A_16 = arith.constant dense<0.000000e+00> : vector<2048x64xf32>
    %dot_general3A_17 = tpu.matmul %get3A_4, %get3A_15, %dot_general3A_16 {dimension_numbers = #tpu.dot_dimension_numbers<[1], [0], [0], [1], [0, 0, 1, 1], [], []>, transpose_lhs_hint = false} : vector<2048x64xf32>, vector<64x64xf32>, vector<2048x64xf32> -> vector<2048x64xf32>
    %add3A_18 = arith.addf %add3A_12, %dot_general3A_17 : vector<2048x64xf32>
    %get3A_19 = arith.constant 0 : index
    %get3A_20 = arith.constant 0 : index
    %get3A_21 = vector.load %arg20[%get3A_19, %get3A_20] : memref<1x64xf32, #tpu.memory_space<vmem>>, vector<1x64xf32>
    %add3A_22 = vector.broadcast %get3A_21 : vector<1x64xf32> to vector<2048x64xf32>
    %add3A_23 = arith.addf %add3A_18, %add3A_22 : vector<2048x64xf32>
    %logistic3A = arith.negf %add3A_23 : vector<2048x64xf32>
    %logistic3A_24 = math.exp %logistic3A : vector<2048x64xf32>
    %logistic3A_25 = arith.constant 1.000000e+00 : f32
    %logistic3A_26 = vector.broadcast %logistic3A_25 : f32 to vector<2048x64xf32>
    %logistic3A_27 = arith.addf %logistic3A_26, %logistic3A_24 : vector<2048x64xf32>
    %logistic3A_28 = arith.divf %logistic3A_26, %logistic3A_27 : vector<2048x64xf32>
    %get3A_29 = arith.constant 0 : index
    %get3A_30 = arith.constant 0 : index
    %get3A_31 = vector.load %arg12[%get3A_29, %get3A_30] : memref<128x64xf32, #tpu.memory_space<vmem>>, vector<128x64xf32>
    %dot_general3A_32 = arith.constant dense<0.000000e+00> : vector<2048x64xf32>
    %dot_general3A_33 = tpu.matmul %get3A_1, %get3A_31, %dot_general3A_32 {dimension_numbers = #tpu.dot_dimension_numbers<[1], [0], [0], [1], [0, 0, 1, 1], [], []>, transpose_lhs_hint = false} : vector<2048x128xf32>, vector<128x64xf32>, vector<2048x64xf32> -> vector<2048x64xf32>
    %get3A_34 = arith.constant 0 : index
    %get3A_35 = arith.constant 0 : index
    %get3A_36 = vector.load %arg18[%get3A_34, %get3A_35] : memref<1x64xf32, #tpu.memory_space<vmem>>, vector<1x64xf32>
    %add3A_37 = vector.broadcast %get3A_36 : vector<1x64xf32> to vector<2048x64xf32>
    %add3A_38 = arith.addf %dot_general3A_33, %add3A_37 : vector<2048x64xf32>
    %get3A_39 = arith.constant 0 : index
    %get3A_40 = arith.constant 0 : index
    %get3A_41 = vector.load %arg15[%get3A_39, %get3A_40] : memref<64x64xf32, #tpu.memory_space<vmem>>, vector<64x64xf32>
    %dot_general3A_42 = arith.constant dense<0.000000e+00> : vector<2048x64xf32>
    %dot_general3A_43 = tpu.matmul %get3A_4, %get3A_41, %dot_general3A_42 {dimension_numbers = #tpu.dot_dimension_numbers<[1], [0], [0], [1], [0, 0, 1, 1], [], []>, transpose_lhs_hint = false} : vector<2048x64xf32>, vector<64x64xf32>, vector<2048x64xf32> -> vector<2048x64xf32>
    %add3A_44 = arith.addf %add3A_38, %dot_general3A_43 : vector<2048x64xf32>
    %get3A_45 = arith.constant 0 : index
    %get3A_46 = arith.constant 0 : index
    %get3A_47 = vector.load %arg21[%get3A_45, %get3A_46] : memref<1x64xf32, #tpu.memory_space<vmem>>, vector<1x64xf32>
    %add3A_48 = vector.broadcast %get3A_47 : vector<1x64xf32> to vector<2048x64xf32>
    %add3A_49 = arith.addf %add3A_44, %add3A_48 : vector<2048x64xf32>
    %logistic3A_50 = arith.negf %add3A_49 : vector<2048x64xf32>
    %logistic3A_51 = math.exp %logistic3A_50 : vector<2048x64xf32>
    %logistic3A_52 = arith.constant 1.000000e+00 : f32
    %logistic3A_53 = vector.broadcast %logistic3A_52 : f32 to vector<2048x64xf32>
    %logistic3A_54 = arith.addf %logistic3A_53, %logistic3A_51 : vector<2048x64xf32>
    %logistic3A_55 = arith.divf %logistic3A_53, %logistic3A_54 : vector<2048x64xf32>
    %get3A_56 = arith.constant 0 : index
    %get3A_57 = arith.constant 0 : index
    %get3A_58 = vector.load %arg13[%get3A_56, %get3A_57] : memref<128x64xf32, #tpu.memory_space<vmem>>, vector<128x64xf32>
    %dot_general3A_59 = arith.constant dense<0.000000e+00> : vector<2048x64xf32>
    %dot_general3A_60 = tpu.matmul %get3A_1, %get3A_58, %dot_general3A_59 {dimension_numbers = #tpu.dot_dimension_numbers<[1], [0], [0], [1], [0, 0, 1, 1], [], []>, transpose_lhs_hint = false} : vector<2048x128xf32>, vector<128x64xf32>, vector<2048x64xf32> -> vector<2048x64xf32>
    %get3A_61 = arith.constant 0 : index
    %get3A_62 = arith.constant 0 : index
    %get3A_63 = vector.load %arg19[%get3A_61, %get3A_62] : memref<1x64xf32, #tpu.memory_space<vmem>>, vector<1x64xf32>
    %add3A_64 = vector.broadcast %get3A_63 : vector<1x64xf32> to vector<2048x64xf32>
    %add3A_65 = arith.addf %dot_general3A_60, %add3A_64 : vector<2048x64xf32>
    %get3A_66 = arith.constant 0 : index
    %get3A_67 = arith.constant 0 : index
    %get3A_68 = vector.load %arg16[%get3A_66, %get3A_67] : memref<64x64xf32, #tpu.memory_space<vmem>>, vector<64x64xf32>
    %dot_general3A_69 = arith.constant dense<0.000000e+00> : vector<2048x64xf32>
    %dot_general3A_70 = tpu.matmul %get3A_4, %get3A_68, %dot_general3A_69 {dimension_numbers = #tpu.dot_dimension_numbers<[1], [0], [0], [1], [0, 0, 1, 1], [], []>, transpose_lhs_hint = false} : vector<2048x64xf32>, vector<64x64xf32>, vector<2048x64xf32> -> vector<2048x64xf32>
    %get3A_71 = arith.constant 0 : index
    %get3A_72 = arith.constant 0 : index
    %get3A_73 = vector.load %arg22[%get3A_71, %get3A_72] : memref<1x64xf32, #tpu.memory_space<vmem>>, vector<1x64xf32>
    %add3A_74 = vector.broadcast %get3A_73 : vector<1x64xf32> to vector<2048x64xf32>
    %add3A_75 = arith.addf %dot_general3A_70, %add3A_74 : vector<2048x64xf32>
    %mul3A = arith.mulf %logistic3A_28, %add3A_75 : vector<2048x64xf32>
    %add3A_76 = arith.addf %add3A_65, %mul3A : vector<2048x64xf32>
    %tanh3A = math.tanh %add3A_76 : vector<2048x64xf32>
    %sub3A = arith.constant 1.000000e+00 : f32
    %sub3A_77 = vector.broadcast %sub3A : f32 to vector<2048x64xf32>
    %sub3A_78 = arith.subf %sub3A_77, %logistic3A_55 : vector<2048x64xf32>
    %mul3A_79 = arith.mulf %sub3A_78, %tanh3A : vector<2048x64xf32>
    %mul3A_80 = arith.mulf %logistic3A_55, %get3A_4 : vector<2048x64xf32>
    %add3A_81 = arith.addf %mul3A_79, %mul3A_80 : vector<2048x64xf32>
    %get3A_82 = arith.constant 0 : index
    %get3A_83 = arith.constant 0 : index
    %get3A_84 = vector.load %arg1[%get3A_82, %get3A_83] : memref<2048x128xf32, #tpu.memory_space<vmem>>, vector<2048x128xf32>
    %get3A_85 = arith.constant 0 : index
    %get3A_86 = arith.constant 0 : index
    %get3A_87 = vector.load %arg23[%get3A_85, %get3A_86] : memref<128x64xf32, #tpu.memory_space<vmem>>, vector<128x64xf32>
    %dot_general3A_88 = arith.constant dense<0.000000e+00> : vector<2048x64xf32>
    %dot_general3A_89 = tpu.matmul %get3A_84, %get3A_87, %dot_general3A_88 {dimension_numbers = #tpu.dot_dimension_numbers<[1], [0], [0], [1], [0, 0, 1, 1], [], []>, transpose_lhs_hint = false} : vector<2048x128xf32>, vector<128x64xf32>, vector<2048x64xf32> -> vector<2048x64xf32>
    %get3A_90 = arith.constant 0 : index
    %get3A_91 = arith.constant 0 : index
    %get3A_92 = vector.load %arg24[%get3A_90, %get3A_91] : memref<1x64xf32, #tpu.memory_space<vmem>>, vector<1x64xf32>
    %add3A_93 = vector.broadcast %get3A_92 : vector<1x64xf32> to vector<2048x64xf32>
    %add3A_94 = arith.addf %dot_general3A_89, %add3A_93 : vector<2048x64xf32>
    %mul3A_95 = arith.constant 1.250000e-01 : f32
    %mul3A_96 = vector.broadcast %mul3A_95 : f32 to vector<2048x64xf32>
    %mul3A_97 = arith.mulf %add3A_94, %mul3A_96 : vector<2048x64xf32>
    %get3A_98 = arith.constant 0 : index
    %get3A_99 = arith.constant 0 : index
    %get3A_100 = vector.load %arg2[%get3A_98, %get3A_99] : memref<2048x128xf32, #tpu.memory_space<vmem>>, vector<2048x128xf32>
    %get3A_101 = arith.constant 0 : index
    %get3A_102 = arith.constant 0 : index
    %get3A_103 = vector.load %arg23[%get3A_101, %get3A_102] : memref<128x64xf32, #tpu.memory_space<vmem>>, vector<128x64xf32>
    %dot_general3A_104 = arith.constant dense<0.000000e+00> : vector<2048x64xf32>
    %dot_general3A_105 = tpu.matmul %get3A_100, %get3A_103, %dot_general3A_104 {dimension_numbers = #tpu.dot_dimension_numbers<[1], [0], [0], [1], [0, 0, 1, 1], [], []>, transpose_lhs_hint = false} : vector<2048x128xf32>, vector<128x64xf32>, vector<2048x64xf32> -> vector<2048x64xf32>
    %get3A_106 = arith.constant 0 : index
    %get3A_107 = arith.constant 0 : index
    %get3A_108 = vector.load %arg24[%get3A_106, %get3A_107] : memref<1x64xf32, #tpu.memory_space<vmem>>, vector<1x64xf32>
    %add3A_109 = vector.broadcast %get3A_108 : vector<1x64xf32> to vector<2048x64xf32>
    %add3A_110 = arith.addf %dot_general3A_105, %add3A_109 : vector<2048x64xf32>
    %mul3A_111 = arith.constant 1.250000e-01 : f32
    %mul3A_112 = vector.broadcast %mul3A_111 : f32 to vector<2048x64xf32>
    %mul3A_113 = arith.mulf %add3A_110, %mul3A_112 : vector<2048x64xf32>
    %get3A_114 = arith.constant 0 : index
    %get3A_115 = arith.constant 0 : index
    %get3A_116 = vector.load %arg9[%get3A_114, %get3A_115] : memref<1x1xi32, #tpu.memory_space<vmem>>, vector<1x1xi32>
    %get3A_117 = vector.extract %get3A_116[0, 0] : i32 from vector<1x1xi32>
    %get3A_118 = arith.constant 0 : index
    %get3A_119 = arith.constant 0 : index
    %get3A_120 = vector.load %arg10[%get3A_118, %get3A_119] : memref<1x1xi32, #tpu.memory_space<vmem>>, vector<1x1xi32>
    %get3A_121 = vector.extract %get3A_120[0, 0] : i32 from vector<1x1xi32>
    %iota3A = tpu.iota {dimensions = array<i32: 0>} : vector<2048x1xi32>
    %lt3A = vector.broadcast %get3A_117 : i32 to vector<2048x1xi32>
    %lt3A_122 = arith.cmpi slt, %iota3A, %lt3A : vector<2048x1xi32>
    %jit3A = arith.constant 0.000000e+00 : f32
    %jit3A_123 = arith.constant -1.000000e+30 : f32
    %broadcast_in_dim3A = vector.broadcast %jit3A : f32 to vector<2048x1xf32>
    %broadcast_in_dim3A_124 = vector.broadcast %jit3A_123 : f32 to vector<2048x1xf32>
    %select_n3A = arith.select %lt3A_122, %broadcast_in_dim3A, %broadcast_in_dim3A_124 : vector<2048x1xi1>, vector<2048x1xf32>
    %lt3A_125 = vector.broadcast %get3A_121 : i32 to vector<2048x1xi32>
    %lt3A_126 = arith.cmpi slt, %iota3A, %lt3A_125 : vector<2048x1xi32>
    %jit3A_127 = arith.constant 0.000000e+00 : f32
    %jit3A_128 = arith.constant -1.000000e+30 : f32
    %broadcast_in_dim3A_129 = vector.broadcast %jit3A_127 : f32 to vector<2048x1xf32>
    %broadcast_in_dim3A_130 = vector.broadcast %jit3A_128 : f32 to vector<2048x1xf32>
    %select_n3A_131 = arith.select %lt3A_126, %broadcast_in_dim3A_129, %broadcast_in_dim3A_130 : vector<2048x1xi1>, vector<2048x1xf32>
    %get3A_132 = arith.constant 0 : index
    %get3A_133 = arith.constant 0 : index
    %get3A_134 = vector.load %arg5[%get3A_132, %get3A_133] : memref<2048x128xf32, #tpu.memory_space<vmem>>, vector<2048x128xf32>
    %get3A_135 = arith.constant 0 : index
    %get3A_136 = arith.constant 0 : index
    %get3A_137 = vector.load %arg25[%get3A_135, %get3A_136] : memref<128x64xf32, #tpu.memory_space<vmem>>, vector<128x64xf32>
    %dot_general3A_138 = arith.constant dense<0.000000e+00> : vector<2048x64xf32>
    %dot_general3A_139 = tpu.matmul %get3A_134, %get3A_137, %dot_general3A_138 {dimension_numbers = #tpu.dot_dimension_numbers<[1], [0], [0], [1], [0, 0, 1, 1], [], []>, transpose_lhs_hint = false} : vector<2048x128xf32>, vector<128x64xf32>, vector<2048x64xf32> -> vector<2048x64xf32>
    %get3A_140 = arith.constant 0 : index
    %get3A_141 = arith.constant 0 : index
    %get3A_142 = vector.load %arg26[%get3A_140, %get3A_141] : memref<1x64xf32, #tpu.memory_space<vmem>>, vector<1x64xf32>
    %add3A_143 = vector.broadcast %get3A_142 : vector<1x64xf32> to vector<2048x64xf32>
    %add3A_144 = arith.addf %dot_general3A_139, %add3A_143 : vector<2048x64xf32>
    %get3A_145 = arith.constant 0 : index
    %get3A_146 = arith.constant 0 : index
    %get3A_147 = vector.load %arg6[%get3A_145, %get3A_146] : memref<2048x128xf32, #tpu.memory_space<vmem>>, vector<2048x128xf32>
    %get3A_148 = arith.constant 0 : index
    %get3A_149 = arith.constant 0 : index
    %get3A_150 = vector.load %arg25[%get3A_148, %get3A_149] : memref<128x64xf32, #tpu.memory_space<vmem>>, vector<128x64xf32>
    %dot_general3A_151 = arith.constant dense<0.000000e+00> : vector<2048x64xf32>
    %dot_general3A_152 = tpu.matmul %get3A_147, %get3A_150, %dot_general3A_151 {dimension_numbers = #tpu.dot_dimension_numbers<[1], [0], [0], [1], [0, 0, 1, 1], [], []>, transpose_lhs_hint = false} : vector<2048x128xf32>, vector<128x64xf32>, vector<2048x64xf32> -> vector<2048x64xf32>
    %get3A_153 = arith.constant 0 : index
    %get3A_154 = arith.constant 0 : index
    %get3A_155 = vector.load %arg26[%get3A_153, %get3A_154] : memref<1x64xf32, #tpu.memory_space<vmem>>, vector<1x64xf32>
    %add3A_156 = vector.broadcast %get3A_155 : vector<1x64xf32> to vector<2048x64xf32>
    %add3A_157 = arith.addf %dot_general3A_152, %add3A_156 : vector<2048x64xf32>
    %get3A_158 = arith.constant 0 : index
    %get3A_159 = arith.constant 0 : index
    %get3A_160 = vector.load %arg7[%get3A_158, %get3A_159] : memref<2048x128xf32, #tpu.memory_space<vmem>>, vector<2048x128xf32>
    %get3A_161 = arith.constant 0 : index
    %get3A_162 = arith.constant 0 : index
    %get3A_163 = vector.load %arg27[%get3A_161, %get3A_162] : memref<128x64xf32, #tpu.memory_space<vmem>>, vector<128x64xf32>
    %dot_general3A_164 = arith.constant dense<0.000000e+00> : vector<2048x64xf32>
    %dot_general3A_165 = tpu.matmul %get3A_160, %get3A_163, %dot_general3A_164 {dimension_numbers = #tpu.dot_dimension_numbers<[1], [0], [0], [1], [0, 0, 1, 1], [], []>, transpose_lhs_hint = false} : vector<2048x128xf32>, vector<128x64xf32>, vector<2048x64xf32> -> vector<2048x64xf32>
    %get3A_166 = arith.constant 0 : index
    %get3A_167 = arith.constant 0 : index
    %get3A_168 = vector.load %arg28[%get3A_166, %get3A_167] : memref<1x64xf32, #tpu.memory_space<vmem>>, vector<1x64xf32>
    %add3A_169 = vector.broadcast %get3A_168 : vector<1x64xf32> to vector<2048x64xf32>
    %add3A_170 = arith.addf %dot_general3A_165, %add3A_169 : vector<2048x64xf32>
    %get3A_171 = arith.constant 0 : index
    %get3A_172 = arith.constant 0 : index
    %get3A_173 = vector.load %arg8[%get3A_171, %get3A_172] : memref<2048x128xf32, #tpu.memory_space<vmem>>, vector<2048x128xf32>
    %get3A_174 = arith.constant 0 : index
    %get3A_175 = arith.constant 0 : index
    %get3A_176 = vector.load %arg27[%get3A_174, %get3A_175] : memref<128x64xf32, #tpu.memory_space<vmem>>, vector<128x64xf32>
    %dot_general3A_177 = arith.constant dense<0.000000e+00> : vector<2048x64xf32>
    %dot_general3A_178 = tpu.matmul %get3A_173, %get3A_176, %dot_general3A_177 {dimension_numbers = #tpu.dot_dimension_numbers<[1], [0], [0], [1], [0, 0, 1, 1], [], []>, transpose_lhs_hint = false} : vector<2048x128xf32>, vector<128x64xf32>, vector<2048x64xf32> -> vector<2048x64xf32>
    %get3A_179 = arith.constant 0 : index
    %get3A_180 = arith.constant 0 : index
    %get3A_181 = vector.load %arg28[%get3A_179, %get3A_180] : memref<1x64xf32, #tpu.memory_space<vmem>>, vector<1x64xf32>
    %add3A_182 = vector.broadcast %get3A_181 : vector<1x64xf32> to vector<2048x64xf32>
    %add3A_183 = arith.addf %dot_general3A_178, %add3A_182 : vector<2048x64xf32>
    %broadcast_in_dim3A_184 = arith.constant 1.000000e+00 : f32
    %broadcast_in_dim3A_185 = vector.broadcast %broadcast_in_dim3A_184 : f32 to vector<2048x1xf32>
    %concatenate3A = tpu.concatenate %add3A_144, %select_n3A in 1 : vector<2048x64xf32>, vector<2048x1xf32> -> vector<2048x65xf32>
    %convert_element_type3A = arith.truncf %concatenate3A : vector<2048x65xf32> to vector<2048x65xbf16>
    %concatenate3A_186 = tpu.concatenate %add3A_157, %select_n3A_131 in 1 : vector<2048x64xf32>, vector<2048x1xf32> -> vector<2048x65xf32>
    %convert_element_type3A_187 = arith.truncf %concatenate3A_186 : vector<2048x65xf32> to vector<2048x65xbf16>
    %concatenate3A_188 = tpu.concatenate %add3A_170, %broadcast_in_dim3A_185 in 1 : vector<2048x64xf32>, vector<2048x1xf32> -> vector<2048x65xf32>
    %convert_element_type3A_189 = arith.truncf %concatenate3A_188 : vector<2048x65xf32> to vector<2048x65xbf16>
    %concatenate3A_190 = tpu.concatenate %add3A_183, %broadcast_in_dim3A_185 in 1 : vector<2048x64xf32>, vector<2048x1xf32> -> vector<2048x65xf32>
    %convert_element_type3A_191 = arith.truncf %concatenate3A_190 : vector<2048x65xf32> to vector<2048x65xbf16>
    %slice3A = vector.extract_strided_slice %mul3A_97 {offsets = [0, 0], sizes = [512, 64], strides = [1, 1]} : vector<2048x64xf32> to vector<512x64xf32>
    %broadcast_in_dim3A_192 = arith.constant 1.000000e+00 : f32
    %broadcast_in_dim3A_193 = vector.broadcast %broadcast_in_dim3A_192 : f32 to vector<512x1xf32>
    %concatenate3A_194 = tpu.concatenate %slice3A, %broadcast_in_dim3A_193 in 1 : vector<512x64xf32>, vector<512x1xf32> -> vector<512x65xf32>
    %convert_element_type3A_195 = arith.truncf %concatenate3A_194 : vector<512x65xf32> to vector<512x65xbf16>
    %broadcast_in_dim3A_196 = arith.constant 0.000000e+00 : f32
    %broadcast_in_dim3A_197 = vector.broadcast %broadcast_in_dim3A_196 : f32 to vector<512x65xf32>
    %broadcast_in_dim3A_198 = arith.constant -1.000000e+30 : f32
    %broadcast_in_dim3A_199 = vector.broadcast %broadcast_in_dim3A_198 : f32 to vector<512x1xf32>
    %gt3A = arith.constant 0 : i32
    %gt3A_200 = arith.cmpi sgt, %get3A_117, %gt3A : i32
    %convert_element_type3A_201 = arith.extui %gt3A_200 : i1 to i32
    %cond3A = arith.constant 0 : i32
    %cond3A_202 = arith.cmpi ne, %convert_element_type3A_201, %cond3A : i32
    %cond3A_203:2 = scf.if %cond3A_202 -> (vector<512x65xf32>, vector<512x1xf32>) {
      %slice3A_753 = vector.extract_strided_slice %convert_element_type3A {offsets = [0, 0], sizes = [512, 65], strides = [1, 1]} : vector<2048x65xbf16> to vector<512x65xbf16>
      %dot_general3A_754 = arith.constant dense<0.000000e+00> : vector<512x512xf32>
      %dot_general3A_755 = tpu.matmul %convert_element_type3A_195, %slice3A_753, %dot_general3A_754 {dimension_numbers = #tpu.dot_dimension_numbers<[1], [1], [0], [0], [0, 0, 1, 0], [], []>, transpose_lhs_hint = false} : vector<512x65xbf16>, vector<512x65xbf16>, vector<512x512xf32> -> vector<512x512xf32>
      %reduce_max3A_756 = arith.constant dense<0xFF800000> : vector<512xf32>
      %reduce_max3A_757 = vector.multi_reduction <maximumf>, %dot_general3A_755, %reduce_max3A_756 [1] : vector<512x512xf32> to vector<512xf32>
      %broadcast_in_dim3A_758 = vector.shape_cast %reduce_max3A_757 : vector<512xf32> to vector<512x1xf32>
      %max3A_759 = arith.maximumf %broadcast_in_dim3A_199, %broadcast_in_dim3A_758 : vector<512x1xf32>
      %sub3A_760 = arith.subf %broadcast_in_dim3A_199, %max3A_759 : vector<512x1xf32>
      %exp3A = math.exp %sub3A_760 : vector<512x1xf32>
      %sub3A_761 = vector.broadcast %max3A_759 : vector<512x1xf32> to vector<512x512xf32>
      %sub3A_762 = arith.subf %dot_general3A_755, %sub3A_761 : vector<512x512xf32>
      %exp3A_763 = math.exp %sub3A_762 : vector<512x512xf32>
      %convert_element_type3A_764 = arith.truncf %exp3A_763 : vector<512x512xf32> to vector<512x512xbf16>
      %mul3A_765 = vector.broadcast %exp3A : vector<512x1xf32> to vector<512x65xf32>
      %mul3A_766 = arith.mulf %broadcast_in_dim3A_197, %mul3A_765 : vector<512x65xf32>
      %slice3A_767 = vector.extract_strided_slice %convert_element_type3A_189 {offsets = [0, 0], sizes = [512, 65], strides = [1, 1]} : vector<2048x65xbf16> to vector<512x65xbf16>
      %dot_general3A_768 = arith.constant dense<0.000000e+00> : vector<512x65xf32>
      %dot_general3A_769 = tpu.matmul %convert_element_type3A_764, %slice3A_767, %dot_general3A_768 {dimension_numbers = #tpu.dot_dimension_numbers<[1], [0], [0], [1], [0, 0, 1, 1], [], []>, transpose_lhs_hint = false} : vector<512x512xbf16>, vector<512x65xbf16>, vector<512x65xf32> -> vector<512x65xf32>
      %add3A_770 = arith.addf %mul3A_766, %dot_general3A_769 : vector<512x65xf32>
      scf.yield %add3A_770, %max3A_759 : vector<512x65xf32>, vector<512x1xf32>
    } else {
      scf.yield %broadcast_in_dim3A_197, %broadcast_in_dim3A_199 : vector<512x65xf32>, vector<512x1xf32>
    }
    %gt3A_204 = arith.constant 512 : i32
    %gt3A_205 = arith.cmpi sgt, %get3A_117, %gt3A_204 : i32
    %convert_element_type3A_206 = arith.extui %gt3A_205 : i1 to i32
    %cond3A_207 = arith.constant 0 : i32
    %cond3A_208 = arith.cmpi ne, %convert_element_type3A_206, %cond3A_207 : i32
    %cond3A_209:2 = scf.if %cond3A_208 -> (vector<512x65xf32>, vector<512x1xf32>) {
      %slice3A_753 = vector.extract_strided_slice %convert_element_type3A {offsets = [512, 0], sizes = [512, 65], strides = [1, 1]} : vector<2048x65xbf16> to vector<512x65xbf16>
      %dot_general3A_754 = arith.constant dense<0.000000e+00> : vector<512x512xf32>
      %dot_general3A_755 = tpu.matmul %convert_element_type3A_195, %slice3A_753, %dot_general3A_754 {dimension_numbers = #tpu.dot_dimension_numbers<[1], [1], [0], [0], [0, 0, 1, 0], [], []>, transpose_lhs_hint = false} : vector<512x65xbf16>, vector<512x65xbf16>, vector<512x512xf32> -> vector<512x512xf32>
      %reduce_max3A_756 = arith.constant dense<0xFF800000> : vector<512xf32>
      %reduce_max3A_757 = vector.multi_reduction <maximumf>, %dot_general3A_755, %reduce_max3A_756 [1] : vector<512x512xf32> to vector<512xf32>
      %broadcast_in_dim3A_758 = vector.shape_cast %reduce_max3A_757 : vector<512xf32> to vector<512x1xf32>
      %max3A_759 = arith.maximumf %cond3A_203#1, %broadcast_in_dim3A_758 : vector<512x1xf32>
      %sub3A_760 = arith.subf %cond3A_203#1, %max3A_759 : vector<512x1xf32>
      %exp3A = math.exp %sub3A_760 : vector<512x1xf32>
      %sub3A_761 = vector.broadcast %max3A_759 : vector<512x1xf32> to vector<512x512xf32>
      %sub3A_762 = arith.subf %dot_general3A_755, %sub3A_761 : vector<512x512xf32>
      %exp3A_763 = math.exp %sub3A_762 : vector<512x512xf32>
      %convert_element_type3A_764 = arith.truncf %exp3A_763 : vector<512x512xf32> to vector<512x512xbf16>
      %mul3A_765 = vector.broadcast %exp3A : vector<512x1xf32> to vector<512x65xf32>
      %mul3A_766 = arith.mulf %cond3A_203#0, %mul3A_765 : vector<512x65xf32>
      %slice3A_767 = vector.extract_strided_slice %convert_element_type3A_189 {offsets = [512, 0], sizes = [512, 65], strides = [1, 1]} : vector<2048x65xbf16> to vector<512x65xbf16>
      %dot_general3A_768 = arith.constant dense<0.000000e+00> : vector<512x65xf32>
      %dot_general3A_769 = tpu.matmul %convert_element_type3A_764, %slice3A_767, %dot_general3A_768 {dimension_numbers = #tpu.dot_dimension_numbers<[1], [0], [0], [1], [0, 0, 1, 1], [], []>, transpose_lhs_hint = false} : vector<512x512xbf16>, vector<512x65xbf16>, vector<512x65xf32> -> vector<512x65xf32>
      %add3A_770 = arith.addf %mul3A_766, %dot_general3A_769 : vector<512x65xf32>
      scf.yield %add3A_770, %max3A_759 : vector<512x65xf32>, vector<512x1xf32>
    } else {
      scf.yield %cond3A_203#0, %cond3A_203#1 : vector<512x65xf32>, vector<512x1xf32>
    }
    %gt3A_210 = arith.constant 1024 : i32
    %gt3A_211 = arith.cmpi sgt, %get3A_117, %gt3A_210 : i32
    %convert_element_type3A_212 = arith.extui %gt3A_211 : i1 to i32
    %cond3A_213 = arith.constant 0 : i32
    %cond3A_214 = arith.cmpi ne, %convert_element_type3A_212, %cond3A_213 : i32
    %cond3A_215:2 = scf.if %cond3A_214 -> (vector<512x65xf32>, vector<512x1xf32>) {
      %slice3A_753 = vector.extract_strided_slice %convert_element_type3A {offsets = [1024, 0], sizes = [512, 65], strides = [1, 1]} : vector<2048x65xbf16> to vector<512x65xbf16>
      %dot_general3A_754 = arith.constant dense<0.000000e+00> : vector<512x512xf32>
      %dot_general3A_755 = tpu.matmul %convert_element_type3A_195, %slice3A_753, %dot_general3A_754 {dimension_numbers = #tpu.dot_dimension_numbers<[1], [1], [0], [0], [0, 0, 1, 0], [], []>, transpose_lhs_hint = false} : vector<512x65xbf16>, vector<512x65xbf16>, vector<512x512xf32> -> vector<512x512xf32>
      %reduce_max3A_756 = arith.constant dense<0xFF800000> : vector<512xf32>
      %reduce_max3A_757 = vector.multi_reduction <maximumf>, %dot_general3A_755, %reduce_max3A_756 [1] : vector<512x512xf32> to vector<512xf32>
      %broadcast_in_dim3A_758 = vector.shape_cast %reduce_max3A_757 : vector<512xf32> to vector<512x1xf32>
      %max3A_759 = arith.maximumf %cond3A_209#1, %broadcast_in_dim3A_758 : vector<512x1xf32>
      %sub3A_760 = arith.subf %cond3A_209#1, %max3A_759 : vector<512x1xf32>
      %exp3A = math.exp %sub3A_760 : vector<512x1xf32>
      %sub3A_761 = vector.broadcast %max3A_759 : vector<512x1xf32> to vector<512x512xf32>
      %sub3A_762 = arith.subf %dot_general3A_755, %sub3A_761 : vector<512x512xf32>
      %exp3A_763 = math.exp %sub3A_762 : vector<512x512xf32>
      %convert_element_type3A_764 = arith.truncf %exp3A_763 : vector<512x512xf32> to vector<512x512xbf16>
      %mul3A_765 = vector.broadcast %exp3A : vector<512x1xf32> to vector<512x65xf32>
      %mul3A_766 = arith.mulf %cond3A_209#0, %mul3A_765 : vector<512x65xf32>
      %slice3A_767 = vector.extract_strided_slice %convert_element_type3A_189 {offsets = [1024, 0], sizes = [512, 65], strides = [1, 1]} : vector<2048x65xbf16> to vector<512x65xbf16>
      %dot_general3A_768 = arith.constant dense<0.000000e+00> : vector<512x65xf32>
      %dot_general3A_769 = tpu.matmul %convert_element_type3A_764, %slice3A_767, %dot_general3A_768 {dimension_numbers = #tpu.dot_dimension_numbers<[1], [0], [0], [1], [0, 0, 1, 1], [], []>, transpose_lhs_hint = false} : vector<512x512xbf16>, vector<512x65xbf16>, vector<512x65xf32> -> vector<512x65xf32>
      %add3A_770 = arith.addf %mul3A_766, %dot_general3A_769 : vector<512x65xf32>
      scf.yield %add3A_770, %max3A_759 : vector<512x65xf32>, vector<512x1xf32>
    } else {
      scf.yield %cond3A_209#0, %cond3A_209#1 : vector<512x65xf32>, vector<512x1xf32>
    }
    %gt3A_216 = arith.constant 1536 : i32
    %gt3A_217 = arith.cmpi sgt, %get3A_117, %gt3A_216 : i32
    %convert_element_type3A_218 = arith.extui %gt3A_217 : i1 to i32
    %cond3A_219 = arith.constant 0 : i32
    %cond3A_220 = arith.cmpi ne, %convert_element_type3A_218, %cond3A_219 : i32
    %cond3A_221:2 = scf.if %cond3A_220 -> (vector<512x65xf32>, vector<512x1xf32>) {
      %slice3A_753 = vector.extract_strided_slice %convert_element_type3A {offsets = [1536, 0], sizes = [512, 65], strides = [1, 1]} : vector<2048x65xbf16> to vector<512x65xbf16>
      %dot_general3A_754 = arith.constant dense<0.000000e+00> : vector<512x512xf32>
      %dot_general3A_755 = tpu.matmul %convert_element_type3A_195, %slice3A_753, %dot_general3A_754 {dimension_numbers = #tpu.dot_dimension_numbers<[1], [1], [0], [0], [0, 0, 1, 0], [], []>, transpose_lhs_hint = false} : vector<512x65xbf16>, vector<512x65xbf16>, vector<512x512xf32> -> vector<512x512xf32>
      %reduce_max3A_756 = arith.constant dense<0xFF800000> : vector<512xf32>
      %reduce_max3A_757 = vector.multi_reduction <maximumf>, %dot_general3A_755, %reduce_max3A_756 [1] : vector<512x512xf32> to vector<512xf32>
      %broadcast_in_dim3A_758 = vector.shape_cast %reduce_max3A_757 : vector<512xf32> to vector<512x1xf32>
      %max3A_759 = arith.maximumf %cond3A_215#1, %broadcast_in_dim3A_758 : vector<512x1xf32>
      %sub3A_760 = arith.subf %cond3A_215#1, %max3A_759 : vector<512x1xf32>
      %exp3A = math.exp %sub3A_760 : vector<512x1xf32>
      %sub3A_761 = vector.broadcast %max3A_759 : vector<512x1xf32> to vector<512x512xf32>
      %sub3A_762 = arith.subf %dot_general3A_755, %sub3A_761 : vector<512x512xf32>
      %exp3A_763 = math.exp %sub3A_762 : vector<512x512xf32>
      %convert_element_type3A_764 = arith.truncf %exp3A_763 : vector<512x512xf32> to vector<512x512xbf16>
      %mul3A_765 = vector.broadcast %exp3A : vector<512x1xf32> to vector<512x65xf32>
      %mul3A_766 = arith.mulf %cond3A_215#0, %mul3A_765 : vector<512x65xf32>
      %slice3A_767 = vector.extract_strided_slice %convert_element_type3A_189 {offsets = [1536, 0], sizes = [512, 65], strides = [1, 1]} : vector<2048x65xbf16> to vector<512x65xbf16>
      %dot_general3A_768 = arith.constant dense<0.000000e+00> : vector<512x65xf32>
      %dot_general3A_769 = tpu.matmul %convert_element_type3A_764, %slice3A_767, %dot_general3A_768 {dimension_numbers = #tpu.dot_dimension_numbers<[1], [0], [0], [1], [0, 0, 1, 1], [], []>, transpose_lhs_hint = false} : vector<512x512xbf16>, vector<512x65xbf16>, vector<512x65xf32> -> vector<512x65xf32>
      %add3A_770 = arith.addf %mul3A_766, %dot_general3A_769 : vector<512x65xf32>
      scf.yield %add3A_770, %max3A_759 : vector<512x65xf32>, vector<512x1xf32>
    } else {
      scf.yield %cond3A_215#0, %cond3A_215#1 : vector<512x65xf32>, vector<512x1xf32>
    }
    %gt3A_222 = arith.constant 0 : i32
    %gt3A_223 = arith.cmpi sgt, %get3A_121, %gt3A_222 : i32
    %convert_element_type3A_224 = arith.extui %gt3A_223 : i1 to i32
    %cond3A_225 = arith.constant 0 : i32
    %cond3A_226 = arith.cmpi ne, %convert_element_type3A_224, %cond3A_225 : i32
    %cond3A_227:2 = scf.if %cond3A_226 -> (vector<512x65xf32>, vector<512x1xf32>) {
      %slice3A_753 = vector.extract_strided_slice %convert_element_type3A_187 {offsets = [0, 0], sizes = [512, 65], strides = [1, 1]} : vector<2048x65xbf16> to vector<512x65xbf16>
      %dot_general3A_754 = arith.constant dense<0.000000e+00> : vector<512x512xf32>
      %dot_general3A_755 = tpu.matmul %convert_element_type3A_195, %slice3A_753, %dot_general3A_754 {dimension_numbers = #tpu.dot_dimension_numbers<[1], [1], [0], [0], [0, 0, 1, 0], [], []>, transpose_lhs_hint = false} : vector<512x65xbf16>, vector<512x65xbf16>, vector<512x512xf32> -> vector<512x512xf32>
      %reduce_max3A_756 = arith.constant dense<0xFF800000> : vector<512xf32>
      %reduce_max3A_757 = vector.multi_reduction <maximumf>, %dot_general3A_755, %reduce_max3A_756 [1] : vector<512x512xf32> to vector<512xf32>
      %broadcast_in_dim3A_758 = vector.shape_cast %reduce_max3A_757 : vector<512xf32> to vector<512x1xf32>
      %max3A_759 = arith.maximumf %cond3A_221#1, %broadcast_in_dim3A_758 : vector<512x1xf32>
      %sub3A_760 = arith.subf %cond3A_221#1, %max3A_759 : vector<512x1xf32>
      %exp3A = math.exp %sub3A_760 : vector<512x1xf32>
      %sub3A_761 = vector.broadcast %max3A_759 : vector<512x1xf32> to vector<512x512xf32>
      %sub3A_762 = arith.subf %dot_general3A_755, %sub3A_761 : vector<512x512xf32>
      %exp3A_763 = math.exp %sub3A_762 : vector<512x512xf32>
      %convert_element_type3A_764 = arith.truncf %exp3A_763 : vector<512x512xf32> to vector<512x512xbf16>
      %mul3A_765 = vector.broadcast %exp3A : vector<512x1xf32> to vector<512x65xf32>
      %mul3A_766 = arith.mulf %cond3A_221#0, %mul3A_765 : vector<512x65xf32>
      %slice3A_767 = vector.extract_strided_slice %convert_element_type3A_191 {offsets = [0, 0], sizes = [512, 65], strides = [1, 1]} : vector<2048x65xbf16> to vector<512x65xbf16>
      %dot_general3A_768 = arith.constant dense<0.000000e+00> : vector<512x65xf32>
      %dot_general3A_769 = tpu.matmul %convert_element_type3A_764, %slice3A_767, %dot_general3A_768 {dimension_numbers = #tpu.dot_dimension_numbers<[1], [0], [0], [1], [0, 0, 1, 1], [], []>, transpose_lhs_hint = false} : vector<512x512xbf16>, vector<512x65xbf16>, vector<512x65xf32> -> vector<512x65xf32>
      %add3A_770 = arith.addf %mul3A_766, %dot_general3A_769 : vector<512x65xf32>
      scf.yield %add3A_770, %max3A_759 : vector<512x65xf32>, vector<512x1xf32>
    } else {
      scf.yield %cond3A_221#0, %cond3A_221#1 : vector<512x65xf32>, vector<512x1xf32>
    }
    %gt3A_228 = arith.constant 512 : i32
    %gt3A_229 = arith.cmpi sgt, %get3A_121, %gt3A_228 : i32
    %convert_element_type3A_230 = arith.extui %gt3A_229 : i1 to i32
    %cond3A_231 = arith.constant 0 : i32
    %cond3A_232 = arith.cmpi ne, %convert_element_type3A_230, %cond3A_231 : i32
    %cond3A_233:2 = scf.if %cond3A_232 -> (vector<512x65xf32>, vector<512x1xf32>) {
      %slice3A_753 = vector.extract_strided_slice %convert_element_type3A_187 {offsets = [512, 0], sizes = [512, 65], strides = [1, 1]} : vector<2048x65xbf16> to vector<512x65xbf16>
      %dot_general3A_754 = arith.constant dense<0.000000e+00> : vector<512x512xf32>
      %dot_general3A_755 = tpu.matmul %convert_element_type3A_195, %slice3A_753, %dot_general3A_754 {dimension_numbers = #tpu.dot_dimension_numbers<[1], [1], [0], [0], [0, 0, 1, 0], [], []>, transpose_lhs_hint = false} : vector<512x65xbf16>, vector<512x65xbf16>, vector<512x512xf32> -> vector<512x512xf32>
      %reduce_max3A_756 = arith.constant dense<0xFF800000> : vector<512xf32>
      %reduce_max3A_757 = vector.multi_reduction <maximumf>, %dot_general3A_755, %reduce_max3A_756 [1] : vector<512x512xf32> to vector<512xf32>
      %broadcast_in_dim3A_758 = vector.shape_cast %reduce_max3A_757 : vector<512xf32> to vector<512x1xf32>
      %max3A_759 = arith.maximumf %cond3A_227#1, %broadcast_in_dim3A_758 : vector<512x1xf32>
      %sub3A_760 = arith.subf %cond3A_227#1, %max3A_759 : vector<512x1xf32>
      %exp3A = math.exp %sub3A_760 : vector<512x1xf32>
      %sub3A_761 = vector.broadcast %max3A_759 : vector<512x1xf32> to vector<512x512xf32>
      %sub3A_762 = arith.subf %dot_general3A_755, %sub3A_761 : vector<512x512xf32>
      %exp3A_763 = math.exp %sub3A_762 : vector<512x512xf32>
      %convert_element_type3A_764 = arith.truncf %exp3A_763 : vector<512x512xf32> to vector<512x512xbf16>
      %mul3A_765 = vector.broadcast %exp3A : vector<512x1xf32> to vector<512x65xf32>
      %mul3A_766 = arith.mulf %cond3A_227#0, %mul3A_765 : vector<512x65xf32>
      %slice3A_767 = vector.extract_strided_slice %convert_element_type3A_191 {offsets = [512, 0], sizes = [512, 65], strides = [1, 1]} : vector<2048x65xbf16> to vector<512x65xbf16>
      %dot_general3A_768 = arith.constant dense<0.000000e+00> : vector<512x65xf32>
      %dot_general3A_769 = tpu.matmul %convert_element_type3A_764, %slice3A_767, %dot_general3A_768 {dimension_numbers = #tpu.dot_dimension_numbers<[1], [0], [0], [1], [0, 0, 1, 1], [], []>, transpose_lhs_hint = false} : vector<512x512xbf16>, vector<512x65xbf16>, vector<512x65xf32> -> vector<512x65xf32>
      %add3A_770 = arith.addf %mul3A_766, %dot_general3A_769 : vector<512x65xf32>
      scf.yield %add3A_770, %max3A_759 : vector<512x65xf32>, vector<512x1xf32>
    } else {
      scf.yield %cond3A_227#0, %cond3A_227#1 : vector<512x65xf32>, vector<512x1xf32>
    }
    %gt3A_234 = arith.constant 1024 : i32
    %gt3A_235 = arith.cmpi sgt, %get3A_121, %gt3A_234 : i32
    %convert_element_type3A_236 = arith.extui %gt3A_235 : i1 to i32
    %cond3A_237 = arith.constant 0 : i32
    %cond3A_238 = arith.cmpi ne, %convert_element_type3A_236, %cond3A_237 : i32
    %cond3A_239:2 = scf.if %cond3A_238 -> (vector<512x65xf32>, vector<512x1xf32>) {
      %slice3A_753 = vector.extract_strided_slice %convert_element_type3A_187 {offsets = [1024, 0], sizes = [512, 65], strides = [1, 1]} : vector<2048x65xbf16> to vector<512x65xbf16>
      %dot_general3A_754 = arith.constant dense<0.000000e+00> : vector<512x512xf32>
      %dot_general3A_755 = tpu.matmul %convert_element_type3A_195, %slice3A_753, %dot_general3A_754 {dimension_numbers = #tpu.dot_dimension_numbers<[1], [1], [0], [0], [0, 0, 1, 0], [], []>, transpose_lhs_hint = false} : vector<512x65xbf16>, vector<512x65xbf16>, vector<512x512xf32> -> vector<512x512xf32>
      %reduce_max3A_756 = arith.constant dense<0xFF800000> : vector<512xf32>
      %reduce_max3A_757 = vector.multi_reduction <maximumf>, %dot_general3A_755, %reduce_max3A_756 [1] : vector<512x512xf32> to vector<512xf32>
      %broadcast_in_dim3A_758 = vector.shape_cast %reduce_max3A_757 : vector<512xf32> to vector<512x1xf32>
      %max3A_759 = arith.maximumf %cond3A_233#1, %broadcast_in_dim3A_758 : vector<512x1xf32>
      %sub3A_760 = arith.subf %cond3A_233#1, %max3A_759 : vector<512x1xf32>
      %exp3A = math.exp %sub3A_760 : vector<512x1xf32>
      %sub3A_761 = vector.broadcast %max3A_759 : vector<512x1xf32> to vector<512x512xf32>
      %sub3A_762 = arith.subf %dot_general3A_755, %sub3A_761 : vector<512x512xf32>
      %exp3A_763 = math.exp %sub3A_762 : vector<512x512xf32>
      %convert_element_type3A_764 = arith.truncf %exp3A_763 : vector<512x512xf32> to vector<512x512xbf16>
      %mul3A_765 = vector.broadcast %exp3A : vector<512x1xf32> to vector<512x65xf32>
      %mul3A_766 = arith.mulf %cond3A_233#0, %mul3A_765 : vector<512x65xf32>
      %slice3A_767 = vector.extract_strided_slice %convert_element_type3A_191 {offsets = [1024, 0], sizes = [512, 65], strides = [1, 1]} : vector<2048x65xbf16> to vector<512x65xbf16>
      %dot_general3A_768 = arith.constant dense<0.000000e+00> : vector<512x65xf32>
      %dot_general3A_769 = tpu.matmul %convert_element_type3A_764, %slice3A_767, %dot_general3A_768 {dimension_numbers = #tpu.dot_dimension_numbers<[1], [0], [0], [1], [0, 0, 1, 1], [], []>, transpose_lhs_hint = false} : vector<512x512xbf16>, vector<512x65xbf16>, vector<512x65xf32> -> vector<512x65xf32>
      %add3A_770 = arith.addf %mul3A_766, %dot_general3A_769 : vector<512x65xf32>
      scf.yield %add3A_770, %max3A_759 : vector<512x65xf32>, vector<512x1xf32>
    } else {
      scf.yield %cond3A_233#0, %cond3A_233#1 : vector<512x65xf32>, vector<512x1xf32>
    }
    %gt3A_240 = arith.constant 1536 : i32
    %gt3A_241 = arith.cmpi sgt, %get3A_121, %gt3A_240 : i32
    %convert_element_type3A_242 = arith.extui %gt3A_241 : i1 to i32
    %cond3A_243 = arith.constant 0 : i32
    %cond3A_244 = arith.cmpi ne, %convert_element_type3A_242, %cond3A_243 : i32
    %cond3A_245 = scf.if %cond3A_244 -> (vector<512x65xf32>) {
      %slice3A_753 = vector.extract_strided_slice %convert_element_type3A_187 {offsets = [1536, 0], sizes = [512, 65], strides = [1, 1]} : vector<2048x65xbf16> to vector<512x65xbf16>
      %dot_general3A_754 = arith.constant dense<0.000000e+00> : vector<512x512xf32>
      %dot_general3A_755 = tpu.matmul %convert_element_type3A_195, %slice3A_753, %dot_general3A_754 {dimension_numbers = #tpu.dot_dimension_numbers<[1], [1], [0], [0], [0, 0, 1, 0], [], []>, transpose_lhs_hint = false} : vector<512x65xbf16>, vector<512x65xbf16>, vector<512x512xf32> -> vector<512x512xf32>
      %reduce_max3A_756 = arith.constant dense<0xFF800000> : vector<512xf32>
      %reduce_max3A_757 = vector.multi_reduction <maximumf>, %dot_general3A_755, %reduce_max3A_756 [1] : vector<512x512xf32> to vector<512xf32>
      %broadcast_in_dim3A_758 = vector.shape_cast %reduce_max3A_757 : vector<512xf32> to vector<512x1xf32>
      %max3A_759 = arith.maximumf %cond3A_239#1, %broadcast_in_dim3A_758 : vector<512x1xf32>
      %sub3A_760 = arith.subf %cond3A_239#1, %max3A_759 : vector<512x1xf32>
      %exp3A = math.exp %sub3A_760 : vector<512x1xf32>
      %sub3A_761 = vector.broadcast %max3A_759 : vector<512x1xf32> to vector<512x512xf32>
      %sub3A_762 = arith.subf %dot_general3A_755, %sub3A_761 : vector<512x512xf32>
      %exp3A_763 = math.exp %sub3A_762 : vector<512x512xf32>
      %convert_element_type3A_764 = arith.truncf %exp3A_763 : vector<512x512xf32> to vector<512x512xbf16>
      %mul3A_765 = vector.broadcast %exp3A : vector<512x1xf32> to vector<512x65xf32>
      %mul3A_766 = arith.mulf %cond3A_239#0, %mul3A_765 : vector<512x65xf32>
      %slice3A_767 = vector.extract_strided_slice %convert_element_type3A_191 {offsets = [1536, 0], sizes = [512, 65], strides = [1, 1]} : vector<2048x65xbf16> to vector<512x65xbf16>
      %dot_general3A_768 = arith.constant dense<0.000000e+00> : vector<512x65xf32>
      %dot_general3A_769 = tpu.matmul %convert_element_type3A_764, %slice3A_767, %dot_general3A_768 {dimension_numbers = #tpu.dot_dimension_numbers<[1], [0], [0], [1], [0, 0, 1, 1], [], []>, transpose_lhs_hint = false} : vector<512x512xbf16>, vector<512x65xbf16>, vector<512x65xf32> -> vector<512x65xf32>
      %add3A_770 = arith.addf %mul3A_766, %dot_general3A_769 : vector<512x65xf32>
      scf.yield %add3A_770 : vector<512x65xf32>
    } else {
      scf.yield %cond3A_239#0 : vector<512x65xf32>
    }
    %slice3A_246 = vector.extract_strided_slice %cond3A_245 {offsets = [0, 0], sizes = [512, 64], strides = [1, 1]} : vector<512x65xf32> to vector<512x64xf32>
    %slice3A_247 = vector.extract_strided_slice %cond3A_245 {offsets = [0, 64], sizes = [512, 1], strides = [1, 1]} : vector<512x65xf32> to vector<512x1xf32>
    %div3A = vector.broadcast %slice3A_247 : vector<512x1xf32> to vector<512x64xf32>
    %div3A_248 = arith.divf %slice3A_246, %div3A : vector<512x64xf32>
    %tanh3A_249 = math.tanh %div3A_248 : vector<512x64xf32>
    %slice3A_250 = vector.extract_strided_slice %mul3A_97 {offsets = [512, 0], sizes = [512, 64], strides = [1, 1]} : vector<2048x64xf32> to vector<512x64xf32>
    %broadcast_in_dim3A_251 = arith.constant 1.000000e+00 : f32
    %broadcast_in_dim3A_252 = vector.broadcast %broadcast_in_dim3A_251 : f32 to vector<512x1xf32>
    %concatenate3A_253 = tpu.concatenate %slice3A_250, %broadcast_in_dim3A_252 in 1 : vector<512x64xf32>, vector<512x1xf32> -> vector<512x65xf32>
    %convert_element_type3A_254 = arith.truncf %concatenate3A_253 : vector<512x65xf32> to vector<512x65xbf16>
    %broadcast_in_dim3A_255 = arith.constant 0.000000e+00 : f32
    %broadcast_in_dim3A_256 = vector.broadcast %broadcast_in_dim3A_255 : f32 to vector<512x65xf32>
    %broadcast_in_dim3A_257 = arith.constant -1.000000e+30 : f32
    %broadcast_in_dim3A_258 = vector.broadcast %broadcast_in_dim3A_257 : f32 to vector<512x1xf32>
    %gt3A_259 = arith.constant 0 : i32
    %gt3A_260 = arith.cmpi sgt, %get3A_117, %gt3A_259 : i32
    %convert_element_type3A_261 = arith.extui %gt3A_260 : i1 to i32
    %cond3A_262 = arith.constant 0 : i32
    %cond3A_263 = arith.cmpi ne, %convert_element_type3A_261, %cond3A_262 : i32
    %cond3A_264:2 = scf.if %cond3A_263 -> (vector<512x65xf32>, vector<512x1xf32>) {
      %slice3A_753 = vector.extract_strided_slice %convert_element_type3A {offsets = [0, 0], sizes = [512, 65], strides = [1, 1]} : vector<2048x65xbf16> to vector<512x65xbf16>
      %dot_general3A_754 = arith.constant dense<0.000000e+00> : vector<512x512xf32>
      %dot_general3A_755 = tpu.matmul %convert_element_type3A_254, %slice3A_753, %dot_general3A_754 {dimension_numbers = #tpu.dot_dimension_numbers<[1], [1], [0], [0], [0, 0, 1, 0], [], []>, transpose_lhs_hint = false} : vector<512x65xbf16>, vector<512x65xbf16>, vector<512x512xf32> -> vector<512x512xf32>
      %reduce_max3A_756 = arith.constant dense<0xFF800000> : vector<512xf32>
      %reduce_max3A_757 = vector.multi_reduction <maximumf>, %dot_general3A_755, %reduce_max3A_756 [1] : vector<512x512xf32> to vector<512xf32>
      %broadcast_in_dim3A_758 = vector.shape_cast %reduce_max3A_757 : vector<512xf32> to vector<512x1xf32>
      %max3A_759 = arith.maximumf %broadcast_in_dim3A_258, %broadcast_in_dim3A_758 : vector<512x1xf32>
      %sub3A_760 = arith.subf %broadcast_in_dim3A_258, %max3A_759 : vector<512x1xf32>
      %exp3A = math.exp %sub3A_760 : vector<512x1xf32>
      %sub3A_761 = vector.broadcast %max3A_759 : vector<512x1xf32> to vector<512x512xf32>
      %sub3A_762 = arith.subf %dot_general3A_755, %sub3A_761 : vector<512x512xf32>
      %exp3A_763 = math.exp %sub3A_762 : vector<512x512xf32>
      %convert_element_type3A_764 = arith.truncf %exp3A_763 : vector<512x512xf32> to vector<512x512xbf16>
      %mul3A_765 = vector.broadcast %exp3A : vector<512x1xf32> to vector<512x65xf32>
      %mul3A_766 = arith.mulf %broadcast_in_dim3A_256, %mul3A_765 : vector<512x65xf32>
      %slice3A_767 = vector.extract_strided_slice %convert_element_type3A_189 {offsets = [0, 0], sizes = [512, 65], strides = [1, 1]} : vector<2048x65xbf16> to vector<512x65xbf16>
      %dot_general3A_768 = arith.constant dense<0.000000e+00> : vector<512x65xf32>
      %dot_general3A_769 = tpu.matmul %convert_element_type3A_764, %slice3A_767, %dot_general3A_768 {dimension_numbers = #tpu.dot_dimension_numbers<[1], [0], [0], [1], [0, 0, 1, 1], [], []>, transpose_lhs_hint = false} : vector<512x512xbf16>, vector<512x65xbf16>, vector<512x65xf32> -> vector<512x65xf32>
      %add3A_770 = arith.addf %mul3A_766, %dot_general3A_769 : vector<512x65xf32>
      scf.yield %add3A_770, %max3A_759 : vector<512x65xf32>, vector<512x1xf32>
    } else {
      scf.yield %broadcast_in_dim3A_256, %broadcast_in_dim3A_258 : vector<512x65xf32>, vector<512x1xf32>
    }
    %gt3A_265 = arith.constant 512 : i32
    %gt3A_266 = arith.cmpi sgt, %get3A_117, %gt3A_265 : i32
    %convert_element_type3A_267 = arith.extui %gt3A_266 : i1 to i32
    %cond3A_268 = arith.constant 0 : i32
    %cond3A_269 = arith.cmpi ne, %convert_element_type3A_267, %cond3A_268 : i32
    %cond3A_270:2 = scf.if %cond3A_269 -> (vector<512x65xf32>, vector<512x1xf32>) {
      %slice3A_753 = vector.extract_strided_slice %convert_element_type3A {offsets = [512, 0], sizes = [512, 65], strides = [1, 1]} : vector<2048x65xbf16> to vector<512x65xbf16>
      %dot_general3A_754 = arith.constant dense<0.000000e+00> : vector<512x512xf32>
      %dot_general3A_755 = tpu.matmul %convert_element_type3A_254, %slice3A_753, %dot_general3A_754 {dimension_numbers = #tpu.dot_dimension_numbers<[1], [1], [0], [0], [0, 0, 1, 0], [], []>, transpose_lhs_hint = false} : vector<512x65xbf16>, vector<512x65xbf16>, vector<512x512xf32> -> vector<512x512xf32>
      %reduce_max3A_756 = arith.constant dense<0xFF800000> : vector<512xf32>
      %reduce_max3A_757 = vector.multi_reduction <maximumf>, %dot_general3A_755, %reduce_max3A_756 [1] : vector<512x512xf32> to vector<512xf32>
      %broadcast_in_dim3A_758 = vector.shape_cast %reduce_max3A_757 : vector<512xf32> to vector<512x1xf32>
      %max3A_759 = arith.maximumf %cond3A_264#1, %broadcast_in_dim3A_758 : vector<512x1xf32>
      %sub3A_760 = arith.subf %cond3A_264#1, %max3A_759 : vector<512x1xf32>
      %exp3A = math.exp %sub3A_760 : vector<512x1xf32>
      %sub3A_761 = vector.broadcast %max3A_759 : vector<512x1xf32> to vector<512x512xf32>
      %sub3A_762 = arith.subf %dot_general3A_755, %sub3A_761 : vector<512x512xf32>
      %exp3A_763 = math.exp %sub3A_762 : vector<512x512xf32>
      %convert_element_type3A_764 = arith.truncf %exp3A_763 : vector<512x512xf32> to vector<512x512xbf16>
      %mul3A_765 = vector.broadcast %exp3A : vector<512x1xf32> to vector<512x65xf32>
      %mul3A_766 = arith.mulf %cond3A_264#0, %mul3A_765 : vector<512x65xf32>
      %slice3A_767 = vector.extract_strided_slice %convert_element_type3A_189 {offsets = [512, 0], sizes = [512, 65], strides = [1, 1]} : vector<2048x65xbf16> to vector<512x65xbf16>
      %dot_general3A_768 = arith.constant dense<0.000000e+00> : vector<512x65xf32>
      %dot_general3A_769 = tpu.matmul %convert_element_type3A_764, %slice3A_767, %dot_general3A_768 {dimension_numbers = #tpu.dot_dimension_numbers<[1], [0], [0], [1], [0, 0, 1, 1], [], []>, transpose_lhs_hint = false} : vector<512x512xbf16>, vector<512x65xbf16>, vector<512x65xf32> -> vector<512x65xf32>
      %add3A_770 = arith.addf %mul3A_766, %dot_general3A_769 : vector<512x65xf32>
      scf.yield %add3A_770, %max3A_759 : vector<512x65xf32>, vector<512x1xf32>
    } else {
      scf.yield %cond3A_264#0, %cond3A_264#1 : vector<512x65xf32>, vector<512x1xf32>
    }
    %gt3A_271 = arith.constant 1024 : i32
    %gt3A_272 = arith.cmpi sgt, %get3A_117, %gt3A_271 : i32
    %convert_element_type3A_273 = arith.extui %gt3A_272 : i1 to i32
    %cond3A_274 = arith.constant 0 : i32
    %cond3A_275 = arith.cmpi ne, %convert_element_type3A_273, %cond3A_274 : i32
    %cond3A_276:2 = scf.if %cond3A_275 -> (vector<512x65xf32>, vector<512x1xf32>) {
      %slice3A_753 = vector.extract_strided_slice %convert_element_type3A {offsets = [1024, 0], sizes = [512, 65], strides = [1, 1]} : vector<2048x65xbf16> to vector<512x65xbf16>
      %dot_general3A_754 = arith.constant dense<0.000000e+00> : vector<512x512xf32>
      %dot_general3A_755 = tpu.matmul %convert_element_type3A_254, %slice3A_753, %dot_general3A_754 {dimension_numbers = #tpu.dot_dimension_numbers<[1], [1], [0], [0], [0, 0, 1, 0], [], []>, transpose_lhs_hint = false} : vector<512x65xbf16>, vector<512x65xbf16>, vector<512x512xf32> -> vector<512x512xf32>
      %reduce_max3A_756 = arith.constant dense<0xFF800000> : vector<512xf32>
      %reduce_max3A_757 = vector.multi_reduction <maximumf>, %dot_general3A_755, %reduce_max3A_756 [1] : vector<512x512xf32> to vector<512xf32>
      %broadcast_in_dim3A_758 = vector.shape_cast %reduce_max3A_757 : vector<512xf32> to vector<512x1xf32>
      %max3A_759 = arith.maximumf %cond3A_270#1, %broadcast_in_dim3A_758 : vector<512x1xf32>
      %sub3A_760 = arith.subf %cond3A_270#1, %max3A_759 : vector<512x1xf32>
      %exp3A = math.exp %sub3A_760 : vector<512x1xf32>
      %sub3A_761 = vector.broadcast %max3A_759 : vector<512x1xf32> to vector<512x512xf32>
      %sub3A_762 = arith.subf %dot_general3A_755, %sub3A_761 : vector<512x512xf32>
      %exp3A_763 = math.exp %sub3A_762 : vector<512x512xf32>
      %convert_element_type3A_764 = arith.truncf %exp3A_763 : vector<512x512xf32> to vector<512x512xbf16>
      %mul3A_765 = vector.broadcast %exp3A : vector<512x1xf32> to vector<512x65xf32>
      %mul3A_766 = arith.mulf %cond3A_270#0, %mul3A_765 : vector<512x65xf32>
      %slice3A_767 = vector.extract_strided_slice %convert_element_type3A_189 {offsets = [1024, 0], sizes = [512, 65], strides = [1, 1]} : vector<2048x65xbf16> to vector<512x65xbf16>
      %dot_general3A_768 = arith.constant dense<0.000000e+00> : vector<512x65xf32>
      %dot_general3A_769 = tpu.matmul %convert_element_type3A_764, %slice3A_767, %dot_general3A_768 {dimension_numbers = #tpu.dot_dimension_numbers<[1], [0], [0], [1], [0, 0, 1, 1], [], []>, transpose_lhs_hint = false} : vector<512x512xbf16>, vector<512x65xbf16>, vector<512x65xf32> -> vector<512x65xf32>
      %add3A_770 = arith.addf %mul3A_766, %dot_general3A_769 : vector<512x65xf32>
      scf.yield %add3A_770, %max3A_759 : vector<512x65xf32>, vector<512x1xf32>
    } else {
      scf.yield %cond3A_270#0, %cond3A_270#1 : vector<512x65xf32>, vector<512x1xf32>
    }
    %gt3A_277 = arith.constant 1536 : i32
    %gt3A_278 = arith.cmpi sgt, %get3A_117, %gt3A_277 : i32
    %convert_element_type3A_279 = arith.extui %gt3A_278 : i1 to i32
    %cond3A_280 = arith.constant 0 : i32
    %cond3A_281 = arith.cmpi ne, %convert_element_type3A_279, %cond3A_280 : i32
    %cond3A_282:2 = scf.if %cond3A_281 -> (vector<512x65xf32>, vector<512x1xf32>) {
      %slice3A_753 = vector.extract_strided_slice %convert_element_type3A {offsets = [1536, 0], sizes = [512, 65], strides = [1, 1]} : vector<2048x65xbf16> to vector<512x65xbf16>
      %dot_general3A_754 = arith.constant dense<0.000000e+00> : vector<512x512xf32>
      %dot_general3A_755 = tpu.matmul %convert_element_type3A_254, %slice3A_753, %dot_general3A_754 {dimension_numbers = #tpu.dot_dimension_numbers<[1], [1], [0], [0], [0, 0, 1, 0], [], []>, transpose_lhs_hint = false} : vector<512x65xbf16>, vector<512x65xbf16>, vector<512x512xf32> -> vector<512x512xf32>
      %reduce_max3A_756 = arith.constant dense<0xFF800000> : vector<512xf32>
      %reduce_max3A_757 = vector.multi_reduction <maximumf>, %dot_general3A_755, %reduce_max3A_756 [1] : vector<512x512xf32> to vector<512xf32>
      %broadcast_in_dim3A_758 = vector.shape_cast %reduce_max3A_757 : vector<512xf32> to vector<512x1xf32>
      %max3A_759 = arith.maximumf %cond3A_276#1, %broadcast_in_dim3A_758 : vector<512x1xf32>
      %sub3A_760 = arith.subf %cond3A_276#1, %max3A_759 : vector<512x1xf32>
      %exp3A = math.exp %sub3A_760 : vector<512x1xf32>
      %sub3A_761 = vector.broadcast %max3A_759 : vector<512x1xf32> to vector<512x512xf32>
      %sub3A_762 = arith.subf %dot_general3A_755, %sub3A_761 : vector<512x512xf32>
      %exp3A_763 = math.exp %sub3A_762 : vector<512x512xf32>
      %convert_element_type3A_764 = arith.truncf %exp3A_763 : vector<512x512xf32> to vector<512x512xbf16>
      %mul3A_765 = vector.broadcast %exp3A : vector<512x1xf32> to vector<512x65xf32>
      %mul3A_766 = arith.mulf %cond3A_276#0, %mul3A_765 : vector<512x65xf32>
      %slice3A_767 = vector.extract_strided_slice %convert_element_type3A_189 {offsets = [1536, 0], sizes = [512, 65], strides = [1, 1]} : vector<2048x65xbf16> to vector<512x65xbf16>
      %dot_general3A_768 = arith.constant dense<0.000000e+00> : vector<512x65xf32>
      %dot_general3A_769 = tpu.matmul %convert_element_type3A_764, %slice3A_767, %dot_general3A_768 {dimension_numbers = #tpu.dot_dimension_numbers<[1], [0], [0], [1], [0, 0, 1, 1], [], []>, transpose_lhs_hint = false} : vector<512x512xbf16>, vector<512x65xbf16>, vector<512x65xf32> -> vector<512x65xf32>
      %add3A_770 = arith.addf %mul3A_766, %dot_general3A_769 : vector<512x65xf32>
      scf.yield %add3A_770, %max3A_759 : vector<512x65xf32>, vector<512x1xf32>
    } else {
      scf.yield %cond3A_276#0, %cond3A_276#1 : vector<512x65xf32>, vector<512x1xf32>
    }
    %gt3A_283 = arith.constant 0 : i32
    %gt3A_284 = arith.cmpi sgt, %get3A_121, %gt3A_283 : i32
    %convert_element_type3A_285 = arith.extui %gt3A_284 : i1 to i32
    %cond3A_286 = arith.constant 0 : i32
    %cond3A_287 = arith.cmpi ne, %convert_element_type3A_285, %cond3A_286 : i32
    %cond3A_288:2 = scf.if %cond3A_287 -> (vector<512x65xf32>, vector<512x1xf32>) {
      %slice3A_753 = vector.extract_strided_slice %convert_element_type3A_187 {offsets = [0, 0], sizes = [512, 65], strides = [1, 1]} : vector<2048x65xbf16> to vector<512x65xbf16>
      %dot_general3A_754 = arith.constant dense<0.000000e+00> : vector<512x512xf32>
      %dot_general3A_755 = tpu.matmul %convert_element_type3A_254, %slice3A_753, %dot_general3A_754 {dimension_numbers = #tpu.dot_dimension_numbers<[1], [1], [0], [0], [0, 0, 1, 0], [], []>, transpose_lhs_hint = false} : vector<512x65xbf16>, vector<512x65xbf16>, vector<512x512xf32> -> vector<512x512xf32>
      %reduce_max3A_756 = arith.constant dense<0xFF800000> : vector<512xf32>
      %reduce_max3A_757 = vector.multi_reduction <maximumf>, %dot_general3A_755, %reduce_max3A_756 [1] : vector<512x512xf32> to vector<512xf32>
      %broadcast_in_dim3A_758 = vector.shape_cast %reduce_max3A_757 : vector<512xf32> to vector<512x1xf32>
      %max3A_759 = arith.maximumf %cond3A_282#1, %broadcast_in_dim3A_758 : vector<512x1xf32>
      %sub3A_760 = arith.subf %cond3A_282#1, %max3A_759 : vector<512x1xf32>
      %exp3A = math.exp %sub3A_760 : vector<512x1xf32>
      %sub3A_761 = vector.broadcast %max3A_759 : vector<512x1xf32> to vector<512x512xf32>
      %sub3A_762 = arith.subf %dot_general3A_755, %sub3A_761 : vector<512x512xf32>
      %exp3A_763 = math.exp %sub3A_762 : vector<512x512xf32>
      %convert_element_type3A_764 = arith.truncf %exp3A_763 : vector<512x512xf32> to vector<512x512xbf16>
      %mul3A_765 = vector.broadcast %exp3A : vector<512x1xf32> to vector<512x65xf32>
      %mul3A_766 = arith.mulf %cond3A_282#0, %mul3A_765 : vector<512x65xf32>
      %slice3A_767 = vector.extract_strided_slice %convert_element_type3A_191 {offsets = [0, 0], sizes = [512, 65], strides = [1, 1]} : vector<2048x65xbf16> to vector<512x65xbf16>
      %dot_general3A_768 = arith.constant dense<0.000000e+00> : vector<512x65xf32>
      %dot_general3A_769 = tpu.matmul %convert_element_type3A_764, %slice3A_767, %dot_general3A_768 {dimension_numbers = #tpu.dot_dimension_numbers<[1], [0], [0], [1], [0, 0, 1, 1], [], []>, transpose_lhs_hint = false} : vector<512x512xbf16>, vector<512x65xbf16>, vector<512x65xf32> -> vector<512x65xf32>
      %add3A_770 = arith.addf %mul3A_766, %dot_general3A_769 : vector<512x65xf32>
      scf.yield %add3A_770, %max3A_759 : vector<512x65xf32>, vector<512x1xf32>
    } else {
      scf.yield %cond3A_282#0, %cond3A_282#1 : vector<512x65xf32>, vector<512x1xf32>
    }
    %gt3A_289 = arith.constant 512 : i32
    %gt3A_290 = arith.cmpi sgt, %get3A_121, %gt3A_289 : i32
    %convert_element_type3A_291 = arith.extui %gt3A_290 : i1 to i32
    %cond3A_292 = arith.constant 0 : i32
    %cond3A_293 = arith.cmpi ne, %convert_element_type3A_291, %cond3A_292 : i32
    %cond3A_294:2 = scf.if %cond3A_293 -> (vector<512x65xf32>, vector<512x1xf32>) {
      %slice3A_753 = vector.extract_strided_slice %convert_element_type3A_187 {offsets = [512, 0], sizes = [512, 65], strides = [1, 1]} : vector<2048x65xbf16> to vector<512x65xbf16>
      %dot_general3A_754 = arith.constant dense<0.000000e+00> : vector<512x512xf32>
      %dot_general3A_755 = tpu.matmul %convert_element_type3A_254, %slice3A_753, %dot_general3A_754 {dimension_numbers = #tpu.dot_dimension_numbers<[1], [1], [0], [0], [0, 0, 1, 0], [], []>, transpose_lhs_hint = false} : vector<512x65xbf16>, vector<512x65xbf16>, vector<512x512xf32> -> vector<512x512xf32>
      %reduce_max3A_756 = arith.constant dense<0xFF800000> : vector<512xf32>
      %reduce_max3A_757 = vector.multi_reduction <maximumf>, %dot_general3A_755, %reduce_max3A_756 [1] : vector<512x512xf32> to vector<512xf32>
      %broadcast_in_dim3A_758 = vector.shape_cast %reduce_max3A_757 : vector<512xf32> to vector<512x1xf32>
      %max3A_759 = arith.maximumf %cond3A_288#1, %broadcast_in_dim3A_758 : vector<512x1xf32>
      %sub3A_760 = arith.subf %cond3A_288#1, %max3A_759 : vector<512x1xf32>
      %exp3A = math.exp %sub3A_760 : vector<512x1xf32>
      %sub3A_761 = vector.broadcast %max3A_759 : vector<512x1xf32> to vector<512x512xf32>
      %sub3A_762 = arith.subf %dot_general3A_755, %sub3A_761 : vector<512x512xf32>
      %exp3A_763 = math.exp %sub3A_762 : vector<512x512xf32>
      %convert_element_type3A_764 = arith.truncf %exp3A_763 : vector<512x512xf32> to vector<512x512xbf16>
      %mul3A_765 = vector.broadcast %exp3A : vector<512x1xf32> to vector<512x65xf32>
      %mul3A_766 = arith.mulf %cond3A_288#0, %mul3A_765 : vector<512x65xf32>
      %slice3A_767 = vector.extract_strided_slice %convert_element_type3A_191 {offsets = [512, 0], sizes = [512, 65], strides = [1, 1]} : vector<2048x65xbf16> to vector<512x65xbf16>
      %dot_general3A_768 = arith.constant dense<0.000000e+00> : vector<512x65xf32>
      %dot_general3A_769 = tpu.matmul %convert_element_type3A_764, %slice3A_767, %dot_general3A_768 {dimension_numbers = #tpu.dot_dimension_numbers<[1], [0], [0], [1], [0, 0, 1, 1], [], []>, transpose_lhs_hint = false} : vector<512x512xbf16>, vector<512x65xbf16>, vector<512x65xf32> -> vector<512x65xf32>
      %add3A_770 = arith.addf %mul3A_766, %dot_general3A_769 : vector<512x65xf32>
      scf.yield %add3A_770, %max3A_759 : vector<512x65xf32>, vector<512x1xf32>
    } else {
      scf.yield %cond3A_288#0, %cond3A_288#1 : vector<512x65xf32>, vector<512x1xf32>
    }
    %gt3A_295 = arith.constant 1024 : i32
    %gt3A_296 = arith.cmpi sgt, %get3A_121, %gt3A_295 : i32
    %convert_element_type3A_297 = arith.extui %gt3A_296 : i1 to i32
    %cond3A_298 = arith.constant 0 : i32
    %cond3A_299 = arith.cmpi ne, %convert_element_type3A_297, %cond3A_298 : i32
    %cond3A_300:2 = scf.if %cond3A_299 -> (vector<512x65xf32>, vector<512x1xf32>) {
      %slice3A_753 = vector.extract_strided_slice %convert_element_type3A_187 {offsets = [1024, 0], sizes = [512, 65], strides = [1, 1]} : vector<2048x65xbf16> to vector<512x65xbf16>
      %dot_general3A_754 = arith.constant dense<0.000000e+00> : vector<512x512xf32>
      %dot_general3A_755 = tpu.matmul %convert_element_type3A_254, %slice3A_753, %dot_general3A_754 {dimension_numbers = #tpu.dot_dimension_numbers<[1], [1], [0], [0], [0, 0, 1, 0], [], []>, transpose_lhs_hint = false} : vector<512x65xbf16>, vector<512x65xbf16>, vector<512x512xf32> -> vector<512x512xf32>
      %reduce_max3A_756 = arith.constant dense<0xFF800000> : vector<512xf32>
      %reduce_max3A_757 = vector.multi_reduction <maximumf>, %dot_general3A_755, %reduce_max3A_756 [1] : vector<512x512xf32> to vector<512xf32>
      %broadcast_in_dim3A_758 = vector.shape_cast %reduce_max3A_757 : vector<512xf32> to vector<512x1xf32>
      %max3A_759 = arith.maximumf %cond3A_294#1, %broadcast_in_dim3A_758 : vector<512x1xf32>
      %sub3A_760 = arith.subf %cond3A_294#1, %max3A_759 : vector<512x1xf32>
      %exp3A = math.exp %sub3A_760 : vector<512x1xf32>
      %sub3A_761 = vector.broadcast %max3A_759 : vector<512x1xf32> to vector<512x512xf32>
      %sub3A_762 = arith.subf %dot_general3A_755, %sub3A_761 : vector<512x512xf32>
      %exp3A_763 = math.exp %sub3A_762 : vector<512x512xf32>
      %convert_element_type3A_764 = arith.truncf %exp3A_763 : vector<512x512xf32> to vector<512x512xbf16>
      %mul3A_765 = vector.broadcast %exp3A : vector<512x1xf32> to vector<512x65xf32>
      %mul3A_766 = arith.mulf %cond3A_294#0, %mul3A_765 : vector<512x65xf32>
      %slice3A_767 = vector.extract_strided_slice %convert_element_type3A_191 {offsets = [1024, 0], sizes = [512, 65], strides = [1, 1]} : vector<2048x65xbf16> to vector<512x65xbf16>
      %dot_general3A_768 = arith.constant dense<0.000000e+00> : vector<512x65xf32>
      %dot_general3A_769 = tpu.matmul %convert_element_type3A_764, %slice3A_767, %dot_general3A_768 {dimension_numbers = #tpu.dot_dimension_numbers<[1], [0], [0], [1], [0, 0, 1, 1], [], []>, transpose_lhs_hint = false} : vector<512x512xbf16>, vector<512x65xbf16>, vector<512x65xf32> -> vector<512x65xf32>
      %add3A_770 = arith.addf %mul3A_766, %dot_general3A_769 : vector<512x65xf32>
      scf.yield %add3A_770, %max3A_759 : vector<512x65xf32>, vector<512x1xf32>
    } else {
      scf.yield %cond3A_294#0, %cond3A_294#1 : vector<512x65xf32>, vector<512x1xf32>
    }
    %gt3A_301 = arith.constant 1536 : i32
    %gt3A_302 = arith.cmpi sgt, %get3A_121, %gt3A_301 : i32
    %convert_element_type3A_303 = arith.extui %gt3A_302 : i1 to i32
    %cond3A_304 = arith.constant 0 : i32
    %cond3A_305 = arith.cmpi ne, %convert_element_type3A_303, %cond3A_304 : i32
    %cond3A_306 = scf.if %cond3A_305 -> (vector<512x65xf32>) {
      %slice3A_753 = vector.extract_strided_slice %convert_element_type3A_187 {offsets = [1536, 0], sizes = [512, 65], strides = [1, 1]} : vector<2048x65xbf16> to vector<512x65xbf16>
      %dot_general3A_754 = arith.constant dense<0.000000e+00> : vector<512x512xf32>
      %dot_general3A_755 = tpu.matmul %convert_element_type3A_254, %slice3A_753, %dot_general3A_754 {dimension_numbers = #tpu.dot_dimension_numbers<[1], [1], [0], [0], [0, 0, 1, 0], [], []>, transpose_lhs_hint = false} : vector<512x65xbf16>, vector<512x65xbf16>, vector<512x512xf32> -> vector<512x512xf32>
      %reduce_max3A_756 = arith.constant dense<0xFF800000> : vector<512xf32>
      %reduce_max3A_757 = vector.multi_reduction <maximumf>, %dot_general3A_755, %reduce_max3A_756 [1] : vector<512x512xf32> to vector<512xf32>
      %broadcast_in_dim3A_758 = vector.shape_cast %reduce_max3A_757 : vector<512xf32> to vector<512x1xf32>
      %max3A_759 = arith.maximumf %cond3A_300#1, %broadcast_in_dim3A_758 : vector<512x1xf32>
      %sub3A_760 = arith.subf %cond3A_300#1, %max3A_759 : vector<512x1xf32>
      %exp3A = math.exp %sub3A_760 : vector<512x1xf32>
      %sub3A_761 = vector.broadcast %max3A_759 : vector<512x1xf32> to vector<512x512xf32>
      %sub3A_762 = arith.subf %dot_general3A_755, %sub3A_761 : vector<512x512xf32>
      %exp3A_763 = math.exp %sub3A_762 : vector<512x512xf32>
      %convert_element_type3A_764 = arith.truncf %exp3A_763 : vector<512x512xf32> to vector<512x512xbf16>
      %mul3A_765 = vector.broadcast %exp3A : vector<512x1xf32> to vector<512x65xf32>
      %mul3A_766 = arith.mulf %cond3A_300#0, %mul3A_765 : vector<512x65xf32>
      %slice3A_767 = vector.extract_strided_slice %convert_element_type3A_191 {offsets = [1536, 0], sizes = [512, 65], strides = [1, 1]} : vector<2048x65xbf16> to vector<512x65xbf16>
      %dot_general3A_768 = arith.constant dense<0.000000e+00> : vector<512x65xf32>
      %dot_general3A_769 = tpu.matmul %convert_element_type3A_764, %slice3A_767, %dot_general3A_768 {dimension_numbers = #tpu.dot_dimension_numbers<[1], [0], [0], [1], [0, 0, 1, 1], [], []>, transpose_lhs_hint = false} : vector<512x512xbf16>, vector<512x65xbf16>, vector<512x65xf32> -> vector<512x65xf32>
      %add3A_770 = arith.addf %mul3A_766, %dot_general3A_769 : vector<512x65xf32>
      scf.yield %add3A_770 : vector<512x65xf32>
    } else {
      scf.yield %cond3A_300#0 : vector<512x65xf32>
    }
    %slice3A_307 = vector.extract_strided_slice %cond3A_306 {offsets = [0, 0], sizes = [512, 64], strides = [1, 1]} : vector<512x65xf32> to vector<512x64xf32>
    %slice3A_308 = vector.extract_strided_slice %cond3A_306 {offsets = [0, 64], sizes = [512, 1], strides = [1, 1]} : vector<512x65xf32> to vector<512x1xf32>
    %div3A_309 = vector.broadcast %slice3A_308 : vector<512x1xf32> to vector<512x64xf32>
    %div3A_310 = arith.divf %slice3A_307, %div3A_309 : vector<512x64xf32>
    %tanh3A_311 = math.tanh %div3A_310 : vector<512x64xf32>
    %slice3A_312 = vector.extract_strided_slice %mul3A_97 {offsets = [1024, 0], sizes = [512, 64], strides = [1, 1]} : vector<2048x64xf32> to vector<512x64xf32>
    %broadcast_in_dim3A_313 = arith.constant 1.000000e+00 : f32
    %broadcast_in_dim3A_314 = vector.broadcast %broadcast_in_dim3A_313 : f32 to vector<512x1xf32>
    %concatenate3A_315 = tpu.concatenate %slice3A_312, %broadcast_in_dim3A_314 in 1 : vector<512x64xf32>, vector<512x1xf32> -> vector<512x65xf32>
    %convert_element_type3A_316 = arith.truncf %concatenate3A_315 : vector<512x65xf32> to vector<512x65xbf16>
    %broadcast_in_dim3A_317 = arith.constant 0.000000e+00 : f32
    %broadcast_in_dim3A_318 = vector.broadcast %broadcast_in_dim3A_317 : f32 to vector<512x65xf32>
    %broadcast_in_dim3A_319 = arith.constant -1.000000e+30 : f32
    %broadcast_in_dim3A_320 = vector.broadcast %broadcast_in_dim3A_319 : f32 to vector<512x1xf32>
    %gt3A_321 = arith.constant 0 : i32
    %gt3A_322 = arith.cmpi sgt, %get3A_117, %gt3A_321 : i32
    %convert_element_type3A_323 = arith.extui %gt3A_322 : i1 to i32
    %cond3A_324 = arith.constant 0 : i32
    %cond3A_325 = arith.cmpi ne, %convert_element_type3A_323, %cond3A_324 : i32
    %cond3A_326:2 = scf.if %cond3A_325 -> (vector<512x65xf32>, vector<512x1xf32>) {
      %slice3A_753 = vector.extract_strided_slice %convert_element_type3A {offsets = [0, 0], sizes = [512, 65], strides = [1, 1]} : vector<2048x65xbf16> to vector<512x65xbf16>
      %dot_general3A_754 = arith.constant dense<0.000000e+00> : vector<512x512xf32>
      %dot_general3A_755 = tpu.matmul %convert_element_type3A_316, %slice3A_753, %dot_general3A_754 {dimension_numbers = #tpu.dot_dimension_numbers<[1], [1], [0], [0], [0, 0, 1, 0], [], []>, transpose_lhs_hint = false} : vector<512x65xbf16>, vector<512x65xbf16>, vector<512x512xf32> -> vector<512x512xf32>
      %reduce_max3A_756 = arith.constant dense<0xFF800000> : vector<512xf32>
      %reduce_max3A_757 = vector.multi_reduction <maximumf>, %dot_general3A_755, %reduce_max3A_756 [1] : vector<512x512xf32> to vector<512xf32>
      %broadcast_in_dim3A_758 = vector.shape_cast %reduce_max3A_757 : vector<512xf32> to vector<512x1xf32>
      %max3A_759 = arith.maximumf %broadcast_in_dim3A_320, %broadcast_in_dim3A_758 : vector<512x1xf32>
      %sub3A_760 = arith.subf %broadcast_in_dim3A_320, %max3A_759 : vector<512x1xf32>
      %exp3A = math.exp %sub3A_760 : vector<512x1xf32>
      %sub3A_761 = vector.broadcast %max3A_759 : vector<512x1xf32> to vector<512x512xf32>
      %sub3A_762 = arith.subf %dot_general3A_755, %sub3A_761 : vector<512x512xf32>
      %exp3A_763 = math.exp %sub3A_762 : vector<512x512xf32>
      %convert_element_type3A_764 = arith.truncf %exp3A_763 : vector<512x512xf32> to vector<512x512xbf16>
      %mul3A_765 = vector.broadcast %exp3A : vector<512x1xf32> to vector<512x65xf32>
      %mul3A_766 = arith.mulf %broadcast_in_dim3A_318, %mul3A_765 : vector<512x65xf32>
      %slice3A_767 = vector.extract_strided_slice %convert_element_type3A_189 {offsets = [0, 0], sizes = [512, 65], strides = [1, 1]} : vector<2048x65xbf16> to vector<512x65xbf16>
      %dot_general3A_768 = arith.constant dense<0.000000e+00> : vector<512x65xf32>
      %dot_general3A_769 = tpu.matmul %convert_element_type3A_764, %slice3A_767, %dot_general3A_768 {dimension_numbers = #tpu.dot_dimension_numbers<[1], [0], [0], [1], [0, 0, 1, 1], [], []>, transpose_lhs_hint = false} : vector<512x512xbf16>, vector<512x65xbf16>, vector<512x65xf32> -> vector<512x65xf32>
      %add3A_770 = arith.addf %mul3A_766, %dot_general3A_769 : vector<512x65xf32>
      scf.yield %add3A_770, %max3A_759 : vector<512x65xf32>, vector<512x1xf32>
    } else {
      scf.yield %broadcast_in_dim3A_318, %broadcast_in_dim3A_320 : vector<512x65xf32>, vector<512x1xf32>
    }
    %gt3A_327 = arith.constant 512 : i32
    %gt3A_328 = arith.cmpi sgt, %get3A_117, %gt3A_327 : i32
    %convert_element_type3A_329 = arith.extui %gt3A_328 : i1 to i32
    %cond3A_330 = arith.constant 0 : i32
    %cond3A_331 = arith.cmpi ne, %convert_element_type3A_329, %cond3A_330 : i32
    %cond3A_332:2 = scf.if %cond3A_331 -> (vector<512x65xf32>, vector<512x1xf32>) {
      %slice3A_753 = vector.extract_strided_slice %convert_element_type3A {offsets = [512, 0], sizes = [512, 65], strides = [1, 1]} : vector<2048x65xbf16> to vector<512x65xbf16>
      %dot_general3A_754 = arith.constant dense<0.000000e+00> : vector<512x512xf32>
      %dot_general3A_755 = tpu.matmul %convert_element_type3A_316, %slice3A_753, %dot_general3A_754 {dimension_numbers = #tpu.dot_dimension_numbers<[1], [1], [0], [0], [0, 0, 1, 0], [], []>, transpose_lhs_hint = false} : vector<512x65xbf16>, vector<512x65xbf16>, vector<512x512xf32> -> vector<512x512xf32>
      %reduce_max3A_756 = arith.constant dense<0xFF800000> : vector<512xf32>
      %reduce_max3A_757 = vector.multi_reduction <maximumf>, %dot_general3A_755, %reduce_max3A_756 [1] : vector<512x512xf32> to vector<512xf32>
      %broadcast_in_dim3A_758 = vector.shape_cast %reduce_max3A_757 : vector<512xf32> to vector<512x1xf32>
      %max3A_759 = arith.maximumf %cond3A_326#1, %broadcast_in_dim3A_758 : vector<512x1xf32>
      %sub3A_760 = arith.subf %cond3A_326#1, %max3A_759 : vector<512x1xf32>
      %exp3A = math.exp %sub3A_760 : vector<512x1xf32>
      %sub3A_761 = vector.broadcast %max3A_759 : vector<512x1xf32> to vector<512x512xf32>
      %sub3A_762 = arith.subf %dot_general3A_755, %sub3A_761 : vector<512x512xf32>
      %exp3A_763 = math.exp %sub3A_762 : vector<512x512xf32>
      %convert_element_type3A_764 = arith.truncf %exp3A_763 : vector<512x512xf32> to vector<512x512xbf16>
      %mul3A_765 = vector.broadcast %exp3A : vector<512x1xf32> to vector<512x65xf32>
      %mul3A_766 = arith.mulf %cond3A_326#0, %mul3A_765 : vector<512x65xf32>
      %slice3A_767 = vector.extract_strided_slice %convert_element_type3A_189 {offsets = [512, 0], sizes = [512, 65], strides = [1, 1]} : vector<2048x65xbf16> to vector<512x65xbf16>
      %dot_general3A_768 = arith.constant dense<0.000000e+00> : vector<512x65xf32>
      %dot_general3A_769 = tpu.matmul %convert_element_type3A_764, %slice3A_767, %dot_general3A_768 {dimension_numbers = #tpu.dot_dimension_numbers<[1], [0], [0], [1], [0, 0, 1, 1], [], []>, transpose_lhs_hint = false} : vector<512x512xbf16>, vector<512x65xbf16>, vector<512x65xf32> -> vector<512x65xf32>
      %add3A_770 = arith.addf %mul3A_766, %dot_general3A_769 : vector<512x65xf32>
      scf.yield %add3A_770, %max3A_759 : vector<512x65xf32>, vector<512x1xf32>
    } else {
      scf.yield %cond3A_326#0, %cond3A_326#1 : vector<512x65xf32>, vector<512x1xf32>
    }
    %gt3A_333 = arith.constant 1024 : i32
    %gt3A_334 = arith.cmpi sgt, %get3A_117, %gt3A_333 : i32
    %convert_element_type3A_335 = arith.extui %gt3A_334 : i1 to i32
    %cond3A_336 = arith.constant 0 : i32
    %cond3A_337 = arith.cmpi ne, %convert_element_type3A_335, %cond3A_336 : i32
    %cond3A_338:2 = scf.if %cond3A_337 -> (vector<512x65xf32>, vector<512x1xf32>) {
      %slice3A_753 = vector.extract_strided_slice %convert_element_type3A {offsets = [1024, 0], sizes = [512, 65], strides = [1, 1]} : vector<2048x65xbf16> to vector<512x65xbf16>
      %dot_general3A_754 = arith.constant dense<0.000000e+00> : vector<512x512xf32>
      %dot_general3A_755 = tpu.matmul %convert_element_type3A_316, %slice3A_753, %dot_general3A_754 {dimension_numbers = #tpu.dot_dimension_numbers<[1], [1], [0], [0], [0, 0, 1, 0], [], []>, transpose_lhs_hint = false} : vector<512x65xbf16>, vector<512x65xbf16>, vector<512x512xf32> -> vector<512x512xf32>
      %reduce_max3A_756 = arith.constant dense<0xFF800000> : vector<512xf32>
      %reduce_max3A_757 = vector.multi_reduction <maximumf>, %dot_general3A_755, %reduce_max3A_756 [1] : vector<512x512xf32> to vector<512xf32>
      %broadcast_in_dim3A_758 = vector.shape_cast %reduce_max3A_757 : vector<512xf32> to vector<512x1xf32>
      %max3A_759 = arith.maximumf %cond3A_332#1, %broadcast_in_dim3A_758 : vector<512x1xf32>
      %sub3A_760 = arith.subf %cond3A_332#1, %max3A_759 : vector<512x1xf32>
      %exp3A = math.exp %sub3A_760 : vector<512x1xf32>
      %sub3A_761 = vector.broadcast %max3A_759 : vector<512x1xf32> to vector<512x512xf32>
      %sub3A_762 = arith.subf %dot_general3A_755, %sub3A_761 : vector<512x512xf32>
      %exp3A_763 = math.exp %sub3A_762 : vector<512x512xf32>
      %convert_element_type3A_764 = arith.truncf %exp3A_763 : vector<512x512xf32> to vector<512x512xbf16>
      %mul3A_765 = vector.broadcast %exp3A : vector<512x1xf32> to vector<512x65xf32>
      %mul3A_766 = arith.mulf %cond3A_332#0, %mul3A_765 : vector<512x65xf32>
      %slice3A_767 = vector.extract_strided_slice %convert_element_type3A_189 {offsets = [1024, 0], sizes = [512, 65], strides = [1, 1]} : vector<2048x65xbf16> to vector<512x65xbf16>
      %dot_general3A_768 = arith.constant dense<0.000000e+00> : vector<512x65xf32>
      %dot_general3A_769 = tpu.matmul %convert_element_type3A_764, %slice3A_767, %dot_general3A_768 {dimension_numbers = #tpu.dot_dimension_numbers<[1], [0], [0], [1], [0, 0, 1, 1], [], []>, transpose_lhs_hint = false} : vector<512x512xbf16>, vector<512x65xbf16>, vector<512x65xf32> -> vector<512x65xf32>
      %add3A_770 = arith.addf %mul3A_766, %dot_general3A_769 : vector<512x65xf32>
      scf.yield %add3A_770, %max3A_759 : vector<512x65xf32>, vector<512x1xf32>
    } else {
      scf.yield %cond3A_332#0, %cond3A_332#1 : vector<512x65xf32>, vector<512x1xf32>
    }
    %gt3A_339 = arith.constant 1536 : i32
    %gt3A_340 = arith.cmpi sgt, %get3A_117, %gt3A_339 : i32
    %convert_element_type3A_341 = arith.extui %gt3A_340 : i1 to i32
    %cond3A_342 = arith.constant 0 : i32
    %cond3A_343 = arith.cmpi ne, %convert_element_type3A_341, %cond3A_342 : i32
    %cond3A_344:2 = scf.if %cond3A_343 -> (vector<512x65xf32>, vector<512x1xf32>) {
      %slice3A_753 = vector.extract_strided_slice %convert_element_type3A {offsets = [1536, 0], sizes = [512, 65], strides = [1, 1]} : vector<2048x65xbf16> to vector<512x65xbf16>
      %dot_general3A_754 = arith.constant dense<0.000000e+00> : vector<512x512xf32>
      %dot_general3A_755 = tpu.matmul %convert_element_type3A_316, %slice3A_753, %dot_general3A_754 {dimension_numbers = #tpu.dot_dimension_numbers<[1], [1], [0], [0], [0, 0, 1, 0], [], []>, transpose_lhs_hint = false} : vector<512x65xbf16>, vector<512x65xbf16>, vector<512x512xf32> -> vector<512x512xf32>
      %reduce_max3A_756 = arith.constant dense<0xFF800000> : vector<512xf32>
      %reduce_max3A_757 = vector.multi_reduction <maximumf>, %dot_general3A_755, %reduce_max3A_756 [1] : vector<512x512xf32> to vector<512xf32>
      %broadcast_in_dim3A_758 = vector.shape_cast %reduce_max3A_757 : vector<512xf32> to vector<512x1xf32>
      %max3A_759 = arith.maximumf %cond3A_338#1, %broadcast_in_dim3A_758 : vector<512x1xf32>
      %sub3A_760 = arith.subf %cond3A_338#1, %max3A_759 : vector<512x1xf32>
      %exp3A = math.exp %sub3A_760 : vector<512x1xf32>
      %sub3A_761 = vector.broadcast %max3A_759 : vector<512x1xf32> to vector<512x512xf32>
      %sub3A_762 = arith.subf %dot_general3A_755, %sub3A_761 : vector<512x512xf32>
      %exp3A_763 = math.exp %sub3A_762 : vector<512x512xf32>
      %convert_element_type3A_764 = arith.truncf %exp3A_763 : vector<512x512xf32> to vector<512x512xbf16>
      %mul3A_765 = vector.broadcast %exp3A : vector<512x1xf32> to vector<512x65xf32>
      %mul3A_766 = arith.mulf %cond3A_338#0, %mul3A_765 : vector<512x65xf32>
      %slice3A_767 = vector.extract_strided_slice %convert_element_type3A_189 {offsets = [1536, 0], sizes = [512, 65], strides = [1, 1]} : vector<2048x65xbf16> to vector<512x65xbf16>
      %dot_general3A_768 = arith.constant dense<0.000000e+00> : vector<512x65xf32>
      %dot_general3A_769 = tpu.matmul %convert_element_type3A_764, %slice3A_767, %dot_general3A_768 {dimension_numbers = #tpu.dot_dimension_numbers<[1], [0], [0], [1], [0, 0, 1, 1], [], []>, transpose_lhs_hint = false} : vector<512x512xbf16>, vector<512x65xbf16>, vector<512x65xf32> -> vector<512x65xf32>
      %add3A_770 = arith.addf %mul3A_766, %dot_general3A_769 : vector<512x65xf32>
      scf.yield %add3A_770, %max3A_759 : vector<512x65xf32>, vector<512x1xf32>
    } else {
      scf.yield %cond3A_338#0, %cond3A_338#1 : vector<512x65xf32>, vector<512x1xf32>
    }
    %gt3A_345 = arith.constant 0 : i32
    %gt3A_346 = arith.cmpi sgt, %get3A_121, %gt3A_345 : i32
    %convert_element_type3A_347 = arith.extui %gt3A_346 : i1 to i32
    %cond3A_348 = arith.constant 0 : i32
    %cond3A_349 = arith.cmpi ne, %convert_element_type3A_347, %cond3A_348 : i32
    %cond3A_350:2 = scf.if %cond3A_349 -> (vector<512x65xf32>, vector<512x1xf32>) {
      %slice3A_753 = vector.extract_strided_slice %convert_element_type3A_187 {offsets = [0, 0], sizes = [512, 65], strides = [1, 1]} : vector<2048x65xbf16> to vector<512x65xbf16>
      %dot_general3A_754 = arith.constant dense<0.000000e+00> : vector<512x512xf32>
      %dot_general3A_755 = tpu.matmul %convert_element_type3A_316, %slice3A_753, %dot_general3A_754 {dimension_numbers = #tpu.dot_dimension_numbers<[1], [1], [0], [0], [0, 0, 1, 0], [], []>, transpose_lhs_hint = false} : vector<512x65xbf16>, vector<512x65xbf16>, vector<512x512xf32> -> vector<512x512xf32>
      %reduce_max3A_756 = arith.constant dense<0xFF800000> : vector<512xf32>
      %reduce_max3A_757 = vector.multi_reduction <maximumf>, %dot_general3A_755, %reduce_max3A_756 [1] : vector<512x512xf32> to vector<512xf32>
      %broadcast_in_dim3A_758 = vector.shape_cast %reduce_max3A_757 : vector<512xf32> to vector<512x1xf32>
      %max3A_759 = arith.maximumf %cond3A_344#1, %broadcast_in_dim3A_758 : vector<512x1xf32>
      %sub3A_760 = arith.subf %cond3A_344#1, %max3A_759 : vector<512x1xf32>
      %exp3A = math.exp %sub3A_760 : vector<512x1xf32>
      %sub3A_761 = vector.broadcast %max3A_759 : vector<512x1xf32> to vector<512x512xf32>
      %sub3A_762 = arith.subf %dot_general3A_755, %sub3A_761 : vector<512x512xf32>
      %exp3A_763 = math.exp %sub3A_762 : vector<512x512xf32>
      %convert_element_type3A_764 = arith.truncf %exp3A_763 : vector<512x512xf32> to vector<512x512xbf16>
      %mul3A_765 = vector.broadcast %exp3A : vector<512x1xf32> to vector<512x65xf32>
      %mul3A_766 = arith.mulf %cond3A_344#0, %mul3A_765 : vector<512x65xf32>
      %slice3A_767 = vector.extract_strided_slice %convert_element_type3A_191 {offsets = [0, 0], sizes = [512, 65], strides = [1, 1]} : vector<2048x65xbf16> to vector<512x65xbf16>
      %dot_general3A_768 = arith.constant dense<0.000000e+00> : vector<512x65xf32>
      %dot_general3A_769 = tpu.matmul %convert_element_type3A_764, %slice3A_767, %dot_general3A_768 {dimension_numbers = #tpu.dot_dimension_numbers<[1], [0], [0], [1], [0, 0, 1, 1], [], []>, transpose_lhs_hint = false} : vector<512x512xbf16>, vector<512x65xbf16>, vector<512x65xf32> -> vector<512x65xf32>
      %add3A_770 = arith.addf %mul3A_766, %dot_general3A_769 : vector<512x65xf32>
      scf.yield %add3A_770, %max3A_759 : vector<512x65xf32>, vector<512x1xf32>
    } else {
      scf.yield %cond3A_344#0, %cond3A_344#1 : vector<512x65xf32>, vector<512x1xf32>
    }
    %gt3A_351 = arith.constant 512 : i32
    %gt3A_352 = arith.cmpi sgt, %get3A_121, %gt3A_351 : i32
    %convert_element_type3A_353 = arith.extui %gt3A_352 : i1 to i32
    %cond3A_354 = arith.constant 0 : i32
    %cond3A_355 = arith.cmpi ne, %convert_element_type3A_353, %cond3A_354 : i32
    %cond3A_356:2 = scf.if %cond3A_355 -> (vector<512x65xf32>, vector<512x1xf32>) {
      %slice3A_753 = vector.extract_strided_slice %convert_element_type3A_187 {offsets = [512, 0], sizes = [512, 65], strides = [1, 1]} : vector<2048x65xbf16> to vector<512x65xbf16>
      %dot_general3A_754 = arith.constant dense<0.000000e+00> : vector<512x512xf32>
      %dot_general3A_755 = tpu.matmul %convert_element_type3A_316, %slice3A_753, %dot_general3A_754 {dimension_numbers = #tpu.dot_dimension_numbers<[1], [1], [0], [0], [0, 0, 1, 0], [], []>, transpose_lhs_hint = false} : vector<512x65xbf16>, vector<512x65xbf16>, vector<512x512xf32> -> vector<512x512xf32>
      %reduce_max3A_756 = arith.constant dense<0xFF800000> : vector<512xf32>
      %reduce_max3A_757 = vector.multi_reduction <maximumf>, %dot_general3A_755, %reduce_max3A_756 [1] : vector<512x512xf32> to vector<512xf32>
      %broadcast_in_dim3A_758 = vector.shape_cast %reduce_max3A_757 : vector<512xf32> to vector<512x1xf32>
      %max3A_759 = arith.maximumf %cond3A_350#1, %broadcast_in_dim3A_758 : vector<512x1xf32>
      %sub3A_760 = arith.subf %cond3A_350#1, %max3A_759 : vector<512x1xf32>
      %exp3A = math.exp %sub3A_760 : vector<512x1xf32>
      %sub3A_761 = vector.broadcast %max3A_759 : vector<512x1xf32> to vector<512x512xf32>
      %sub3A_762 = arith.subf %dot_general3A_755, %sub3A_761 : vector<512x512xf32>
      %exp3A_763 = math.exp %sub3A_762 : vector<512x512xf32>
      %convert_element_type3A_764 = arith.truncf %exp3A_763 : vector<512x512xf32> to vector<512x512xbf16>
      %mul3A_765 = vector.broadcast %exp3A : vector<512x1xf32> to vector<512x65xf32>
      %mul3A_766 = arith.mulf %cond3A_350#0, %mul3A_765 : vector<512x65xf32>
      %slice3A_767 = vector.extract_strided_slice %convert_element_type3A_191 {offsets = [512, 0], sizes = [512, 65], strides = [1, 1]} : vector<2048x65xbf16> to vector<512x65xbf16>
      %dot_general3A_768 = arith.constant dense<0.000000e+00> : vector<512x65xf32>
      %dot_general3A_769 = tpu.matmul %convert_element_type3A_764, %slice3A_767, %dot_general3A_768 {dimension_numbers = #tpu.dot_dimension_numbers<[1], [0], [0], [1], [0, 0, 1, 1], [], []>, transpose_lhs_hint = false} : vector<512x512xbf16>, vector<512x65xbf16>, vector<512x65xf32> -> vector<512x65xf32>
      %add3A_770 = arith.addf %mul3A_766, %dot_general3A_769 : vector<512x65xf32>
      scf.yield %add3A_770, %max3A_759 : vector<512x65xf32>, vector<512x1xf32>
    } else {
      scf.yield %cond3A_350#0, %cond3A_350#1 : vector<512x65xf32>, vector<512x1xf32>
    }
    %gt3A_357 = arith.constant 1024 : i32
    %gt3A_358 = arith.cmpi sgt, %get3A_121, %gt3A_357 : i32
    %convert_element_type3A_359 = arith.extui %gt3A_358 : i1 to i32
    %cond3A_360 = arith.constant 0 : i32
    %cond3A_361 = arith.cmpi ne, %convert_element_type3A_359, %cond3A_360 : i32
    %cond3A_362:2 = scf.if %cond3A_361 -> (vector<512x65xf32>, vector<512x1xf32>) {
      %slice3A_753 = vector.extract_strided_slice %convert_element_type3A_187 {offsets = [1024, 0], sizes = [512, 65], strides = [1, 1]} : vector<2048x65xbf16> to vector<512x65xbf16>
      %dot_general3A_754 = arith.constant dense<0.000000e+00> : vector<512x512xf32>
      %dot_general3A_755 = tpu.matmul %convert_element_type3A_316, %slice3A_753, %dot_general3A_754 {dimension_numbers = #tpu.dot_dimension_numbers<[1], [1], [0], [0], [0, 0, 1, 0], [], []>, transpose_lhs_hint = false} : vector<512x65xbf16>, vector<512x65xbf16>, vector<512x512xf32> -> vector<512x512xf32>
      %reduce_max3A_756 = arith.constant dense<0xFF800000> : vector<512xf32>
      %reduce_max3A_757 = vector.multi_reduction <maximumf>, %dot_general3A_755, %reduce_max3A_756 [1] : vector<512x512xf32> to vector<512xf32>
      %broadcast_in_dim3A_758 = vector.shape_cast %reduce_max3A_757 : vector<512xf32> to vector<512x1xf32>
      %max3A_759 = arith.maximumf %cond3A_356#1, %broadcast_in_dim3A_758 : vector<512x1xf32>
      %sub3A_760 = arith.subf %cond3A_356#1, %max3A_759 : vector<512x1xf32>
      %exp3A = math.exp %sub3A_760 : vector<512x1xf32>
      %sub3A_761 = vector.broadcast %max3A_759 : vector<512x1xf32> to vector<512x512xf32>
      %sub3A_762 = arith.subf %dot_general3A_755, %sub3A_761 : vector<512x512xf32>
      %exp3A_763 = math.exp %sub3A_762 : vector<512x512xf32>
      %convert_element_type3A_764 = arith.truncf %exp3A_763 : vector<512x512xf32> to vector<512x512xbf16>
      %mul3A_765 = vector.broadcast %exp3A : vector<512x1xf32> to vector<512x65xf32>
      %mul3A_766 = arith.mulf %cond3A_356#0, %mul3A_765 : vector<512x65xf32>
      %slice3A_767 = vector.extract_strided_slice %convert_element_type3A_191 {offsets = [1024, 0], sizes = [512, 65], strides = [1, 1]} : vector<2048x65xbf16> to vector<512x65xbf16>
      %dot_general3A_768 = arith.constant dense<0.000000e+00> : vector<512x65xf32>
      %dot_general3A_769 = tpu.matmul %convert_element_type3A_764, %slice3A_767, %dot_general3A_768 {dimension_numbers = #tpu.dot_dimension_numbers<[1], [0], [0], [1], [0, 0, 1, 1], [], []>, transpose_lhs_hint = false} : vector<512x512xbf16>, vector<512x65xbf16>, vector<512x65xf32> -> vector<512x65xf32>
      %add3A_770 = arith.addf %mul3A_766, %dot_general3A_769 : vector<512x65xf32>
      scf.yield %add3A_770, %max3A_759 : vector<512x65xf32>, vector<512x1xf32>
    } else {
      scf.yield %cond3A_356#0, %cond3A_356#1 : vector<512x65xf32>, vector<512x1xf32>
    }
    %gt3A_363 = arith.constant 1536 : i32
    %gt3A_364 = arith.cmpi sgt, %get3A_121, %gt3A_363 : i32
    %convert_element_type3A_365 = arith.extui %gt3A_364 : i1 to i32
    %cond3A_366 = arith.constant 0 : i32
    %cond3A_367 = arith.cmpi ne, %convert_element_type3A_365, %cond3A_366 : i32
    %cond3A_368 = scf.if %cond3A_367 -> (vector<512x65xf32>) {
      %slice3A_753 = vector.extract_strided_slice %convert_element_type3A_187 {offsets = [1536, 0], sizes = [512, 65], strides = [1, 1]} : vector<2048x65xbf16> to vector<512x65xbf16>
      %dot_general3A_754 = arith.constant dense<0.000000e+00> : vector<512x512xf32>
      %dot_general3A_755 = tpu.matmul %convert_element_type3A_316, %slice3A_753, %dot_general3A_754 {dimension_numbers = #tpu.dot_dimension_numbers<[1], [1], [0], [0], [0, 0, 1, 0], [], []>, transpose_lhs_hint = false} : vector<512x65xbf16>, vector<512x65xbf16>, vector<512x512xf32> -> vector<512x512xf32>
      %reduce_max3A_756 = arith.constant dense<0xFF800000> : vector<512xf32>
      %reduce_max3A_757 = vector.multi_reduction <maximumf>, %dot_general3A_755, %reduce_max3A_756 [1] : vector<512x512xf32> to vector<512xf32>
      %broadcast_in_dim3A_758 = vector.shape_cast %reduce_max3A_757 : vector<512xf32> to vector<512x1xf32>
      %max3A_759 = arith.maximumf %cond3A_362#1, %broadcast_in_dim3A_758 : vector<512x1xf32>
      %sub3A_760 = arith.subf %cond3A_362#1, %max3A_759 : vector<512x1xf32>
      %exp3A = math.exp %sub3A_760 : vector<512x1xf32>
      %sub3A_761 = vector.broadcast %max3A_759 : vector<512x1xf32> to vector<512x512xf32>
      %sub3A_762 = arith.subf %dot_general3A_755, %sub3A_761 : vector<512x512xf32>
      %exp3A_763 = math.exp %sub3A_762 : vector<512x512xf32>
      %convert_element_type3A_764 = arith.truncf %exp3A_763 : vector<512x512xf32> to vector<512x512xbf16>
      %mul3A_765 = vector.broadcast %exp3A : vector<512x1xf32> to vector<512x65xf32>
      %mul3A_766 = arith.mulf %cond3A_362#0, %mul3A_765 : vector<512x65xf32>
      %slice3A_767 = vector.extract_strided_slice %convert_element_type3A_191 {offsets = [1536, 0], sizes = [512, 65], strides = [1, 1]} : vector<2048x65xbf16> to vector<512x65xbf16>
      %dot_general3A_768 = arith.constant dense<0.000000e+00> : vector<512x65xf32>
      %dot_general3A_769 = tpu.matmul %convert_element_type3A_764, %slice3A_767, %dot_general3A_768 {dimension_numbers = #tpu.dot_dimension_numbers<[1], [0], [0], [1], [0, 0, 1, 1], [], []>, transpose_lhs_hint = false} : vector<512x512xbf16>, vector<512x65xbf16>, vector<512x65xf32> -> vector<512x65xf32>
      %add3A_770 = arith.addf %mul3A_766, %dot_general3A_769 : vector<512x65xf32>
      scf.yield %add3A_770 : vector<512x65xf32>
    } else {
      scf.yield %cond3A_362#0 : vector<512x65xf32>
    }
    %slice3A_369 = vector.extract_strided_slice %cond3A_368 {offsets = [0, 0], sizes = [512, 64], strides = [1, 1]} : vector<512x65xf32> to vector<512x64xf32>
    %slice3A_370 = vector.extract_strided_slice %cond3A_368 {offsets = [0, 64], sizes = [512, 1], strides = [1, 1]} : vector<512x65xf32> to vector<512x1xf32>
    %div3A_371 = vector.broadcast %slice3A_370 : vector<512x1xf32> to vector<512x64xf32>
    %div3A_372 = arith.divf %slice3A_369, %div3A_371 : vector<512x64xf32>
    %tanh3A_373 = math.tanh %div3A_372 : vector<512x64xf32>
    %slice3A_374 = vector.extract_strided_slice %mul3A_97 {offsets = [1536, 0], sizes = [512, 64], strides = [1, 1]} : vector<2048x64xf32> to vector<512x64xf32>
    %broadcast_in_dim3A_375 = arith.constant 1.000000e+00 : f32
    %broadcast_in_dim3A_376 = vector.broadcast %broadcast_in_dim3A_375 : f32 to vector<512x1xf32>
    %concatenate3A_377 = tpu.concatenate %slice3A_374, %broadcast_in_dim3A_376 in 1 : vector<512x64xf32>, vector<512x1xf32> -> vector<512x65xf32>
    %convert_element_type3A_378 = arith.truncf %concatenate3A_377 : vector<512x65xf32> to vector<512x65xbf16>
    %broadcast_in_dim3A_379 = arith.constant 0.000000e+00 : f32
    %broadcast_in_dim3A_380 = vector.broadcast %broadcast_in_dim3A_379 : f32 to vector<512x65xf32>
    %broadcast_in_dim3A_381 = arith.constant -1.000000e+30 : f32
    %broadcast_in_dim3A_382 = vector.broadcast %broadcast_in_dim3A_381 : f32 to vector<512x1xf32>
    %gt3A_383 = arith.constant 0 : i32
    %gt3A_384 = arith.cmpi sgt, %get3A_117, %gt3A_383 : i32
    %convert_element_type3A_385 = arith.extui %gt3A_384 : i1 to i32
    %cond3A_386 = arith.constant 0 : i32
    %cond3A_387 = arith.cmpi ne, %convert_element_type3A_385, %cond3A_386 : i32
    %cond3A_388:2 = scf.if %cond3A_387 -> (vector<512x65xf32>, vector<512x1xf32>) {
      %slice3A_753 = vector.extract_strided_slice %convert_element_type3A {offsets = [0, 0], sizes = [512, 65], strides = [1, 1]} : vector<2048x65xbf16> to vector<512x65xbf16>
      %dot_general3A_754 = arith.constant dense<0.000000e+00> : vector<512x512xf32>
      %dot_general3A_755 = tpu.matmul %convert_element_type3A_378, %slice3A_753, %dot_general3A_754 {dimension_numbers = #tpu.dot_dimension_numbers<[1], [1], [0], [0], [0, 0, 1, 0], [], []>, transpose_lhs_hint = false} : vector<512x65xbf16>, vector<512x65xbf16>, vector<512x512xf32> -> vector<512x512xf32>
      %reduce_max3A_756 = arith.constant dense<0xFF800000> : vector<512xf32>
      %reduce_max3A_757 = vector.multi_reduction <maximumf>, %dot_general3A_755, %reduce_max3A_756 [1] : vector<512x512xf32> to vector<512xf32>
      %broadcast_in_dim3A_758 = vector.shape_cast %reduce_max3A_757 : vector<512xf32> to vector<512x1xf32>
      %max3A_759 = arith.maximumf %broadcast_in_dim3A_382, %broadcast_in_dim3A_758 : vector<512x1xf32>
      %sub3A_760 = arith.subf %broadcast_in_dim3A_382, %max3A_759 : vector<512x1xf32>
      %exp3A = math.exp %sub3A_760 : vector<512x1xf32>
      %sub3A_761 = vector.broadcast %max3A_759 : vector<512x1xf32> to vector<512x512xf32>
      %sub3A_762 = arith.subf %dot_general3A_755, %sub3A_761 : vector<512x512xf32>
      %exp3A_763 = math.exp %sub3A_762 : vector<512x512xf32>
      %convert_element_type3A_764 = arith.truncf %exp3A_763 : vector<512x512xf32> to vector<512x512xbf16>
      %mul3A_765 = vector.broadcast %exp3A : vector<512x1xf32> to vector<512x65xf32>
      %mul3A_766 = arith.mulf %broadcast_in_dim3A_380, %mul3A_765 : vector<512x65xf32>
      %slice3A_767 = vector.extract_strided_slice %convert_element_type3A_189 {offsets = [0, 0], sizes = [512, 65], strides = [1, 1]} : vector<2048x65xbf16> to vector<512x65xbf16>
      %dot_general3A_768 = arith.constant dense<0.000000e+00> : vector<512x65xf32>
      %dot_general3A_769 = tpu.matmul %convert_element_type3A_764, %slice3A_767, %dot_general3A_768 {dimension_numbers = #tpu.dot_dimension_numbers<[1], [0], [0], [1], [0, 0, 1, 1], [], []>, transpose_lhs_hint = false} : vector<512x512xbf16>, vector<512x65xbf16>, vector<512x65xf32> -> vector<512x65xf32>
      %add3A_770 = arith.addf %mul3A_766, %dot_general3A_769 : vector<512x65xf32>
      scf.yield %add3A_770, %max3A_759 : vector<512x65xf32>, vector<512x1xf32>
    } else {
      scf.yield %broadcast_in_dim3A_380, %broadcast_in_dim3A_382 : vector<512x65xf32>, vector<512x1xf32>
    }
    %gt3A_389 = arith.constant 512 : i32
    %gt3A_390 = arith.cmpi sgt, %get3A_117, %gt3A_389 : i32
    %convert_element_type3A_391 = arith.extui %gt3A_390 : i1 to i32
    %cond3A_392 = arith.constant 0 : i32
    %cond3A_393 = arith.cmpi ne, %convert_element_type3A_391, %cond3A_392 : i32
    %cond3A_394:2 = scf.if %cond3A_393 -> (vector<512x65xf32>, vector<512x1xf32>) {
      %slice3A_753 = vector.extract_strided_slice %convert_element_type3A {offsets = [512, 0], sizes = [512, 65], strides = [1, 1]} : vector<2048x65xbf16> to vector<512x65xbf16>
      %dot_general3A_754 = arith.constant dense<0.000000e+00> : vector<512x512xf32>
      %dot_general3A_755 = tpu.matmul %convert_element_type3A_378, %slice3A_753, %dot_general3A_754 {dimension_numbers = #tpu.dot_dimension_numbers<[1], [1], [0], [0], [0, 0, 1, 0], [], []>, transpose_lhs_hint = false} : vector<512x65xbf16>, vector<512x65xbf16>, vector<512x512xf32> -> vector<512x512xf32>
      %reduce_max3A_756 = arith.constant dense<0xFF800000> : vector<512xf32>
      %reduce_max3A_757 = vector.multi_reduction <maximumf>, %dot_general3A_755, %reduce_max3A_756 [1] : vector<512x512xf32> to vector<512xf32>
      %broadcast_in_dim3A_758 = vector.shape_cast %reduce_max3A_757 : vector<512xf32> to vector<512x1xf32>
      %max3A_759 = arith.maximumf %cond3A_388#1, %broadcast_in_dim3A_758 : vector<512x1xf32>
      %sub3A_760 = arith.subf %cond3A_388#1, %max3A_759 : vector<512x1xf32>
      %exp3A = math.exp %sub3A_760 : vector<512x1xf32>
      %sub3A_761 = vector.broadcast %max3A_759 : vector<512x1xf32> to vector<512x512xf32>
      %sub3A_762 = arith.subf %dot_general3A_755, %sub3A_761 : vector<512x512xf32>
      %exp3A_763 = math.exp %sub3A_762 : vector<512x512xf32>
      %convert_element_type3A_764 = arith.truncf %exp3A_763 : vector<512x512xf32> to vector<512x512xbf16>
      %mul3A_765 = vector.broadcast %exp3A : vector<512x1xf32> to vector<512x65xf32>
      %mul3A_766 = arith.mulf %cond3A_388#0, %mul3A_765 : vector<512x65xf32>
      %slice3A_767 = vector.extract_strided_slice %convert_element_type3A_189 {offsets = [512, 0], sizes = [512, 65], strides = [1, 1]} : vector<2048x65xbf16> to vector<512x65xbf16>
      %dot_general3A_768 = arith.constant dense<0.000000e+00> : vector<512x65xf32>
      %dot_general3A_769 = tpu.matmul %convert_element_type3A_764, %slice3A_767, %dot_general3A_768 {dimension_numbers = #tpu.dot_dimension_numbers<[1], [0], [0], [1], [0, 0, 1, 1], [], []>, transpose_lhs_hint = false} : vector<512x512xbf16>, vector<512x65xbf16>, vector<512x65xf32> -> vector<512x65xf32>
      %add3A_770 = arith.addf %mul3A_766, %dot_general3A_769 : vector<512x65xf32>
      scf.yield %add3A_770, %max3A_759 : vector<512x65xf32>, vector<512x1xf32>
    } else {
      scf.yield %cond3A_388#0, %cond3A_388#1 : vector<512x65xf32>, vector<512x1xf32>
    }
    %gt3A_395 = arith.constant 1024 : i32
    %gt3A_396 = arith.cmpi sgt, %get3A_117, %gt3A_395 : i32
    %convert_element_type3A_397 = arith.extui %gt3A_396 : i1 to i32
    %cond3A_398 = arith.constant 0 : i32
    %cond3A_399 = arith.cmpi ne, %convert_element_type3A_397, %cond3A_398 : i32
    %cond3A_400:2 = scf.if %cond3A_399 -> (vector<512x65xf32>, vector<512x1xf32>) {
      %slice3A_753 = vector.extract_strided_slice %convert_element_type3A {offsets = [1024, 0], sizes = [512, 65], strides = [1, 1]} : vector<2048x65xbf16> to vector<512x65xbf16>
      %dot_general3A_754 = arith.constant dense<0.000000e+00> : vector<512x512xf32>
      %dot_general3A_755 = tpu.matmul %convert_element_type3A_378, %slice3A_753, %dot_general3A_754 {dimension_numbers = #tpu.dot_dimension_numbers<[1], [1], [0], [0], [0, 0, 1, 0], [], []>, transpose_lhs_hint = false} : vector<512x65xbf16>, vector<512x65xbf16>, vector<512x512xf32> -> vector<512x512xf32>
      %reduce_max3A_756 = arith.constant dense<0xFF800000> : vector<512xf32>
      %reduce_max3A_757 = vector.multi_reduction <maximumf>, %dot_general3A_755, %reduce_max3A_756 [1] : vector<512x512xf32> to vector<512xf32>
      %broadcast_in_dim3A_758 = vector.shape_cast %reduce_max3A_757 : vector<512xf32> to vector<512x1xf32>
      %max3A_759 = arith.maximumf %cond3A_394#1, %broadcast_in_dim3A_758 : vector<512x1xf32>
      %sub3A_760 = arith.subf %cond3A_394#1, %max3A_759 : vector<512x1xf32>
      %exp3A = math.exp %sub3A_760 : vector<512x1xf32>
      %sub3A_761 = vector.broadcast %max3A_759 : vector<512x1xf32> to vector<512x512xf32>
      %sub3A_762 = arith.subf %dot_general3A_755, %sub3A_761 : vector<512x512xf32>
      %exp3A_763 = math.exp %sub3A_762 : vector<512x512xf32>
      %convert_element_type3A_764 = arith.truncf %exp3A_763 : vector<512x512xf32> to vector<512x512xbf16>
      %mul3A_765 = vector.broadcast %exp3A : vector<512x1xf32> to vector<512x65xf32>
      %mul3A_766 = arith.mulf %cond3A_394#0, %mul3A_765 : vector<512x65xf32>
      %slice3A_767 = vector.extract_strided_slice %convert_element_type3A_189 {offsets = [1024, 0], sizes = [512, 65], strides = [1, 1]} : vector<2048x65xbf16> to vector<512x65xbf16>
      %dot_general3A_768 = arith.constant dense<0.000000e+00> : vector<512x65xf32>
      %dot_general3A_769 = tpu.matmul %convert_element_type3A_764, %slice3A_767, %dot_general3A_768 {dimension_numbers = #tpu.dot_dimension_numbers<[1], [0], [0], [1], [0, 0, 1, 1], [], []>, transpose_lhs_hint = false} : vector<512x512xbf16>, vector<512x65xbf16>, vector<512x65xf32> -> vector<512x65xf32>
      %add3A_770 = arith.addf %mul3A_766, %dot_general3A_769 : vector<512x65xf32>
      scf.yield %add3A_770, %max3A_759 : vector<512x65xf32>, vector<512x1xf32>
    } else {
      scf.yield %cond3A_394#0, %cond3A_394#1 : vector<512x65xf32>, vector<512x1xf32>
    }
    %gt3A_401 = arith.constant 1536 : i32
    %gt3A_402 = arith.cmpi sgt, %get3A_117, %gt3A_401 : i32
    %convert_element_type3A_403 = arith.extui %gt3A_402 : i1 to i32
    %cond3A_404 = arith.constant 0 : i32
    %cond3A_405 = arith.cmpi ne, %convert_element_type3A_403, %cond3A_404 : i32
    %cond3A_406:2 = scf.if %cond3A_405 -> (vector<512x65xf32>, vector<512x1xf32>) {
      %slice3A_753 = vector.extract_strided_slice %convert_element_type3A {offsets = [1536, 0], sizes = [512, 65], strides = [1, 1]} : vector<2048x65xbf16> to vector<512x65xbf16>
      %dot_general3A_754 = arith.constant dense<0.000000e+00> : vector<512x512xf32>
      %dot_general3A_755 = tpu.matmul %convert_element_type3A_378, %slice3A_753, %dot_general3A_754 {dimension_numbers = #tpu.dot_dimension_numbers<[1], [1], [0], [0], [0, 0, 1, 0], [], []>, transpose_lhs_hint = false} : vector<512x65xbf16>, vector<512x65xbf16>, vector<512x512xf32> -> vector<512x512xf32>
      %reduce_max3A_756 = arith.constant dense<0xFF800000> : vector<512xf32>
      %reduce_max3A_757 = vector.multi_reduction <maximumf>, %dot_general3A_755, %reduce_max3A_756 [1] : vector<512x512xf32> to vector<512xf32>
      %broadcast_in_dim3A_758 = vector.shape_cast %reduce_max3A_757 : vector<512xf32> to vector<512x1xf32>
      %max3A_759 = arith.maximumf %cond3A_400#1, %broadcast_in_dim3A_758 : vector<512x1xf32>
      %sub3A_760 = arith.subf %cond3A_400#1, %max3A_759 : vector<512x1xf32>
      %exp3A = math.exp %sub3A_760 : vector<512x1xf32>
      %sub3A_761 = vector.broadcast %max3A_759 : vector<512x1xf32> to vector<512x512xf32>
      %sub3A_762 = arith.subf %dot_general3A_755, %sub3A_761 : vector<512x512xf32>
      %exp3A_763 = math.exp %sub3A_762 : vector<512x512xf32>
      %convert_element_type3A_764 = arith.truncf %exp3A_763 : vector<512x512xf32> to vector<512x512xbf16>
      %mul3A_765 = vector.broadcast %exp3A : vector<512x1xf32> to vector<512x65xf32>
      %mul3A_766 = arith.mulf %cond3A_400#0, %mul3A_765 : vector<512x65xf32>
      %slice3A_767 = vector.extract_strided_slice %convert_element_type3A_189 {offsets = [1536, 0], sizes = [512, 65], strides = [1, 1]} : vector<2048x65xbf16> to vector<512x65xbf16>
      %dot_general3A_768 = arith.constant dense<0.000000e+00> : vector<512x65xf32>
      %dot_general3A_769 = tpu.matmul %convert_element_type3A_764, %slice3A_767, %dot_general3A_768 {dimension_numbers = #tpu.dot_dimension_numbers<[1], [0], [0], [1], [0, 0, 1, 1], [], []>, transpose_lhs_hint = false} : vector<512x512xbf16>, vector<512x65xbf16>, vector<512x65xf32> -> vector<512x65xf32>
      %add3A_770 = arith.addf %mul3A_766, %dot_general3A_769 : vector<512x65xf32>
      scf.yield %add3A_770, %max3A_759 : vector<512x65xf32>, vector<512x1xf32>
    } else {
      scf.yield %cond3A_400#0, %cond3A_400#1 : vector<512x65xf32>, vector<512x1xf32>
    }
    %gt3A_407 = arith.constant 0 : i32
    %gt3A_408 = arith.cmpi sgt, %get3A_121, %gt3A_407 : i32
    %convert_element_type3A_409 = arith.extui %gt3A_408 : i1 to i32
    %cond3A_410 = arith.constant 0 : i32
    %cond3A_411 = arith.cmpi ne, %convert_element_type3A_409, %cond3A_410 : i32
    %cond3A_412:2 = scf.if %cond3A_411 -> (vector<512x65xf32>, vector<512x1xf32>) {
      %slice3A_753 = vector.extract_strided_slice %convert_element_type3A_187 {offsets = [0, 0], sizes = [512, 65], strides = [1, 1]} : vector<2048x65xbf16> to vector<512x65xbf16>
      %dot_general3A_754 = arith.constant dense<0.000000e+00> : vector<512x512xf32>
      %dot_general3A_755 = tpu.matmul %convert_element_type3A_378, %slice3A_753, %dot_general3A_754 {dimension_numbers = #tpu.dot_dimension_numbers<[1], [1], [0], [0], [0, 0, 1, 0], [], []>, transpose_lhs_hint = false} : vector<512x65xbf16>, vector<512x65xbf16>, vector<512x512xf32> -> vector<512x512xf32>
      %reduce_max3A_756 = arith.constant dense<0xFF800000> : vector<512xf32>
      %reduce_max3A_757 = vector.multi_reduction <maximumf>, %dot_general3A_755, %reduce_max3A_756 [1] : vector<512x512xf32> to vector<512xf32>
      %broadcast_in_dim3A_758 = vector.shape_cast %reduce_max3A_757 : vector<512xf32> to vector<512x1xf32>
      %max3A_759 = arith.maximumf %cond3A_406#1, %broadcast_in_dim3A_758 : vector<512x1xf32>
      %sub3A_760 = arith.subf %cond3A_406#1, %max3A_759 : vector<512x1xf32>
      %exp3A = math.exp %sub3A_760 : vector<512x1xf32>
      %sub3A_761 = vector.broadcast %max3A_759 : vector<512x1xf32> to vector<512x512xf32>
      %sub3A_762 = arith.subf %dot_general3A_755, %sub3A_761 : vector<512x512xf32>
      %exp3A_763 = math.exp %sub3A_762 : vector<512x512xf32>
      %convert_element_type3A_764 = arith.truncf %exp3A_763 : vector<512x512xf32> to vector<512x512xbf16>
      %mul3A_765 = vector.broadcast %exp3A : vector<512x1xf32> to vector<512x65xf32>
      %mul3A_766 = arith.mulf %cond3A_406#0, %mul3A_765 : vector<512x65xf32>
      %slice3A_767 = vector.extract_strided_slice %convert_element_type3A_191 {offsets = [0, 0], sizes = [512, 65], strides = [1, 1]} : vector<2048x65xbf16> to vector<512x65xbf16>
      %dot_general3A_768 = arith.constant dense<0.000000e+00> : vector<512x65xf32>
      %dot_general3A_769 = tpu.matmul %convert_element_type3A_764, %slice3A_767, %dot_general3A_768 {dimension_numbers = #tpu.dot_dimension_numbers<[1], [0], [0], [1], [0, 0, 1, 1], [], []>, transpose_lhs_hint = false} : vector<512x512xbf16>, vector<512x65xbf16>, vector<512x65xf32> -> vector<512x65xf32>
      %add3A_770 = arith.addf %mul3A_766, %dot_general3A_769 : vector<512x65xf32>
      scf.yield %add3A_770, %max3A_759 : vector<512x65xf32>, vector<512x1xf32>
    } else {
      scf.yield %cond3A_406#0, %cond3A_406#1 : vector<512x65xf32>, vector<512x1xf32>
    }
    %gt3A_413 = arith.constant 512 : i32
    %gt3A_414 = arith.cmpi sgt, %get3A_121, %gt3A_413 : i32
    %convert_element_type3A_415 = arith.extui %gt3A_414 : i1 to i32
    %cond3A_416 = arith.constant 0 : i32
    %cond3A_417 = arith.cmpi ne, %convert_element_type3A_415, %cond3A_416 : i32
    %cond3A_418:2 = scf.if %cond3A_417 -> (vector<512x65xf32>, vector<512x1xf32>) {
      %slice3A_753 = vector.extract_strided_slice %convert_element_type3A_187 {offsets = [512, 0], sizes = [512, 65], strides = [1, 1]} : vector<2048x65xbf16> to vector<512x65xbf16>
      %dot_general3A_754 = arith.constant dense<0.000000e+00> : vector<512x512xf32>
      %dot_general3A_755 = tpu.matmul %convert_element_type3A_378, %slice3A_753, %dot_general3A_754 {dimension_numbers = #tpu.dot_dimension_numbers<[1], [1], [0], [0], [0, 0, 1, 0], [], []>, transpose_lhs_hint = false} : vector<512x65xbf16>, vector<512x65xbf16>, vector<512x512xf32> -> vector<512x512xf32>
      %reduce_max3A_756 = arith.constant dense<0xFF800000> : vector<512xf32>
      %reduce_max3A_757 = vector.multi_reduction <maximumf>, %dot_general3A_755, %reduce_max3A_756 [1] : vector<512x512xf32> to vector<512xf32>
      %broadcast_in_dim3A_758 = vector.shape_cast %reduce_max3A_757 : vector<512xf32> to vector<512x1xf32>
      %max3A_759 = arith.maximumf %cond3A_412#1, %broadcast_in_dim3A_758 : vector<512x1xf32>
      %sub3A_760 = arith.subf %cond3A_412#1, %max3A_759 : vector<512x1xf32>
      %exp3A = math.exp %sub3A_760 : vector<512x1xf32>
      %sub3A_761 = vector.broadcast %max3A_759 : vector<512x1xf32> to vector<512x512xf32>
      %sub3A_762 = arith.subf %dot_general3A_755, %sub3A_761 : vector<512x512xf32>
      %exp3A_763 = math.exp %sub3A_762 : vector<512x512xf32>
      %convert_element_type3A_764 = arith.truncf %exp3A_763 : vector<512x512xf32> to vector<512x512xbf16>
      %mul3A_765 = vector.broadcast %exp3A : vector<512x1xf32> to vector<512x65xf32>
      %mul3A_766 = arith.mulf %cond3A_412#0, %mul3A_765 : vector<512x65xf32>
      %slice3A_767 = vector.extract_strided_slice %convert_element_type3A_191 {offsets = [512, 0], sizes = [512, 65], strides = [1, 1]} : vector<2048x65xbf16> to vector<512x65xbf16>
      %dot_general3A_768 = arith.constant dense<0.000000e+00> : vector<512x65xf32>
      %dot_general3A_769 = tpu.matmul %convert_element_type3A_764, %slice3A_767, %dot_general3A_768 {dimension_numbers = #tpu.dot_dimension_numbers<[1], [0], [0], [1], [0, 0, 1, 1], [], []>, transpose_lhs_hint = false} : vector<512x512xbf16>, vector<512x65xbf16>, vector<512x65xf32> -> vector<512x65xf32>
      %add3A_770 = arith.addf %mul3A_766, %dot_general3A_769 : vector<512x65xf32>
      scf.yield %add3A_770, %max3A_759 : vector<512x65xf32>, vector<512x1xf32>
    } else {
      scf.yield %cond3A_412#0, %cond3A_412#1 : vector<512x65xf32>, vector<512x1xf32>
    }
    %gt3A_419 = arith.constant 1024 : i32
    %gt3A_420 = arith.cmpi sgt, %get3A_121, %gt3A_419 : i32
    %convert_element_type3A_421 = arith.extui %gt3A_420 : i1 to i32
    %cond3A_422 = arith.constant 0 : i32
    %cond3A_423 = arith.cmpi ne, %convert_element_type3A_421, %cond3A_422 : i32
    %cond3A_424:2 = scf.if %cond3A_423 -> (vector<512x65xf32>, vector<512x1xf32>) {
      %slice3A_753 = vector.extract_strided_slice %convert_element_type3A_187 {offsets = [1024, 0], sizes = [512, 65], strides = [1, 1]} : vector<2048x65xbf16> to vector<512x65xbf16>
      %dot_general3A_754 = arith.constant dense<0.000000e+00> : vector<512x512xf32>
      %dot_general3A_755 = tpu.matmul %convert_element_type3A_378, %slice3A_753, %dot_general3A_754 {dimension_numbers = #tpu.dot_dimension_numbers<[1], [1], [0], [0], [0, 0, 1, 0], [], []>, transpose_lhs_hint = false} : vector<512x65xbf16>, vector<512x65xbf16>, vector<512x512xf32> -> vector<512x512xf32>
      %reduce_max3A_756 = arith.constant dense<0xFF800000> : vector<512xf32>
      %reduce_max3A_757 = vector.multi_reduction <maximumf>, %dot_general3A_755, %reduce_max3A_756 [1] : vector<512x512xf32> to vector<512xf32>
      %broadcast_in_dim3A_758 = vector.shape_cast %reduce_max3A_757 : vector<512xf32> to vector<512x1xf32>
      %max3A_759 = arith.maximumf %cond3A_418#1, %broadcast_in_dim3A_758 : vector<512x1xf32>
      %sub3A_760 = arith.subf %cond3A_418#1, %max3A_759 : vector<512x1xf32>
      %exp3A = math.exp %sub3A_760 : vector<512x1xf32>
      %sub3A_761 = vector.broadcast %max3A_759 : vector<512x1xf32> to vector<512x512xf32>
      %sub3A_762 = arith.subf %dot_general3A_755, %sub3A_761 : vector<512x512xf32>
      %exp3A_763 = math.exp %sub3A_762 : vector<512x512xf32>
      %convert_element_type3A_764 = arith.truncf %exp3A_763 : vector<512x512xf32> to vector<512x512xbf16>
      %mul3A_765 = vector.broadcast %exp3A : vector<512x1xf32> to vector<512x65xf32>
      %mul3A_766 = arith.mulf %cond3A_418#0, %mul3A_765 : vector<512x65xf32>
      %slice3A_767 = vector.extract_strided_slice %convert_element_type3A_191 {offsets = [1024, 0], sizes = [512, 65], strides = [1, 1]} : vector<2048x65xbf16> to vector<512x65xbf16>
      %dot_general3A_768 = arith.constant dense<0.000000e+00> : vector<512x65xf32>
      %dot_general3A_769 = tpu.matmul %convert_element_type3A_764, %slice3A_767, %dot_general3A_768 {dimension_numbers = #tpu.dot_dimension_numbers<[1], [0], [0], [1], [0, 0, 1, 1], [], []>, transpose_lhs_hint = false} : vector<512x512xbf16>, vector<512x65xbf16>, vector<512x65xf32> -> vector<512x65xf32>
      %add3A_770 = arith.addf %mul3A_766, %dot_general3A_769 : vector<512x65xf32>
      scf.yield %add3A_770, %max3A_759 : vector<512x65xf32>, vector<512x1xf32>
    } else {
      scf.yield %cond3A_418#0, %cond3A_418#1 : vector<512x65xf32>, vector<512x1xf32>
    }
    %gt3A_425 = arith.constant 1536 : i32
    %gt3A_426 = arith.cmpi sgt, %get3A_121, %gt3A_425 : i32
    %convert_element_type3A_427 = arith.extui %gt3A_426 : i1 to i32
    %cond3A_428 = arith.constant 0 : i32
    %cond3A_429 = arith.cmpi ne, %convert_element_type3A_427, %cond3A_428 : i32
    %cond3A_430 = scf.if %cond3A_429 -> (vector<512x65xf32>) {
      %slice3A_753 = vector.extract_strided_slice %convert_element_type3A_187 {offsets = [1536, 0], sizes = [512, 65], strides = [1, 1]} : vector<2048x65xbf16> to vector<512x65xbf16>
      %dot_general3A_754 = arith.constant dense<0.000000e+00> : vector<512x512xf32>
      %dot_general3A_755 = tpu.matmul %convert_element_type3A_378, %slice3A_753, %dot_general3A_754 {dimension_numbers = #tpu.dot_dimension_numbers<[1], [1], [0], [0], [0, 0, 1, 0], [], []>, transpose_lhs_hint = false} : vector<512x65xbf16>, vector<512x65xbf16>, vector<512x512xf32> -> vector<512x512xf32>
      %reduce_max3A_756 = arith.constant dense<0xFF800000> : vector<512xf32>
      %reduce_max3A_757 = vector.multi_reduction <maximumf>, %dot_general3A_755, %reduce_max3A_756 [1] : vector<512x512xf32> to vector<512xf32>
      %broadcast_in_dim3A_758 = vector.shape_cast %reduce_max3A_757 : vector<512xf32> to vector<512x1xf32>
      %max3A_759 = arith.maximumf %cond3A_424#1, %broadcast_in_dim3A_758 : vector<512x1xf32>
      %sub3A_760 = arith.subf %cond3A_424#1, %max3A_759 : vector<512x1xf32>
      %exp3A = math.exp %sub3A_760 : vector<512x1xf32>
      %sub3A_761 = vector.broadcast %max3A_759 : vector<512x1xf32> to vector<512x512xf32>
      %sub3A_762 = arith.subf %dot_general3A_755, %sub3A_761 : vector<512x512xf32>
      %exp3A_763 = math.exp %sub3A_762 : vector<512x512xf32>
      %convert_element_type3A_764 = arith.truncf %exp3A_763 : vector<512x512xf32> to vector<512x512xbf16>
      %mul3A_765 = vector.broadcast %exp3A : vector<512x1xf32> to vector<512x65xf32>
      %mul3A_766 = arith.mulf %cond3A_424#0, %mul3A_765 : vector<512x65xf32>
      %slice3A_767 = vector.extract_strided_slice %convert_element_type3A_191 {offsets = [1536, 0], sizes = [512, 65], strides = [1, 1]} : vector<2048x65xbf16> to vector<512x65xbf16>
      %dot_general3A_768 = arith.constant dense<0.000000e+00> : vector<512x65xf32>
      %dot_general3A_769 = tpu.matmul %convert_element_type3A_764, %slice3A_767, %dot_general3A_768 {dimension_numbers = #tpu.dot_dimension_numbers<[1], [0], [0], [1], [0, 0, 1, 1], [], []>, transpose_lhs_hint = false} : vector<512x512xbf16>, vector<512x65xbf16>, vector<512x65xf32> -> vector<512x65xf32>
      %add3A_770 = arith.addf %mul3A_766, %dot_general3A_769 : vector<512x65xf32>
      scf.yield %add3A_770 : vector<512x65xf32>
    } else {
      scf.yield %cond3A_424#0 : vector<512x65xf32>
    }
    %slice3A_431 = vector.extract_strided_slice %cond3A_430 {offsets = [0, 0], sizes = [512, 64], strides = [1, 1]} : vector<512x65xf32> to vector<512x64xf32>
    %slice3A_432 = vector.extract_strided_slice %cond3A_430 {offsets = [0, 64], sizes = [512, 1], strides = [1, 1]} : vector<512x65xf32> to vector<512x1xf32>
    %div3A_433 = vector.broadcast %slice3A_432 : vector<512x1xf32> to vector<512x64xf32>
    %div3A_434 = arith.divf %slice3A_431, %div3A_433 : vector<512x64xf32>
    %tanh3A_435 = math.tanh %div3A_434 : vector<512x64xf32>
    %concatenate3A_436 = tpu.concatenate %tanh3A_249, %tanh3A_311, %tanh3A_373, %tanh3A_435 in 0 : vector<512x64xf32>, vector<512x64xf32>, vector<512x64xf32>, vector<512x64xf32> -> vector<2048x64xf32>
    %slice3A_437 = vector.extract_strided_slice %mul3A_113 {offsets = [0, 0], sizes = [512, 64], strides = [1, 1]} : vector<2048x64xf32> to vector<512x64xf32>
    %broadcast_in_dim3A_438 = arith.constant 1.000000e+00 : f32
    %broadcast_in_dim3A_439 = vector.broadcast %broadcast_in_dim3A_438 : f32 to vector<512x1xf32>
    %concatenate3A_440 = tpu.concatenate %slice3A_437, %broadcast_in_dim3A_439 in 1 : vector<512x64xf32>, vector<512x1xf32> -> vector<512x65xf32>
    %convert_element_type3A_441 = arith.truncf %concatenate3A_440 : vector<512x65xf32> to vector<512x65xbf16>
    %broadcast_in_dim3A_442 = arith.constant 0.000000e+00 : f32
    %broadcast_in_dim3A_443 = vector.broadcast %broadcast_in_dim3A_442 : f32 to vector<512x65xf32>
    %broadcast_in_dim3A_444 = arith.constant -1.000000e+30 : f32
    %broadcast_in_dim3A_445 = vector.broadcast %broadcast_in_dim3A_444 : f32 to vector<512x1xf32>
    %gt3A_446 = arith.constant 0 : i32
    %gt3A_447 = arith.cmpi sgt, %get3A_117, %gt3A_446 : i32
    %convert_element_type3A_448 = arith.extui %gt3A_447 : i1 to i32
    %cond3A_449 = arith.constant 0 : i32
    %cond3A_450 = arith.cmpi ne, %convert_element_type3A_448, %cond3A_449 : i32
    %cond3A_451:2 = scf.if %cond3A_450 -> (vector<512x65xf32>, vector<512x1xf32>) {
      %slice3A_753 = vector.extract_strided_slice %convert_element_type3A {offsets = [0, 0], sizes = [512, 65], strides = [1, 1]} : vector<2048x65xbf16> to vector<512x65xbf16>
      %dot_general3A_754 = arith.constant dense<0.000000e+00> : vector<512x512xf32>
      %dot_general3A_755 = tpu.matmul %convert_element_type3A_441, %slice3A_753, %dot_general3A_754 {dimension_numbers = #tpu.dot_dimension_numbers<[1], [1], [0], [0], [0, 0, 1, 0], [], []>, transpose_lhs_hint = false} : vector<512x65xbf16>, vector<512x65xbf16>, vector<512x512xf32> -> vector<512x512xf32>
      %reduce_max3A_756 = arith.constant dense<0xFF800000> : vector<512xf32>
      %reduce_max3A_757 = vector.multi_reduction <maximumf>, %dot_general3A_755, %reduce_max3A_756 [1] : vector<512x512xf32> to vector<512xf32>
      %broadcast_in_dim3A_758 = vector.shape_cast %reduce_max3A_757 : vector<512xf32> to vector<512x1xf32>
      %max3A_759 = arith.maximumf %broadcast_in_dim3A_445, %broadcast_in_dim3A_758 : vector<512x1xf32>
      %sub3A_760 = arith.subf %broadcast_in_dim3A_445, %max3A_759 : vector<512x1xf32>
      %exp3A = math.exp %sub3A_760 : vector<512x1xf32>
      %sub3A_761 = vector.broadcast %max3A_759 : vector<512x1xf32> to vector<512x512xf32>
      %sub3A_762 = arith.subf %dot_general3A_755, %sub3A_761 : vector<512x512xf32>
      %exp3A_763 = math.exp %sub3A_762 : vector<512x512xf32>
      %convert_element_type3A_764 = arith.truncf %exp3A_763 : vector<512x512xf32> to vector<512x512xbf16>
      %mul3A_765 = vector.broadcast %exp3A : vector<512x1xf32> to vector<512x65xf32>
      %mul3A_766 = arith.mulf %broadcast_in_dim3A_443, %mul3A_765 : vector<512x65xf32>
      %slice3A_767 = vector.extract_strided_slice %convert_element_type3A_189 {offsets = [0, 0], sizes = [512, 65], strides = [1, 1]} : vector<2048x65xbf16> to vector<512x65xbf16>
      %dot_general3A_768 = arith.constant dense<0.000000e+00> : vector<512x65xf32>
      %dot_general3A_769 = tpu.matmul %convert_element_type3A_764, %slice3A_767, %dot_general3A_768 {dimension_numbers = #tpu.dot_dimension_numbers<[1], [0], [0], [1], [0, 0, 1, 1], [], []>, transpose_lhs_hint = false} : vector<512x512xbf16>, vector<512x65xbf16>, vector<512x65xf32> -> vector<512x65xf32>
      %add3A_770 = arith.addf %mul3A_766, %dot_general3A_769 : vector<512x65xf32>
      scf.yield %add3A_770, %max3A_759 : vector<512x65xf32>, vector<512x1xf32>
    } else {
      scf.yield %broadcast_in_dim3A_443, %broadcast_in_dim3A_445 : vector<512x65xf32>, vector<512x1xf32>
    }
    %gt3A_452 = arith.constant 512 : i32
    %gt3A_453 = arith.cmpi sgt, %get3A_117, %gt3A_452 : i32
    %convert_element_type3A_454 = arith.extui %gt3A_453 : i1 to i32
    %cond3A_455 = arith.constant 0 : i32
    %cond3A_456 = arith.cmpi ne, %convert_element_type3A_454, %cond3A_455 : i32
    %cond3A_457:2 = scf.if %cond3A_456 -> (vector<512x65xf32>, vector<512x1xf32>) {
      %slice3A_753 = vector.extract_strided_slice %convert_element_type3A {offsets = [512, 0], sizes = [512, 65], strides = [1, 1]} : vector<2048x65xbf16> to vector<512x65xbf16>
      %dot_general3A_754 = arith.constant dense<0.000000e+00> : vector<512x512xf32>
      %dot_general3A_755 = tpu.matmul %convert_element_type3A_441, %slice3A_753, %dot_general3A_754 {dimension_numbers = #tpu.dot_dimension_numbers<[1], [1], [0], [0], [0, 0, 1, 0], [], []>, transpose_lhs_hint = false} : vector<512x65xbf16>, vector<512x65xbf16>, vector<512x512xf32> -> vector<512x512xf32>
      %reduce_max3A_756 = arith.constant dense<0xFF800000> : vector<512xf32>
      %reduce_max3A_757 = vector.multi_reduction <maximumf>, %dot_general3A_755, %reduce_max3A_756 [1] : vector<512x512xf32> to vector<512xf32>
      %broadcast_in_dim3A_758 = vector.shape_cast %reduce_max3A_757 : vector<512xf32> to vector<512x1xf32>
      %max3A_759 = arith.maximumf %cond3A_451#1, %broadcast_in_dim3A_758 : vector<512x1xf32>
      %sub3A_760 = arith.subf %cond3A_451#1, %max3A_759 : vector<512x1xf32>
      %exp3A = math.exp %sub3A_760 : vector<512x1xf32>
      %sub3A_761 = vector.broadcast %max3A_759 : vector<512x1xf32> to vector<512x512xf32>
      %sub3A_762 = arith.subf %dot_general3A_755, %sub3A_761 : vector<512x512xf32>
      %exp3A_763 = math.exp %sub3A_762 : vector<512x512xf32>
      %convert_element_type3A_764 = arith.truncf %exp3A_763 : vector<512x512xf32> to vector<512x512xbf16>
      %mul3A_765 = vector.broadcast %exp3A : vector<512x1xf32> to vector<512x65xf32>
      %mul3A_766 = arith.mulf %cond3A_451#0, %mul3A_765 : vector<512x65xf32>
      %slice3A_767 = vector.extract_strided_slice %convert_element_type3A_189 {offsets = [512, 0], sizes = [512, 65], strides = [1, 1]} : vector<2048x65xbf16> to vector<512x65xbf16>
      %dot_general3A_768 = arith.constant dense<0.000000e+00> : vector<512x65xf32>
      %dot_general3A_769 = tpu.matmul %convert_element_type3A_764, %slice3A_767, %dot_general3A_768 {dimension_numbers = #tpu.dot_dimension_numbers<[1], [0], [0], [1], [0, 0, 1, 1], [], []>, transpose_lhs_hint = false} : vector<512x512xbf16>, vector<512x65xbf16>, vector<512x65xf32> -> vector<512x65xf32>
      %add3A_770 = arith.addf %mul3A_766, %dot_general3A_769 : vector<512x65xf32>
      scf.yield %add3A_770, %max3A_759 : vector<512x65xf32>, vector<512x1xf32>
    } else {
      scf.yield %cond3A_451#0, %cond3A_451#1 : vector<512x65xf32>, vector<512x1xf32>
    }
    %gt3A_458 = arith.constant 1024 : i32
    %gt3A_459 = arith.cmpi sgt, %get3A_117, %gt3A_458 : i32
    %convert_element_type3A_460 = arith.extui %gt3A_459 : i1 to i32
    %cond3A_461 = arith.constant 0 : i32
    %cond3A_462 = arith.cmpi ne, %convert_element_type3A_460, %cond3A_461 : i32
    %cond3A_463:2 = scf.if %cond3A_462 -> (vector<512x65xf32>, vector<512x1xf32>) {
      %slice3A_753 = vector.extract_strided_slice %convert_element_type3A {offsets = [1024, 0], sizes = [512, 65], strides = [1, 1]} : vector<2048x65xbf16> to vector<512x65xbf16>
      %dot_general3A_754 = arith.constant dense<0.000000e+00> : vector<512x512xf32>
      %dot_general3A_755 = tpu.matmul %convert_element_type3A_441, %slice3A_753, %dot_general3A_754 {dimension_numbers = #tpu.dot_dimension_numbers<[1], [1], [0], [0], [0, 0, 1, 0], [], []>, transpose_lhs_hint = false} : vector<512x65xbf16>, vector<512x65xbf16>, vector<512x512xf32> -> vector<512x512xf32>
      %reduce_max3A_756 = arith.constant dense<0xFF800000> : vector<512xf32>
      %reduce_max3A_757 = vector.multi_reduction <maximumf>, %dot_general3A_755, %reduce_max3A_756 [1] : vector<512x512xf32> to vector<512xf32>
      %broadcast_in_dim3A_758 = vector.shape_cast %reduce_max3A_757 : vector<512xf32> to vector<512x1xf32>
      %max3A_759 = arith.maximumf %cond3A_457#1, %broadcast_in_dim3A_758 : vector<512x1xf32>
      %sub3A_760 = arith.subf %cond3A_457#1, %max3A_759 : vector<512x1xf32>
      %exp3A = math.exp %sub3A_760 : vector<512x1xf32>
      %sub3A_761 = vector.broadcast %max3A_759 : vector<512x1xf32> to vector<512x512xf32>
      %sub3A_762 = arith.subf %dot_general3A_755, %sub3A_761 : vector<512x512xf32>
      %exp3A_763 = math.exp %sub3A_762 : vector<512x512xf32>
      %convert_element_type3A_764 = arith.truncf %exp3A_763 : vector<512x512xf32> to vector<512x512xbf16>
      %mul3A_765 = vector.broadcast %exp3A : vector<512x1xf32> to vector<512x65xf32>
      %mul3A_766 = arith.mulf %cond3A_457#0, %mul3A_765 : vector<512x65xf32>
      %slice3A_767 = vector.extract_strided_slice %convert_element_type3A_189 {offsets = [1024, 0], sizes = [512, 65], strides = [1, 1]} : vector<2048x65xbf16> to vector<512x65xbf16>
      %dot_general3A_768 = arith.constant dense<0.000000e+00> : vector<512x65xf32>
      %dot_general3A_769 = tpu.matmul %convert_element_type3A_764, %slice3A_767, %dot_general3A_768 {dimension_numbers = #tpu.dot_dimension_numbers<[1], [0], [0], [1], [0, 0, 1, 1], [], []>, transpose_lhs_hint = false} : vector<512x512xbf16>, vector<512x65xbf16>, vector<512x65xf32> -> vector<512x65xf32>
      %add3A_770 = arith.addf %mul3A_766, %dot_general3A_769 : vector<512x65xf32>
      scf.yield %add3A_770, %max3A_759 : vector<512x65xf32>, vector<512x1xf32>
    } else {
      scf.yield %cond3A_457#0, %cond3A_457#1 : vector<512x65xf32>, vector<512x1xf32>
    }
    %gt3A_464 = arith.constant 1536 : i32
    %gt3A_465 = arith.cmpi sgt, %get3A_117, %gt3A_464 : i32
    %convert_element_type3A_466 = arith.extui %gt3A_465 : i1 to i32
    %cond3A_467 = arith.constant 0 : i32
    %cond3A_468 = arith.cmpi ne, %convert_element_type3A_466, %cond3A_467 : i32
    %cond3A_469:2 = scf.if %cond3A_468 -> (vector<512x65xf32>, vector<512x1xf32>) {
      %slice3A_753 = vector.extract_strided_slice %convert_element_type3A {offsets = [1536, 0], sizes = [512, 65], strides = [1, 1]} : vector<2048x65xbf16> to vector<512x65xbf16>
      %dot_general3A_754 = arith.constant dense<0.000000e+00> : vector<512x512xf32>
      %dot_general3A_755 = tpu.matmul %convert_element_type3A_441, %slice3A_753, %dot_general3A_754 {dimension_numbers = #tpu.dot_dimension_numbers<[1], [1], [0], [0], [0, 0, 1, 0], [], []>, transpose_lhs_hint = false} : vector<512x65xbf16>, vector<512x65xbf16>, vector<512x512xf32> -> vector<512x512xf32>
      %reduce_max3A_756 = arith.constant dense<0xFF800000> : vector<512xf32>
      %reduce_max3A_757 = vector.multi_reduction <maximumf>, %dot_general3A_755, %reduce_max3A_756 [1] : vector<512x512xf32> to vector<512xf32>
      %broadcast_in_dim3A_758 = vector.shape_cast %reduce_max3A_757 : vector<512xf32> to vector<512x1xf32>
      %max3A_759 = arith.maximumf %cond3A_463#1, %broadcast_in_dim3A_758 : vector<512x1xf32>
      %sub3A_760 = arith.subf %cond3A_463#1, %max3A_759 : vector<512x1xf32>
      %exp3A = math.exp %sub3A_760 : vector<512x1xf32>
      %sub3A_761 = vector.broadcast %max3A_759 : vector<512x1xf32> to vector<512x512xf32>
      %sub3A_762 = arith.subf %dot_general3A_755, %sub3A_761 : vector<512x512xf32>
      %exp3A_763 = math.exp %sub3A_762 : vector<512x512xf32>
      %convert_element_type3A_764 = arith.truncf %exp3A_763 : vector<512x512xf32> to vector<512x512xbf16>
      %mul3A_765 = vector.broadcast %exp3A : vector<512x1xf32> to vector<512x65xf32>
      %mul3A_766 = arith.mulf %cond3A_463#0, %mul3A_765 : vector<512x65xf32>
      %slice3A_767 = vector.extract_strided_slice %convert_element_type3A_189 {offsets = [1536, 0], sizes = [512, 65], strides = [1, 1]} : vector<2048x65xbf16> to vector<512x65xbf16>
      %dot_general3A_768 = arith.constant dense<0.000000e+00> : vector<512x65xf32>
      %dot_general3A_769 = tpu.matmul %convert_element_type3A_764, %slice3A_767, %dot_general3A_768 {dimension_numbers = #tpu.dot_dimension_numbers<[1], [0], [0], [1], [0, 0, 1, 1], [], []>, transpose_lhs_hint = false} : vector<512x512xbf16>, vector<512x65xbf16>, vector<512x65xf32> -> vector<512x65xf32>
      %add3A_770 = arith.addf %mul3A_766, %dot_general3A_769 : vector<512x65xf32>
      scf.yield %add3A_770, %max3A_759 : vector<512x65xf32>, vector<512x1xf32>
    } else {
      scf.yield %cond3A_463#0, %cond3A_463#1 : vector<512x65xf32>, vector<512x1xf32>
    }
    %gt3A_470 = arith.constant 0 : i32
    %gt3A_471 = arith.cmpi sgt, %get3A_121, %gt3A_470 : i32
    %convert_element_type3A_472 = arith.extui %gt3A_471 : i1 to i32
    %cond3A_473 = arith.constant 0 : i32
    %cond3A_474 = arith.cmpi ne, %convert_element_type3A_472, %cond3A_473 : i32
    %cond3A_475:2 = scf.if %cond3A_474 -> (vector<512x65xf32>, vector<512x1xf32>) {
      %slice3A_753 = vector.extract_strided_slice %convert_element_type3A_187 {offsets = [0, 0], sizes = [512, 65], strides = [1, 1]} : vector<2048x65xbf16> to vector<512x65xbf16>
      %dot_general3A_754 = arith.constant dense<0.000000e+00> : vector<512x512xf32>
      %dot_general3A_755 = tpu.matmul %convert_element_type3A_441, %slice3A_753, %dot_general3A_754 {dimension_numbers = #tpu.dot_dimension_numbers<[1], [1], [0], [0], [0, 0, 1, 0], [], []>, transpose_lhs_hint = false} : vector<512x65xbf16>, vector<512x65xbf16>, vector<512x512xf32> -> vector<512x512xf32>
      %reduce_max3A_756 = arith.constant dense<0xFF800000> : vector<512xf32>
      %reduce_max3A_757 = vector.multi_reduction <maximumf>, %dot_general3A_755, %reduce_max3A_756 [1] : vector<512x512xf32> to vector<512xf32>
      %broadcast_in_dim3A_758 = vector.shape_cast %reduce_max3A_757 : vector<512xf32> to vector<512x1xf32>
      %max3A_759 = arith.maximumf %cond3A_469#1, %broadcast_in_dim3A_758 : vector<512x1xf32>
      %sub3A_760 = arith.subf %cond3A_469#1, %max3A_759 : vector<512x1xf32>
      %exp3A = math.exp %sub3A_760 : vector<512x1xf32>
      %sub3A_761 = vector.broadcast %max3A_759 : vector<512x1xf32> to vector<512x512xf32>
      %sub3A_762 = arith.subf %dot_general3A_755, %sub3A_761 : vector<512x512xf32>
      %exp3A_763 = math.exp %sub3A_762 : vector<512x512xf32>
      %convert_element_type3A_764 = arith.truncf %exp3A_763 : vector<512x512xf32> to vector<512x512xbf16>
      %mul3A_765 = vector.broadcast %exp3A : vector<512x1xf32> to vector<512x65xf32>
      %mul3A_766 = arith.mulf %cond3A_469#0, %mul3A_765 : vector<512x65xf32>
      %slice3A_767 = vector.extract_strided_slice %convert_element_type3A_191 {offsets = [0, 0], sizes = [512, 65], strides = [1, 1]} : vector<2048x65xbf16> to vector<512x65xbf16>
      %dot_general3A_768 = arith.constant dense<0.000000e+00> : vector<512x65xf32>
      %dot_general3A_769 = tpu.matmul %convert_element_type3A_764, %slice3A_767, %dot_general3A_768 {dimension_numbers = #tpu.dot_dimension_numbers<[1], [0], [0], [1], [0, 0, 1, 1], [], []>, transpose_lhs_hint = false} : vector<512x512xbf16>, vector<512x65xbf16>, vector<512x65xf32> -> vector<512x65xf32>
      %add3A_770 = arith.addf %mul3A_766, %dot_general3A_769 : vector<512x65xf32>
      scf.yield %add3A_770, %max3A_759 : vector<512x65xf32>, vector<512x1xf32>
    } else {
      scf.yield %cond3A_469#0, %cond3A_469#1 : vector<512x65xf32>, vector<512x1xf32>
    }
    %gt3A_476 = arith.constant 512 : i32
    %gt3A_477 = arith.cmpi sgt, %get3A_121, %gt3A_476 : i32
    %convert_element_type3A_478 = arith.extui %gt3A_477 : i1 to i32
    %cond3A_479 = arith.constant 0 : i32
    %cond3A_480 = arith.cmpi ne, %convert_element_type3A_478, %cond3A_479 : i32
    %cond3A_481:2 = scf.if %cond3A_480 -> (vector<512x65xf32>, vector<512x1xf32>) {
      %slice3A_753 = vector.extract_strided_slice %convert_element_type3A_187 {offsets = [512, 0], sizes = [512, 65], strides = [1, 1]} : vector<2048x65xbf16> to vector<512x65xbf16>
      %dot_general3A_754 = arith.constant dense<0.000000e+00> : vector<512x512xf32>
      %dot_general3A_755 = tpu.matmul %convert_element_type3A_441, %slice3A_753, %dot_general3A_754 {dimension_numbers = #tpu.dot_dimension_numbers<[1], [1], [0], [0], [0, 0, 1, 0], [], []>, transpose_lhs_hint = false} : vector<512x65xbf16>, vector<512x65xbf16>, vector<512x512xf32> -> vector<512x512xf32>
      %reduce_max3A_756 = arith.constant dense<0xFF800000> : vector<512xf32>
      %reduce_max3A_757 = vector.multi_reduction <maximumf>, %dot_general3A_755, %reduce_max3A_756 [1] : vector<512x512xf32> to vector<512xf32>
      %broadcast_in_dim3A_758 = vector.shape_cast %reduce_max3A_757 : vector<512xf32> to vector<512x1xf32>
      %max3A_759 = arith.maximumf %cond3A_475#1, %broadcast_in_dim3A_758 : vector<512x1xf32>
      %sub3A_760 = arith.subf %cond3A_475#1, %max3A_759 : vector<512x1xf32>
      %exp3A = math.exp %sub3A_760 : vector<512x1xf32>
      %sub3A_761 = vector.broadcast %max3A_759 : vector<512x1xf32> to vector<512x512xf32>
      %sub3A_762 = arith.subf %dot_general3A_755, %sub3A_761 : vector<512x512xf32>
      %exp3A_763 = math.exp %sub3A_762 : vector<512x512xf32>
      %convert_element_type3A_764 = arith.truncf %exp3A_763 : vector<512x512xf32> to vector<512x512xbf16>
      %mul3A_765 = vector.broadcast %exp3A : vector<512x1xf32> to vector<512x65xf32>
      %mul3A_766 = arith.mulf %cond3A_475#0, %mul3A_765 : vector<512x65xf32>
      %slice3A_767 = vector.extract_strided_slice %convert_element_type3A_191 {offsets = [512, 0], sizes = [512, 65], strides = [1, 1]} : vector<2048x65xbf16> to vector<512x65xbf16>
      %dot_general3A_768 = arith.constant dense<0.000000e+00> : vector<512x65xf32>
      %dot_general3A_769 = tpu.matmul %convert_element_type3A_764, %slice3A_767, %dot_general3A_768 {dimension_numbers = #tpu.dot_dimension_numbers<[1], [0], [0], [1], [0, 0, 1, 1], [], []>, transpose_lhs_hint = false} : vector<512x512xbf16>, vector<512x65xbf16>, vector<512x65xf32> -> vector<512x65xf32>
      %add3A_770 = arith.addf %mul3A_766, %dot_general3A_769 : vector<512x65xf32>
      scf.yield %add3A_770, %max3A_759 : vector<512x65xf32>, vector<512x1xf32>
    } else {
      scf.yield %cond3A_475#0, %cond3A_475#1 : vector<512x65xf32>, vector<512x1xf32>
    }
    %gt3A_482 = arith.constant 1024 : i32
    %gt3A_483 = arith.cmpi sgt, %get3A_121, %gt3A_482 : i32
    %convert_element_type3A_484 = arith.extui %gt3A_483 : i1 to i32
    %cond3A_485 = arith.constant 0 : i32
    %cond3A_486 = arith.cmpi ne, %convert_element_type3A_484, %cond3A_485 : i32
    %cond3A_487:2 = scf.if %cond3A_486 -> (vector<512x65xf32>, vector<512x1xf32>) {
      %slice3A_753 = vector.extract_strided_slice %convert_element_type3A_187 {offsets = [1024, 0], sizes = [512, 65], strides = [1, 1]} : vector<2048x65xbf16> to vector<512x65xbf16>
      %dot_general3A_754 = arith.constant dense<0.000000e+00> : vector<512x512xf32>
      %dot_general3A_755 = tpu.matmul %convert_element_type3A_441, %slice3A_753, %dot_general3A_754 {dimension_numbers = #tpu.dot_dimension_numbers<[1], [1], [0], [0], [0, 0, 1, 0], [], []>, transpose_lhs_hint = false} : vector<512x65xbf16>, vector<512x65xbf16>, vector<512x512xf32> -> vector<512x512xf32>
      %reduce_max3A_756 = arith.constant dense<0xFF800000> : vector<512xf32>
      %reduce_max3A_757 = vector.multi_reduction <maximumf>, %dot_general3A_755, %reduce_max3A_756 [1] : vector<512x512xf32> to vector<512xf32>
      %broadcast_in_dim3A_758 = vector.shape_cast %reduce_max3A_757 : vector<512xf32> to vector<512x1xf32>
      %max3A_759 = arith.maximumf %cond3A_481#1, %broadcast_in_dim3A_758 : vector<512x1xf32>
      %sub3A_760 = arith.subf %cond3A_481#1, %max3A_759 : vector<512x1xf32>
      %exp3A = math.exp %sub3A_760 : vector<512x1xf32>
      %sub3A_761 = vector.broadcast %max3A_759 : vector<512x1xf32> to vector<512x512xf32>
      %sub3A_762 = arith.subf %dot_general3A_755, %sub3A_761 : vector<512x512xf32>
      %exp3A_763 = math.exp %sub3A_762 : vector<512x512xf32>
      %convert_element_type3A_764 = arith.truncf %exp3A_763 : vector<512x512xf32> to vector<512x512xbf16>
      %mul3A_765 = vector.broadcast %exp3A : vector<512x1xf32> to vector<512x65xf32>
      %mul3A_766 = arith.mulf %cond3A_481#0, %mul3A_765 : vector<512x65xf32>
      %slice3A_767 = vector.extract_strided_slice %convert_element_type3A_191 {offsets = [1024, 0], sizes = [512, 65], strides = [1, 1]} : vector<2048x65xbf16> to vector<512x65xbf16>
      %dot_general3A_768 = arith.constant dense<0.000000e+00> : vector<512x65xf32>
      %dot_general3A_769 = tpu.matmul %convert_element_type3A_764, %slice3A_767, %dot_general3A_768 {dimension_numbers = #tpu.dot_dimension_numbers<[1], [0], [0], [1], [0, 0, 1, 1], [], []>, transpose_lhs_hint = false} : vector<512x512xbf16>, vector<512x65xbf16>, vector<512x65xf32> -> vector<512x65xf32>
      %add3A_770 = arith.addf %mul3A_766, %dot_general3A_769 : vector<512x65xf32>
      scf.yield %add3A_770, %max3A_759 : vector<512x65xf32>, vector<512x1xf32>
    } else {
      scf.yield %cond3A_481#0, %cond3A_481#1 : vector<512x65xf32>, vector<512x1xf32>
    }
    %gt3A_488 = arith.constant 1536 : i32
    %gt3A_489 = arith.cmpi sgt, %get3A_121, %gt3A_488 : i32
    %convert_element_type3A_490 = arith.extui %gt3A_489 : i1 to i32
    %cond3A_491 = arith.constant 0 : i32
    %cond3A_492 = arith.cmpi ne, %convert_element_type3A_490, %cond3A_491 : i32
    %cond3A_493 = scf.if %cond3A_492 -> (vector<512x65xf32>) {
      %slice3A_753 = vector.extract_strided_slice %convert_element_type3A_187 {offsets = [1536, 0], sizes = [512, 65], strides = [1, 1]} : vector<2048x65xbf16> to vector<512x65xbf16>
      %dot_general3A_754 = arith.constant dense<0.000000e+00> : vector<512x512xf32>
      %dot_general3A_755 = tpu.matmul %convert_element_type3A_441, %slice3A_753, %dot_general3A_754 {dimension_numbers = #tpu.dot_dimension_numbers<[1], [1], [0], [0], [0, 0, 1, 0], [], []>, transpose_lhs_hint = false} : vector<512x65xbf16>, vector<512x65xbf16>, vector<512x512xf32> -> vector<512x512xf32>
      %reduce_max3A_756 = arith.constant dense<0xFF800000> : vector<512xf32>
      %reduce_max3A_757 = vector.multi_reduction <maximumf>, %dot_general3A_755, %reduce_max3A_756 [1] : vector<512x512xf32> to vector<512xf32>
      %broadcast_in_dim3A_758 = vector.shape_cast %reduce_max3A_757 : vector<512xf32> to vector<512x1xf32>
      %max3A_759 = arith.maximumf %cond3A_487#1, %broadcast_in_dim3A_758 : vector<512x1xf32>
      %sub3A_760 = arith.subf %cond3A_487#1, %max3A_759 : vector<512x1xf32>
      %exp3A = math.exp %sub3A_760 : vector<512x1xf32>
      %sub3A_761 = vector.broadcast %max3A_759 : vector<512x1xf32> to vector<512x512xf32>
      %sub3A_762 = arith.subf %dot_general3A_755, %sub3A_761 : vector<512x512xf32>
      %exp3A_763 = math.exp %sub3A_762 : vector<512x512xf32>
      %convert_element_type3A_764 = arith.truncf %exp3A_763 : vector<512x512xf32> to vector<512x512xbf16>
      %mul3A_765 = vector.broadcast %exp3A : vector<512x1xf32> to vector<512x65xf32>
      %mul3A_766 = arith.mulf %cond3A_487#0, %mul3A_765 : vector<512x65xf32>
      %slice3A_767 = vector.extract_strided_slice %convert_element_type3A_191 {offsets = [1536, 0], sizes = [512, 65], strides = [1, 1]} : vector<2048x65xbf16> to vector<512x65xbf16>
      %dot_general3A_768 = arith.constant dense<0.000000e+00> : vector<512x65xf32>
      %dot_general3A_769 = tpu.matmul %convert_element_type3A_764, %slice3A_767, %dot_general3A_768 {dimension_numbers = #tpu.dot_dimension_numbers<[1], [0], [0], [1], [0, 0, 1, 1], [], []>, transpose_lhs_hint = false} : vector<512x512xbf16>, vector<512x65xbf16>, vector<512x65xf32> -> vector<512x65xf32>
      %add3A_770 = arith.addf %mul3A_766, %dot_general3A_769 : vector<512x65xf32>
      scf.yield %add3A_770 : vector<512x65xf32>
    } else {
      scf.yield %cond3A_487#0 : vector<512x65xf32>
    }
    %slice3A_494 = vector.extract_strided_slice %cond3A_493 {offsets = [0, 0], sizes = [512, 64], strides = [1, 1]} : vector<512x65xf32> to vector<512x64xf32>
    %slice3A_495 = vector.extract_strided_slice %cond3A_493 {offsets = [0, 64], sizes = [512, 1], strides = [1, 1]} : vector<512x65xf32> to vector<512x1xf32>
    %div3A_496 = vector.broadcast %slice3A_495 : vector<512x1xf32> to vector<512x64xf32>
    %div3A_497 = arith.divf %slice3A_494, %div3A_496 : vector<512x64xf32>
    %tanh3A_498 = math.tanh %div3A_497 : vector<512x64xf32>
    %slice3A_499 = vector.extract_strided_slice %mul3A_113 {offsets = [512, 0], sizes = [512, 64], strides = [1, 1]} : vector<2048x64xf32> to vector<512x64xf32>
    %broadcast_in_dim3A_500 = arith.constant 1.000000e+00 : f32
    %broadcast_in_dim3A_501 = vector.broadcast %broadcast_in_dim3A_500 : f32 to vector<512x1xf32>
    %concatenate3A_502 = tpu.concatenate %slice3A_499, %broadcast_in_dim3A_501 in 1 : vector<512x64xf32>, vector<512x1xf32> -> vector<512x65xf32>
    %convert_element_type3A_503 = arith.truncf %concatenate3A_502 : vector<512x65xf32> to vector<512x65xbf16>
    %broadcast_in_dim3A_504 = arith.constant 0.000000e+00 : f32
    %broadcast_in_dim3A_505 = vector.broadcast %broadcast_in_dim3A_504 : f32 to vector<512x65xf32>
    %broadcast_in_dim3A_506 = arith.constant -1.000000e+30 : f32
    %broadcast_in_dim3A_507 = vector.broadcast %broadcast_in_dim3A_506 : f32 to vector<512x1xf32>
    %gt3A_508 = arith.constant 0 : i32
    %gt3A_509 = arith.cmpi sgt, %get3A_117, %gt3A_508 : i32
    %convert_element_type3A_510 = arith.extui %gt3A_509 : i1 to i32
    %cond3A_511 = arith.constant 0 : i32
    %cond3A_512 = arith.cmpi ne, %convert_element_type3A_510, %cond3A_511 : i32
    %cond3A_513:2 = scf.if %cond3A_512 -> (vector<512x65xf32>, vector<512x1xf32>) {
      %slice3A_753 = vector.extract_strided_slice %convert_element_type3A {offsets = [0, 0], sizes = [512, 65], strides = [1, 1]} : vector<2048x65xbf16> to vector<512x65xbf16>
      %dot_general3A_754 = arith.constant dense<0.000000e+00> : vector<512x512xf32>
      %dot_general3A_755 = tpu.matmul %convert_element_type3A_503, %slice3A_753, %dot_general3A_754 {dimension_numbers = #tpu.dot_dimension_numbers<[1], [1], [0], [0], [0, 0, 1, 0], [], []>, transpose_lhs_hint = false} : vector<512x65xbf16>, vector<512x65xbf16>, vector<512x512xf32> -> vector<512x512xf32>
      %reduce_max3A_756 = arith.constant dense<0xFF800000> : vector<512xf32>
      %reduce_max3A_757 = vector.multi_reduction <maximumf>, %dot_general3A_755, %reduce_max3A_756 [1] : vector<512x512xf32> to vector<512xf32>
      %broadcast_in_dim3A_758 = vector.shape_cast %reduce_max3A_757 : vector<512xf32> to vector<512x1xf32>
      %max3A_759 = arith.maximumf %broadcast_in_dim3A_507, %broadcast_in_dim3A_758 : vector<512x1xf32>
      %sub3A_760 = arith.subf %broadcast_in_dim3A_507, %max3A_759 : vector<512x1xf32>
      %exp3A = math.exp %sub3A_760 : vector<512x1xf32>
      %sub3A_761 = vector.broadcast %max3A_759 : vector<512x1xf32> to vector<512x512xf32>
      %sub3A_762 = arith.subf %dot_general3A_755, %sub3A_761 : vector<512x512xf32>
      %exp3A_763 = math.exp %sub3A_762 : vector<512x512xf32>
      %convert_element_type3A_764 = arith.truncf %exp3A_763 : vector<512x512xf32> to vector<512x512xbf16>
      %mul3A_765 = vector.broadcast %exp3A : vector<512x1xf32> to vector<512x65xf32>
      %mul3A_766 = arith.mulf %broadcast_in_dim3A_505, %mul3A_765 : vector<512x65xf32>
      %slice3A_767 = vector.extract_strided_slice %convert_element_type3A_189 {offsets = [0, 0], sizes = [512, 65], strides = [1, 1]} : vector<2048x65xbf16> to vector<512x65xbf16>
      %dot_general3A_768 = arith.constant dense<0.000000e+00> : vector<512x65xf32>
      %dot_general3A_769 = tpu.matmul %convert_element_type3A_764, %slice3A_767, %dot_general3A_768 {dimension_numbers = #tpu.dot_dimension_numbers<[1], [0], [0], [1], [0, 0, 1, 1], [], []>, transpose_lhs_hint = false} : vector<512x512xbf16>, vector<512x65xbf16>, vector<512x65xf32> -> vector<512x65xf32>
      %add3A_770 = arith.addf %mul3A_766, %dot_general3A_769 : vector<512x65xf32>
      scf.yield %add3A_770, %max3A_759 : vector<512x65xf32>, vector<512x1xf32>
    } else {
      scf.yield %broadcast_in_dim3A_505, %broadcast_in_dim3A_507 : vector<512x65xf32>, vector<512x1xf32>
    }
    %gt3A_514 = arith.constant 512 : i32
    %gt3A_515 = arith.cmpi sgt, %get3A_117, %gt3A_514 : i32
    %convert_element_type3A_516 = arith.extui %gt3A_515 : i1 to i32
    %cond3A_517 = arith.constant 0 : i32
    %cond3A_518 = arith.cmpi ne, %convert_element_type3A_516, %cond3A_517 : i32
    %cond3A_519:2 = scf.if %cond3A_518 -> (vector<512x65xf32>, vector<512x1xf32>) {
      %slice3A_753 = vector.extract_strided_slice %convert_element_type3A {offsets = [512, 0], sizes = [512, 65], strides = [1, 1]} : vector<2048x65xbf16> to vector<512x65xbf16>
      %dot_general3A_754 = arith.constant dense<0.000000e+00> : vector<512x512xf32>
      %dot_general3A_755 = tpu.matmul %convert_element_type3A_503, %slice3A_753, %dot_general3A_754 {dimension_numbers = #tpu.dot_dimension_numbers<[1], [1], [0], [0], [0, 0, 1, 0], [], []>, transpose_lhs_hint = false} : vector<512x65xbf16>, vector<512x65xbf16>, vector<512x512xf32> -> vector<512x512xf32>
      %reduce_max3A_756 = arith.constant dense<0xFF800000> : vector<512xf32>
      %reduce_max3A_757 = vector.multi_reduction <maximumf>, %dot_general3A_755, %reduce_max3A_756 [1] : vector<512x512xf32> to vector<512xf32>
      %broadcast_in_dim3A_758 = vector.shape_cast %reduce_max3A_757 : vector<512xf32> to vector<512x1xf32>
      %max3A_759 = arith.maximumf %cond3A_513#1, %broadcast_in_dim3A_758 : vector<512x1xf32>
      %sub3A_760 = arith.subf %cond3A_513#1, %max3A_759 : vector<512x1xf32>
      %exp3A = math.exp %sub3A_760 : vector<512x1xf32>
      %sub3A_761 = vector.broadcast %max3A_759 : vector<512x1xf32> to vector<512x512xf32>
      %sub3A_762 = arith.subf %dot_general3A_755, %sub3A_761 : vector<512x512xf32>
      %exp3A_763 = math.exp %sub3A_762 : vector<512x512xf32>
      %convert_element_type3A_764 = arith.truncf %exp3A_763 : vector<512x512xf32> to vector<512x512xbf16>
      %mul3A_765 = vector.broadcast %exp3A : vector<512x1xf32> to vector<512x65xf32>
      %mul3A_766 = arith.mulf %cond3A_513#0, %mul3A_765 : vector<512x65xf32>
      %slice3A_767 = vector.extract_strided_slice %convert_element_type3A_189 {offsets = [512, 0], sizes = [512, 65], strides = [1, 1]} : vector<2048x65xbf16> to vector<512x65xbf16>
      %dot_general3A_768 = arith.constant dense<0.000000e+00> : vector<512x65xf32>
      %dot_general3A_769 = tpu.matmul %convert_element_type3A_764, %slice3A_767, %dot_general3A_768 {dimension_numbers = #tpu.dot_dimension_numbers<[1], [0], [0], [1], [0, 0, 1, 1], [], []>, transpose_lhs_hint = false} : vector<512x512xbf16>, vector<512x65xbf16>, vector<512x65xf32> -> vector<512x65xf32>
      %add3A_770 = arith.addf %mul3A_766, %dot_general3A_769 : vector<512x65xf32>
      scf.yield %add3A_770, %max3A_759 : vector<512x65xf32>, vector<512x1xf32>
    } else {
      scf.yield %cond3A_513#0, %cond3A_513#1 : vector<512x65xf32>, vector<512x1xf32>
    }
    %gt3A_520 = arith.constant 1024 : i32
    %gt3A_521 = arith.cmpi sgt, %get3A_117, %gt3A_520 : i32
    %convert_element_type3A_522 = arith.extui %gt3A_521 : i1 to i32
    %cond3A_523 = arith.constant 0 : i32
    %cond3A_524 = arith.cmpi ne, %convert_element_type3A_522, %cond3A_523 : i32
    %cond3A_525:2 = scf.if %cond3A_524 -> (vector<512x65xf32>, vector<512x1xf32>) {
      %slice3A_753 = vector.extract_strided_slice %convert_element_type3A {offsets = [1024, 0], sizes = [512, 65], strides = [1, 1]} : vector<2048x65xbf16> to vector<512x65xbf16>
      %dot_general3A_754 = arith.constant dense<0.000000e+00> : vector<512x512xf32>
      %dot_general3A_755 = tpu.matmul %convert_element_type3A_503, %slice3A_753, %dot_general3A_754 {dimension_numbers = #tpu.dot_dimension_numbers<[1], [1], [0], [0], [0, 0, 1, 0], [], []>, transpose_lhs_hint = false} : vector<512x65xbf16>, vector<512x65xbf16>, vector<512x512xf32> -> vector<512x512xf32>
      %reduce_max3A_756 = arith.constant dense<0xFF800000> : vector<512xf32>
      %reduce_max3A_757 = vector.multi_reduction <maximumf>, %dot_general3A_755, %reduce_max3A_756 [1] : vector<512x512xf32> to vector<512xf32>
      %broadcast_in_dim3A_758 = vector.shape_cast %reduce_max3A_757 : vector<512xf32> to vector<512x1xf32>
      %max3A_759 = arith.maximumf %cond3A_519#1, %broadcast_in_dim3A_758 : vector<512x1xf32>
      %sub3A_760 = arith.subf %cond3A_519#1, %max3A_759 : vector<512x1xf32>
      %exp3A = math.exp %sub3A_760 : vector<512x1xf32>
      %sub3A_761 = vector.broadcast %max3A_759 : vector<512x1xf32> to vector<512x512xf32>
      %sub3A_762 = arith.subf %dot_general3A_755, %sub3A_761 : vector<512x512xf32>
      %exp3A_763 = math.exp %sub3A_762 : vector<512x512xf32>
      %convert_element_type3A_764 = arith.truncf %exp3A_763 : vector<512x512xf32> to vector<512x512xbf16>
      %mul3A_765 = vector.broadcast %exp3A : vector<512x1xf32> to vector<512x65xf32>
      %mul3A_766 = arith.mulf %cond3A_519#0, %mul3A_765 : vector<512x65xf32>
      %slice3A_767 = vector.extract_strided_slice %convert_element_type3A_189 {offsets = [1024, 0], sizes = [512, 65], strides = [1, 1]} : vector<2048x65xbf16> to vector<512x65xbf16>
      %dot_general3A_768 = arith.constant dense<0.000000e+00> : vector<512x65xf32>
      %dot_general3A_769 = tpu.matmul %convert_element_type3A_764, %slice3A_767, %dot_general3A_768 {dimension_numbers = #tpu.dot_dimension_numbers<[1], [0], [0], [1], [0, 0, 1, 1], [], []>, transpose_lhs_hint = false} : vector<512x512xbf16>, vector<512x65xbf16>, vector<512x65xf32> -> vector<512x65xf32>
      %add3A_770 = arith.addf %mul3A_766, %dot_general3A_769 : vector<512x65xf32>
      scf.yield %add3A_770, %max3A_759 : vector<512x65xf32>, vector<512x1xf32>
    } else {
      scf.yield %cond3A_519#0, %cond3A_519#1 : vector<512x65xf32>, vector<512x1xf32>
    }
    %gt3A_526 = arith.constant 1536 : i32
    %gt3A_527 = arith.cmpi sgt, %get3A_117, %gt3A_526 : i32
    %convert_element_type3A_528 = arith.extui %gt3A_527 : i1 to i32
    %cond3A_529 = arith.constant 0 : i32
    %cond3A_530 = arith.cmpi ne, %convert_element_type3A_528, %cond3A_529 : i32
    %cond3A_531:2 = scf.if %cond3A_530 -> (vector<512x65xf32>, vector<512x1xf32>) {
      %slice3A_753 = vector.extract_strided_slice %convert_element_type3A {offsets = [1536, 0], sizes = [512, 65], strides = [1, 1]} : vector<2048x65xbf16> to vector<512x65xbf16>
      %dot_general3A_754 = arith.constant dense<0.000000e+00> : vector<512x512xf32>
      %dot_general3A_755 = tpu.matmul %convert_element_type3A_503, %slice3A_753, %dot_general3A_754 {dimension_numbers = #tpu.dot_dimension_numbers<[1], [1], [0], [0], [0, 0, 1, 0], [], []>, transpose_lhs_hint = false} : vector<512x65xbf16>, vector<512x65xbf16>, vector<512x512xf32> -> vector<512x512xf32>
      %reduce_max3A_756 = arith.constant dense<0xFF800000> : vector<512xf32>
      %reduce_max3A_757 = vector.multi_reduction <maximumf>, %dot_general3A_755, %reduce_max3A_756 [1] : vector<512x512xf32> to vector<512xf32>
      %broadcast_in_dim3A_758 = vector.shape_cast %reduce_max3A_757 : vector<512xf32> to vector<512x1xf32>
      %max3A_759 = arith.maximumf %cond3A_525#1, %broadcast_in_dim3A_758 : vector<512x1xf32>
      %sub3A_760 = arith.subf %cond3A_525#1, %max3A_759 : vector<512x1xf32>
      %exp3A = math.exp %sub3A_760 : vector<512x1xf32>
      %sub3A_761 = vector.broadcast %max3A_759 : vector<512x1xf32> to vector<512x512xf32>
      %sub3A_762 = arith.subf %dot_general3A_755, %sub3A_761 : vector<512x512xf32>
      %exp3A_763 = math.exp %sub3A_762 : vector<512x512xf32>
      %convert_element_type3A_764 = arith.truncf %exp3A_763 : vector<512x512xf32> to vector<512x512xbf16>
      %mul3A_765 = vector.broadcast %exp3A : vector<512x1xf32> to vector<512x65xf32>
      %mul3A_766 = arith.mulf %cond3A_525#0, %mul3A_765 : vector<512x65xf32>
      %slice3A_767 = vector.extract_strided_slice %convert_element_type3A_189 {offsets = [1536, 0], sizes = [512, 65], strides = [1, 1]} : vector<2048x65xbf16> to vector<512x65xbf16>
      %dot_general3A_768 = arith.constant dense<0.000000e+00> : vector<512x65xf32>
      %dot_general3A_769 = tpu.matmul %convert_element_type3A_764, %slice3A_767, %dot_general3A_768 {dimension_numbers = #tpu.dot_dimension_numbers<[1], [0], [0], [1], [0, 0, 1, 1], [], []>, transpose_lhs_hint = false} : vector<512x512xbf16>, vector<512x65xbf16>, vector<512x65xf32> -> vector<512x65xf32>
      %add3A_770 = arith.addf %mul3A_766, %dot_general3A_769 : vector<512x65xf32>
      scf.yield %add3A_770, %max3A_759 : vector<512x65xf32>, vector<512x1xf32>
    } else {
      scf.yield %cond3A_525#0, %cond3A_525#1 : vector<512x65xf32>, vector<512x1xf32>
    }
    %gt3A_532 = arith.constant 0 : i32
    %gt3A_533 = arith.cmpi sgt, %get3A_121, %gt3A_532 : i32
    %convert_element_type3A_534 = arith.extui %gt3A_533 : i1 to i32
    %cond3A_535 = arith.constant 0 : i32
    %cond3A_536 = arith.cmpi ne, %convert_element_type3A_534, %cond3A_535 : i32
    %cond3A_537:2 = scf.if %cond3A_536 -> (vector<512x65xf32>, vector<512x1xf32>) {
      %slice3A_753 = vector.extract_strided_slice %convert_element_type3A_187 {offsets = [0, 0], sizes = [512, 65], strides = [1, 1]} : vector<2048x65xbf16> to vector<512x65xbf16>
      %dot_general3A_754 = arith.constant dense<0.000000e+00> : vector<512x512xf32>
      %dot_general3A_755 = tpu.matmul %convert_element_type3A_503, %slice3A_753, %dot_general3A_754 {dimension_numbers = #tpu.dot_dimension_numbers<[1], [1], [0], [0], [0, 0, 1, 0], [], []>, transpose_lhs_hint = false} : vector<512x65xbf16>, vector<512x65xbf16>, vector<512x512xf32> -> vector<512x512xf32>
      %reduce_max3A_756 = arith.constant dense<0xFF800000> : vector<512xf32>
      %reduce_max3A_757 = vector.multi_reduction <maximumf>, %dot_general3A_755, %reduce_max3A_756 [1] : vector<512x512xf32> to vector<512xf32>
      %broadcast_in_dim3A_758 = vector.shape_cast %reduce_max3A_757 : vector<512xf32> to vector<512x1xf32>
      %max3A_759 = arith.maximumf %cond3A_531#1, %broadcast_in_dim3A_758 : vector<512x1xf32>
      %sub3A_760 = arith.subf %cond3A_531#1, %max3A_759 : vector<512x1xf32>
      %exp3A = math.exp %sub3A_760 : vector<512x1xf32>
      %sub3A_761 = vector.broadcast %max3A_759 : vector<512x1xf32> to vector<512x512xf32>
      %sub3A_762 = arith.subf %dot_general3A_755, %sub3A_761 : vector<512x512xf32>
      %exp3A_763 = math.exp %sub3A_762 : vector<512x512xf32>
      %convert_element_type3A_764 = arith.truncf %exp3A_763 : vector<512x512xf32> to vector<512x512xbf16>
      %mul3A_765 = vector.broadcast %exp3A : vector<512x1xf32> to vector<512x65xf32>
      %mul3A_766 = arith.mulf %cond3A_531#0, %mul3A_765 : vector<512x65xf32>
      %slice3A_767 = vector.extract_strided_slice %convert_element_type3A_191 {offsets = [0, 0], sizes = [512, 65], strides = [1, 1]} : vector<2048x65xbf16> to vector<512x65xbf16>
      %dot_general3A_768 = arith.constant dense<0.000000e+00> : vector<512x65xf32>
      %dot_general3A_769 = tpu.matmul %convert_element_type3A_764, %slice3A_767, %dot_general3A_768 {dimension_numbers = #tpu.dot_dimension_numbers<[1], [0], [0], [1], [0, 0, 1, 1], [], []>, transpose_lhs_hint = false} : vector<512x512xbf16>, vector<512x65xbf16>, vector<512x65xf32> -> vector<512x65xf32>
      %add3A_770 = arith.addf %mul3A_766, %dot_general3A_769 : vector<512x65xf32>
      scf.yield %add3A_770, %max3A_759 : vector<512x65xf32>, vector<512x1xf32>
    } else {
      scf.yield %cond3A_531#0, %cond3A_531#1 : vector<512x65xf32>, vector<512x1xf32>
    }
    %gt3A_538 = arith.constant 512 : i32
    %gt3A_539 = arith.cmpi sgt, %get3A_121, %gt3A_538 : i32
    %convert_element_type3A_540 = arith.extui %gt3A_539 : i1 to i32
    %cond3A_541 = arith.constant 0 : i32
    %cond3A_542 = arith.cmpi ne, %convert_element_type3A_540, %cond3A_541 : i32
    %cond3A_543:2 = scf.if %cond3A_542 -> (vector<512x65xf32>, vector<512x1xf32>) {
      %slice3A_753 = vector.extract_strided_slice %convert_element_type3A_187 {offsets = [512, 0], sizes = [512, 65], strides = [1, 1]} : vector<2048x65xbf16> to vector<512x65xbf16>
      %dot_general3A_754 = arith.constant dense<0.000000e+00> : vector<512x512xf32>
      %dot_general3A_755 = tpu.matmul %convert_element_type3A_503, %slice3A_753, %dot_general3A_754 {dimension_numbers = #tpu.dot_dimension_numbers<[1], [1], [0], [0], [0, 0, 1, 0], [], []>, transpose_lhs_hint = false} : vector<512x65xbf16>, vector<512x65xbf16>, vector<512x512xf32> -> vector<512x512xf32>
      %reduce_max3A_756 = arith.constant dense<0xFF800000> : vector<512xf32>
      %reduce_max3A_757 = vector.multi_reduction <maximumf>, %dot_general3A_755, %reduce_max3A_756 [1] : vector<512x512xf32> to vector<512xf32>
      %broadcast_in_dim3A_758 = vector.shape_cast %reduce_max3A_757 : vector<512xf32> to vector<512x1xf32>
      %max3A_759 = arith.maximumf %cond3A_537#1, %broadcast_in_dim3A_758 : vector<512x1xf32>
      %sub3A_760 = arith.subf %cond3A_537#1, %max3A_759 : vector<512x1xf32>
      %exp3A = math.exp %sub3A_760 : vector<512x1xf32>
      %sub3A_761 = vector.broadcast %max3A_759 : vector<512x1xf32> to vector<512x512xf32>
      %sub3A_762 = arith.subf %dot_general3A_755, %sub3A_761 : vector<512x512xf32>
      %exp3A_763 = math.exp %sub3A_762 : vector<512x512xf32>
      %convert_element_type3A_764 = arith.truncf %exp3A_763 : vector<512x512xf32> to vector<512x512xbf16>
      %mul3A_765 = vector.broadcast %exp3A : vector<512x1xf32> to vector<512x65xf32>
      %mul3A_766 = arith.mulf %cond3A_537#0, %mul3A_765 : vector<512x65xf32>
      %slice3A_767 = vector.extract_strided_slice %convert_element_type3A_191 {offsets = [512, 0], sizes = [512, 65], strides = [1, 1]} : vector<2048x65xbf16> to vector<512x65xbf16>
      %dot_general3A_768 = arith.constant dense<0.000000e+00> : vector<512x65xf32>
      %dot_general3A_769 = tpu.matmul %convert_element_type3A_764, %slice3A_767, %dot_general3A_768 {dimension_numbers = #tpu.dot_dimension_numbers<[1], [0], [0], [1], [0, 0, 1, 1], [], []>, transpose_lhs_hint = false} : vector<512x512xbf16>, vector<512x65xbf16>, vector<512x65xf32> -> vector<512x65xf32>
      %add3A_770 = arith.addf %mul3A_766, %dot_general3A_769 : vector<512x65xf32>
      scf.yield %add3A_770, %max3A_759 : vector<512x65xf32>, vector<512x1xf32>
    } else {
      scf.yield %cond3A_537#0, %cond3A_537#1 : vector<512x65xf32>, vector<512x1xf32>
    }
    %gt3A_544 = arith.constant 1024 : i32
    %gt3A_545 = arith.cmpi sgt, %get3A_121, %gt3A_544 : i32
    %convert_element_type3A_546 = arith.extui %gt3A_545 : i1 to i32
    %cond3A_547 = arith.constant 0 : i32
    %cond3A_548 = arith.cmpi ne, %convert_element_type3A_546, %cond3A_547 : i32
    %cond3A_549:2 = scf.if %cond3A_548 -> (vector<512x65xf32>, vector<512x1xf32>) {
      %slice3A_753 = vector.extract_strided_slice %convert_element_type3A_187 {offsets = [1024, 0], sizes = [512, 65], strides = [1, 1]} : vector<2048x65xbf16> to vector<512x65xbf16>
      %dot_general3A_754 = arith.constant dense<0.000000e+00> : vector<512x512xf32>
      %dot_general3A_755 = tpu.matmul %convert_element_type3A_503, %slice3A_753, %dot_general3A_754 {dimension_numbers = #tpu.dot_dimension_numbers<[1], [1], [0], [0], [0, 0, 1, 0], [], []>, transpose_lhs_hint = false} : vector<512x65xbf16>, vector<512x65xbf16>, vector<512x512xf32> -> vector<512x512xf32>
      %reduce_max3A_756 = arith.constant dense<0xFF800000> : vector<512xf32>
      %reduce_max3A_757 = vector.multi_reduction <maximumf>, %dot_general3A_755, %reduce_max3A_756 [1] : vector<512x512xf32> to vector<512xf32>
      %broadcast_in_dim3A_758 = vector.shape_cast %reduce_max3A_757 : vector<512xf32> to vector<512x1xf32>
      %max3A_759 = arith.maximumf %cond3A_543#1, %broadcast_in_dim3A_758 : vector<512x1xf32>
      %sub3A_760 = arith.subf %cond3A_543#1, %max3A_759 : vector<512x1xf32>
      %exp3A = math.exp %sub3A_760 : vector<512x1xf32>
      %sub3A_761 = vector.broadcast %max3A_759 : vector<512x1xf32> to vector<512x512xf32>
      %sub3A_762 = arith.subf %dot_general3A_755, %sub3A_761 : vector<512x512xf32>
      %exp3A_763 = math.exp %sub3A_762 : vector<512x512xf32>
      %convert_element_type3A_764 = arith.truncf %exp3A_763 : vector<512x512xf32> to vector<512x512xbf16>
      %mul3A_765 = vector.broadcast %exp3A : vector<512x1xf32> to vector<512x65xf32>
      %mul3A_766 = arith.mulf %cond3A_543#0, %mul3A_765 : vector<512x65xf32>
      %slice3A_767 = vector.extract_strided_slice %convert_element_type3A_191 {offsets = [1024, 0], sizes = [512, 65], strides = [1, 1]} : vector<2048x65xbf16> to vector<512x65xbf16>
      %dot_general3A_768 = arith.constant dense<0.000000e+00> : vector<512x65xf32>
      %dot_general3A_769 = tpu.matmul %convert_element_type3A_764, %slice3A_767, %dot_general3A_768 {dimension_numbers = #tpu.dot_dimension_numbers<[1], [0], [0], [1], [0, 0, 1, 1], [], []>, transpose_lhs_hint = false} : vector<512x512xbf16>, vector<512x65xbf16>, vector<512x65xf32> -> vector<512x65xf32>
      %add3A_770 = arith.addf %mul3A_766, %dot_general3A_769 : vector<512x65xf32>
      scf.yield %add3A_770, %max3A_759 : vector<512x65xf32>, vector<512x1xf32>
    } else {
      scf.yield %cond3A_543#0, %cond3A_543#1 : vector<512x65xf32>, vector<512x1xf32>
    }
    %gt3A_550 = arith.constant 1536 : i32
    %gt3A_551 = arith.cmpi sgt, %get3A_121, %gt3A_550 : i32
    %convert_element_type3A_552 = arith.extui %gt3A_551 : i1 to i32
    %cond3A_553 = arith.constant 0 : i32
    %cond3A_554 = arith.cmpi ne, %convert_element_type3A_552, %cond3A_553 : i32
    %cond3A_555 = scf.if %cond3A_554 -> (vector<512x65xf32>) {
      %slice3A_753 = vector.extract_strided_slice %convert_element_type3A_187 {offsets = [1536, 0], sizes = [512, 65], strides = [1, 1]} : vector<2048x65xbf16> to vector<512x65xbf16>
      %dot_general3A_754 = arith.constant dense<0.000000e+00> : vector<512x512xf32>
      %dot_general3A_755 = tpu.matmul %convert_element_type3A_503, %slice3A_753, %dot_general3A_754 {dimension_numbers = #tpu.dot_dimension_numbers<[1], [1], [0], [0], [0, 0, 1, 0], [], []>, transpose_lhs_hint = false} : vector<512x65xbf16>, vector<512x65xbf16>, vector<512x512xf32> -> vector<512x512xf32>
      %reduce_max3A_756 = arith.constant dense<0xFF800000> : vector<512xf32>
      %reduce_max3A_757 = vector.multi_reduction <maximumf>, %dot_general3A_755, %reduce_max3A_756 [1] : vector<512x512xf32> to vector<512xf32>
      %broadcast_in_dim3A_758 = vector.shape_cast %reduce_max3A_757 : vector<512xf32> to vector<512x1xf32>
      %max3A_759 = arith.maximumf %cond3A_549#1, %broadcast_in_dim3A_758 : vector<512x1xf32>
      %sub3A_760 = arith.subf %cond3A_549#1, %max3A_759 : vector<512x1xf32>
      %exp3A = math.exp %sub3A_760 : vector<512x1xf32>
      %sub3A_761 = vector.broadcast %max3A_759 : vector<512x1xf32> to vector<512x512xf32>
      %sub3A_762 = arith.subf %dot_general3A_755, %sub3A_761 : vector<512x512xf32>
      %exp3A_763 = math.exp %sub3A_762 : vector<512x512xf32>
      %convert_element_type3A_764 = arith.truncf %exp3A_763 : vector<512x512xf32> to vector<512x512xbf16>
      %mul3A_765 = vector.broadcast %exp3A : vector<512x1xf32> to vector<512x65xf32>
      %mul3A_766 = arith.mulf %cond3A_549#0, %mul3A_765 : vector<512x65xf32>
      %slice3A_767 = vector.extract_strided_slice %convert_element_type3A_191 {offsets = [1536, 0], sizes = [512, 65], strides = [1, 1]} : vector<2048x65xbf16> to vector<512x65xbf16>
      %dot_general3A_768 = arith.constant dense<0.000000e+00> : vector<512x65xf32>
      %dot_general3A_769 = tpu.matmul %convert_element_type3A_764, %slice3A_767, %dot_general3A_768 {dimension_numbers = #tpu.dot_dimension_numbers<[1], [0], [0], [1], [0, 0, 1, 1], [], []>, transpose_lhs_hint = false} : vector<512x512xbf16>, vector<512x65xbf16>, vector<512x65xf32> -> vector<512x65xf32>
      %add3A_770 = arith.addf %mul3A_766, %dot_general3A_769 : vector<512x65xf32>
      scf.yield %add3A_770 : vector<512x65xf32>
    } else {
      scf.yield %cond3A_549#0 : vector<512x65xf32>
    }
    %slice3A_556 = vector.extract_strided_slice %cond3A_555 {offsets = [0, 0], sizes = [512, 64], strides = [1, 1]} : vector<512x65xf32> to vector<512x64xf32>
    %slice3A_557 = vector.extract_strided_slice %cond3A_555 {offsets = [0, 64], sizes = [512, 1], strides = [1, 1]} : vector<512x65xf32> to vector<512x1xf32>
    %div3A_558 = vector.broadcast %slice3A_557 : vector<512x1xf32> to vector<512x64xf32>
    %div3A_559 = arith.divf %slice3A_556, %div3A_558 : vector<512x64xf32>
    %tanh3A_560 = math.tanh %div3A_559 : vector<512x64xf32>
    %slice3A_561 = vector.extract_strided_slice %mul3A_113 {offsets = [1024, 0], sizes = [512, 64], strides = [1, 1]} : vector<2048x64xf32> to vector<512x64xf32>
    %broadcast_in_dim3A_562 = arith.constant 1.000000e+00 : f32
    %broadcast_in_dim3A_563 = vector.broadcast %broadcast_in_dim3A_562 : f32 to vector<512x1xf32>
    %concatenate3A_564 = tpu.concatenate %slice3A_561, %broadcast_in_dim3A_563 in 1 : vector<512x64xf32>, vector<512x1xf32> -> vector<512x65xf32>
    %convert_element_type3A_565 = arith.truncf %concatenate3A_564 : vector<512x65xf32> to vector<512x65xbf16>
    %broadcast_in_dim3A_566 = arith.constant 0.000000e+00 : f32
    %broadcast_in_dim3A_567 = vector.broadcast %broadcast_in_dim3A_566 : f32 to vector<512x65xf32>
    %broadcast_in_dim3A_568 = arith.constant -1.000000e+30 : f32
    %broadcast_in_dim3A_569 = vector.broadcast %broadcast_in_dim3A_568 : f32 to vector<512x1xf32>
    %gt3A_570 = arith.constant 0 : i32
    %gt3A_571 = arith.cmpi sgt, %get3A_117, %gt3A_570 : i32
    %convert_element_type3A_572 = arith.extui %gt3A_571 : i1 to i32
    %cond3A_573 = arith.constant 0 : i32
    %cond3A_574 = arith.cmpi ne, %convert_element_type3A_572, %cond3A_573 : i32
    %cond3A_575:2 = scf.if %cond3A_574 -> (vector<512x65xf32>, vector<512x1xf32>) {
      %slice3A_753 = vector.extract_strided_slice %convert_element_type3A {offsets = [0, 0], sizes = [512, 65], strides = [1, 1]} : vector<2048x65xbf16> to vector<512x65xbf16>
      %dot_general3A_754 = arith.constant dense<0.000000e+00> : vector<512x512xf32>
      %dot_general3A_755 = tpu.matmul %convert_element_type3A_565, %slice3A_753, %dot_general3A_754 {dimension_numbers = #tpu.dot_dimension_numbers<[1], [1], [0], [0], [0, 0, 1, 0], [], []>, transpose_lhs_hint = false} : vector<512x65xbf16>, vector<512x65xbf16>, vector<512x512xf32> -> vector<512x512xf32>
      %reduce_max3A_756 = arith.constant dense<0xFF800000> : vector<512xf32>
      %reduce_max3A_757 = vector.multi_reduction <maximumf>, %dot_general3A_755, %reduce_max3A_756 [1] : vector<512x512xf32> to vector<512xf32>
      %broadcast_in_dim3A_758 = vector.shape_cast %reduce_max3A_757 : vector<512xf32> to vector<512x1xf32>
      %max3A_759 = arith.maximumf %broadcast_in_dim3A_569, %broadcast_in_dim3A_758 : vector<512x1xf32>
      %sub3A_760 = arith.subf %broadcast_in_dim3A_569, %max3A_759 : vector<512x1xf32>
      %exp3A = math.exp %sub3A_760 : vector<512x1xf32>
      %sub3A_761 = vector.broadcast %max3A_759 : vector<512x1xf32> to vector<512x512xf32>
      %sub3A_762 = arith.subf %dot_general3A_755, %sub3A_761 : vector<512x512xf32>
      %exp3A_763 = math.exp %sub3A_762 : vector<512x512xf32>
      %convert_element_type3A_764 = arith.truncf %exp3A_763 : vector<512x512xf32> to vector<512x512xbf16>
      %mul3A_765 = vector.broadcast %exp3A : vector<512x1xf32> to vector<512x65xf32>
      %mul3A_766 = arith.mulf %broadcast_in_dim3A_567, %mul3A_765 : vector<512x65xf32>
      %slice3A_767 = vector.extract_strided_slice %convert_element_type3A_189 {offsets = [0, 0], sizes = [512, 65], strides = [1, 1]} : vector<2048x65xbf16> to vector<512x65xbf16>
      %dot_general3A_768 = arith.constant dense<0.000000e+00> : vector<512x65xf32>
      %dot_general3A_769 = tpu.matmul %convert_element_type3A_764, %slice3A_767, %dot_general3A_768 {dimension_numbers = #tpu.dot_dimension_numbers<[1], [0], [0], [1], [0, 0, 1, 1], [], []>, transpose_lhs_hint = false} : vector<512x512xbf16>, vector<512x65xbf16>, vector<512x65xf32> -> vector<512x65xf32>
      %add3A_770 = arith.addf %mul3A_766, %dot_general3A_769 : vector<512x65xf32>
      scf.yield %add3A_770, %max3A_759 : vector<512x65xf32>, vector<512x1xf32>
    } else {
      scf.yield %broadcast_in_dim3A_567, %broadcast_in_dim3A_569 : vector<512x65xf32>, vector<512x1xf32>
    }
    %gt3A_576 = arith.constant 512 : i32
    %gt3A_577 = arith.cmpi sgt, %get3A_117, %gt3A_576 : i32
    %convert_element_type3A_578 = arith.extui %gt3A_577 : i1 to i32
    %cond3A_579 = arith.constant 0 : i32
    %cond3A_580 = arith.cmpi ne, %convert_element_type3A_578, %cond3A_579 : i32
    %cond3A_581:2 = scf.if %cond3A_580 -> (vector<512x65xf32>, vector<512x1xf32>) {
      %slice3A_753 = vector.extract_strided_slice %convert_element_type3A {offsets = [512, 0], sizes = [512, 65], strides = [1, 1]} : vector<2048x65xbf16> to vector<512x65xbf16>
      %dot_general3A_754 = arith.constant dense<0.000000e+00> : vector<512x512xf32>
      %dot_general3A_755 = tpu.matmul %convert_element_type3A_565, %slice3A_753, %dot_general3A_754 {dimension_numbers = #tpu.dot_dimension_numbers<[1], [1], [0], [0], [0, 0, 1, 0], [], []>, transpose_lhs_hint = false} : vector<512x65xbf16>, vector<512x65xbf16>, vector<512x512xf32> -> vector<512x512xf32>
      %reduce_max3A_756 = arith.constant dense<0xFF800000> : vector<512xf32>
      %reduce_max3A_757 = vector.multi_reduction <maximumf>, %dot_general3A_755, %reduce_max3A_756 [1] : vector<512x512xf32> to vector<512xf32>
      %broadcast_in_dim3A_758 = vector.shape_cast %reduce_max3A_757 : vector<512xf32> to vector<512x1xf32>
      %max3A_759 = arith.maximumf %cond3A_575#1, %broadcast_in_dim3A_758 : vector<512x1xf32>
      %sub3A_760 = arith.subf %cond3A_575#1, %max3A_759 : vector<512x1xf32>
      %exp3A = math.exp %sub3A_760 : vector<512x1xf32>
      %sub3A_761 = vector.broadcast %max3A_759 : vector<512x1xf32> to vector<512x512xf32>
      %sub3A_762 = arith.subf %dot_general3A_755, %sub3A_761 : vector<512x512xf32>
      %exp3A_763 = math.exp %sub3A_762 : vector<512x512xf32>
      %convert_element_type3A_764 = arith.truncf %exp3A_763 : vector<512x512xf32> to vector<512x512xbf16>
      %mul3A_765 = vector.broadcast %exp3A : vector<512x1xf32> to vector<512x65xf32>
      %mul3A_766 = arith.mulf %cond3A_575#0, %mul3A_765 : vector<512x65xf32>
      %slice3A_767 = vector.extract_strided_slice %convert_element_type3A_189 {offsets = [512, 0], sizes = [512, 65], strides = [1, 1]} : vector<2048x65xbf16> to vector<512x65xbf16>
      %dot_general3A_768 = arith.constant dense<0.000000e+00> : vector<512x65xf32>
      %dot_general3A_769 = tpu.matmul %convert_element_type3A_764, %slice3A_767, %dot_general3A_768 {dimension_numbers = #tpu.dot_dimension_numbers<[1], [0], [0], [1], [0, 0, 1, 1], [], []>, transpose_lhs_hint = false} : vector<512x512xbf16>, vector<512x65xbf16>, vector<512x65xf32> -> vector<512x65xf32>
      %add3A_770 = arith.addf %mul3A_766, %dot_general3A_769 : vector<512x65xf32>
      scf.yield %add3A_770, %max3A_759 : vector<512x65xf32>, vector<512x1xf32>
    } else {
      scf.yield %cond3A_575#0, %cond3A_575#1 : vector<512x65xf32>, vector<512x1xf32>
    }
    %gt3A_582 = arith.constant 1024 : i32
    %gt3A_583 = arith.cmpi sgt, %get3A_117, %gt3A_582 : i32
    %convert_element_type3A_584 = arith.extui %gt3A_583 : i1 to i32
    %cond3A_585 = arith.constant 0 : i32
    %cond3A_586 = arith.cmpi ne, %convert_element_type3A_584, %cond3A_585 : i32
    %cond3A_587:2 = scf.if %cond3A_586 -> (vector<512x65xf32>, vector<512x1xf32>) {
      %slice3A_753 = vector.extract_strided_slice %convert_element_type3A {offsets = [1024, 0], sizes = [512, 65], strides = [1, 1]} : vector<2048x65xbf16> to vector<512x65xbf16>
      %dot_general3A_754 = arith.constant dense<0.000000e+00> : vector<512x512xf32>
      %dot_general3A_755 = tpu.matmul %convert_element_type3A_565, %slice3A_753, %dot_general3A_754 {dimension_numbers = #tpu.dot_dimension_numbers<[1], [1], [0], [0], [0, 0, 1, 0], [], []>, transpose_lhs_hint = false} : vector<512x65xbf16>, vector<512x65xbf16>, vector<512x512xf32> -> vector<512x512xf32>
      %reduce_max3A_756 = arith.constant dense<0xFF800000> : vector<512xf32>
      %reduce_max3A_757 = vector.multi_reduction <maximumf>, %dot_general3A_755, %reduce_max3A_756 [1] : vector<512x512xf32> to vector<512xf32>
      %broadcast_in_dim3A_758 = vector.shape_cast %reduce_max3A_757 : vector<512xf32> to vector<512x1xf32>
      %max3A_759 = arith.maximumf %cond3A_581#1, %broadcast_in_dim3A_758 : vector<512x1xf32>
      %sub3A_760 = arith.subf %cond3A_581#1, %max3A_759 : vector<512x1xf32>
      %exp3A = math.exp %sub3A_760 : vector<512x1xf32>
      %sub3A_761 = vector.broadcast %max3A_759 : vector<512x1xf32> to vector<512x512xf32>
      %sub3A_762 = arith.subf %dot_general3A_755, %sub3A_761 : vector<512x512xf32>
      %exp3A_763 = math.exp %sub3A_762 : vector<512x512xf32>
      %convert_element_type3A_764 = arith.truncf %exp3A_763 : vector<512x512xf32> to vector<512x512xbf16>
      %mul3A_765 = vector.broadcast %exp3A : vector<512x1xf32> to vector<512x65xf32>
      %mul3A_766 = arith.mulf %cond3A_581#0, %mul3A_765 : vector<512x65xf32>
      %slice3A_767 = vector.extract_strided_slice %convert_element_type3A_189 {offsets = [1024, 0], sizes = [512, 65], strides = [1, 1]} : vector<2048x65xbf16> to vector<512x65xbf16>
      %dot_general3A_768 = arith.constant dense<0.000000e+00> : vector<512x65xf32>
      %dot_general3A_769 = tpu.matmul %convert_element_type3A_764, %slice3A_767, %dot_general3A_768 {dimension_numbers = #tpu.dot_dimension_numbers<[1], [0], [0], [1], [0, 0, 1, 1], [], []>, transpose_lhs_hint = false} : vector<512x512xbf16>, vector<512x65xbf16>, vector<512x65xf32> -> vector<512x65xf32>
      %add3A_770 = arith.addf %mul3A_766, %dot_general3A_769 : vector<512x65xf32>
      scf.yield %add3A_770, %max3A_759 : vector<512x65xf32>, vector<512x1xf32>
    } else {
      scf.yield %cond3A_581#0, %cond3A_581#1 : vector<512x65xf32>, vector<512x1xf32>
    }
    %gt3A_588 = arith.constant 1536 : i32
    %gt3A_589 = arith.cmpi sgt, %get3A_117, %gt3A_588 : i32
    %convert_element_type3A_590 = arith.extui %gt3A_589 : i1 to i32
    %cond3A_591 = arith.constant 0 : i32
    %cond3A_592 = arith.cmpi ne, %convert_element_type3A_590, %cond3A_591 : i32
    %cond3A_593:2 = scf.if %cond3A_592 -> (vector<512x65xf32>, vector<512x1xf32>) {
      %slice3A_753 = vector.extract_strided_slice %convert_element_type3A {offsets = [1536, 0], sizes = [512, 65], strides = [1, 1]} : vector<2048x65xbf16> to vector<512x65xbf16>
      %dot_general3A_754 = arith.constant dense<0.000000e+00> : vector<512x512xf32>
      %dot_general3A_755 = tpu.matmul %convert_element_type3A_565, %slice3A_753, %dot_general3A_754 {dimension_numbers = #tpu.dot_dimension_numbers<[1], [1], [0], [0], [0, 0, 1, 0], [], []>, transpose_lhs_hint = false} : vector<512x65xbf16>, vector<512x65xbf16>, vector<512x512xf32> -> vector<512x512xf32>
      %reduce_max3A_756 = arith.constant dense<0xFF800000> : vector<512xf32>
      %reduce_max3A_757 = vector.multi_reduction <maximumf>, %dot_general3A_755, %reduce_max3A_756 [1] : vector<512x512xf32> to vector<512xf32>
      %broadcast_in_dim3A_758 = vector.shape_cast %reduce_max3A_757 : vector<512xf32> to vector<512x1xf32>
      %max3A_759 = arith.maximumf %cond3A_587#1, %broadcast_in_dim3A_758 : vector<512x1xf32>
      %sub3A_760 = arith.subf %cond3A_587#1, %max3A_759 : vector<512x1xf32>
      %exp3A = math.exp %sub3A_760 : vector<512x1xf32>
      %sub3A_761 = vector.broadcast %max3A_759 : vector<512x1xf32> to vector<512x512xf32>
      %sub3A_762 = arith.subf %dot_general3A_755, %sub3A_761 : vector<512x512xf32>
      %exp3A_763 = math.exp %sub3A_762 : vector<512x512xf32>
      %convert_element_type3A_764 = arith.truncf %exp3A_763 : vector<512x512xf32> to vector<512x512xbf16>
      %mul3A_765 = vector.broadcast %exp3A : vector<512x1xf32> to vector<512x65xf32>
      %mul3A_766 = arith.mulf %cond3A_587#0, %mul3A_765 : vector<512x65xf32>
      %slice3A_767 = vector.extract_strided_slice %convert_element_type3A_189 {offsets = [1536, 0], sizes = [512, 65], strides = [1, 1]} : vector<2048x65xbf16> to vector<512x65xbf16>
      %dot_general3A_768 = arith.constant dense<0.000000e+00> : vector<512x65xf32>
      %dot_general3A_769 = tpu.matmul %convert_element_type3A_764, %slice3A_767, %dot_general3A_768 {dimension_numbers = #tpu.dot_dimension_numbers<[1], [0], [0], [1], [0, 0, 1, 1], [], []>, transpose_lhs_hint = false} : vector<512x512xbf16>, vector<512x65xbf16>, vector<512x65xf32> -> vector<512x65xf32>
      %add3A_770 = arith.addf %mul3A_766, %dot_general3A_769 : vector<512x65xf32>
      scf.yield %add3A_770, %max3A_759 : vector<512x65xf32>, vector<512x1xf32>
    } else {
      scf.yield %cond3A_587#0, %cond3A_587#1 : vector<512x65xf32>, vector<512x1xf32>
    }
    %gt3A_594 = arith.constant 0 : i32
    %gt3A_595 = arith.cmpi sgt, %get3A_121, %gt3A_594 : i32
    %convert_element_type3A_596 = arith.extui %gt3A_595 : i1 to i32
    %cond3A_597 = arith.constant 0 : i32
    %cond3A_598 = arith.cmpi ne, %convert_element_type3A_596, %cond3A_597 : i32
    %cond3A_599:2 = scf.if %cond3A_598 -> (vector<512x65xf32>, vector<512x1xf32>) {
      %slice3A_753 = vector.extract_strided_slice %convert_element_type3A_187 {offsets = [0, 0], sizes = [512, 65], strides = [1, 1]} : vector<2048x65xbf16> to vector<512x65xbf16>
      %dot_general3A_754 = arith.constant dense<0.000000e+00> : vector<512x512xf32>
      %dot_general3A_755 = tpu.matmul %convert_element_type3A_565, %slice3A_753, %dot_general3A_754 {dimension_numbers = #tpu.dot_dimension_numbers<[1], [1], [0], [0], [0, 0, 1, 0], [], []>, transpose_lhs_hint = false} : vector<512x65xbf16>, vector<512x65xbf16>, vector<512x512xf32> -> vector<512x512xf32>
      %reduce_max3A_756 = arith.constant dense<0xFF800000> : vector<512xf32>
      %reduce_max3A_757 = vector.multi_reduction <maximumf>, %dot_general3A_755, %reduce_max3A_756 [1] : vector<512x512xf32> to vector<512xf32>
      %broadcast_in_dim3A_758 = vector.shape_cast %reduce_max3A_757 : vector<512xf32> to vector<512x1xf32>
      %max3A_759 = arith.maximumf %cond3A_593#1, %broadcast_in_dim3A_758 : vector<512x1xf32>
      %sub3A_760 = arith.subf %cond3A_593#1, %max3A_759 : vector<512x1xf32>
      %exp3A = math.exp %sub3A_760 : vector<512x1xf32>
      %sub3A_761 = vector.broadcast %max3A_759 : vector<512x1xf32> to vector<512x512xf32>
      %sub3A_762 = arith.subf %dot_general3A_755, %sub3A_761 : vector<512x512xf32>
      %exp3A_763 = math.exp %sub3A_762 : vector<512x512xf32>
      %convert_element_type3A_764 = arith.truncf %exp3A_763 : vector<512x512xf32> to vector<512x512xbf16>
      %mul3A_765 = vector.broadcast %exp3A : vector<512x1xf32> to vector<512x65xf32>
      %mul3A_766 = arith.mulf %cond3A_593#0, %mul3A_765 : vector<512x65xf32>
      %slice3A_767 = vector.extract_strided_slice %convert_element_type3A_191 {offsets = [0, 0], sizes = [512, 65], strides = [1, 1]} : vector<2048x65xbf16> to vector<512x65xbf16>
      %dot_general3A_768 = arith.constant dense<0.000000e+00> : vector<512x65xf32>
      %dot_general3A_769 = tpu.matmul %convert_element_type3A_764, %slice3A_767, %dot_general3A_768 {dimension_numbers = #tpu.dot_dimension_numbers<[1], [0], [0], [1], [0, 0, 1, 1], [], []>, transpose_lhs_hint = false} : vector<512x512xbf16>, vector<512x65xbf16>, vector<512x65xf32> -> vector<512x65xf32>
      %add3A_770 = arith.addf %mul3A_766, %dot_general3A_769 : vector<512x65xf32>
      scf.yield %add3A_770, %max3A_759 : vector<512x65xf32>, vector<512x1xf32>
    } else {
      scf.yield %cond3A_593#0, %cond3A_593#1 : vector<512x65xf32>, vector<512x1xf32>
    }
    %gt3A_600 = arith.constant 512 : i32
    %gt3A_601 = arith.cmpi sgt, %get3A_121, %gt3A_600 : i32
    %convert_element_type3A_602 = arith.extui %gt3A_601 : i1 to i32
    %cond3A_603 = arith.constant 0 : i32
    %cond3A_604 = arith.cmpi ne, %convert_element_type3A_602, %cond3A_603 : i32
    %cond3A_605:2 = scf.if %cond3A_604 -> (vector<512x65xf32>, vector<512x1xf32>) {
      %slice3A_753 = vector.extract_strided_slice %convert_element_type3A_187 {offsets = [512, 0], sizes = [512, 65], strides = [1, 1]} : vector<2048x65xbf16> to vector<512x65xbf16>
      %dot_general3A_754 = arith.constant dense<0.000000e+00> : vector<512x512xf32>
      %dot_general3A_755 = tpu.matmul %convert_element_type3A_565, %slice3A_753, %dot_general3A_754 {dimension_numbers = #tpu.dot_dimension_numbers<[1], [1], [0], [0], [0, 0, 1, 0], [], []>, transpose_lhs_hint = false} : vector<512x65xbf16>, vector<512x65xbf16>, vector<512x512xf32> -> vector<512x512xf32>
      %reduce_max3A_756 = arith.constant dense<0xFF800000> : vector<512xf32>
      %reduce_max3A_757 = vector.multi_reduction <maximumf>, %dot_general3A_755, %reduce_max3A_756 [1] : vector<512x512xf32> to vector<512xf32>
      %broadcast_in_dim3A_758 = vector.shape_cast %reduce_max3A_757 : vector<512xf32> to vector<512x1xf32>
      %max3A_759 = arith.maximumf %cond3A_599#1, %broadcast_in_dim3A_758 : vector<512x1xf32>
      %sub3A_760 = arith.subf %cond3A_599#1, %max3A_759 : vector<512x1xf32>
      %exp3A = math.exp %sub3A_760 : vector<512x1xf32>
      %sub3A_761 = vector.broadcast %max3A_759 : vector<512x1xf32> to vector<512x512xf32>
      %sub3A_762 = arith.subf %dot_general3A_755, %sub3A_761 : vector<512x512xf32>
      %exp3A_763 = math.exp %sub3A_762 : vector<512x512xf32>
      %convert_element_type3A_764 = arith.truncf %exp3A_763 : vector<512x512xf32> to vector<512x512xbf16>
      %mul3A_765 = vector.broadcast %exp3A : vector<512x1xf32> to vector<512x65xf32>
      %mul3A_766 = arith.mulf %cond3A_599#0, %mul3A_765 : vector<512x65xf32>
      %slice3A_767 = vector.extract_strided_slice %convert_element_type3A_191 {offsets = [512, 0], sizes = [512, 65], strides = [1, 1]} : vector<2048x65xbf16> to vector<512x65xbf16>
      %dot_general3A_768 = arith.constant dense<0.000000e+00> : vector<512x65xf32>
      %dot_general3A_769 = tpu.matmul %convert_element_type3A_764, %slice3A_767, %dot_general3A_768 {dimension_numbers = #tpu.dot_dimension_numbers<[1], [0], [0], [1], [0, 0, 1, 1], [], []>, transpose_lhs_hint = false} : vector<512x512xbf16>, vector<512x65xbf16>, vector<512x65xf32> -> vector<512x65xf32>
      %add3A_770 = arith.addf %mul3A_766, %dot_general3A_769 : vector<512x65xf32>
      scf.yield %add3A_770, %max3A_759 : vector<512x65xf32>, vector<512x1xf32>
    } else {
      scf.yield %cond3A_599#0, %cond3A_599#1 : vector<512x65xf32>, vector<512x1xf32>
    }
    %gt3A_606 = arith.constant 1024 : i32
    %gt3A_607 = arith.cmpi sgt, %get3A_121, %gt3A_606 : i32
    %convert_element_type3A_608 = arith.extui %gt3A_607 : i1 to i32
    %cond3A_609 = arith.constant 0 : i32
    %cond3A_610 = arith.cmpi ne, %convert_element_type3A_608, %cond3A_609 : i32
    %cond3A_611:2 = scf.if %cond3A_610 -> (vector<512x65xf32>, vector<512x1xf32>) {
      %slice3A_753 = vector.extract_strided_slice %convert_element_type3A_187 {offsets = [1024, 0], sizes = [512, 65], strides = [1, 1]} : vector<2048x65xbf16> to vector<512x65xbf16>
      %dot_general3A_754 = arith.constant dense<0.000000e+00> : vector<512x512xf32>
      %dot_general3A_755 = tpu.matmul %convert_element_type3A_565, %slice3A_753, %dot_general3A_754 {dimension_numbers = #tpu.dot_dimension_numbers<[1], [1], [0], [0], [0, 0, 1, 0], [], []>, transpose_lhs_hint = false} : vector<512x65xbf16>, vector<512x65xbf16>, vector<512x512xf32> -> vector<512x512xf32>
      %reduce_max3A_756 = arith.constant dense<0xFF800000> : vector<512xf32>
      %reduce_max3A_757 = vector.multi_reduction <maximumf>, %dot_general3A_755, %reduce_max3A_756 [1] : vector<512x512xf32> to vector<512xf32>
      %broadcast_in_dim3A_758 = vector.shape_cast %reduce_max3A_757 : vector<512xf32> to vector<512x1xf32>
      %max3A_759 = arith.maximumf %cond3A_605#1, %broadcast_in_dim3A_758 : vector<512x1xf32>
      %sub3A_760 = arith.subf %cond3A_605#1, %max3A_759 : vector<512x1xf32>
      %exp3A = math.exp %sub3A_760 : vector<512x1xf32>
      %sub3A_761 = vector.broadcast %max3A_759 : vector<512x1xf32> to vector<512x512xf32>
      %sub3A_762 = arith.subf %dot_general3A_755, %sub3A_761 : vector<512x512xf32>
      %exp3A_763 = math.exp %sub3A_762 : vector<512x512xf32>
      %convert_element_type3A_764 = arith.truncf %exp3A_763 : vector<512x512xf32> to vector<512x512xbf16>
      %mul3A_765 = vector.broadcast %exp3A : vector<512x1xf32> to vector<512x65xf32>
      %mul3A_766 = arith.mulf %cond3A_605#0, %mul3A_765 : vector<512x65xf32>
      %slice3A_767 = vector.extract_strided_slice %convert_element_type3A_191 {offsets = [1024, 0], sizes = [512, 65], strides = [1, 1]} : vector<2048x65xbf16> to vector<512x65xbf16>
      %dot_general3A_768 = arith.constant dense<0.000000e+00> : vector<512x65xf32>
      %dot_general3A_769 = tpu.matmul %convert_element_type3A_764, %slice3A_767, %dot_general3A_768 {dimension_numbers = #tpu.dot_dimension_numbers<[1], [0], [0], [1], [0, 0, 1, 1], [], []>, transpose_lhs_hint = false} : vector<512x512xbf16>, vector<512x65xbf16>, vector<512x65xf32> -> vector<512x65xf32>
      %add3A_770 = arith.addf %mul3A_766, %dot_general3A_769 : vector<512x65xf32>
      scf.yield %add3A_770, %max3A_759 : vector<512x65xf32>, vector<512x1xf32>
    } else {
      scf.yield %cond3A_605#0, %cond3A_605#1 : vector<512x65xf32>, vector<512x1xf32>
    }
    %gt3A_612 = arith.constant 1536 : i32
    %gt3A_613 = arith.cmpi sgt, %get3A_121, %gt3A_612 : i32
    %convert_element_type3A_614 = arith.extui %gt3A_613 : i1 to i32
    %cond3A_615 = arith.constant 0 : i32
    %cond3A_616 = arith.cmpi ne, %convert_element_type3A_614, %cond3A_615 : i32
    %cond3A_617 = scf.if %cond3A_616 -> (vector<512x65xf32>) {
      %slice3A_753 = vector.extract_strided_slice %convert_element_type3A_187 {offsets = [1536, 0], sizes = [512, 65], strides = [1, 1]} : vector<2048x65xbf16> to vector<512x65xbf16>
      %dot_general3A_754 = arith.constant dense<0.000000e+00> : vector<512x512xf32>
      %dot_general3A_755 = tpu.matmul %convert_element_type3A_565, %slice3A_753, %dot_general3A_754 {dimension_numbers = #tpu.dot_dimension_numbers<[1], [1], [0], [0], [0, 0, 1, 0], [], []>, transpose_lhs_hint = false} : vector<512x65xbf16>, vector<512x65xbf16>, vector<512x512xf32> -> vector<512x512xf32>
      %reduce_max3A_756 = arith.constant dense<0xFF800000> : vector<512xf32>
      %reduce_max3A_757 = vector.multi_reduction <maximumf>, %dot_general3A_755, %reduce_max3A_756 [1] : vector<512x512xf32> to vector<512xf32>
      %broadcast_in_dim3A_758 = vector.shape_cast %reduce_max3A_757 : vector<512xf32> to vector<512x1xf32>
      %max3A_759 = arith.maximumf %cond3A_611#1, %broadcast_in_dim3A_758 : vector<512x1xf32>
      %sub3A_760 = arith.subf %cond3A_611#1, %max3A_759 : vector<512x1xf32>
      %exp3A = math.exp %sub3A_760 : vector<512x1xf32>
      %sub3A_761 = vector.broadcast %max3A_759 : vector<512x1xf32> to vector<512x512xf32>
      %sub3A_762 = arith.subf %dot_general3A_755, %sub3A_761 : vector<512x512xf32>
      %exp3A_763 = math.exp %sub3A_762 : vector<512x512xf32>
      %convert_element_type3A_764 = arith.truncf %exp3A_763 : vector<512x512xf32> to vector<512x512xbf16>
      %mul3A_765 = vector.broadcast %exp3A : vector<512x1xf32> to vector<512x65xf32>
      %mul3A_766 = arith.mulf %cond3A_611#0, %mul3A_765 : vector<512x65xf32>
      %slice3A_767 = vector.extract_strided_slice %convert_element_type3A_191 {offsets = [1536, 0], sizes = [512, 65], strides = [1, 1]} : vector<2048x65xbf16> to vector<512x65xbf16>
      %dot_general3A_768 = arith.constant dense<0.000000e+00> : vector<512x65xf32>
      %dot_general3A_769 = tpu.matmul %convert_element_type3A_764, %slice3A_767, %dot_general3A_768 {dimension_numbers = #tpu.dot_dimension_numbers<[1], [0], [0], [1], [0, 0, 1, 1], [], []>, transpose_lhs_hint = false} : vector<512x512xbf16>, vector<512x65xbf16>, vector<512x65xf32> -> vector<512x65xf32>
      %add3A_770 = arith.addf %mul3A_766, %dot_general3A_769 : vector<512x65xf32>
      scf.yield %add3A_770 : vector<512x65xf32>
    } else {
      scf.yield %cond3A_611#0 : vector<512x65xf32>
    }
    %slice3A_618 = vector.extract_strided_slice %cond3A_617 {offsets = [0, 0], sizes = [512, 64], strides = [1, 1]} : vector<512x65xf32> to vector<512x64xf32>
    %slice3A_619 = vector.extract_strided_slice %cond3A_617 {offsets = [0, 64], sizes = [512, 1], strides = [1, 1]} : vector<512x65xf32> to vector<512x1xf32>
    %div3A_620 = vector.broadcast %slice3A_619 : vector<512x1xf32> to vector<512x64xf32>
    %div3A_621 = arith.divf %slice3A_618, %div3A_620 : vector<512x64xf32>
    %tanh3A_622 = math.tanh %div3A_621 : vector<512x64xf32>
    %slice3A_623 = vector.extract_strided_slice %mul3A_113 {offsets = [1536, 0], sizes = [512, 64], strides = [1, 1]} : vector<2048x64xf32> to vector<512x64xf32>
    %broadcast_in_dim3A_624 = arith.constant 1.000000e+00 : f32
    %broadcast_in_dim3A_625 = vector.broadcast %broadcast_in_dim3A_624 : f32 to vector<512x1xf32>
    %concatenate3A_626 = tpu.concatenate %slice3A_623, %broadcast_in_dim3A_625 in 1 : vector<512x64xf32>, vector<512x1xf32> -> vector<512x65xf32>
    %convert_element_type3A_627 = arith.truncf %concatenate3A_626 : vector<512x65xf32> to vector<512x65xbf16>
    %broadcast_in_dim3A_628 = arith.constant 0.000000e+00 : f32
    %broadcast_in_dim3A_629 = vector.broadcast %broadcast_in_dim3A_628 : f32 to vector<512x65xf32>
    %broadcast_in_dim3A_630 = arith.constant -1.000000e+30 : f32
    %broadcast_in_dim3A_631 = vector.broadcast %broadcast_in_dim3A_630 : f32 to vector<512x1xf32>
    %gt3A_632 = arith.constant 0 : i32
    %gt3A_633 = arith.cmpi sgt, %get3A_117, %gt3A_632 : i32
    %convert_element_type3A_634 = arith.extui %gt3A_633 : i1 to i32
    %cond3A_635 = arith.constant 0 : i32
    %cond3A_636 = arith.cmpi ne, %convert_element_type3A_634, %cond3A_635 : i32
    %cond3A_637:2 = scf.if %cond3A_636 -> (vector<512x65xf32>, vector<512x1xf32>) {
      %slice3A_753 = vector.extract_strided_slice %convert_element_type3A {offsets = [0, 0], sizes = [512, 65], strides = [1, 1]} : vector<2048x65xbf16> to vector<512x65xbf16>
      %dot_general3A_754 = arith.constant dense<0.000000e+00> : vector<512x512xf32>
      %dot_general3A_755 = tpu.matmul %convert_element_type3A_627, %slice3A_753, %dot_general3A_754 {dimension_numbers = #tpu.dot_dimension_numbers<[1], [1], [0], [0], [0, 0, 1, 0], [], []>, transpose_lhs_hint = false} : vector<512x65xbf16>, vector<512x65xbf16>, vector<512x512xf32> -> vector<512x512xf32>
      %reduce_max3A_756 = arith.constant dense<0xFF800000> : vector<512xf32>
      %reduce_max3A_757 = vector.multi_reduction <maximumf>, %dot_general3A_755, %reduce_max3A_756 [1] : vector<512x512xf32> to vector<512xf32>
      %broadcast_in_dim3A_758 = vector.shape_cast %reduce_max3A_757 : vector<512xf32> to vector<512x1xf32>
      %max3A_759 = arith.maximumf %broadcast_in_dim3A_631, %broadcast_in_dim3A_758 : vector<512x1xf32>
      %sub3A_760 = arith.subf %broadcast_in_dim3A_631, %max3A_759 : vector<512x1xf32>
      %exp3A = math.exp %sub3A_760 : vector<512x1xf32>
      %sub3A_761 = vector.broadcast %max3A_759 : vector<512x1xf32> to vector<512x512xf32>
      %sub3A_762 = arith.subf %dot_general3A_755, %sub3A_761 : vector<512x512xf32>
      %exp3A_763 = math.exp %sub3A_762 : vector<512x512xf32>
      %convert_element_type3A_764 = arith.truncf %exp3A_763 : vector<512x512xf32> to vector<512x512xbf16>
      %mul3A_765 = vector.broadcast %exp3A : vector<512x1xf32> to vector<512x65xf32>
      %mul3A_766 = arith.mulf %broadcast_in_dim3A_629, %mul3A_765 : vector<512x65xf32>
      %slice3A_767 = vector.extract_strided_slice %convert_element_type3A_189 {offsets = [0, 0], sizes = [512, 65], strides = [1, 1]} : vector<2048x65xbf16> to vector<512x65xbf16>
      %dot_general3A_768 = arith.constant dense<0.000000e+00> : vector<512x65xf32>
      %dot_general3A_769 = tpu.matmul %convert_element_type3A_764, %slice3A_767, %dot_general3A_768 {dimension_numbers = #tpu.dot_dimension_numbers<[1], [0], [0], [1], [0, 0, 1, 1], [], []>, transpose_lhs_hint = false} : vector<512x512xbf16>, vector<512x65xbf16>, vector<512x65xf32> -> vector<512x65xf32>
      %add3A_770 = arith.addf %mul3A_766, %dot_general3A_769 : vector<512x65xf32>
      scf.yield %add3A_770, %max3A_759 : vector<512x65xf32>, vector<512x1xf32>
    } else {
      scf.yield %broadcast_in_dim3A_629, %broadcast_in_dim3A_631 : vector<512x65xf32>, vector<512x1xf32>
    }
    %gt3A_638 = arith.constant 512 : i32
    %gt3A_639 = arith.cmpi sgt, %get3A_117, %gt3A_638 : i32
    %convert_element_type3A_640 = arith.extui %gt3A_639 : i1 to i32
    %cond3A_641 = arith.constant 0 : i32
    %cond3A_642 = arith.cmpi ne, %convert_element_type3A_640, %cond3A_641 : i32
    %cond3A_643:2 = scf.if %cond3A_642 -> (vector<512x65xf32>, vector<512x1xf32>) {
      %slice3A_753 = vector.extract_strided_slice %convert_element_type3A {offsets = [512, 0], sizes = [512, 65], strides = [1, 1]} : vector<2048x65xbf16> to vector<512x65xbf16>
      %dot_general3A_754 = arith.constant dense<0.000000e+00> : vector<512x512xf32>
      %dot_general3A_755 = tpu.matmul %convert_element_type3A_627, %slice3A_753, %dot_general3A_754 {dimension_numbers = #tpu.dot_dimension_numbers<[1], [1], [0], [0], [0, 0, 1, 0], [], []>, transpose_lhs_hint = false} : vector<512x65xbf16>, vector<512x65xbf16>, vector<512x512xf32> -> vector<512x512xf32>
      %reduce_max3A_756 = arith.constant dense<0xFF800000> : vector<512xf32>
      %reduce_max3A_757 = vector.multi_reduction <maximumf>, %dot_general3A_755, %reduce_max3A_756 [1] : vector<512x512xf32> to vector<512xf32>
      %broadcast_in_dim3A_758 = vector.shape_cast %reduce_max3A_757 : vector<512xf32> to vector<512x1xf32>
      %max3A_759 = arith.maximumf %cond3A_637#1, %broadcast_in_dim3A_758 : vector<512x1xf32>
      %sub3A_760 = arith.subf %cond3A_637#1, %max3A_759 : vector<512x1xf32>
      %exp3A = math.exp %sub3A_760 : vector<512x1xf32>
      %sub3A_761 = vector.broadcast %max3A_759 : vector<512x1xf32> to vector<512x512xf32>
      %sub3A_762 = arith.subf %dot_general3A_755, %sub3A_761 : vector<512x512xf32>
      %exp3A_763 = math.exp %sub3A_762 : vector<512x512xf32>
      %convert_element_type3A_764 = arith.truncf %exp3A_763 : vector<512x512xf32> to vector<512x512xbf16>
      %mul3A_765 = vector.broadcast %exp3A : vector<512x1xf32> to vector<512x65xf32>
      %mul3A_766 = arith.mulf %cond3A_637#0, %mul3A_765 : vector<512x65xf32>
      %slice3A_767 = vector.extract_strided_slice %convert_element_type3A_189 {offsets = [512, 0], sizes = [512, 65], strides = [1, 1]} : vector<2048x65xbf16> to vector<512x65xbf16>
      %dot_general3A_768 = arith.constant dense<0.000000e+00> : vector<512x65xf32>
      %dot_general3A_769 = tpu.matmul %convert_element_type3A_764, %slice3A_767, %dot_general3A_768 {dimension_numbers = #tpu.dot_dimension_numbers<[1], [0], [0], [1], [0, 0, 1, 1], [], []>, transpose_lhs_hint = false} : vector<512x512xbf16>, vector<512x65xbf16>, vector<512x65xf32> -> vector<512x65xf32>
      %add3A_770 = arith.addf %mul3A_766, %dot_general3A_769 : vector<512x65xf32>
      scf.yield %add3A_770, %max3A_759 : vector<512x65xf32>, vector<512x1xf32>
    } else {
      scf.yield %cond3A_637#0, %cond3A_637#1 : vector<512x65xf32>, vector<512x1xf32>
    }
    %gt3A_644 = arith.constant 1024 : i32
    %gt3A_645 = arith.cmpi sgt, %get3A_117, %gt3A_644 : i32
    %convert_element_type3A_646 = arith.extui %gt3A_645 : i1 to i32
    %cond3A_647 = arith.constant 0 : i32
    %cond3A_648 = arith.cmpi ne, %convert_element_type3A_646, %cond3A_647 : i32
    %cond3A_649:2 = scf.if %cond3A_648 -> (vector<512x65xf32>, vector<512x1xf32>) {
      %slice3A_753 = vector.extract_strided_slice %convert_element_type3A {offsets = [1024, 0], sizes = [512, 65], strides = [1, 1]} : vector<2048x65xbf16> to vector<512x65xbf16>
      %dot_general3A_754 = arith.constant dense<0.000000e+00> : vector<512x512xf32>
      %dot_general3A_755 = tpu.matmul %convert_element_type3A_627, %slice3A_753, %dot_general3A_754 {dimension_numbers = #tpu.dot_dimension_numbers<[1], [1], [0], [0], [0, 0, 1, 0], [], []>, transpose_lhs_hint = false} : vector<512x65xbf16>, vector<512x65xbf16>, vector<512x512xf32> -> vector<512x512xf32>
      %reduce_max3A_756 = arith.constant dense<0xFF800000> : vector<512xf32>
      %reduce_max3A_757 = vector.multi_reduction <maximumf>, %dot_general3A_755, %reduce_max3A_756 [1] : vector<512x512xf32> to vector<512xf32>
      %broadcast_in_dim3A_758 = vector.shape_cast %reduce_max3A_757 : vector<512xf32> to vector<512x1xf32>
      %max3A_759 = arith.maximumf %cond3A_643#1, %broadcast_in_dim3A_758 : vector<512x1xf32>
      %sub3A_760 = arith.subf %cond3A_643#1, %max3A_759 : vector<512x1xf32>
      %exp3A = math.exp %sub3A_760 : vector<512x1xf32>
      %sub3A_761 = vector.broadcast %max3A_759 : vector<512x1xf32> to vector<512x512xf32>
      %sub3A_762 = arith.subf %dot_general3A_755, %sub3A_761 : vector<512x512xf32>
      %exp3A_763 = math.exp %sub3A_762 : vector<512x512xf32>
      %convert_element_type3A_764 = arith.truncf %exp3A_763 : vector<512x512xf32> to vector<512x512xbf16>
      %mul3A_765 = vector.broadcast %exp3A : vector<512x1xf32> to vector<512x65xf32>
      %mul3A_766 = arith.mulf %cond3A_643#0, %mul3A_765 : vector<512x65xf32>
      %slice3A_767 = vector.extract_strided_slice %convert_element_type3A_189 {offsets = [1024, 0], sizes = [512, 65], strides = [1, 1]} : vector<2048x65xbf16> to vector<512x65xbf16>
      %dot_general3A_768 = arith.constant dense<0.000000e+00> : vector<512x65xf32>
      %dot_general3A_769 = tpu.matmul %convert_element_type3A_764, %slice3A_767, %dot_general3A_768 {dimension_numbers = #tpu.dot_dimension_numbers<[1], [0], [0], [1], [0, 0, 1, 1], [], []>, transpose_lhs_hint = false} : vector<512x512xbf16>, vector<512x65xbf16>, vector<512x65xf32> -> vector<512x65xf32>
      %add3A_770 = arith.addf %mul3A_766, %dot_general3A_769 : vector<512x65xf32>
      scf.yield %add3A_770, %max3A_759 : vector<512x65xf32>, vector<512x1xf32>
    } else {
      scf.yield %cond3A_643#0, %cond3A_643#1 : vector<512x65xf32>, vector<512x1xf32>
    }
    %gt3A_650 = arith.constant 1536 : i32
    %gt3A_651 = arith.cmpi sgt, %get3A_117, %gt3A_650 : i32
    %convert_element_type3A_652 = arith.extui %gt3A_651 : i1 to i32
    %cond3A_653 = arith.constant 0 : i32
    %cond3A_654 = arith.cmpi ne, %convert_element_type3A_652, %cond3A_653 : i32
    %cond3A_655:2 = scf.if %cond3A_654 -> (vector<512x65xf32>, vector<512x1xf32>) {
      %slice3A_753 = vector.extract_strided_slice %convert_element_type3A {offsets = [1536, 0], sizes = [512, 65], strides = [1, 1]} : vector<2048x65xbf16> to vector<512x65xbf16>
      %dot_general3A_754 = arith.constant dense<0.000000e+00> : vector<512x512xf32>
      %dot_general3A_755 = tpu.matmul %convert_element_type3A_627, %slice3A_753, %dot_general3A_754 {dimension_numbers = #tpu.dot_dimension_numbers<[1], [1], [0], [0], [0, 0, 1, 0], [], []>, transpose_lhs_hint = false} : vector<512x65xbf16>, vector<512x65xbf16>, vector<512x512xf32> -> vector<512x512xf32>
      %reduce_max3A_756 = arith.constant dense<0xFF800000> : vector<512xf32>
      %reduce_max3A_757 = vector.multi_reduction <maximumf>, %dot_general3A_755, %reduce_max3A_756 [1] : vector<512x512xf32> to vector<512xf32>
      %broadcast_in_dim3A_758 = vector.shape_cast %reduce_max3A_757 : vector<512xf32> to vector<512x1xf32>
      %max3A_759 = arith.maximumf %cond3A_649#1, %broadcast_in_dim3A_758 : vector<512x1xf32>
      %sub3A_760 = arith.subf %cond3A_649#1, %max3A_759 : vector<512x1xf32>
      %exp3A = math.exp %sub3A_760 : vector<512x1xf32>
      %sub3A_761 = vector.broadcast %max3A_759 : vector<512x1xf32> to vector<512x512xf32>
      %sub3A_762 = arith.subf %dot_general3A_755, %sub3A_761 : vector<512x512xf32>
      %exp3A_763 = math.exp %sub3A_762 : vector<512x512xf32>
      %convert_element_type3A_764 = arith.truncf %exp3A_763 : vector<512x512xf32> to vector<512x512xbf16>
      %mul3A_765 = vector.broadcast %exp3A : vector<512x1xf32> to vector<512x65xf32>
      %mul3A_766 = arith.mulf %cond3A_649#0, %mul3A_765 : vector<512x65xf32>
      %slice3A_767 = vector.extract_strided_slice %convert_element_type3A_189 {offsets = [1536, 0], sizes = [512, 65], strides = [1, 1]} : vector<2048x65xbf16> to vector<512x65xbf16>
      %dot_general3A_768 = arith.constant dense<0.000000e+00> : vector<512x65xf32>
      %dot_general3A_769 = tpu.matmul %convert_element_type3A_764, %slice3A_767, %dot_general3A_768 {dimension_numbers = #tpu.dot_dimension_numbers<[1], [0], [0], [1], [0, 0, 1, 1], [], []>, transpose_lhs_hint = false} : vector<512x512xbf16>, vector<512x65xbf16>, vector<512x65xf32> -> vector<512x65xf32>
      %add3A_770 = arith.addf %mul3A_766, %dot_general3A_769 : vector<512x65xf32>
      scf.yield %add3A_770, %max3A_759 : vector<512x65xf32>, vector<512x1xf32>
    } else {
      scf.yield %cond3A_649#0, %cond3A_649#1 : vector<512x65xf32>, vector<512x1xf32>
    }
    %gt3A_656 = arith.constant 0 : i32
    %gt3A_657 = arith.cmpi sgt, %get3A_121, %gt3A_656 : i32
    %convert_element_type3A_658 = arith.extui %gt3A_657 : i1 to i32
    %cond3A_659 = arith.constant 0 : i32
    %cond3A_660 = arith.cmpi ne, %convert_element_type3A_658, %cond3A_659 : i32
    %cond3A_661:2 = scf.if %cond3A_660 -> (vector<512x65xf32>, vector<512x1xf32>) {
      %slice3A_753 = vector.extract_strided_slice %convert_element_type3A_187 {offsets = [0, 0], sizes = [512, 65], strides = [1, 1]} : vector<2048x65xbf16> to vector<512x65xbf16>
      %dot_general3A_754 = arith.constant dense<0.000000e+00> : vector<512x512xf32>
      %dot_general3A_755 = tpu.matmul %convert_element_type3A_627, %slice3A_753, %dot_general3A_754 {dimension_numbers = #tpu.dot_dimension_numbers<[1], [1], [0], [0], [0, 0, 1, 0], [], []>, transpose_lhs_hint = false} : vector<512x65xbf16>, vector<512x65xbf16>, vector<512x512xf32> -> vector<512x512xf32>
      %reduce_max3A_756 = arith.constant dense<0xFF800000> : vector<512xf32>
      %reduce_max3A_757 = vector.multi_reduction <maximumf>, %dot_general3A_755, %reduce_max3A_756 [1] : vector<512x512xf32> to vector<512xf32>
      %broadcast_in_dim3A_758 = vector.shape_cast %reduce_max3A_757 : vector<512xf32> to vector<512x1xf32>
      %max3A_759 = arith.maximumf %cond3A_655#1, %broadcast_in_dim3A_758 : vector<512x1xf32>
      %sub3A_760 = arith.subf %cond3A_655#1, %max3A_759 : vector<512x1xf32>
      %exp3A = math.exp %sub3A_760 : vector<512x1xf32>
      %sub3A_761 = vector.broadcast %max3A_759 : vector<512x1xf32> to vector<512x512xf32>
      %sub3A_762 = arith.subf %dot_general3A_755, %sub3A_761 : vector<512x512xf32>
      %exp3A_763 = math.exp %sub3A_762 : vector<512x512xf32>
      %convert_element_type3A_764 = arith.truncf %exp3A_763 : vector<512x512xf32> to vector<512x512xbf16>
      %mul3A_765 = vector.broadcast %exp3A : vector<512x1xf32> to vector<512x65xf32>
      %mul3A_766 = arith.mulf %cond3A_655#0, %mul3A_765 : vector<512x65xf32>
      %slice3A_767 = vector.extract_strided_slice %convert_element_type3A_191 {offsets = [0, 0], sizes = [512, 65], strides = [1, 1]} : vector<2048x65xbf16> to vector<512x65xbf16>
      %dot_general3A_768 = arith.constant dense<0.000000e+00> : vector<512x65xf32>
      %dot_general3A_769 = tpu.matmul %convert_element_type3A_764, %slice3A_767, %dot_general3A_768 {dimension_numbers = #tpu.dot_dimension_numbers<[1], [0], [0], [1], [0, 0, 1, 1], [], []>, transpose_lhs_hint = false} : vector<512x512xbf16>, vector<512x65xbf16>, vector<512x65xf32> -> vector<512x65xf32>
      %add3A_770 = arith.addf %mul3A_766, %dot_general3A_769 : vector<512x65xf32>
      scf.yield %add3A_770, %max3A_759 : vector<512x65xf32>, vector<512x1xf32>
    } else {
      scf.yield %cond3A_655#0, %cond3A_655#1 : vector<512x65xf32>, vector<512x1xf32>
    }
    %gt3A_662 = arith.constant 512 : i32
    %gt3A_663 = arith.cmpi sgt, %get3A_121, %gt3A_662 : i32
    %convert_element_type3A_664 = arith.extui %gt3A_663 : i1 to i32
    %cond3A_665 = arith.constant 0 : i32
    %cond3A_666 = arith.cmpi ne, %convert_element_type3A_664, %cond3A_665 : i32
    %cond3A_667:2 = scf.if %cond3A_666 -> (vector<512x65xf32>, vector<512x1xf32>) {
      %slice3A_753 = vector.extract_strided_slice %convert_element_type3A_187 {offsets = [512, 0], sizes = [512, 65], strides = [1, 1]} : vector<2048x65xbf16> to vector<512x65xbf16>
      %dot_general3A_754 = arith.constant dense<0.000000e+00> : vector<512x512xf32>
      %dot_general3A_755 = tpu.matmul %convert_element_type3A_627, %slice3A_753, %dot_general3A_754 {dimension_numbers = #tpu.dot_dimension_numbers<[1], [1], [0], [0], [0, 0, 1, 0], [], []>, transpose_lhs_hint = false} : vector<512x65xbf16>, vector<512x65xbf16>, vector<512x512xf32> -> vector<512x512xf32>
      %reduce_max3A_756 = arith.constant dense<0xFF800000> : vector<512xf32>
      %reduce_max3A_757 = vector.multi_reduction <maximumf>, %dot_general3A_755, %reduce_max3A_756 [1] : vector<512x512xf32> to vector<512xf32>
      %broadcast_in_dim3A_758 = vector.shape_cast %reduce_max3A_757 : vector<512xf32> to vector<512x1xf32>
      %max3A_759 = arith.maximumf %cond3A_661#1, %broadcast_in_dim3A_758 : vector<512x1xf32>
      %sub3A_760 = arith.subf %cond3A_661#1, %max3A_759 : vector<512x1xf32>
      %exp3A = math.exp %sub3A_760 : vector<512x1xf32>
      %sub3A_761 = vector.broadcast %max3A_759 : vector<512x1xf32> to vector<512x512xf32>
      %sub3A_762 = arith.subf %dot_general3A_755, %sub3A_761 : vector<512x512xf32>
      %exp3A_763 = math.exp %sub3A_762 : vector<512x512xf32>
      %convert_element_type3A_764 = arith.truncf %exp3A_763 : vector<512x512xf32> to vector<512x512xbf16>
      %mul3A_765 = vector.broadcast %exp3A : vector<512x1xf32> to vector<512x65xf32>
      %mul3A_766 = arith.mulf %cond3A_661#0, %mul3A_765 : vector<512x65xf32>
      %slice3A_767 = vector.extract_strided_slice %convert_element_type3A_191 {offsets = [512, 0], sizes = [512, 65], strides = [1, 1]} : vector<2048x65xbf16> to vector<512x65xbf16>
      %dot_general3A_768 = arith.constant dense<0.000000e+00> : vector<512x65xf32>
      %dot_general3A_769 = tpu.matmul %convert_element_type3A_764, %slice3A_767, %dot_general3A_768 {dimension_numbers = #tpu.dot_dimension_numbers<[1], [0], [0], [1], [0, 0, 1, 1], [], []>, transpose_lhs_hint = false} : vector<512x512xbf16>, vector<512x65xbf16>, vector<512x65xf32> -> vector<512x65xf32>
      %add3A_770 = arith.addf %mul3A_766, %dot_general3A_769 : vector<512x65xf32>
      scf.yield %add3A_770, %max3A_759 : vector<512x65xf32>, vector<512x1xf32>
    } else {
      scf.yield %cond3A_661#0, %cond3A_661#1 : vector<512x65xf32>, vector<512x1xf32>
    }
    %gt3A_668 = arith.constant 1024 : i32
    %gt3A_669 = arith.cmpi sgt, %get3A_121, %gt3A_668 : i32
    %convert_element_type3A_670 = arith.extui %gt3A_669 : i1 to i32
    %cond3A_671 = arith.constant 0 : i32
    %cond3A_672 = arith.cmpi ne, %convert_element_type3A_670, %cond3A_671 : i32
    %cond3A_673:2 = scf.if %cond3A_672 -> (vector<512x65xf32>, vector<512x1xf32>) {
      %slice3A_753 = vector.extract_strided_slice %convert_element_type3A_187 {offsets = [1024, 0], sizes = [512, 65], strides = [1, 1]} : vector<2048x65xbf16> to vector<512x65xbf16>
      %dot_general3A_754 = arith.constant dense<0.000000e+00> : vector<512x512xf32>
      %dot_general3A_755 = tpu.matmul %convert_element_type3A_627, %slice3A_753, %dot_general3A_754 {dimension_numbers = #tpu.dot_dimension_numbers<[1], [1], [0], [0], [0, 0, 1, 0], [], []>, transpose_lhs_hint = false} : vector<512x65xbf16>, vector<512x65xbf16>, vector<512x512xf32> -> vector<512x512xf32>
      %reduce_max3A_756 = arith.constant dense<0xFF800000> : vector<512xf32>
      %reduce_max3A_757 = vector.multi_reduction <maximumf>, %dot_general3A_755, %reduce_max3A_756 [1] : vector<512x512xf32> to vector<512xf32>
      %broadcast_in_dim3A_758 = vector.shape_cast %reduce_max3A_757 : vector<512xf32> to vector<512x1xf32>
      %max3A_759 = arith.maximumf %cond3A_667#1, %broadcast_in_dim3A_758 : vector<512x1xf32>
      %sub3A_760 = arith.subf %cond3A_667#1, %max3A_759 : vector<512x1xf32>
      %exp3A = math.exp %sub3A_760 : vector<512x1xf32>
      %sub3A_761 = vector.broadcast %max3A_759 : vector<512x1xf32> to vector<512x512xf32>
      %sub3A_762 = arith.subf %dot_general3A_755, %sub3A_761 : vector<512x512xf32>
      %exp3A_763 = math.exp %sub3A_762 : vector<512x512xf32>
      %convert_element_type3A_764 = arith.truncf %exp3A_763 : vector<512x512xf32> to vector<512x512xbf16>
      %mul3A_765 = vector.broadcast %exp3A : vector<512x1xf32> to vector<512x65xf32>
      %mul3A_766 = arith.mulf %cond3A_667#0, %mul3A_765 : vector<512x65xf32>
      %slice3A_767 = vector.extract_strided_slice %convert_element_type3A_191 {offsets = [1024, 0], sizes = [512, 65], strides = [1, 1]} : vector<2048x65xbf16> to vector<512x65xbf16>
      %dot_general3A_768 = arith.constant dense<0.000000e+00> : vector<512x65xf32>
      %dot_general3A_769 = tpu.matmul %convert_element_type3A_764, %slice3A_767, %dot_general3A_768 {dimension_numbers = #tpu.dot_dimension_numbers<[1], [0], [0], [1], [0, 0, 1, 1], [], []>, transpose_lhs_hint = false} : vector<512x512xbf16>, vector<512x65xbf16>, vector<512x65xf32> -> vector<512x65xf32>
      %add3A_770 = arith.addf %mul3A_766, %dot_general3A_769 : vector<512x65xf32>
      scf.yield %add3A_770, %max3A_759 : vector<512x65xf32>, vector<512x1xf32>
    } else {
      scf.yield %cond3A_667#0, %cond3A_667#1 : vector<512x65xf32>, vector<512x1xf32>
    }
    %gt3A_674 = arith.constant 1536 : i32
    %gt3A_675 = arith.cmpi sgt, %get3A_121, %gt3A_674 : i32
    %convert_element_type3A_676 = arith.extui %gt3A_675 : i1 to i32
    %cond3A_677 = arith.constant 0 : i32
    %cond3A_678 = arith.cmpi ne, %convert_element_type3A_676, %cond3A_677 : i32
    %cond3A_679 = scf.if %cond3A_678 -> (vector<512x65xf32>) {
      %slice3A_753 = vector.extract_strided_slice %convert_element_type3A_187 {offsets = [1536, 0], sizes = [512, 65], strides = [1, 1]} : vector<2048x65xbf16> to vector<512x65xbf16>
      %dot_general3A_754 = arith.constant dense<0.000000e+00> : vector<512x512xf32>
      %dot_general3A_755 = tpu.matmul %convert_element_type3A_627, %slice3A_753, %dot_general3A_754 {dimension_numbers = #tpu.dot_dimension_numbers<[1], [1], [0], [0], [0, 0, 1, 0], [], []>, transpose_lhs_hint = false} : vector<512x65xbf16>, vector<512x65xbf16>, vector<512x512xf32> -> vector<512x512xf32>
      %reduce_max3A_756 = arith.constant dense<0xFF800000> : vector<512xf32>
      %reduce_max3A_757 = vector.multi_reduction <maximumf>, %dot_general3A_755, %reduce_max3A_756 [1] : vector<512x512xf32> to vector<512xf32>
      %broadcast_in_dim3A_758 = vector.shape_cast %reduce_max3A_757 : vector<512xf32> to vector<512x1xf32>
      %max3A_759 = arith.maximumf %cond3A_673#1, %broadcast_in_dim3A_758 : vector<512x1xf32>
      %sub3A_760 = arith.subf %cond3A_673#1, %max3A_759 : vector<512x1xf32>
      %exp3A = math.exp %sub3A_760 : vector<512x1xf32>
      %sub3A_761 = vector.broadcast %max3A_759 : vector<512x1xf32> to vector<512x512xf32>
      %sub3A_762 = arith.subf %dot_general3A_755, %sub3A_761 : vector<512x512xf32>
      %exp3A_763 = math.exp %sub3A_762 : vector<512x512xf32>
      %convert_element_type3A_764 = arith.truncf %exp3A_763 : vector<512x512xf32> to vector<512x512xbf16>
      %mul3A_765 = vector.broadcast %exp3A : vector<512x1xf32> to vector<512x65xf32>
      %mul3A_766 = arith.mulf %cond3A_673#0, %mul3A_765 : vector<512x65xf32>
      %slice3A_767 = vector.extract_strided_slice %convert_element_type3A_191 {offsets = [1536, 0], sizes = [512, 65], strides = [1, 1]} : vector<2048x65xbf16> to vector<512x65xbf16>
      %dot_general3A_768 = arith.constant dense<0.000000e+00> : vector<512x65xf32>
      %dot_general3A_769 = tpu.matmul %convert_element_type3A_764, %slice3A_767, %dot_general3A_768 {dimension_numbers = #tpu.dot_dimension_numbers<[1], [0], [0], [1], [0, 0, 1, 1], [], []>, transpose_lhs_hint = false} : vector<512x512xbf16>, vector<512x65xbf16>, vector<512x65xf32> -> vector<512x65xf32>
      %add3A_770 = arith.addf %mul3A_766, %dot_general3A_769 : vector<512x65xf32>
      scf.yield %add3A_770 : vector<512x65xf32>
    } else {
      scf.yield %cond3A_673#0 : vector<512x65xf32>
    }
    %slice3A_680 = vector.extract_strided_slice %cond3A_679 {offsets = [0, 0], sizes = [512, 64], strides = [1, 1]} : vector<512x65xf32> to vector<512x64xf32>
    %slice3A_681 = vector.extract_strided_slice %cond3A_679 {offsets = [0, 64], sizes = [512, 1], strides = [1, 1]} : vector<512x65xf32> to vector<512x1xf32>
    %div3A_682 = vector.broadcast %slice3A_681 : vector<512x1xf32> to vector<512x64xf32>
    %div3A_683 = arith.divf %slice3A_680, %div3A_682 : vector<512x64xf32>
    %tanh3A_684 = math.tanh %div3A_683 : vector<512x64xf32>
    %concatenate3A_685 = tpu.concatenate %tanh3A_498, %tanh3A_560, %tanh3A_622, %tanh3A_684 in 0 : vector<512x64xf32>, vector<512x64xf32>, vector<512x64xf32>, vector<512x64xf32> -> vector<2048x64xf32>
    %get3A_686 = arith.constant 0 : index
    %get3A_687 = arith.constant 0 : index
    %get3A_688 = vector.load %arg4[%get3A_686, %get3A_687] : memref<2048x3xf32, #tpu.memory_space<vmem>>, vector<2048x1xf32>
    %get3A_689 = arith.constant 0 : index
    %get3A_690 = arith.constant 1 : index
    %get3A_691 = vector.load %arg4[%get3A_689, %get3A_690] : memref<2048x3xf32, #tpu.memory_space<vmem>>, vector<2048x1xf32>
    %get3A_692 = arith.constant 0 : index
    %get3A_693 = arith.constant 2 : index
    %get3A_694 = vector.load %arg4[%get3A_692, %get3A_693] : memref<2048x3xf32, #tpu.memory_space<vmem>>, vector<2048x1xf32>
    %gt3A_695 = arith.constant 0.000000e+00 : f32
    %gt3A_696 = vector.broadcast %gt3A_695 : f32 to vector<2048x1xf32>
    %gt3A_697 = arith.cmpf ogt, %get3A_688, %gt3A_696 : vector<2048x1xf32>
    %jit3A_698 = arith.constant 0.000000e+00 : f32
    %broadcast_in_dim3A_699 = vector.shape_cast %gt3A_697 : vector<2048x1xi1> to vector<2048x1xi1>
    %broadcast_in_dim3A_700 = vector.broadcast %broadcast_in_dim3A_699 : vector<2048x1xi1> to vector<2048x64xi1>
    %broadcast_in_dim3A_701 = vector.broadcast %jit3A_698 : f32 to vector<2048x64xf32>
    %select_n3A_702 = arith.select %broadcast_in_dim3A_700, %add3A_81, %broadcast_in_dim3A_701 : vector<2048x64xi1>, vector<2048x64xf32>
    %gt3A_703 = arith.constant 0.000000e+00 : f32
    %gt3A_704 = vector.broadcast %gt3A_703 : f32 to vector<2048x1xf32>
    %gt3A_705 = arith.cmpf ogt, %get3A_691, %gt3A_704 : vector<2048x1xf32>
    %broadcast_in_dim3A_706 = vector.shape_cast %gt3A_705 : vector<2048x1xi1> to vector<2048x1xi1>
    %broadcast_in_dim3A_707 = vector.broadcast %broadcast_in_dim3A_706 : vector<2048x1xi1> to vector<2048x64xi1>
    %select_n3A_708 = arith.select %broadcast_in_dim3A_707, %concatenate3A_436, %select_n3A_702 : vector<2048x64xi1>, vector<2048x64xf32>
    %gt3A_709 = arith.constant 0.000000e+00 : f32
    %gt3A_710 = vector.broadcast %gt3A_709 : f32 to vector<2048x1xf32>
    %gt3A_711 = arith.cmpf ogt, %get3A_694, %gt3A_710 : vector<2048x1xf32>
    %broadcast_in_dim3A_712 = vector.shape_cast %gt3A_711 : vector<2048x1xi1> to vector<2048x1xi1>
    %broadcast_in_dim3A_713 = vector.broadcast %broadcast_in_dim3A_712 : vector<2048x1xi1> to vector<2048x64xi1>
    %select_n3A_714 = arith.select %broadcast_in_dim3A_713, %concatenate3A_685, %select_n3A_708 : vector<2048x64xi1>, vector<2048x64xf32>
    %swap3A = arith.constant 0 : index
    %swap3A_715 = arith.constant 0 : index
    %swap3A_716 = vector.load %arg30[%swap3A, %swap3A_715] : memref<2048x64xf32, #tpu.memory_space<vmem>>, vector<2048x64xf32>
    tpu.vector_store %arg30[%swap3A, %swap3A_715], %select_n3A_714 {strides = array<i32>} : memref<2048x64xf32, #tpu.memory_space<vmem>>, vector<2048x64xf32>,
    %gt3A_717 = arith.constant 0.000000e+00 : f32
    %gt3A_718 = vector.broadcast %gt3A_717 : f32 to vector<2048x1xf32>
    %gt3A_719 = arith.cmpf ogt, %get3A_688, %gt3A_718 : vector<2048x1xf32>
    %jit3A_720 = arith.constant -1.000000e+30 : f32
    %broadcast_in_dim3A_721 = vector.shape_cast %gt3A_719 : vector<2048x1xi1> to vector<2048x1xi1>
    %broadcast_in_dim3A_722 = vector.broadcast %broadcast_in_dim3A_721 : vector<2048x1xi1> to vector<2048x64xi1>
    %broadcast_in_dim3A_723 = vector.broadcast %jit3A_720 : f32 to vector<2048x64xf32>
    %select_n3A_724 = arith.select %broadcast_in_dim3A_722, %add3A_81, %broadcast_in_dim3A_723 : vector<2048x64xi1>, vector<2048x64xf32>
    %reduce_max3A = arith.constant dense<0xFF800000> : vector<64xf32>
    %reduce_max3A_725 = vector.multi_reduction <maximumf>, %select_n3A_724, %reduce_max3A [0] : vector<2048x64xf32> to vector<64xf32>
    %broadcast_in_dim3A_726 = vector.shape_cast %reduce_max3A_725 : vector<64xf32> to vector<1x64xf32>
    %gt3A_727 = arith.constant 0.000000e+00 : f32
    %gt3A_728 = vector.broadcast %gt3A_727 : f32 to vector<2048x1xf32>
    %gt3A_729 = arith.cmpf ogt, %get3A_691, %gt3A_728 : vector<2048x1xf32>
    %jit3A_730 = arith.constant -1.000000e+30 : f32
    %broadcast_in_dim3A_731 = vector.shape_cast %gt3A_729 : vector<2048x1xi1> to vector<2048x1xi1>
    %broadcast_in_dim3A_732 = vector.broadcast %broadcast_in_dim3A_731 : vector<2048x1xi1> to vector<2048x64xi1>
    %broadcast_in_dim3A_733 = vector.broadcast %jit3A_730 : f32 to vector<2048x64xf32>
    %select_n3A_734 = arith.select %broadcast_in_dim3A_732, %concatenate3A_436, %broadcast_in_dim3A_733 : vector<2048x64xi1>, vector<2048x64xf32>
    %reduce_max3A_735 = arith.constant dense<0xFF800000> : vector<64xf32>
    %reduce_max3A_736 = vector.multi_reduction <maximumf>, %select_n3A_734, %reduce_max3A_735 [0] : vector<2048x64xf32> to vector<64xf32>
    %broadcast_in_dim3A_737 = vector.shape_cast %reduce_max3A_736 : vector<64xf32> to vector<1x64xf32>
    %gt3A_738 = arith.constant 0.000000e+00 : f32
    %gt3A_739 = vector.broadcast %gt3A_738 : f32 to vector<2048x1xf32>
    %gt3A_740 = arith.cmpf ogt, %get3A_694, %gt3A_739 : vector<2048x1xf32>
    %jit3A_741 = arith.constant -1.000000e+30 : f32
    %broadcast_in_dim3A_742 = vector.shape_cast %gt3A_740 : vector<2048x1xi1> to vector<2048x1xi1>
    %broadcast_in_dim3A_743 = vector.broadcast %broadcast_in_dim3A_742 : vector<2048x1xi1> to vector<2048x64xi1>
    %broadcast_in_dim3A_744 = vector.broadcast %jit3A_741 : f32 to vector<2048x64xf32>
    %select_n3A_745 = arith.select %broadcast_in_dim3A_743, %concatenate3A_685, %broadcast_in_dim3A_744 : vector<2048x64xi1>, vector<2048x64xf32>
    %reduce_max3A_746 = arith.constant dense<0xFF800000> : vector<64xf32>
    %reduce_max3A_747 = vector.multi_reduction <maximumf>, %select_n3A_745, %reduce_max3A_746 [0] : vector<2048x64xf32> to vector<64xf32>
    %broadcast_in_dim3A_748 = vector.shape_cast %reduce_max3A_747 : vector<64xf32> to vector<1x64xf32>
    %max3A = arith.maximumf %broadcast_in_dim3A_737, %broadcast_in_dim3A_748 : vector<1x64xf32>
    %max3A_749 = arith.maximumf %broadcast_in_dim3A_726, %max3A : vector<1x64xf32>
    %swap3A_750 = arith.constant 0 : index
    %swap3A_751 = arith.constant 0 : index
    %swap3A_752 = vector.load %arg29[%swap3A_750, %swap3A_751] : memref<1x64xf32, #tpu.memory_space<vmem>>, vector<1x64xf32>
    tpu.vector_store %arg29[%swap3A_750, %swap3A_751], %max3A_749 {strides = array<i32>} : memref<1x64xf32, #tpu.memory_space<vmem>>, vector<1x64xf32>,
    return
  }
}

</mosaic_0001>

<sc_bundles>
// kernel: gather_offload_async_start.1
scs
__scs_entry_jumppad:
0x0: {  	(pc) =	sbr.rel $0x88, $3  }
0x1: {  	(tag) =	ssettag $0x0;
	lr =	simm.s32 $0x1  }
0x2: {  	[smem:$0x3F92] =	sst lr;
	_ =	strace $0xD0000000  }
0x3: {  	_ = 	snop  }
0x4: {  	_ = 	snop  }
0x5: {  	_ = 	snop  }
0x6: {  	_ = 	snop  }
0x7: {  	_ = 	snop  }
__scs_overlays_trampoline_lowered:
0x8: {  	[smem:$0x3FA1] =	sst s0  }
0x9: {  	[smem:$0x3FA2] =	sst s1  }
0xa: {  	[smem:$0x3FA3] =	sst s2  }
0xb: {  	[smem:$0x3FA4] =	sst s3  }
0xc: {  	[smem:$0x3FA5] =	sst s4  }
0xd: {  	[smem:$0x3FA6] =	sst s5  }
0xe: {  	[smem:$0x3FA7] =	sst s6  }
0xf: {  	[smem:$0x3FA8] =	sst s7  }
0x10: {  	[smem:$0x3FA9] =	sst s8  }
0x11: {  	[smem:$0x3FAA] =	sst s9;
	s0 =	simm.s32 @!p0 $0x0  }
0x12: {  	s1 =	sld [smem:$0x3F90];
	s0 =	simm.s32 @p0 $0x1  }
0x13: {  	[smem:$0x3FAB] =	sst s0;
	s0 =	simm.s32 @!p1 $0x0  }
0x14: {  	s2 =	sld [smem:$0x3F8F];
	s0 =	simm.s32 @p1 $0x1  }
0x15: {  	[smem:$0x3FAC] =	sst s0;
	s0 =	simm.s32 @!p2 $0x0  }
0x16: {  	s3 =	sld [smem:$0x3FDB];
	s0 =	simm.s32 @p2 $0x1  }
0x17: {  	s4 =	simm.s32 $0x1BF5;
	[smem:$0x3FAE] =	sst s0  }
0x18: {  	s0 =	sld [smem:$0x3F91];
	_ =	swait.ge [sflag:s4], $0x0  }
0x19: {  	s7 =	sld [smem:$0x3F92]  }
0x1a: {  	s8 =	sadd.s32 $0xFFFFE003, lr  }
0x1b: {  	s9 =	sadd.s32 $0xFFFFFEF7, lr;
	s5 =	simm.s32 $0xFFFFFFFF;
	p2 =	slt.u32 s8, $0xFFFFF086  }
0x1c: {  	p1 =	slt.u32 s9, $0xF7A;
	s5 =	simm.s32 @!p2 $0x0  }
0x1d: {  	s5 =	simm.s32 @p1 $0x1;
	p0 =	seq.s32 s7, s2  }
0x1e: {  	s7 =	smul.u32 @!p0 $0xF7A, s2;
	p2 =	seq.s32 @!p0 s5, $0x0  }
0x1f: {  	s9 =	smul.u32 $0xF7A, s1;
	s8 =	simm.s32 @!p0 $0x1BF5;
	p2 =	por !p2, p0  }
0x20: {  	[sflag:s8] =	ssyncset.s32 @!p0 $0xFFFFF086;
	s6 =	sadd.s32 @!p0 s3, s7;
	s7 =	simm.s32 @!p0 $0x108  }
0x21: {  	s3 =	sadd.s32 s3, s9;
	s6 =	sadd.s32 @!p0 $0x88, s6;
	s7 =	simm.s32 @p2 $0x1082  }
0x22: {  	[simem:s7], [sflag:s8] =	dma.local @!p0 [hbm:s6], $0xF7A  }
0x23: {  	s9 =	sor.u32 $0xD0000000, s2;
	s6 =	simm.s32 $0x108;
	_ =	swait.ge @!p0 [sflag:s8], $0x0  }
0x24: {  	s3 =	sadd.s32 $0x88, s3;
	s6 =	simm.s32 @!p1 $0x1082;
	[sflag:s4] =	ssyncset.s32 $0xFFFFF086  }
0x25: {  	[simem:s6], [sflag:s4] =	dma.local [hbm:s3], $0xF7A  }
0x26: {  	[smem:$0x3F92] =	sst s1;
	(tag) =	ssettag s2;
	_ =	strace s9  }
0x27: {  	s1 =	sld [smem:$0x3FA2]  }
0x28: {  	s2 =	sld [smem:$0x3FA3]  }
0x29: {  	s4 =	sld [smem:$0x3FA5]  }
0x2a: {  	p0 =	seq.s32 s5, $0x0;
	s5 =	sld [smem:$0x3FA6]  }
0x2b: {  	s6 =	sld [smem:$0x3FA7]  }
0x2c: {  	s7 =	sld [smem:$0x3FA8]  }
0x2d: {  	s3 =	simm.s32 $0x108;
	s8 =	sld [smem:$0x3FA9]  }
0x2e: {  	s3 =	simm.s32 @!p0 $0x1082;
	s9 =	sld [smem:$0x3FAA]  }
0x2f: {  	lr =	sadd.s32 s0, s3;
	s0 =	sld [smem:$0x3FA1]  }
0x30: {  	s3 =	sld [smem:$0x3FA4]  }
0x31: {  	[smem:$0x3FAD] =	sst s10  }
0x32: {  	s10 =	sld [smem:$0x3FAB];
	_ =	sdelay $0x3  }
0x33: {  	p0 =	seq.s32 s10, $0x1;
	s10 =	sld [smem:$0x3FAD];
	_ =	sdelay $0x3  }
0x34: {  	[smem:$0x3FAD] =	sst s10  }
0x35: {  	s10 =	sld [smem:$0x3FAC];
	_ =	sdelay $0x3  }
0x36: {  	p1 =	seq.s32 s10, $0x1;
	s10 =	sld [smem:$0x3FAD];
	_ =	sdelay $0x3  }
0x37: {  	[smem:$0x3FAD] =	sst s10  }
0x38: {  	s10 =	sld [smem:$0x3FAE]  }
0x39: {  	_ = 	snop;
	(pc) =	sbr.ind lr, $3  }
0x3a: {  	_ = 	snop  }
0x3b: {  	_ = 	snop  }
0x3c: {  	p2 =	seq.s32 s10, $0x1;
	s10 =	sld [smem:$0x3FAD]  }
0x3d: {  	_ =	shalt  }
0x3e: {  	_ =	shalt  }
0x3f: {  	_ =	shalt  }
0x40: {  	_ =	shalt  }
0x41: {  	_ =	shalt  }
0x42: {  	_ =	shalt  }
0x43: {  	_ =	shalt  }
0x44: {  	_ =	shalt  }
0x45: {  	_ =	shalt  }
0x46: {  	_ =	shalt  }
0x47: {  	_ =	shalt  }
0x48: {  	_ =	shalt  }
0x49: {  	_ =	shalt  }
0x4a: {  	_ =	shalt  }
0x4b: {  	_ =	shalt  }
0x4c: {  	_ =	shalt  }
0x4d: {  	_ =	shalt  }
0x4e: {  	_ =	shalt  }
0x4f: {  	_ =	shalt  }
0x50: {  	_ =	shalt  }
0x51: {  	_ =	shalt  }
0x52: {  	_ =	shalt  }
0x53: {  	_ =	shalt  }
0x54: {  	_ =	shalt  }
0x55: {  	_ =	shalt  }
0x56: {  	_ =	shalt  }
0x57: {  	_ =	shalt  }
0x58: {  	_ =	shalt  }
0x59: {  	_ =	shalt  }
0x5a: {  	_ =	shalt  }
0x5b: {  	_ =	shalt  }
0x5c: {  	_ =	shalt  }
0x5d: {  	_ =	shalt  }
0x5e: {  	_ =	shalt  }
0x5f: {  	_ =	shalt  }
0x60: {  	_ =	shalt  }
0x61: {  	_ =	shalt  }
0x62: {  	_ =	shalt  }
0x63: {  	_ =	shalt  }
0x64: {  	_ =	shalt  }
0x65: {  	_ =	shalt  }
0x66: {  	_ =	shalt  }
0x67: {  	_ =	shalt  }
0x68: {  	_ =	shalt  }
0x69: {  	_ =	shalt  }
0x6a: {  	_ =	shalt  }
0x6b: {  	_ =	shalt  }
0x6c: {  	_ =	shalt  }
0x6d: {  	_ =	shalt  }
0x6e: {  	_ =	shalt  }
0x6f: {  	_ =	shalt  }
0x70: {  	_ =	shalt  }
0x71: {  	_ =	shalt  }
0x72: {  	_ =	shalt  }
0x73: {  	_ =	shalt  }
0x74: {  	_ =	shalt  }
0x75: {  	_ =	shalt  }
0x76: {  	_ =	shalt  }
0x77: {  	_ =	shalt  }
0x78: {  	_ =	shalt  }
0x79: {  	_ =	shalt  }
0x7a: {  	_ =	shalt  }
0x7b: {  	_ =	shalt  }
0x7c: {  	_ =	shalt  }
0x7d: {  	_ =	shalt  }
0x7e: {  	_ =	shalt  }
0x7f: {  	_ =	shalt  }
0x80: {  	_ =	shalt  }
0x81: {  	_ =	shalt  }
0x82: {  	_ =	shalt  }
0x83: {  	_ =	shalt  }
0x84: {  	_ =	shalt  }
0x85: {  	_ =	shalt  }
0x86: {  	_ =	shalt  }
0x87: {  	_ =	shalt  }
.Lfunc_end0:
.L_simem_size_0:
called_computation.3_lowered:
.L_overlay_start_0:
0x88: {  	s2 =	sld [smem:$0x3FD9]  }
0x89: {  	s3 =	sld [smem:$0x3FFE];
	_ =	sdelay $0x1  }
0x8a: {  	s1 =	srdreg.scid  }
0x8b: {  	s0 =	sand.u32 $0x1, s1  }
0x8c: {  	s17 =	sshll.u32 s0, $0xA;
	s2 =	sadd.s32 s3, s2  }
0x8d: {  	s2 =	sadd.s32 s2, s17  }
0x8e: {  	[smem:$0x3FB9] =	sst s2  }
0x8f: {  	_ = 	snop  }
0x90: {  	s2 =	sld [smem:$0x3FC6];
	(tm) =	ssettm $0x1  }
0x91: {  	s18 =	sld [smem:$0x3FFB];
	_ =	sdelay $0x3  }
0x92: {  	_ =	strace s18  }
0x93: {  	s3 =	sld [smem:$0x3FFC];
	_ =	sdelay $0x3  }
0x94: {  	_ =	strace s3  }
0x95: {  	s3 =	sld [smem:$0x3FFD];
	_ =	sdelay $0x3  }
0x96: {  	_ =	strace s3  }
0x97: {  	_ =	strace $0x8FFFFFFF  }
0x98: {  	s19 =	sld [smem:$0x3FDB];
	_ =	sdelay $0x1  }
0x99: {  	s4 =	simm.s32 $_scs_section_size  }
0x9a: {  	s5 =	simm.s32 $_size__tile_overlayer_lowered;
	s6 =	simm.s32 $_tile_overlayer_lowered  }
0x9b: {  	s22 =	simm.s32 $0x1BFF;
	s21 =	sshll.u32 s6, $0x1;
	s3 =	sadd.s32 s4, s19  }
0x9c: {  	s7 =	simm.s32 $0x0;
	s20 =	sshll.u32 s5, $0x1;
	s5 =	sadd.s32 s21, s3  }
0x9d: {  	[timem:s7], [sflag:s22] =	dma.local [hbm:s5], s20  }
0x9e: {  	_ =	swait.ge [sflag:s22], s20  }
0x9f: {  	s4 =	ssub.s32 $0x0, s20;
	[sflag:s22] =	ssyncset.done $0x0  }
0xa0: {  	[sflag:s22] =	ssyncadd.s32 s4;
	_ =	sdelay $0x1  }
0xa1: {  	s23 =	simm.s32 $0x1B8B  }
0xa2: {  	_ =	swait.ge [sflag:s23], $0x1  }
0xa3: {  	[sflag:s23] =	ssyncset.done $0x0  }
0xa4: {  	s25 =	simm.s32 $0x1B8E;
	s24 =	sld [smem:$0x3FFE];
	[sflag:s23] =	ssyncadd.s32 $0xFFFFFFFF  }
0xa5: {  	s26 =	simm.s32 $execute0_lowered;
	[smem:$0x3FD2] =	sst s25  }
0xa6: {  	s5 =	sshll.u32 s26, $0x1;
	_ =	strace $0x8000004F;
	[dreg:$0x1] =	wrdreg $0xFFFFFFFF  }
0xa7: {  	s28 =	simm.s32 $_size_execute0_lowered;
	s3 =	sadd.s32 s3, s5;
	[dreg:$0x0] =	wrdreg $0x0  }
0xa8: {  	s5 =	sshll.u32 s28, $0x1;
	[dreg:$0x2] =	wrdreg s3  }
0xa9: {  	[dreg:$0x3] =	wrdreg s5  }
0xaa: {  	[dreg:$0x4] =	wrdreg $0xC0  }
0xab: {  	_ =	task [dreg:s7], $0x5FFFF  }
0xac: {  	[dreg:$0x1] =	wrdreg $0xFFFFFFFF  }
0xad: {  	[dreg:$0x0] =	wrdreg $0x60  }
0xae: {  	[dreg:$0x2] =	wrdreg s2  }
0xaf: {  	[dreg:$0x3] =	wrdreg s24  }
0xb0: {  	[dreg:$0x4] =	wrdreg $0xA  }
0xb1: {  	_ =	task.clear_ibuf [dreg:s7], $0x5FFFF;
	_ =	strace $0x9000004F  }
0xb2: {  	s29 =	simm.s32 $0xA;
	_ =	strace $0x80000051  }
0xb3: {  	_ =	swait.ge [sflag:s29], $0x1  }
0xb4: {  	[sflag:s29] =	ssyncadd.s32 $0xFFFFFFFF  }
0xb5: {  	_ =	strace $0x90000051  }
0xb6: {  	_ =	sfence  }
0xb7: {  	s30 =	sld [smem:$0x0];
	_ =	sdelay $0x2  }
0xb8: {  	s31 =	sshll.u32 s1, $0xD;
	s1 =	sshrl.u32 s1, $0x2  }
0xb9: {  	s3 =	sand.u32 $0x4000, s31;
	s1 =	sadd.s32 s1, s30  }
0xba: {  	s0 =	sor.u32 s3, s0;
	s1 =	sshll.u32 s1, $0x11  }
0xbb: {  	s0 =	sor.u32 s1, s0  }
0xbc: {  	s0 =	sadd.s32 $0x8F2B, s0  }
0xbd: {  	[sflag:s0] =	ssyncadd.remote.s32 $0x1  }
0xbe: {  	_ =	sfence.sel $0xFFFF  }
0xbf: {  	[dreg:$0x0] =	wrdreg $0xFFFFFFFF;
	(pc) =	sbr.abs _section_cstart, $3  }
0xc0: {  	[dreg:$0x1] =	wrdreg $0xFFFFFFFF  }
0xc1: {  	_ =	task.clear_ibuf [dreg:s7], $0x2FFFF;
	_ =	strace $0x9FFFFFFF  }
0xc2: {  	(tm) =	ssettm $0x7FFFFFFF  }
0xc3: {  	_ =	shalt  }
tec
execute0_lowered:
.L_overlay_start_1:
0x0: {  	(tag) =	ssettag $0x1  }
0x1: {  	s2 =	rddreg [dreg:$0x0]  }
0x2: {  	s7 =	rddreg [dreg:$0x1]  }
0x3: {  	s0 =	rddreg [dreg:$0x2]  }
0x4: {  	s1 =	srdreg.scid;
	_ =	strace $0x80000050;
	s4 =	simm.s32 $0x1  }
0x5: {  	s9 =	simm.s32 $0x3;
	s12 =	simm.s32 $0x0;
	s5 =	sshll.u32 s1, $0x4  }
.Ltmp0:
0x6: {  	s1 =	stileid.u32;
	s5 =	sand.u32 $0x10, s5;
	(pc) =	sbr.rel .LBB2_1-.Ltmp0, $4  }
0x7: {  	s10 =	simm.s32 $0x0;
	s3 =	sadd.s32 $0x400, s7;
	s6 =	sor.u32 s1, s5  }
0x8: {  	[sflag:s4] =	ssyncpa.u1 $0x0;
	s5 =	simm.s32 $0x2;
	s6 =	sshll.u32 s6, $0x6  }
0x9: {  	s7 =	sadd.s32 $0x13600, s7;
	[sflag:s5] =	ssyncpa.u1 $0x0;
	s8 =	sadd.s32 $0x40, s6  }
0xa: {  	vm0 =	vmmov $0xff;
	vm1 =	vcmask $0x3F20;
	[sflag:s9] =	ssyncpa.u1 $0x0;
	s9 =	simm.s32 $0x40;
	s11 =	smov.u32 s6  }
.LBB2_9:
0xb: {  	p0 =	seq.s32 s10, $0x2  }
.Ltmp1:
0xc: {  	_ = 	snop;
	(pc) =	sbr.rel @p0 .LBB2_11-.Ltmp1, $1  }
0xd: {  	_ =	sdelay $0x3  }
.LBB2_10:
0xe: {  	s12 =	sadd.s32 $0x40, s11  }
0xf: {  	s13 =	smov.u32 s6;
	p0 =	slt.s32 s12, s8  }
0x10: {  	s13 =	smov.u32 @p0 s12  }
0x11: {  	s10 =	sadd.s32 $0x1, s10;
	s12 =	smov.u32 s11;
	s11 =	smov.u32 s13  }
.LBB2_1:
0x12: {  	p0 =	sne.s32 s10, $0x0  }
.Ltmp2:
0x13: {  	_ = 	snop;
	(pc) =	sbr.rel @!p0 .LBB2_2-.Ltmp2, $1  }
0x14: {  	_ =	sdelay $0x3  }
0x15: {  	s13 =	sand.u32 $0x1, s10  }
0x16: {  	p0 =	seq.s32 s13, $0x0  }
.Ltmp3:
0x17: {  	_ = 	snop;
	(pc) =	sbr.rel @p0 .LBB2_9-.Ltmp3, $1  }
0x18: {  	_ =	sdelay $0x3  }
0x19: {  	_ =	swait.ge [sflag:s5], $0x40  }
0x1a: {  	[sflag:s5] =	ssyncset.done $0x0  }
0x1b: {  	s13 =	simm.s32 $0x0;
	[sflag:s5] =	ssyncadd.s32 $0xFFFFFFC0  }
0x1c: {  	v0 =	vld.msk [tilespmem:s13+$0x40 ss:$0x1], $0xffff;
	_ =	sdelay $0x4  }
0x1d: {  	vm2 =	vgt.s32 v0, $0x0  }
0x1e: {  	v0 =	vnsel vm2, $0x0, v0  }
0x1f: {  	v0 =	vmin.u32 v0, $0x7FF  }
0x20: {  	v0 =	vshll.u32 v0, $0x4;
	_ =	sdelay $0x3  }
0x21: {  	s13 =	simm.s32 $0x2080  }
0x22: {  	[tilespmem:s13], [sflag:$0x1] =	stream.indirect_vreg.gather [hbm:s2], $0x80, v0, vm0, $0x38;
	[tilespmem:$0x4080] =	vst v63  }
0x23: {  	s14 =	simm.s32 $0x2480;
	s31 =	simm.s32 $0x10  }
0x24: {  	[tilespmem:s14], [sflag:$0x1] =	stream.indirect_vreg.gather [hbm:s2], $0x80, v0, vm1, $0x38;
	[tilespmem:$0x4080] =	vst v63  }
0x25: {  	s14 =	simm.s32 $0x80;
	v0 =	vld.msk [tilespmem:s31+$0x40 ss:$0x1], $0xffff  }
.LBB2_5:
0x26: {  	p0 =	sne.s32 s14, $0xC0;
	_ =	sdelay $0x4  }
0x27: {  	vm2 =	vgt.s32 v0, $0x0  }
0x28: {  	v0 =	vnsel vm2, $0x0, v0  }
0x29: {  	v0 =	vmin.u32 v0, $0x7FF  }
0x2a: {  	v0 =	vshll.u32 v0, $0x4;
	_ =	sdelay $0x3  }
.Ltmp4:
0x2b: {  	s13 =	sadd.s32 $0x800, s13;
	(pc) =	sbr.rel @p0 .LBB2_5-.Ltmp4, $4  }
0x2c: {  	[tilespmem:s13], [sflag:$0x1] =	stream.indirect_vreg.gather [hbm:s2], $0x80, v0, vm0, $0x38;
	[tilespmem:$0x4080] =	vst v63  }
0x2d: {  	s15 =	sshra.s32 s14, $0x2;
	s16 =	sadd.s32 $0x400, s13  }
0x2e: {  	[tilespmem:s16], [sflag:$0x1] =	stream.indirect_vreg.gather [hbm:s2], $0x80, v0, vm1, $0x38;
	[tilespmem:$0x4080] =	vst v63  }
0x2f: {  	s14 =	sadd.s32 $0x40, s14;
	v0 =	vld.msk [tilespmem:s15+$0x40 ss:$0x1], $0xffff  }
0x30: {  	_ =	sdelay $0x3  }
0x31: {  	vm2 =	vgt.s32 v0, $0x0  }
0x32: {  	v0 =	vnsel vm2, $0x0, v0  }
0x33: {  	v0 =	vmin.u32 v0, $0x7FF  }
0x34: {  	v0 =	vshll.u32 v0, $0x4;
	_ =	sdelay $0x3  }
0x35: {  	s13 =	sadd.s32 $0x800, s13  }
0x36: {  	[tilespmem:s13], [sflag:$0x1] =	stream.indirect_vreg.gather [hbm:s2], $0x80, v0, vm0, $0x38;
	[tilespmem:$0x4080] =	vst v63  }
0x37: {  	s13 =	sadd.s32 $0x400, s13  }
0x38: {  	[tilespmem:s13], [sflag:$0x1] =	stream.indirect_vreg.gather [hbm:s2], $0x80, v0, vm1, $0x38;
	[tilespmem:$0x4080] =	vst v63  }
0x39: {  	s12 =	sshll.u32 s12, $0x4;
	s14 =	simm.s32 $0x80;
	_ =	swait.ge [sflag:s4], $0x2000  }
0x3a: {  	s15 =	simm.s32 $0x2480;
	s12 =	sadd.s32 s12, s7;
	[sflag:s4] =	ssyncset.done $0x0  }
0x3b: {  	s16 =	sadd.s32 $0x0, s12;
	s13 =	simm.s32 $0x2080;
	[sflag:s4] =	ssyncadd.s32 $0xFFFFE000  }
.LBB2_7:
0x3c: {  	[hbm:s16] =	stream.linear.scatter [tilespmem:s13], [sflag:$0x3], $0x400, $0x38;
	[tilespmem:$0x4080] =	vst v63  }
0x3d: {  	s16 =	smov.u32 s14;
	s13 =	smov.u32 s15;
	p0 =	sne.s32 s14, $0x380  }
.Ltmp5:
0x3e: {  	s14 =	sadd.s32 $0x80, s14;
	(pc) =	sbr.rel @p0 .LBB2_7-.Ltmp5, $2  }
0x3f: {  	_ =	sdelay $0x2  }
0x40: {  	s15 =	sadd.s32 $0x400, s15;
	s16 =	sadd.s32 s16, s12  }
.Ltmp6:
0x41: {  	(pc) =	sbr.rel .LBB2_9-.Ltmp6, $2  }
0x42: {  	_ =	sdelay $0x2  }
0x43: {  	[hbm:s16] =	stream.linear.scatter [tilespmem:s13], [sflag:$0x3], $0x400, $0x38;
	[tilespmem:$0x4080] =	vst v63  }
.LBB2_2:
.Ltmp7:
0x44: {  	(pc) =	sbr.rel .LBB2_10-.Ltmp7, $4  }
0x45: {  	_ = 	snop  }
0x46: {  	s12 =	sshrl.u32 s11, $0x3  }
0x47: {  	s13 =	sand.u32 $0x7, s11;
	s12 =	sadd.s32 s3, s12  }
0x48: {  	[tilespmem:s9], [sflag:$0x2] =	stream.linear.gather [hbm4b:s12+s13], $0x40, $0x38;
	[tilespmem:$0x4080] =	vst v63  }
.LBB2_11:
0x49: {  	s2 =	simm.s32 $0x3  }
0x4a: {  	_ =	swait.ge [sflag:s2], $0x2000  }
0x4b: {  	[sflag:s2] =	ssyncset.done $0x0  }
0x4c: {  	[sflag:s2] =	ssyncadd.s32 $0xFFFFE000  }
0x4d: {  	_ =	sfence.sel $0x180000  }
0x4e: {  	s3 =	simm.s32 $0x2;
	[bflag:$0x0] =	sbarrier.arrive $0xFFFF  }
0x4f: {  	[sflag:s3] =	ssyncpa.u1 $0x1  }
0x50: {  	s31 =	simm.s32 $0x1;
	[sflag:s2] =	ssyncpa.u1 $0x1  }
0x51: {  	[sflag:s31] =	ssyncpa.u1 $0x1  }
0x52: {  	p0 =	sne.s32 s1, $0x0;
	_ =	strace $0x90000050  }
0x53: {  	s0 =	sadd.s32 @!p0 $0x100000, s0;
	[bflag:$0x2] =	sbarrier.arrive $0xFFFF  }
0x54: {  	[sflag:s0] =	ssyncadd.tile.s32 @!p0 $0x1;
	_ =	shalt  }
.Lfunc_end2:
_tile_overlayer_lowered:
.L_overlay_start_2:
0x55: {  	(tag) =	ssettag $0x2  }
0x56: {  	s0 =	rddreg [dreg:$0x0];
	s2 =	stileid.u32  }
0x57: {  	s1 =	rddreg [dreg:$0x1];
	p0 =	sne.s32 s2, $0x0  }
0x58: {  	s3 =	rddreg [dreg:$0x2];
	[bflag:$0x3] =	sbarrier.arrive $0xFFFF;
	s2 =	simm.s32 @!p0 $0x1C01  }
0x59: {  	[timem:s3], [sflag:s2] =	dma.local @!p0 [hbm:s0], s1  }
0x5a: {  	s0 =	simm.s32 @!p0 $0x1  }
0x5b: {  	_ =	swait.ge @!p0 [sflag:s0], s1  }
0x5c: {  	s1 =	ssub.s32 @!p0 $0x0, s1;
	[sflag:s0] =	ssyncset.done @!p0 $0x0  }
0x5d: {  	[sflag:s0] =	ssyncadd.s32 @!p0 s1  }
0x5e: {  	[bflag:$0x3] =	sbarrier.arrive $0xFFFF  }
0x5f: {  	_ =	shalt  }

// kernel: gather_offload_async_start.2
scs
__scs_entry_jumppad:
0x0: {  	(pc) =	sbr.rel $0x88, $3  }
0x1: {  	(tag) =	ssettag $0x0;
	lr =	simm.s32 $0x1  }
0x2: {  	[smem:$0x3F92] =	sst lr;
	_ =	strace $0xD0000000  }
0x3: {  	_ = 	snop  }
0x4: {  	_ = 	snop  }
0x5: {  	_ = 	snop  }
0x6: {  	_ = 	snop  }
0x7: {  	_ = 	snop  }
__scs_overlays_trampoline_lowered:
0x8: {  	[smem:$0x3FA1] =	sst s0  }
0x9: {  	[smem:$0x3FA2] =	sst s1  }
0xa: {  	[smem:$0x3FA3] =	sst s2  }
0xb: {  	[smem:$0x3FA4] =	sst s3  }
0xc: {  	[smem:$0x3FA5] =	sst s4  }
0xd: {  	[smem:$0x3FA6] =	sst s5  }
0xe: {  	[smem:$0x3FA7] =	sst s6  }
0xf: {  	[smem:$0x3FA8] =	sst s7  }
0x10: {  	[smem:$0x3FA9] =	sst s8  }
0x11: {  	[smem:$0x3FAA] =	sst s9;
	s0 =	simm.s32 @!p0 $0x0  }
0x12: {  	s1 =	sld [smem:$0x3F90];
	s0 =	simm.s32 @p0 $0x1  }
0x13: {  	[smem:$0x3FAB] =	sst s0;
	s0 =	simm.s32 @!p1 $0x0  }
0x14: {  	s2 =	sld [smem:$0x3F8F];
	s0 =	simm.s32 @p1 $0x1  }
0x15: {  	[smem:$0x3FAC] =	sst s0;
	s0 =	simm.s32 @!p2 $0x0  }
0x16: {  	s3 =	sld [smem:$0x3FDB];
	s0 =	simm.s32 @p2 $0x1  }
0x17: {  	s4 =	simm.s32 $0x1BF5;
	[smem:$0x3FAE] =	sst s0  }
0x18: {  	s0 =	sld [smem:$0x3F91];
	_ =	swait.ge [sflag:s4], $0x0  }
0x19: {  	s7 =	sld [smem:$0x3F92]  }
0x1a: {  	s8 =	sadd.s32 $0xFFFFE003, lr  }
0x1b: {  	s9 =	sadd.s32 $0xFFFFFEF7, lr;
	s5 =	simm.s32 $0xFFFFFFFF;
	p2 =	slt.u32 s8, $0xFFFFF086  }
0x1c: {  	p1 =	slt.u32 s9, $0xF7A;
	s5 =	simm.s32 @!p2 $0x0  }
0x1d: {  	s5 =	simm.s32 @p1 $0x1;
	p0 =	seq.s32 s7, s2  }
0x1e: {  	s7 =	smul.u32 @!p0 $0xF7A, s2;
	p2 =	seq.s32 @!p0 s5, $0x0  }
0x1f: {  	s9 =	smul.u32 $0xF7A, s1;
	s8 =	simm.s32 @!p0 $0x1BF5;
	p2 =	por !p2, p0  }
0x20: {  	[sflag:s8] =	ssyncset.s32 @!p0 $0xFFFFF086;
	s6 =	sadd.s32 @!p0 s3, s7;
	s7 =	simm.s32 @!p0 $0x108  }
0x21: {  	s3 =	sadd.s32 s3, s9;
	s6 =	sadd.s32 @!p0 $0x88, s6;
	s7 =	simm.s32 @p2 $0x1082  }
0x22: {  	[simem:s7], [sflag:s8] =	dma.local @!p0 [hbm:s6], $0xF7A  }
0x23: {  	s9 =	sor.u32 $0xD0000000, s2;
	s6 =	simm.s32 $0x108;
	_ =	swait.ge @!p0 [sflag:s8], $0x0  }
0x24: {  	s3 =	sadd.s32 $0x88, s3;
	s6 =	simm.s32 @!p1 $0x1082;
	[sflag:s4] =	ssyncset.s32 $0xFFFFF086  }
0x25: {  	[simem:s6], [sflag:s4] =	dma.local [hbm:s3], $0xF7A  }
0x26: {  	[smem:$0x3F92] =	sst s1;
	(tag) =	ssettag s2;
	_ =	strace s9  }
0x27: {  	s1 =	sld [smem:$0x3FA2]  }
0x28: {  	s2 =	sld [smem:$0x3FA3]  }
0x29: {  	s4 =	sld [smem:$0x3FA5]  }
0x2a: {  	p0 =	seq.s32 s5, $0x0;
	s5 =	sld [smem:$0x3FA6]  }
0x2b: {  	s6 =	sld [smem:$0x3FA7]  }
0x2c: {  	s7 =	sld [smem:$0x3FA8]  }
0x2d: {  	s3 =	simm.s32 $0x108;
	s8 =	sld [smem:$0x3FA9]  }
0x2e: {  	s3 =	simm.s32 @!p0 $0x1082;
	s9 =	sld [smem:$0x3FAA]  }
0x2f: {  	lr =	sadd.s32 s0, s3;
	s0 =	sld [smem:$0x3FA1]  }
0x30: {  	s3 =	sld [smem:$0x3FA4]  }
0x31: {  	[smem:$0x3FAD] =	sst s10  }
0x32: {  	s10 =	sld [smem:$0x3FAB];
	_ =	sdelay $0x3  }
0x33: {  	p0 =	seq.s32 s10, $0x1;
	s10 =	sld [smem:$0x3FAD];
	_ =	sdelay $0x3  }
0x34: {  	[smem:$0x3FAD] =	sst s10  }
0x35: {  	s10 =	sld [smem:$0x3FAC];
	_ =	sdelay $0x3  }
0x36: {  	p1 =	seq.s32 s10, $0x1;
	s10 =	sld [smem:$0x3FAD];
	_ =	sdelay $0x3  }
0x37: {  	[smem:$0x3FAD] =	sst s10  }
0x38: {  	s10 =	sld [smem:$0x3FAE]  }
0x39: {  	_ = 	snop;
	(pc) =	sbr.ind lr, $3  }
0x3a: {  	_ = 	snop  }
0x3b: {  	_ = 	snop  }
0x3c: {  	p2 =	seq.s32 s10, $0x1;
	s10 =	sld [smem:$0x3FAD]  }
0x3d: {  	_ =	shalt  }
0x3e: {  	_ =	shalt  }
0x3f: {  	_ =	shalt  }
0x40: {  	_ =	shalt  }
0x41: {  	_ =	shalt  }
0x42: {  	_ =	shalt  }
0x43: {  	_ =	shalt  }
0x44: {  	_ =	shalt  }
0x45: {  	_ =	shalt  }
0x46: {  	_ =	shalt  }
0x47: {  	_ =	shalt  }
0x48: {  	_ =	shalt  }
0x49: {  	_ =	shalt  }
0x4a: {  	_ =	shalt  }
0x4b: {  	_ =	shalt  }
0x4c: {  	_ =	shalt  }
0x4d: {  	_ =	shalt  }
0x4e: {  	_ =	shalt  }
0x4f: {  	_ =	shalt  }
0x50: {  	_ =	shalt  }
0x51: {  	_ =	shalt  }
0x52: {  	_ =	shalt  }
0x53: {  	_ =	shalt  }
0x54: {  	_ =	shalt  }
0x55: {  	_ =	shalt  }
0x56: {  	_ =	shalt  }
0x57: {  	_ =	shalt  }
0x58: {  	_ =	shalt  }
0x59: {  	_ =	shalt  }
0x5a: {  	_ =	shalt  }
0x5b: {  	_ =	shalt  }
0x5c: {  	_ =	shalt  }
0x5d: {  	_ =	shalt  }
0x5e: {  	_ =	shalt  }
0x5f: {  	_ =	shalt  }
0x60: {  	_ =	shalt  }
0x61: {  	_ =	shalt  }
0x62: {  	_ =	shalt  }
0x63: {  	_ =	shalt  }
0x64: {  	_ =	shalt  }
0x65: {  	_ =	shalt  }
0x66: {  	_ =	shalt  }
0x67: {  	_ =	shalt  }
0x68: {  	_ =	shalt  }
0x69: {  	_ =	shalt  }
0x6a: {  	_ =	shalt  }
0x6b: {  	_ =	shalt  }
0x6c: {  	_ =	shalt  }
0x6d: {  	_ =	shalt  }
0x6e: {  	_ =	shalt  }
0x6f: {  	_ =	shalt  }
0x70: {  	_ =	shalt  }
0x71: {  	_ =	shalt  }
0x72: {  	_ =	shalt  }
0x73: {  	_ =	shalt  }
0x74: {  	_ =	shalt  }
0x75: {  	_ =	shalt  }
0x76: {  	_ =	shalt  }
0x77: {  	_ =	shalt  }
0x78: {  	_ =	shalt  }
0x79: {  	_ =	shalt  }
0x7a: {  	_ =	shalt  }
0x7b: {  	_ =	shalt  }
0x7c: {  	_ =	shalt  }
0x7d: {  	_ =	shalt  }
0x7e: {  	_ =	shalt  }
0x7f: {  	_ =	shalt  }
0x80: {  	_ =	shalt  }
0x81: {  	_ =	shalt  }
0x82: {  	_ =	shalt  }
0x83: {  	_ =	shalt  }
0x84: {  	_ =	shalt  }
0x85: {  	_ =	shalt  }
0x86: {  	_ =	shalt  }
0x87: {  	_ =	shalt  }
.Lfunc_end0:
.L_simem_size_0:
called_computation.4_lowered:
.L_overlay_start_0:
0x88: {  	s2 =	sld [smem:$0x3FD9]  }
0x89: {  	s3 =	sld [smem:$0x3FFE];
	_ =	sdelay $0x1  }
0x8a: {  	s1 =	srdreg.scid  }
0x8b: {  	s0 =	sand.u32 $0x1, s1  }
0x8c: {  	s17 =	sshll.u32 s0, $0xA;
	s2 =	sadd.s32 s3, s2  }
0x8d: {  	s2 =	sadd.s32 s2, s17  }
0x8e: {  	[smem:$0x3FB9] =	sst s2  }
0x8f: {  	_ = 	snop  }
0x90: {  	s18 =	sld [smem:$0x3FC9];
	(tm) =	ssettm $0x1  }
0x91: {  	s19 =	sld [smem:$0x3FFB];
	_ =	sdelay $0x3  }
0x92: {  	_ =	strace s19  }
0x93: {  	s2 =	sld [smem:$0x3FFC];
	_ =	sdelay $0x3  }
0x94: {  	_ =	strace s2  }
0x95: {  	s2 =	sld [smem:$0x3FFD];
	_ =	sdelay $0x3  }
0x96: {  	_ =	strace s2  }
0x97: {  	_ =	strace $0x8FFFFFFF  }
0x98: {  	s20 =	sld [smem:$0x3FDB];
	_ =	sdelay $0x1  }
0x99: {  	s4 =	simm.s32 $_scs_section_size  }
0x9a: {  	s5 =	simm.s32 $_size__tile_overlayer_lowered;
	s6 =	simm.s32 $_tile_overlayer_lowered  }
0x9b: {  	s7 =	simm.s32 $0x1BFF;
	s21 =	sshll.u32 s6, $0x1;
	s4 =	sadd.s32 s4, s20  }
0x9c: {  	s22 =	simm.s32 $0x0;
	s5 =	sshll.u32 s5, $0x1;
	s6 =	sadd.s32 s21, s4  }
0x9d: {  	[timem:s22], [sflag:s7] =	dma.local [hbm:s6], s5  }
0x9e: {  	_ =	swait.ge [sflag:s7], s5  }
0x9f: {  	s5 =	ssub.s32 $0x0, s5;
	[sflag:s7] =	ssyncset.done $0x0  }
0xa0: {  	[sflag:s7] =	ssyncadd.s32 s5;
	_ =	sdelay $0x1  }
0xa1: {  	s23 =	simm.s32 $0x1B8B  }
0xa2: {  	_ =	swait.ge [sflag:s23], $0x1  }
0xa3: {  	[sflag:s23] =	ssyncset.done $0x0  }
0xa4: {  	[sflag:s23] =	ssyncadd.s32 $0xFFFFFFFF  }
0xa5: {  	s5 =	sld [smem:$0x0]  }
0xa6: {  	s6 =	sand.u32 $0xFFFFFFFE, s1  }
0xa7: {  	p0 =	sne.s32 s1, s6  }
0xa8: {  	s6 =	sshll.u32 @p0 s6, $0xE  }
0xa9: {  	s6 =	sadd.s32 @p0 $0x11B8D, s6;
	s7 =	sshll.u32 @p0 s5, $0x11  }
0xaa: {  	s6 =	sor.u32 @p0 s7, s6  }
0xab: {  	[sflag:s6] =	ssyncadd.remote.s32 @p0 $0x1;
	_ =	sdelay $0x1  }
0xac: {  	s6 =	simm.s32 @p0 $0x1B8D  }
0xad: {  	_ =	swait.eq @p0 [sflag:s6], $0x1  }
0xae: {  	[sflag:s6] =	ssyncadd.s32 @p0 $0xFFFFFFFF  }
0xaf: {  	s7 =	sshll.u32 @!p0 s1, $0xE  }
0xb0: {  	s7 =	sor.u32 @!p0 $0x4000, s7;
	s6 =	simm.s32 @!p0 $0x1B8D  }
0xb1: {  	s5 =	sshll.u32 @!p0 s5, $0x11;
	s7 =	sadd.s32 @!p0 $0x11B8D, s7;
	_ =	swait.eq @!p0 [sflag:s6], $0x1  }
0xb2: {  	s5 =	sor.u32 @!p0 s5, s7;
	[sflag:s6] =	ssyncadd.s32 @!p0 $0xFFFFFFFF  }
0xb3: {  	s25 =	simm.s32 $0x1B8E;
	s24 =	sld [smem:$0x3FFE];
	[sflag:s5] =	ssyncadd.remote.s32 @!p0 $0x1  }
0xb4: {  	s26 =	simm.s32 $execute0_lowered;
	[smem:$0x3FD2] =	sst s25  }
0xb5: {  	s6 =	sshll.u32 s26, $0x1;
	_ =	strace $0x80000058;
	[dreg:$0x1] =	wrdreg $0xFFFFFFFF  }
0xb6: {  	s28 =	simm.s32 $_size_execute0_lowered;
	s4 =	sadd.s32 s4, s6;
	[dreg:$0x0] =	wrdreg $0x0  }
0xb7: {  	s6 =	sshll.u32 s28, $0x1;
	[dreg:$0x2] =	wrdreg s4  }
0xb8: {  	[dreg:$0x3] =	wrdreg s6  }
0xb9: {  	[dreg:$0x4] =	wrdreg $0xC0  }
0xba: {  	_ =	task [dreg:s22], $0x5FFFF  }
0xbb: {  	[dreg:$0x1] =	wrdreg $0xFFFFFFFF  }
0xbc: {  	[dreg:$0x0] =	wrdreg $0x60  }
0xbd: {  	[dreg:$0x2] =	wrdreg s18  }
0xbe: {  	[dreg:$0x3] =	wrdreg s24  }
0xbf: {  	[dreg:$0x4] =	wrdreg $0xB  }
0xc0: {  	_ =	task.clear_ibuf [dreg:s22], $0x5FFFF;
	_ =	strace $0x90000058  }
0xc1: {  	s29 =	simm.s32 $0xB;
	_ =	strace $0x8000005A  }
0xc2: {  	_ =	swait.ge [sflag:s29], $0x1  }
0xc3: {  	[sflag:s29] =	ssyncadd.s32 $0xFFFFFFFF  }
0xc4: {  	_ =	strace $0x9000005A  }
0xc5: {  	_ =	sfence  }
0xc6: {  	s30 =	sld [smem:$0x0];
	_ =	sdelay $0x2  }
0xc7: {  	s31 =	sshll.u32 s1, $0xD;
	s1 =	sshrl.u32 s1, $0x2  }
0xc8: {  	s4 =	sand.u32 $0x4000, s31;
	s1 =	sadd.s32 s1, s30  }
0xc9: {  	s0 =	sor.u32 s4, s0;
	s1 =	sshll.u32 s1, $0x11  }
0xca: {  	s0 =	sor.u32 s1, s0  }
0xcb: {  	s0 =	sadd.s32 $0x8F2B, s0  }
0xcc: {  	[sflag:s0] =	ssyncadd.remote.s32 $0x1  }
0xcd: {  	_ =	sfence.sel $0xFFFF  }
0xce: {  	[dreg:$0x0] =	wrdreg $0xFFFFFFFF;
	(pc) =	sbr.abs _section_cstart, $3  }
0xcf: {  	[dreg:$0x1] =	wrdreg $0xFFFFFFFF  }
0xd0: {  	_ =	task.clear_ibuf [dreg:s22], $0x2FFFF;
	_ =	strace $0x9FFFFFFF  }
0xd1: {  	(tm) =	ssettm $0x7FFFFFFF  }
tec
execute0_lowered:
.L_overlay_start_1:
0x0: {  	(tag) =	ssettag $0x1  }
0x1: {  	s2 =	rddreg [dreg:$0x0]  }
0x2: {  	s7 =	rddreg [dreg:$0x1]  }
0x3: {  	s0 =	rddreg [dreg:$0x2]  }
0x4: {  	s1 =	srdreg.scid;
	_ =	strace $0x80000059;
	s4 =	simm.s32 $0x1  }
0x5: {  	s9 =	simm.s32 $0x3;
	s12 =	simm.s32 $0x0;
	s5 =	sshll.u32 s1, $0x4  }
.Ltmp0:
0x6: {  	s1 =	stileid.u32;
	s5 =	sand.u32 $0x10, s5;
	(pc) =	sbr.rel .LBB2_1-.Ltmp0, $4  }
0x7: {  	s10 =	simm.s32 $0x0;
	s3 =	sadd.s32 $0x600, s7;
	s6 =	sor.u32 s1, s5  }
0x8: {  	[sflag:s4] =	ssyncpa.u1 $0x0;
	s5 =	simm.s32 $0x2;
	s6 =	sshll.u32 s6, $0x6  }
0x9: {  	s7 =	sadd.s32 $0x2C800, s7;
	[sflag:s5] =	ssyncpa.u1 $0x0;
	s8 =	sadd.s32 $0x40, s6  }
0xa: {  	vm0 =	vmmov $0xff;
	vm1 =	vcmask $0x3F20;
	[sflag:s9] =	ssyncpa.u1 $0x0;
	s9 =	simm.s32 $0x40;
	s11 =	smov.u32 s6  }
.LBB2_9:
0xb: {  	p0 =	seq.s32 s10, $0x2  }
.Ltmp1:
0xc: {  	_ = 	snop;
	(pc) =	sbr.rel @p0 .LBB2_11-.Ltmp1, $1  }
0xd: {  	_ =	sdelay $0x3  }
.LBB2_10:
0xe: {  	s12 =	sadd.s32 $0x40, s11  }
0xf: {  	s13 =	smov.u32 s6;
	p0 =	slt.s32 s12, s8  }
0x10: {  	s13 =	smov.u32 @p0 s12  }
0x11: {  	s10 =	sadd.s32 $0x1, s10;
	s12 =	smov.u32 s11;
	s11 =	smov.u32 s13  }
.LBB2_1:
0x12: {  	p0 =	sne.s32 s10, $0x0  }
.Ltmp2:
0x13: {  	_ = 	snop;
	(pc) =	sbr.rel @!p0 .LBB2_2-.Ltmp2, $1  }
0x14: {  	_ =	sdelay $0x3  }
0x15: {  	s13 =	sand.u32 $0x1, s10  }
0x16: {  	p0 =	seq.s32 s13, $0x0  }
.Ltmp3:
0x17: {  	_ = 	snop;
	(pc) =	sbr.rel @p0 .LBB2_9-.Ltmp3, $1  }
0x18: {  	_ =	sdelay $0x3  }
0x19: {  	_ =	swait.ge [sflag:s5], $0x40  }
0x1a: {  	[sflag:s5] =	ssyncset.done $0x0  }
0x1b: {  	s13 =	simm.s32 $0x0;
	[sflag:s5] =	ssyncadd.s32 $0xFFFFFFC0  }
0x1c: {  	v0 =	vld.msk [tilespmem:s13+$0x40 ss:$0x1], $0xffff;
	_ =	sdelay $0x4  }
0x1d: {  	vm2 =	vgt.s32 v0, $0x0  }
0x1e: {  	v0 =	vnsel vm2, $0x0, v0  }
0x1f: {  	v0 =	vmin.u32 v0, $0x7FF  }
0x20: {  	v0 =	vshll.u32 v0, $0x4;
	_ =	sdelay $0x3  }
0x21: {  	s13 =	simm.s32 $0x2080  }
0x22: {  	[tilespmem:s13], [sflag:$0x1] =	stream.indirect_vreg.gather [hbm:s2], $0x80, v0, vm0, $0x38;
	[tilespmem:$0x4080] =	vst v63  }
0x23: {  	s14 =	simm.s32 $0x2480;
	s31 =	simm.s32 $0x10  }
0x24: {  	[tilespmem:s14], [sflag:$0x1] =	stream.indirect_vreg.gather [hbm:s2], $0x80, v0, vm1, $0x38;
	[tilespmem:$0x4080] =	vst v63  }
0x25: {  	s14 =	simm.s32 $0x80;
	v0 =	vld.msk [tilespmem:s31+$0x40 ss:$0x1], $0xffff  }
.LBB2_5:
0x26: {  	p0 =	sne.s32 s14, $0xC0;
	_ =	sdelay $0x4  }
0x27: {  	vm2 =	vgt.s32 v0, $0x0  }
0x28: {  	v0 =	vnsel vm2, $0x0, v0  }
0x29: {  	v0 =	vmin.u32 v0, $0x7FF  }
0x2a: {  	v0 =	vshll.u32 v0, $0x4;
	_ =	sdelay $0x3  }
.Ltmp4:
0x2b: {  	s13 =	sadd.s32 $0x800, s13;
	(pc) =	sbr.rel @p0 .LBB2_5-.Ltmp4, $4  }
0x2c: {  	[tilespmem:s13], [sflag:$0x1] =	stream.indirect_vreg.gather [hbm:s2], $0x80, v0, vm0, $0x38;
	[tilespmem:$0x4080] =	vst v63  }
0x2d: {  	s15 =	sshra.s32 s14, $0x2;
	s16 =	sadd.s32 $0x400, s13  }
0x2e: {  	[tilespmem:s16], [sflag:$0x1] =	stream.indirect_vreg.gather [hbm:s2], $0x80, v0, vm1, $0x38;
	[tilespmem:$0x4080] =	vst v63  }
0x2f: {  	s14 =	sadd.s32 $0x40, s14;
	v0 =	vld.msk [tilespmem:s15+$0x40 ss:$0x1], $0xffff  }
0x30: {  	_ =	sdelay $0x3  }
0x31: {  	vm2 =	vgt.s32 v0, $0x0  }
0x32: {  	v0 =	vnsel vm2, $0x0, v0  }
0x33: {  	v0 =	vmin.u32 v0, $0x7FF  }
0x34: {  	v0 =	vshll.u32 v0, $0x4;
	_ =	sdelay $0x3  }
0x35: {  	s13 =	sadd.s32 $0x800, s13  }
0x36: {  	[tilespmem:s13], [sflag:$0x1] =	stream.indirect_vreg.gather [hbm:s2], $0x80, v0, vm0, $0x38;
	[tilespmem:$0x4080] =	vst v63  }
0x37: {  	s13 =	sadd.s32 $0x400, s13  }
0x38: {  	[tilespmem:s13], [sflag:$0x1] =	stream.indirect_vreg.gather [hbm:s2], $0x80, v0, vm1, $0x38;
	[tilespmem:$0x4080] =	vst v63  }
0x39: {  	s12 =	sshll.u32 s12, $0x4;
	s14 =	simm.s32 $0x80;
	_ =	swait.ge [sflag:s4], $0x2000  }
0x3a: {  	s15 =	simm.s32 $0x2480;
	s12 =	sadd.s32 s12, s7;
	[sflag:s4] =	ssyncset.done $0x0  }
0x3b: {  	s16 =	sadd.s32 $0x0, s12;
	s13 =	simm.s32 $0x2080;
	[sflag:s4] =	ssyncadd.s32 $0xFFFFE000  }
.LBB2_7:
0x3c: {  	[hbm:s16] =	stream.linear.scatter [tilespmem:s13], [sflag:$0x3], $0x400, $0x38;
	[tilespmem:$0x4080] =	vst v63  }
0x3d: {  	s16 =	smov.u32 s14;
	s13 =	smov.u32 s15;
	p0 =	sne.s32 s14, $0x380  }
.Ltmp5:
0x3e: {  	s14 =	sadd.s32 $0x80, s14;
	(pc) =	sbr.rel @p0 .LBB2_7-.Ltmp5, $2  }
0x3f: {  	_ =	sdelay $0x2  }
0x40: {  	s15 =	sadd.s32 $0x400, s15;
	s16 =	sadd.s32 s16, s12  }
.Ltmp6:
0x41: {  	(pc) =	sbr.rel .LBB2_9-.Ltmp6, $2  }
0x42: {  	_ =	sdelay $0x2  }
0x43: {  	[hbm:s16] =	stream.linear.scatter [tilespmem:s13], [sflag:$0x3], $0x400, $0x38;
	[tilespmem:$0x4080] =	vst v63  }
.LBB2_2:
.Ltmp7:
0x44: {  	(pc) =	sbr.rel .LBB2_10-.Ltmp7, $4  }
0x45: {  	_ = 	snop  }
0x46: {  	s12 =	sshrl.u32 s11, $0x3  }
0x47: {  	s13 =	sand.u32 $0x7, s11;
	s12 =	sadd.s32 s3, s12  }
0x48: {  	[tilespmem:s9], [sflag:$0x2] =	stream.linear.gather [hbm4b:s12+s13], $0x40, $0x38;
	[tilespmem:$0x4080] =	vst v63  }
.LBB2_11:
0x49: {  	s2 =	simm.s32 $0x3  }
0x4a: {  	_ =	swait.ge [sflag:s2], $0x2000  }
0x4b: {  	[sflag:s2] =	ssyncset.done $0x0  }
0x4c: {  	[sflag:s2] =	ssyncadd.s32 $0xFFFFE000  }
0x4d: {  	_ =	sfence.sel $0x180000  }
0x4e: {  	s3 =	simm.s32 $0x2;
	[bflag:$0x0] =	sbarrier.arrive $0xFFFF  }
0x4f: {  	[sflag:s3] =	ssyncpa.u1 $0x1  }
0x50: {  	s31 =	simm.s32 $0x1;
	[sflag:s2] =	ssyncpa.u1 $0x1  }
0x51: {  	[sflag:s31] =	ssyncpa.u1 $0x1  }
0x52: {  	p0 =	sne.s32 s1, $0x0;
	_ =	strace $0x90000059  }
0x53: {  	s0 =	sadd.s32 @!p0 $0x100000, s0;
	[bflag:$0x2] =	sbarrier.arrive $0xFFFF  }
0x54: {  	[sflag:s0] =	ssyncadd.tile.s32 @!p0 $0x1;
	_ =	shalt  }
.Lfunc_end2:
_tile_overlayer_lowered:
.L_overlay_start_2:
0x55: {  	(tag) =	ssettag $0x2  }
0x56: {  	s0 =	rddreg [dreg:$0x0];
	s2 =	stileid.u32  }
0x57: {  	s1 =	rddreg [dreg:$0x1];
	p0 =	sne.s32 s2, $0x0  }
0x58: {  	s3 =	rddreg [dreg:$0x2];
	[bflag:$0x3] =	sbarrier.arrive $0xFFFF;
	s2 =	simm.s32 @!p0 $0x1C01  }
0x59: {  	[timem:s3], [sflag:s2] =	dma.local @!p0 [hbm:s0], s1  }
0x5a: {  	s0 =	simm.s32 @!p0 $0x1  }
0x5b: {  	_ =	swait.ge @!p0 [sflag:s0], s1  }
0x5c: {  	s1 =	ssub.s32 @!p0 $0x0, s1;
	[sflag:s0] =	ssyncset.done @!p0 $0x0  }
0x5d: {  	[sflag:s0] =	ssyncadd.s32 @!p0 s1  }
0x5e: {  	[bflag:$0x3] =	sbarrier.arrive $0xFFFF  }
0x5f: {  	_ =	shalt  }

// kernel: gather_offload_async_start.3
scs
__scs_entry_jumppad:
0x0: {  	(pc) =	sbr.rel $0x88, $3  }
0x1: {  	(tag) =	ssettag $0x0;
	lr =	simm.s32 $0x1  }
0x2: {  	[smem:$0x3F92] =	sst lr;
	_ =	strace $0xD0000000  }
0x3: {  	_ = 	snop  }
0x4: {  	_ = 	snop  }
0x5: {  	_ = 	snop  }
0x6: {  	_ = 	snop  }
0x7: {  	_ = 	snop  }
__scs_overlays_trampoline_lowered:
0x8: {  	[smem:$0x3FA1] =	sst s0  }
0x9: {  	[smem:$0x3FA2] =	sst s1  }
0xa: {  	[smem:$0x3FA3] =	sst s2  }
0xb: {  	[smem:$0x3FA4] =	sst s3  }
0xc: {  	[smem:$0x3FA5] =	sst s4  }
0xd: {  	[smem:$0x3FA6] =	sst s5  }
0xe: {  	[smem:$0x3FA7] =	sst s6  }
0xf: {  	[smem:$0x3FA8] =	sst s7  }
0x10: {  	[smem:$0x3FA9] =	sst s8  }
0x11: {  	[smem:$0x3FAA] =	sst s9;
	s0 =	simm.s32 @!p0 $0x0  }
0x12: {  	s1 =	sld [smem:$0x3F90];
	s0 =	simm.s32 @p0 $0x1  }
0x13: {  	[smem:$0x3FAB] =	sst s0;
	s0 =	simm.s32 @!p1 $0x0  }
0x14: {  	s2 =	sld [smem:$0x3F8F];
	s0 =	simm.s32 @p1 $0x1  }
0x15: {  	[smem:$0x3FAC] =	sst s0;
	s0 =	simm.s32 @!p2 $0x0  }
0x16: {  	s3 =	sld [smem:$0x3FDB];
	s0 =	simm.s32 @p2 $0x1  }
0x17: {  	s4 =	simm.s32 $0x1BF5;
	[smem:$0x3FAE] =	sst s0  }
0x18: {  	s0 =	sld [smem:$0x3F91];
	_ =	swait.ge [sflag:s4], $0x0  }
0x19: {  	s7 =	sld [smem:$0x3F92]  }
0x1a: {  	s8 =	sadd.s32 $0xFFFFE003, lr  }
0x1b: {  	s9 =	sadd.s32 $0xFFFFFEF7, lr;
	s5 =	simm.s32 $0xFFFFFFFF;
	p2 =	slt.u32 s8, $0xFFFFF086  }
0x1c: {  	p1 =	slt.u32 s9, $0xF7A;
	s5 =	simm.s32 @!p2 $0x0  }
0x1d: {  	s5 =	simm.s32 @p1 $0x1;
	p0 =	seq.s32 s7, s2  }
0x1e: {  	s7 =	smul.u32 @!p0 $0xF7A, s2;
	p2 =	seq.s32 @!p0 s5, $0x0  }
0x1f: {  	s9 =	smul.u32 $0xF7A, s1;
	s8 =	simm.s32 @!p0 $0x1BF5;
	p2 =	por !p2, p0  }
0x20: {  	[sflag:s8] =	ssyncset.s32 @!p0 $0xFFFFF086;
	s6 =	sadd.s32 @!p0 s3, s7;
	s7 =	simm.s32 @!p0 $0x108  }
0x21: {  	s3 =	sadd.s32 s3, s9;
	s6 =	sadd.s32 @!p0 $0x88, s6;
	s7 =	simm.s32 @p2 $0x1082  }
0x22: {  	[simem:s7], [sflag:s8] =	dma.local @!p0 [hbm:s6], $0xF7A  }
0x23: {  	s9 =	sor.u32 $0xD0000000, s2;
	s6 =	simm.s32 $0x108;
	_ =	swait.ge @!p0 [sflag:s8], $0x0  }
0x24: {  	s3 =	sadd.s32 $0x88, s3;
	s6 =	simm.s32 @!p1 $0x1082;
	[sflag:s4] =	ssyncset.s32 $0xFFFFF086  }
0x25: {  	[simem:s6], [sflag:s4] =	dma.local [hbm:s3], $0xF7A  }
0x26: {  	[smem:$0x3F92] =	sst s1;
	(tag) =	ssettag s2;
	_ =	strace s9  }
0x27: {  	s1 =	sld [smem:$0x3FA2]  }
0x28: {  	s2 =	sld [smem:$0x3FA3]  }
0x29: {  	s4 =	sld [smem:$0x3FA5]  }
0x2a: {  	p0 =	seq.s32 s5, $0x0;
	s5 =	sld [smem:$0x3FA6]  }
0x2b: {  	s6 =	sld [smem:$0x3FA7]  }
0x2c: {  	s7 =	sld [smem:$0x3FA8]  }
0x2d: {  	s3 =	simm.s32 $0x108;
	s8 =	sld [smem:$0x3FA9]  }
0x2e: {  	s3 =	simm.s32 @!p0 $0x1082;
	s9 =	sld [smem:$0x3FAA]  }
0x2f: {  	lr =	sadd.s32 s0, s3;
	s0 =	sld [smem:$0x3FA1]  }
0x30: {  	s3 =	sld [smem:$0x3FA4]  }
0x31: {  	[smem:$0x3FAD] =	sst s10  }
0x32: {  	s10 =	sld [smem:$0x3FAB];
	_ =	sdelay $0x3  }
0x33: {  	p0 =	seq.s32 s10, $0x1;
	s10 =	sld [smem:$0x3FAD];
	_ =	sdelay $0x3  }
0x34: {  	[smem:$0x3FAD] =	sst s10  }
0x35: {  	s10 =	sld [smem:$0x3FAC];
	_ =	sdelay $0x3  }
0x36: {  	p1 =	seq.s32 s10, $0x1;
	s10 =	sld [smem:$0x3FAD];
	_ =	sdelay $0x3  }
0x37: {  	[smem:$0x3FAD] =	sst s10  }
0x38: {  	s10 =	sld [smem:$0x3FAE]  }
0x39: {  	_ = 	snop;
	(pc) =	sbr.ind lr, $3  }
0x3a: {  	_ = 	snop  }
0x3b: {  	_ = 	snop  }
0x3c: {  	p2 =	seq.s32 s10, $0x1;
	s10 =	sld [smem:$0x3FAD]  }
0x3d: {  	_ =	shalt  }
0x3e: {  	_ =	shalt  }
0x3f: {  	_ =	shalt  }
0x40: {  	_ =	shalt  }
0x41: {  	_ =	shalt  }
0x42: {  	_ =	shalt  }
0x43: {  	_ =	shalt  }
0x44: {  	_ =	shalt  }
0x45: {  	_ =	shalt  }
0x46: {  	_ =	shalt  }
0x47: {  	_ =	shalt  }
0x48: {  	_ =	shalt  }
0x49: {  	_ =	shalt  }
0x4a: {  	_ =	shalt  }
0x4b: {  	_ =	shalt  }
0x4c: {  	_ =	shalt  }
0x4d: {  	_ =	shalt  }
0x4e: {  	_ =	shalt  }
0x4f: {  	_ =	shalt  }
0x50: {  	_ =	shalt  }
0x51: {  	_ =	shalt  }
0x52: {  	_ =	shalt  }
0x53: {  	_ =	shalt  }
0x54: {  	_ =	shalt  }
0x55: {  	_ =	shalt  }
0x56: {  	_ =	shalt  }
0x57: {  	_ =	shalt  }
0x58: {  	_ =	shalt  }
0x59: {  	_ =	shalt  }
0x5a: {  	_ =	shalt  }
0x5b: {  	_ =	shalt  }
0x5c: {  	_ =	shalt  }
0x5d: {  	_ =	shalt  }
0x5e: {  	_ =	shalt  }
0x5f: {  	_ =	shalt  }
0x60: {  	_ =	shalt  }
0x61: {  	_ =	shalt  }
0x62: {  	_ =	shalt  }
0x63: {  	_ =	shalt  }
0x64: {  	_ =	shalt  }
0x65: {  	_ =	shalt  }
0x66: {  	_ =	shalt  }
0x67: {  	_ =	shalt  }
0x68: {  	_ =	shalt  }
0x69: {  	_ =	shalt  }
0x6a: {  	_ =	shalt  }
0x6b: {  	_ =	shalt  }
0x6c: {  	_ =	shalt  }
0x6d: {  	_ =	shalt  }
0x6e: {  	_ =	shalt  }
0x6f: {  	_ =	shalt  }
0x70: {  	_ =	shalt  }
0x71: {  	_ =	shalt  }
0x72: {  	_ =	shalt  }
0x73: {  	_ =	shalt  }
0x74: {  	_ =	shalt  }
0x75: {  	_ =	shalt  }
0x76: {  	_ =	shalt  }
0x77: {  	_ =	shalt  }
0x78: {  	_ =	shalt  }
0x79: {  	_ =	shalt  }
0x7a: {  	_ =	shalt  }
0x7b: {  	_ =	shalt  }
0x7c: {  	_ =	shalt  }
0x7d: {  	_ =	shalt  }
0x7e: {  	_ =	shalt  }
0x7f: {  	_ =	shalt  }
0x80: {  	_ =	shalt  }
0x81: {  	_ =	shalt  }
0x82: {  	_ =	shalt  }
0x83: {  	_ =	shalt  }
0x84: {  	_ =	shalt  }
0x85: {  	_ =	shalt  }
0x86: {  	_ =	shalt  }
0x87: {  	_ =	shalt  }
.Lfunc_end0:
.L_simem_size_0:
called_computation.5_lowered:
.L_overlay_start_0:
0x88: {  	s2 =	sld [smem:$0x3FD9]  }
0x89: {  	s3 =	sld [smem:$0x3FFE];
	_ =	sdelay $0x1  }
0x8a: {  	s1 =	srdreg.scid  }
0x8b: {  	s0 =	sand.u32 $0x1, s1  }
0x8c: {  	s17 =	sshll.u32 s0, $0xA;
	s2 =	sadd.s32 s3, s2  }
0x8d: {  	s2 =	sadd.s32 s2, s17  }
0x8e: {  	[smem:$0x3FB9] =	sst s2  }
0x8f: {  	_ = 	snop  }
0x90: {  	s18 =	sld [smem:$0x3FC9];
	(tm) =	ssettm $0x1  }
0x91: {  	s19 =	sld [smem:$0x3FFB];
	_ =	sdelay $0x3  }
0x92: {  	_ =	strace s19  }
0x93: {  	s2 =	sld [smem:$0x3FFC];
	_ =	sdelay $0x3  }
0x94: {  	_ =	strace s2  }
0x95: {  	s2 =	sld [smem:$0x3FFD];
	_ =	sdelay $0x3  }
0x96: {  	_ =	strace s2  }
0x97: {  	_ =	strace $0x8FFFFFFF  }
0x98: {  	s20 =	sld [smem:$0x3FDB];
	_ =	sdelay $0x1  }
0x99: {  	s4 =	simm.s32 $_scs_section_size  }
0x9a: {  	s5 =	simm.s32 $_size__tile_overlayer_lowered;
	s6 =	simm.s32 $_tile_overlayer_lowered  }
0x9b: {  	s7 =	simm.s32 $0x1BFF;
	s21 =	sshll.u32 s6, $0x1;
	s4 =	sadd.s32 s4, s20  }
0x9c: {  	s22 =	simm.s32 $0x0;
	s5 =	sshll.u32 s5, $0x1;
	s6 =	sadd.s32 s21, s4  }
0x9d: {  	[timem:s22], [sflag:s7] =	dma.local [hbm:s6], s5  }
0x9e: {  	_ =	swait.ge [sflag:s7], s5  }
0x9f: {  	s5 =	ssub.s32 $0x0, s5;
	[sflag:s7] =	ssyncset.done $0x0  }
0xa0: {  	[sflag:s7] =	ssyncadd.s32 s5;
	_ =	sdelay $0x1  }
0xa1: {  	s23 =	simm.s32 $0x1B8B  }
0xa2: {  	_ =	swait.ge [sflag:s23], $0x1  }
0xa3: {  	[sflag:s23] =	ssyncset.done $0x0  }
0xa4: {  	[sflag:s23] =	ssyncadd.s32 $0xFFFFFFFF  }
0xa5: {  	s5 =	sld [smem:$0x0]  }
0xa6: {  	s6 =	sand.u32 $0xFFFFFFFE, s1  }
0xa7: {  	p0 =	sne.s32 s1, s6  }
0xa8: {  	s6 =	sshll.u32 @p0 s6, $0xE  }
0xa9: {  	s6 =	sadd.s32 @p0 $0x11B8D, s6;
	s7 =	sshll.u32 @p0 s5, $0x11  }
0xaa: {  	s6 =	sor.u32 @p0 s7, s6  }
0xab: {  	[sflag:s6] =	ssyncadd.remote.s32 @p0 $0x1;
	_ =	sdelay $0x1  }
0xac: {  	s6 =	simm.s32 @p0 $0x1B8D  }
0xad: {  	_ =	swait.eq @p0 [sflag:s6], $0x1  }
0xae: {  	[sflag:s6] =	ssyncadd.s32 @p0 $0xFFFFFFFF  }
0xaf: {  	s7 =	sshll.u32 @!p0 s1, $0xE  }
0xb0: {  	s7 =	sor.u32 @!p0 $0x4000, s7;
	s6 =	simm.s32 @!p0 $0x1B8D  }
0xb1: {  	s5 =	sshll.u32 @!p0 s5, $0x11;
	s7 =	sadd.s32 @!p0 $0x11B8D, s7;
	_ =	swait.eq @!p0 [sflag:s6], $0x1  }
0xb2: {  	s5 =	sor.u32 @!p0 s5, s7;
	[sflag:s6] =	ssyncadd.s32 @!p0 $0xFFFFFFFF  }
0xb3: {  	s25 =	simm.s32 $0x1B8E;
	s24 =	sld [smem:$0x3FFE];
	[sflag:s5] =	ssyncadd.remote.s32 @!p0 $0x1  }
0xb4: {  	s26 =	simm.s32 $execute0_lowered;
	[smem:$0x3FD2] =	sst s25  }
0xb5: {  	s6 =	sshll.u32 s26, $0x1;
	_ =	strace $0x80000052;
	[dreg:$0x1] =	wrdreg $0xFFFFFFFF  }
0xb6: {  	s28 =	simm.s32 $_size_execute0_lowered;
	s4 =	sadd.s32 s4, s6;
	[dreg:$0x0] =	wrdreg $0x0  }
0xb7: {  	s6 =	sshll.u32 s28, $0x1;
	[dreg:$0x2] =	wrdreg s4  }
0xb8: {  	[dreg:$0x3] =	wrdreg s6  }
0xb9: {  	[dreg:$0x4] =	wrdreg $0xC0  }
0xba: {  	_ =	task [dreg:s22], $0x5FFFF  }
0xbb: {  	[dreg:$0x1] =	wrdreg $0xFFFFFFFF  }
0xbc: {  	[dreg:$0x0] =	wrdreg $0x60  }
0xbd: {  	[dreg:$0x2] =	wrdreg s18  }
0xbe: {  	[dreg:$0x3] =	wrdreg s24  }
0xbf: {  	[dreg:$0x4] =	wrdreg $0xC  }
0xc0: {  	_ =	task.clear_ibuf [dreg:s22], $0x5FFFF;
	_ =	strace $0x90000052  }
0xc1: {  	s29 =	simm.s32 $0xC;
	_ =	strace $0x80000054  }
0xc2: {  	_ =	swait.ge [sflag:s29], $0x1  }
0xc3: {  	[sflag:s29] =	ssyncadd.s32 $0xFFFFFFFF  }
0xc4: {  	_ =	strace $0x90000054  }
0xc5: {  	_ =	sfence  }
0xc6: {  	s30 =	sld [smem:$0x0];
	_ =	sdelay $0x2  }
0xc7: {  	s31 =	sshll.u32 s1, $0xD;
	s1 =	sshrl.u32 s1, $0x2  }
0xc8: {  	s4 =	sand.u32 $0x4000, s31;
	s1 =	sadd.s32 s1, s30  }
0xc9: {  	s0 =	sor.u32 s4, s0;
	s1 =	sshll.u32 s1, $0x11  }
0xca: {  	s0 =	sor.u32 s1, s0  }
0xcb: {  	s0 =	sadd.s32 $0x8F2B, s0  }
0xcc: {  	[sflag:s0] =	ssyncadd.remote.s32 $0x1  }
0xcd: {  	_ =	sfence.sel $0xFFFF  }
0xce: {  	[dreg:$0x0] =	wrdreg $0xFFFFFFFF;
	(pc) =	sbr.abs _section_cstart, $3  }
0xcf: {  	[dreg:$0x1] =	wrdreg $0xFFFFFFFF  }
0xd0: {  	_ =	task.clear_ibuf [dreg:s22], $0x2FFFF;
	_ =	strace $0x9FFFFFFF  }
0xd1: {  	(tm) =	ssettm $0x7FFFFFFF  }
tec
execute0_lowered:
.L_overlay_start_1:
0x0: {  	(tag) =	ssettag $0x1  }
0x1: {  	s2 =	rddreg [dreg:$0x0]  }
0x2: {  	s7 =	rddreg [dreg:$0x1]  }
0x3: {  	s0 =	rddreg [dreg:$0x2]  }
0x4: {  	s1 =	srdreg.scid;
	_ =	strace $0x80000053;
	s4 =	simm.s32 $0x1  }
0x5: {  	s9 =	simm.s32 $0x3;
	s12 =	simm.s32 $0x0;
	s5 =	sshll.u32 s1, $0x4  }
.Ltmp0:
0x6: {  	s1 =	stileid.u32;
	s5 =	sand.u32 $0x10, s5;
	(pc) =	sbr.rel .LBB2_1-.Ltmp0, $4  }
0x7: {  	s10 =	simm.s32 $0x0;
	s3 =	sadd.s32 $0x400, s7;
	s6 =	sor.u32 s1, s5  }
0x8: {  	[sflag:s4] =	ssyncpa.u1 $0x0;
	s5 =	simm.s32 $0x2;
	s6 =	sshll.u32 s6, $0x6  }
0x9: {  	s7 =	sadd.s32 $0x1BE00, s7;
	[sflag:s5] =	ssyncpa.u1 $0x0;
	s8 =	sadd.s32 $0x40, s6  }
0xa: {  	vm0 =	vmmov $0xff;
	vm1 =	vcmask $0x3F20;
	[sflag:s9] =	ssyncpa.u1 $0x0;
	s9 =	simm.s32 $0x40;
	s11 =	smov.u32 s6  }
.LBB2_9:
0xb: {  	p0 =	seq.s32 s10, $0x2  }
.Ltmp1:
0xc: {  	_ = 	snop;
	(pc) =	sbr.rel @p0 .LBB2_11-.Ltmp1, $1  }
0xd: {  	_ =	sdelay $0x3  }
.LBB2_10:
0xe: {  	s12 =	sadd.s32 $0x40, s11  }
0xf: {  	s13 =	smov.u32 s6;
	p0 =	slt.s32 s12, s8  }
0x10: {  	s13 =	smov.u32 @p0 s12  }
0x11: {  	s10 =	sadd.s32 $0x1, s10;
	s12 =	smov.u32 s11;
	s11 =	smov.u32 s13  }
.LBB2_1:
0x12: {  	p0 =	sne.s32 s10, $0x0  }
.Ltmp2:
0x13: {  	_ = 	snop;
	(pc) =	sbr.rel @!p0 .LBB2_2-.Ltmp2, $1  }
0x14: {  	_ =	sdelay $0x3  }
0x15: {  	s13 =	sand.u32 $0x1, s10  }
0x16: {  	p0 =	seq.s32 s13, $0x0  }
.Ltmp3:
0x17: {  	_ = 	snop;
	(pc) =	sbr.rel @p0 .LBB2_9-.Ltmp3, $1  }
0x18: {  	_ =	sdelay $0x3  }
0x19: {  	_ =	swait.ge [sflag:s5], $0x40  }
0x1a: {  	[sflag:s5] =	ssyncset.done $0x0  }
0x1b: {  	s13 =	simm.s32 $0x0;
	[sflag:s5] =	ssyncadd.s32 $0xFFFFFFC0  }
0x1c: {  	v0 =	vld.msk [tilespmem:s13+$0x40 ss:$0x1], $0xffff;
	_ =	sdelay $0x4  }
0x1d: {  	vm2 =	vgt.s32 v0, $0x0  }
0x1e: {  	v0 =	vnsel vm2, $0x0, v0  }
0x1f: {  	v0 =	vmin.u32 v0, $0x7FF  }
0x20: {  	v0 =	vshll.u32 v0, $0x4;
	_ =	sdelay $0x3  }
0x21: {  	s13 =	simm.s32 $0x2080  }
0x22: {  	[tilespmem:s13], [sflag:$0x1] =	stream.indirect_vreg.gather [hbm:s2], $0x80, v0, vm0, $0x38;
	[tilespmem:$0x4080] =	vst v63  }
0x23: {  	s14 =	simm.s32 $0x2480;
	s31 =	simm.s32 $0x10  }
0x24: {  	[tilespmem:s14], [sflag:$0x1] =	stream.indirect_vreg.gather [hbm:s2], $0x80, v0, vm1, $0x38;
	[tilespmem:$0x4080] =	vst v63  }
0x25: {  	s14 =	simm.s32 $0x80;
	v0 =	vld.msk [tilespmem:s31+$0x40 ss:$0x1], $0xffff  }
.LBB2_5:
0x26: {  	p0 =	sne.s32 s14, $0xC0;
	_ =	sdelay $0x4  }
0x27: {  	vm2 =	vgt.s32 v0, $0x0  }
0x28: {  	v0 =	vnsel vm2, $0x0, v0  }
0x29: {  	v0 =	vmin.u32 v0, $0x7FF  }
0x2a: {  	v0 =	vshll.u32 v0, $0x4;
	_ =	sdelay $0x3  }
.Ltmp4:
0x2b: {  	s13 =	sadd.s32 $0x800, s13;
	(pc) =	sbr.rel @p0 .LBB2_5-.Ltmp4, $4  }
0x2c: {  	[tilespmem:s13], [sflag:$0x1] =	stream.indirect_vreg.gather [hbm:s2], $0x80, v0, vm0, $0x38;
	[tilespmem:$0x4080] =	vst v63  }
0x2d: {  	s15 =	sshra.s32 s14, $0x2;
	s16 =	sadd.s32 $0x400, s13  }
0x2e: {  	[tilespmem:s16], [sflag:$0x1] =	stream.indirect_vreg.gather [hbm:s2], $0x80, v0, vm1, $0x38;
	[tilespmem:$0x4080] =	vst v63  }
0x2f: {  	s14 =	sadd.s32 $0x40, s14;
	v0 =	vld.msk [tilespmem:s15+$0x40 ss:$0x1], $0xffff  }
0x30: {  	_ =	sdelay $0x3  }
0x31: {  	vm2 =	vgt.s32 v0, $0x0  }
0x32: {  	v0 =	vnsel vm2, $0x0, v0  }
0x33: {  	v0 =	vmin.u32 v0, $0x7FF  }
0x34: {  	v0 =	vshll.u32 v0, $0x4;
	_ =	sdelay $0x3  }
0x35: {  	s13 =	sadd.s32 $0x800, s13  }
0x36: {  	[tilespmem:s13], [sflag:$0x1] =	stream.indirect_vreg.gather [hbm:s2], $0x80, v0, vm0, $0x38;
	[tilespmem:$0x4080] =	vst v63  }
0x37: {  	s13 =	sadd.s32 $0x400, s13  }
0x38: {  	[tilespmem:s13], [sflag:$0x1] =	stream.indirect_vreg.gather [hbm:s2], $0x80, v0, vm1, $0x38;
	[tilespmem:$0x4080] =	vst v63  }
0x39: {  	s12 =	sshll.u32 s12, $0x4;
	s14 =	simm.s32 $0x80;
	_ =	swait.ge [sflag:s4], $0x2000  }
0x3a: {  	s15 =	simm.s32 $0x2480;
	s12 =	sadd.s32 s12, s7;
	[sflag:s4] =	ssyncset.done $0x0  }
0x3b: {  	s16 =	sadd.s32 $0x0, s12;
	s13 =	simm.s32 $0x2080;
	[sflag:s4] =	ssyncadd.s32 $0xFFFFE000  }
.LBB2_7:
0x3c: {  	[hbm:s16] =	stream.linear.scatter [tilespmem:s13], [sflag:$0x3], $0x400, $0x38;
	[tilespmem:$0x4080] =	vst v63  }
0x3d: {  	s16 =	smov.u32 s14;
	s13 =	smov.u32 s15;
	p0 =	sne.s32 s14, $0x380  }
.Ltmp5:
0x3e: {  	s14 =	sadd.s32 $0x80, s14;
	(pc) =	sbr.rel @p0 .LBB2_7-.Ltmp5, $2  }
0x3f: {  	_ =	sdelay $0x2  }
0x40: {  	s15 =	sadd.s32 $0x400, s15;
	s16 =	sadd.s32 s16, s12  }
.Ltmp6:
0x41: {  	(pc) =	sbr.rel .LBB2_9-.Ltmp6, $2  }
0x42: {  	_ =	sdelay $0x2  }
0x43: {  	[hbm:s16] =	stream.linear.scatter [tilespmem:s13], [sflag:$0x3], $0x400, $0x38;
	[tilespmem:$0x4080] =	vst v63  }
.LBB2_2:
.Ltmp7:
0x44: {  	(pc) =	sbr.rel .LBB2_10-.Ltmp7, $4  }
0x45: {  	_ = 	snop  }
0x46: {  	s12 =	sshrl.u32 s11, $0x3  }
0x47: {  	s13 =	sand.u32 $0x7, s11;
	s12 =	sadd.s32 s3, s12  }
0x48: {  	[tilespmem:s9], [sflag:$0x2] =	stream.linear.gather [hbm4b:s12+s13], $0x40, $0x38;
	[tilespmem:$0x4080] =	vst v63  }
.LBB2_11:
0x49: {  	s2 =	simm.s32 $0x3  }
0x4a: {  	_ =	swait.ge [sflag:s2], $0x2000  }
0x4b: {  	[sflag:s2] =	ssyncset.done $0x0  }
0x4c: {  	[sflag:s2] =	ssyncadd.s32 $0xFFFFE000  }
0x4d: {  	_ =	sfence.sel $0x180000  }
0x4e: {  	s3 =	simm.s32 $0x2;
	[bflag:$0x0] =	sbarrier.arrive $0xFFFF  }
0x4f: {  	[sflag:s3] =	ssyncpa.u1 $0x1  }
0x50: {  	s31 =	simm.s32 $0x1;
	[sflag:s2] =	ssyncpa.u1 $0x1  }
0x51: {  	[sflag:s31] =	ssyncpa.u1 $0x1  }
0x52: {  	p0 =	sne.s32 s1, $0x0;
	_ =	strace $0x90000053  }
0x53: {  	s0 =	sadd.s32 @!p0 $0x100000, s0;
	[bflag:$0x2] =	sbarrier.arrive $0xFFFF  }
0x54: {  	[sflag:s0] =	ssyncadd.tile.s32 @!p0 $0x1;
	_ =	shalt  }
.Lfunc_end2:
_tile_overlayer_lowered:
.L_overlay_start_2:
0x55: {  	(tag) =	ssettag $0x2  }
0x56: {  	s0 =	rddreg [dreg:$0x0];
	s2 =	stileid.u32  }
0x57: {  	s1 =	rddreg [dreg:$0x1];
	p0 =	sne.s32 s2, $0x0  }
0x58: {  	s3 =	rddreg [dreg:$0x2];
	[bflag:$0x3] =	sbarrier.arrive $0xFFFF;
	s2 =	simm.s32 @!p0 $0x1C01  }
0x59: {  	[timem:s3], [sflag:s2] =	dma.local @!p0 [hbm:s0], s1  }
0x5a: {  	s0 =	simm.s32 @!p0 $0x1  }
0x5b: {  	_ =	swait.ge @!p0 [sflag:s0], s1  }
0x5c: {  	s1 =	ssub.s32 @!p0 $0x0, s1;
	[sflag:s0] =	ssyncset.done @!p0 $0x0  }
0x5d: {  	[sflag:s0] =	ssyncadd.s32 @!p0 s1  }
0x5e: {  	[bflag:$0x3] =	sbarrier.arrive $0xFFFF  }
0x5f: {  	_ =	shalt  }

// kernel: gather_offload_async_start
scs
__scs_entry_jumppad:
0x0: {  	(pc) =	sbr.rel $0x88, $3  }
0x1: {  	(tag) =	ssettag $0x0;
	lr =	simm.s32 $0x1  }
0x2: {  	[smem:$0x3F92] =	sst lr;
	_ =	strace $0xD0000000  }
0x3: {  	_ = 	snop  }
0x4: {  	_ = 	snop  }
0x5: {  	_ = 	snop  }
0x6: {  	_ = 	snop  }
0x7: {  	_ = 	snop  }
__scs_overlays_trampoline_lowered:
0x8: {  	[smem:$0x3FA1] =	sst s0  }
0x9: {  	[smem:$0x3FA2] =	sst s1  }
0xa: {  	[smem:$0x3FA3] =	sst s2  }
0xb: {  	[smem:$0x3FA4] =	sst s3  }
0xc: {  	[smem:$0x3FA5] =	sst s4  }
0xd: {  	[smem:$0x3FA6] =	sst s5  }
0xe: {  	[smem:$0x3FA7] =	sst s6  }
0xf: {  	[smem:$0x3FA8] =	sst s7  }
0x10: {  	[smem:$0x3FA9] =	sst s8  }
0x11: {  	[smem:$0x3FAA] =	sst s9;
	s0 =	simm.s32 @!p0 $0x0  }
0x12: {  	s1 =	sld [smem:$0x3F90];
	s0 =	simm.s32 @p0 $0x1  }
0x13: {  	[smem:$0x3FAB] =	sst s0;
	s0 =	simm.s32 @!p1 $0x0  }
0x14: {  	s2 =	sld [smem:$0x3F8F];
	s0 =	simm.s32 @p1 $0x1  }
0x15: {  	[smem:$0x3FAC] =	sst s0;
	s0 =	simm.s32 @!p2 $0x0  }
0x16: {  	s3 =	sld [smem:$0x3FDB];
	s0 =	simm.s32 @p2 $0x1  }
0x17: {  	s4 =	simm.s32 $0x1BF5;
	[smem:$0x3FAE] =	sst s0  }
0x18: {  	s0 =	sld [smem:$0x3F91];
	_ =	swait.ge [sflag:s4], $0x0  }
0x19: {  	s7 =	sld [smem:$0x3F92]  }
0x1a: {  	s8 =	sadd.s32 $0xFFFFE003, lr  }
0x1b: {  	s9 =	sadd.s32 $0xFFFFFEF7, lr;
	s5 =	simm.s32 $0xFFFFFFFF;
	p2 =	slt.u32 s8, $0xFFFFF086  }
0x1c: {  	p1 =	slt.u32 s9, $0xF7A;
	s5 =	simm.s32 @!p2 $0x0  }
0x1d: {  	s5 =	simm.s32 @p1 $0x1;
	p0 =	seq.s32 s7, s2  }
0x1e: {  	s7 =	smul.u32 @!p0 $0xF7A, s2;
	p2 =	seq.s32 @!p0 s5, $0x0  }
0x1f: {  	s9 =	smul.u32 $0xF7A, s1;
	s8 =	simm.s32 @!p0 $0x1BF5;
	p2 =	por !p2, p0  }
0x20: {  	[sflag:s8] =	ssyncset.s32 @!p0 $0xFFFFF086;
	s6 =	sadd.s32 @!p0 s3, s7;
	s7 =	simm.s32 @!p0 $0x108  }
0x21: {  	s3 =	sadd.s32 s3, s9;
	s6 =	sadd.s32 @!p0 $0x88, s6;
	s7 =	simm.s32 @p2 $0x1082  }
0x22: {  	[simem:s7], [sflag:s8] =	dma.local @!p0 [hbm:s6], $0xF7A  }
0x23: {  	s9 =	sor.u32 $0xD0000000, s2;
	s6 =	simm.s32 $0x108;
	_ =	swait.ge @!p0 [sflag:s8], $0x0  }
0x24: {  	s3 =	sadd.s32 $0x88, s3;
	s6 =	simm.s32 @!p1 $0x1082;
	[sflag:s4] =	ssyncset.s32 $0xFFFFF086  }
0x25: {  	[simem:s6], [sflag:s4] =	dma.local [hbm:s3], $0xF7A  }
0x26: {  	[smem:$0x3F92] =	sst s1;
	(tag) =	ssettag s2;
	_ =	strace s9  }
0x27: {  	s1 =	sld [smem:$0x3FA2]  }
0x28: {  	s2 =	sld [smem:$0x3FA3]  }
0x29: {  	s4 =	sld [smem:$0x3FA5]  }
0x2a: {  	p0 =	seq.s32 s5, $0x0;
	s5 =	sld [smem:$0x3FA6]  }
0x2b: {  	s6 =	sld [smem:$0x3FA7]  }
0x2c: {  	s7 =	sld [smem:$0x3FA8]  }
0x2d: {  	s3 =	simm.s32 $0x108;
	s8 =	sld [smem:$0x3FA9]  }
0x2e: {  	s3 =	simm.s32 @!p0 $0x1082;
	s9 =	sld [smem:$0x3FAA]  }
0x2f: {  	lr =	sadd.s32 s0, s3;
	s0 =	sld [smem:$0x3FA1]  }
0x30: {  	s3 =	sld [smem:$0x3FA4]  }
0x31: {  	[smem:$0x3FAD] =	sst s10  }
0x32: {  	s10 =	sld [smem:$0x3FAB];
	_ =	sdelay $0x3  }
0x33: {  	p0 =	seq.s32 s10, $0x1;
	s10 =	sld [smem:$0x3FAD];
	_ =	sdelay $0x3  }
0x34: {  	[smem:$0x3FAD] =	sst s10  }
0x35: {  	s10 =	sld [smem:$0x3FAC];
	_ =	sdelay $0x3  }
0x36: {  	p1 =	seq.s32 s10, $0x1;
	s10 =	sld [smem:$0x3FAD];
	_ =	sdelay $0x3  }
0x37: {  	[smem:$0x3FAD] =	sst s10  }
0x38: {  	s10 =	sld [smem:$0x3FAE]  }
0x39: {  	_ = 	snop;
	(pc) =	sbr.ind lr, $3  }
0x3a: {  	_ = 	snop  }
0x3b: {  	_ = 	snop  }
0x3c: {  	p2 =	seq.s32 s10, $0x1;
	s10 =	sld [smem:$0x3FAD]  }
0x3d: {  	_ =	shalt  }
0x3e: {  	_ =	shalt  }
0x3f: {  	_ =	shalt  }
0x40: {  	_ =	shalt  }
0x41: {  	_ =	shalt  }
0x42: {  	_ =	shalt  }
0x43: {  	_ =	shalt  }
0x44: {  	_ =	shalt  }
0x45: {  	_ =	shalt  }
0x46: {  	_ =	shalt  }
0x47: {  	_ =	shalt  }
0x48: {  	_ =	shalt  }
0x49: {  	_ =	shalt  }
0x4a: {  	_ =	shalt  }
0x4b: {  	_ =	shalt  }
0x4c: {  	_ =	shalt  }
0x4d: {  	_ =	shalt  }
0x4e: {  	_ =	shalt  }
0x4f: {  	_ =	shalt  }
0x50: {  	_ =	shalt  }
0x51: {  	_ =	shalt  }
0x52: {  	_ =	shalt  }
0x53: {  	_ =	shalt  }
0x54: {  	_ =	shalt  }
0x55: {  	_ =	shalt  }
0x56: {  	_ =	shalt  }
0x57: {  	_ =	shalt  }
0x58: {  	_ =	shalt  }
0x59: {  	_ =	shalt  }
0x5a: {  	_ =	shalt  }
0x5b: {  	_ =	shalt  }
0x5c: {  	_ =	shalt  }
0x5d: {  	_ =	shalt  }
0x5e: {  	_ =	shalt  }
0x5f: {  	_ =	shalt  }
0x60: {  	_ =	shalt  }
0x61: {  	_ =	shalt  }
0x62: {  	_ =	shalt  }
0x63: {  	_ =	shalt  }
0x64: {  	_ =	shalt  }
0x65: {  	_ =	shalt  }
0x66: {  	_ =	shalt  }
0x67: {  	_ =	shalt  }
0x68: {  	_ =	shalt  }
0x69: {  	_ =	shalt  }
0x6a: {  	_ =	shalt  }
0x6b: {  	_ =	shalt  }
0x6c: {  	_ =	shalt  }
0x6d: {  	_ =	shalt  }
0x6e: {  	_ =	shalt  }
0x6f: {  	_ =	shalt  }
0x70: {  	_ =	shalt  }
0x71: {  	_ =	shalt  }
0x72: {  	_ =	shalt  }
0x73: {  	_ =	shalt  }
0x74: {  	_ =	shalt  }
0x75: {  	_ =	shalt  }
0x76: {  	_ =	shalt  }
0x77: {  	_ =	shalt  }
0x78: {  	_ =	shalt  }
0x79: {  	_ =	shalt  }
0x7a: {  	_ =	shalt  }
0x7b: {  	_ =	shalt  }
0x7c: {  	_ =	shalt  }
0x7d: {  	_ =	shalt  }
0x7e: {  	_ =	shalt  }
0x7f: {  	_ =	shalt  }
0x80: {  	_ =	shalt  }
0x81: {  	_ =	shalt  }
0x82: {  	_ =	shalt  }
0x83: {  	_ =	shalt  }
0x84: {  	_ =	shalt  }
0x85: {  	_ =	shalt  }
0x86: {  	_ =	shalt  }
0x87: {  	_ =	shalt  }
.Lfunc_end0:
.L_simem_size_0:
called_computation.2_lowered:
.L_overlay_start_0:
0x88: {  	s2 =	sld [smem:$0x3FD9]  }
0x89: {  	s3 =	sld [smem:$0x3FFE];
	_ =	sdelay $0x1  }
0x8a: {  	s1 =	srdreg.scid  }
0x8b: {  	s0 =	sand.u32 $0x1, s1  }
0x8c: {  	s17 =	sshll.u32 s0, $0xA;
	s2 =	sadd.s32 s3, s2  }
0x8d: {  	s2 =	sadd.s32 s2, s17  }
0x8e: {  	[smem:$0x3FB9] =	sst s2  }
0x8f: {  	_ = 	snop  }
0x90: {  	s18 =	sld [smem:$0x3FC7];
	(tm) =	ssettm $0x1  }
0x91: {  	s19 =	sld [smem:$0x3FFB];
	_ =	sdelay $0x3  }
0x92: {  	_ =	strace s19  }
0x93: {  	s2 =	sld [smem:$0x3FFC];
	_ =	sdelay $0x3  }
0x94: {  	_ =	strace s2  }
0x95: {  	s2 =	sld [smem:$0x3FFD];
	_ =	sdelay $0x3  }
0x96: {  	_ =	strace s2  }
0x97: {  	_ =	strace $0x8FFFFFFF  }
0x98: {  	s20 =	sld [smem:$0x3FDB];
	_ =	sdelay $0x1  }
0x99: {  	s4 =	simm.s32 $_scs_section_size  }
0x9a: {  	s5 =	simm.s32 $_size__tile_overlayer_lowered;
	s6 =	simm.s32 $_tile_overlayer_lowered  }
0x9b: {  	s7 =	simm.s32 $0x1BFF;
	s21 =	sshll.u32 s6, $0x1;
	s4 =	sadd.s32 s4, s20  }
0x9c: {  	s22 =	simm.s32 $0x0;
	s5 =	sshll.u32 s5, $0x1;
	s6 =	sadd.s32 s21, s4  }
0x9d: {  	[timem:s22], [sflag:s7] =	dma.local [hbm:s6], s5  }
0x9e: {  	_ =	swait.ge [sflag:s7], s5  }
0x9f: {  	s5 =	ssub.s32 $0x0, s5;
	[sflag:s7] =	ssyncset.done $0x0  }
0xa0: {  	[sflag:s7] =	ssyncadd.s32 s5;
	_ =	sdelay $0x1  }
0xa1: {  	s23 =	simm.s32 $0x1B8B  }
0xa2: {  	_ =	swait.ge [sflag:s23], $0x1  }
0xa3: {  	[sflag:s23] =	ssyncset.done $0x0  }
0xa4: {  	[sflag:s23] =	ssyncadd.s32 $0xFFFFFFFF  }
0xa5: {  	s5 =	sld [smem:$0x0]  }
0xa6: {  	s6 =	sand.u32 $0xFFFFFFFE, s1  }
0xa7: {  	p0 =	sne.s32 s1, s6  }
0xa8: {  	s6 =	sshll.u32 @p0 s6, $0xE  }
0xa9: {  	s6 =	sadd.s32 @p0 $0x11B8D, s6;
	s7 =	sshll.u32 @p0 s5, $0x11  }
0xaa: {  	s6 =	sor.u32 @p0 s7, s6  }
0xab: {  	[sflag:s6] =	ssyncadd.remote.s32 @p0 $0x1;
	_ =	sdelay $0x1  }
0xac: {  	s6 =	simm.s32 @p0 $0x1B8D  }
0xad: {  	_ =	swait.eq @p0 [sflag:s6], $0x1  }
0xae: {  	[sflag:s6] =	ssyncadd.s32 @p0 $0xFFFFFFFF  }
0xaf: {  	s7 =	sshll.u32 @!p0 s1, $0xE  }
0xb0: {  	s7 =	sor.u32 @!p0 $0x4000, s7;
	s6 =	simm.s32 @!p0 $0x1B8D  }
0xb1: {  	s5 =	sshll.u32 @!p0 s5, $0x11;
	s7 =	sadd.s32 @!p0 $0x11B8D, s7;
	_ =	swait.eq @!p0 [sflag:s6], $0x1  }
0xb2: {  	s5 =	sor.u32 @!p0 s5, s7;
	[sflag:s6] =	ssyncadd.s32 @!p0 $0xFFFFFFFF  }
0xb3: {  	s25 =	simm.s32 $0x1B8E;
	s24 =	sld [smem:$0x3FFE];
	[sflag:s5] =	ssyncadd.remote.s32 @!p0 $0x1  }
0xb4: {  	s26 =	simm.s32 $execute0_lowered;
	[smem:$0x3FD2] =	sst s25  }
0xb5: {  	s6 =	sshll.u32 s26, $0x1;
	_ =	strace $0x80000055;
	[dreg:$0x1] =	wrdreg $0xFFFFFFFF  }
0xb6: {  	s28 =	simm.s32 $_size_execute0_lowered;
	s4 =	sadd.s32 s4, s6;
	[dreg:$0x0] =	wrdreg $0x0  }
0xb7: {  	s6 =	sshll.u32 s28, $0x1;
	[dreg:$0x2] =	wrdreg s4  }
0xb8: {  	[dreg:$0x3] =	wrdreg s6  }
0xb9: {  	[dreg:$0x4] =	wrdreg $0xC0  }
0xba: {  	_ =	task [dreg:s22], $0x5FFFF  }
0xbb: {  	[dreg:$0x1] =	wrdreg $0xFFFFFFFF  }
0xbc: {  	[dreg:$0x0] =	wrdreg $0x60  }
0xbd: {  	[dreg:$0x2] =	wrdreg s18  }
0xbe: {  	[dreg:$0x3] =	wrdreg s24  }
0xbf: {  	[dreg:$0x4] =	wrdreg $0x9  }
0xc0: {  	_ =	task.clear_ibuf [dreg:s22], $0x5FFFF;
	_ =	strace $0x90000055  }
0xc1: {  	s29 =	simm.s32 $0x9;
	_ =	strace $0x80000057  }
0xc2: {  	_ =	swait.ge [sflag:s29], $0x1  }
0xc3: {  	[sflag:s29] =	ssyncadd.s32 $0xFFFFFFFF  }
0xc4: {  	_ =	strace $0x90000057  }
0xc5: {  	_ =	sfence  }
0xc6: {  	s30 =	sld [smem:$0x0];
	_ =	sdelay $0x2  }
0xc7: {  	s31 =	sshll.u32 s1, $0xD;
	s1 =	sshrl.u32 s1, $0x2  }
0xc8: {  	s4 =	sand.u32 $0x4000, s31;
	s1 =	sadd.s32 s1, s30  }
0xc9: {  	s0 =	sor.u32 s4, s0;
	s1 =	sshll.u32 s1, $0x11  }
0xca: {  	s0 =	sor.u32 s1, s0  }
0xcb: {  	s0 =	sadd.s32 $0x8F2B, s0  }
0xcc: {  	[sflag:s0] =	ssyncadd.remote.s32 $0x1  }
0xcd: {  	_ =	sfence.sel $0xFFFF  }
0xce: {  	[dreg:$0x0] =	wrdreg $0xFFFFFFFF;
	(pc) =	sbr.abs _section_cstart, $3  }
0xcf: {  	[dreg:$0x1] =	wrdreg $0xFFFFFFFF  }
0xd0: {  	_ =	task.clear_ibuf [dreg:s22], $0x2FFFF;
	_ =	strace $0x9FFFFFFF  }
0xd1: {  	(tm) =	ssettm $0x7FFFFFFF  }
tec
execute0_lowered:
.L_overlay_start_1:
0x0: {  	(tag) =	ssettag $0x1  }
0x1: {  	s2 =	rddreg [dreg:$0x0]  }
0x2: {  	s7 =	rddreg [dreg:$0x1]  }
0x3: {  	s0 =	rddreg [dreg:$0x2]  }
0x4: {  	s1 =	srdreg.scid;
	_ =	strace $0x80000056;
	s4 =	simm.s32 $0x1  }
0x5: {  	s9 =	simm.s32 $0x3;
	s12 =	simm.s32 $0x0;
	s5 =	sshll.u32 s1, $0x4  }
.Ltmp0:
0x6: {  	s1 =	stileid.u32;
	s5 =	sand.u32 $0x10, s5;
	(pc) =	sbr.rel .LBB2_1-.Ltmp0, $4  }
0x7: {  	s10 =	simm.s32 $0x0;
	s3 =	sadd.s32 $0x600, s7;
	s6 =	sor.u32 s1, s5  }
0x8: {  	[sflag:s4] =	ssyncpa.u1 $0x0;
	s5 =	simm.s32 $0x2;
	s6 =	sshll.u32 s6, $0x6  }
0x9: {  	s7 =	sadd.s32 $0x24800, s7;
	[sflag:s5] =	ssyncpa.u1 $0x0;
	s8 =	sadd.s32 $0x40, s6  }
0xa: {  	vm0 =	vmmov $0xff;
	vm1 =	vcmask $0x3F20;
	[sflag:s9] =	ssyncpa.u1 $0x0;
	s9 =	simm.s32 $0x40;
	s11 =	smov.u32 s6  }
.LBB2_9:
0xb: {  	p0 =	seq.s32 s10, $0x2  }
.Ltmp1:
0xc: {  	_ = 	snop;
	(pc) =	sbr.rel @p0 .LBB2_11-.Ltmp1, $1  }
0xd: {  	_ =	sdelay $0x3  }
.LBB2_10:
0xe: {  	s12 =	sadd.s32 $0x40, s11  }
0xf: {  	s13 =	smov.u32 s6;
	p0 =	slt.s32 s12, s8  }
0x10: {  	s13 =	smov.u32 @p0 s12  }
0x11: {  	s10 =	sadd.s32 $0x1, s10;
	s12 =	smov.u32 s11;
	s11 =	smov.u32 s13  }
.LBB2_1:
0x12: {  	p0 =	sne.s32 s10, $0x0  }
.Ltmp2:
0x13: {  	_ = 	snop;
	(pc) =	sbr.rel @!p0 .LBB2_2-.Ltmp2, $1  }
0x14: {  	_ =	sdelay $0x3  }
0x15: {  	s13 =	sand.u32 $0x1, s10  }
0x16: {  	p0 =	seq.s32 s13, $0x0  }
.Ltmp3:
0x17: {  	_ = 	snop;
	(pc) =	sbr.rel @p0 .LBB2_9-.Ltmp3, $1  }
0x18: {  	_ =	sdelay $0x3  }
0x19: {  	_ =	swait.ge [sflag:s5], $0x40  }
0x1a: {  	[sflag:s5] =	ssyncset.done $0x0  }
0x1b: {  	s13 =	simm.s32 $0x0;
	[sflag:s5] =	ssyncadd.s32 $0xFFFFFFC0  }
0x1c: {  	v0 =	vld.msk [tilespmem:s13+$0x40 ss:$0x1], $0xffff;
	_ =	sdelay $0x4  }
0x1d: {  	vm2 =	vgt.s32 v0, $0x0  }
0x1e: {  	v0 =	vnsel vm2, $0x0, v0  }
0x1f: {  	v0 =	vmin.u32 v0, $0x7FF  }
0x20: {  	v0 =	vshll.u32 v0, $0x4;
	_ =	sdelay $0x3  }
0x21: {  	s13 =	simm.s32 $0x2080  }
0x22: {  	[tilespmem:s13], [sflag:$0x1] =	stream.indirect_vreg.gather [hbm:s2], $0x80, v0, vm0, $0x38;
	[tilespmem:$0x4080] =	vst v63  }
0x23: {  	s14 =	simm.s32 $0x2480;
	s31 =	simm.s32 $0x10  }
0x24: {  	[tilespmem:s14], [sflag:$0x1] =	stream.indirect_vreg.gather [hbm:s2], $0x80, v0, vm1, $0x38;
	[tilespmem:$0x4080] =	vst v63  }
0x25: {  	s14 =	simm.s32 $0x80;
	v0 =	vld.msk [tilespmem:s31+$0x40 ss:$0x1], $0xffff  }
.LBB2_5:
0x26: {  	p0 =	sne.s32 s14, $0xC0;
	_ =	sdelay $0x4  }
0x27: {  	vm2 =	vgt.s32 v0, $0x0  }
0x28: {  	v0 =	vnsel vm2, $0x0, v0  }
0x29: {  	v0 =	vmin.u32 v0, $0x7FF  }
0x2a: {  	v0 =	vshll.u32 v0, $0x4;
	_ =	sdelay $0x3  }
.Ltmp4:
0x2b: {  	s13 =	sadd.s32 $0x800, s13;
	(pc) =	sbr.rel @p0 .LBB2_5-.Ltmp4, $4  }
0x2c: {  	[tilespmem:s13], [sflag:$0x1] =	stream.indirect_vreg.gather [hbm:s2], $0x80, v0, vm0, $0x38;
	[tilespmem:$0x4080] =	vst v63  }
0x2d: {  	s15 =	sshra.s32 s14, $0x2;
	s16 =	sadd.s32 $0x400, s13  }
0x2e: {  	[tilespmem:s16], [sflag:$0x1] =	stream.indirect_vreg.gather [hbm:s2], $0x80, v0, vm1, $0x38;
	[tilespmem:$0x4080] =	vst v63  }
0x2f: {  	s14 =	sadd.s32 $0x40, s14;
	v0 =	vld.msk [tilespmem:s15+$0x40 ss:$0x1], $0xffff  }
0x30: {  	_ =	sdelay $0x3  }
0x31: {  	vm2 =	vgt.s32 v0, $0x0  }
0x32: {  	v0 =	vnsel vm2, $0x0, v0  }
0x33: {  	v0 =	vmin.u32 v0, $0x7FF  }
0x34: {  	v0 =	vshll.u32 v0, $0x4;
	_ =	sdelay $0x3  }
0x35: {  	s13 =	sadd.s32 $0x800, s13  }
0x36: {  	[tilespmem:s13], [sflag:$0x1] =	stream.indirect_vreg.gather [hbm:s2], $0x80, v0, vm0, $0x38;
	[tilespmem:$0x4080] =	vst v63  }
0x37: {  	s13 =	sadd.s32 $0x400, s13  }
0x38: {  	[tilespmem:s13], [sflag:$0x1] =	stream.indirect_vreg.gather [hbm:s2], $0x80, v0, vm1, $0x38;
	[tilespmem:$0x4080] =	vst v63  }
0x39: {  	s12 =	sshll.u32 s12, $0x4;
	s14 =	simm.s32 $0x80;
	_ =	swait.ge [sflag:s4], $0x2000  }
0x3a: {  	s15 =	simm.s32 $0x2480;
	s12 =	sadd.s32 s12, s7;
	[sflag:s4] =	ssyncset.done $0x0  }
0x3b: {  	s16 =	sadd.s32 $0x0, s12;
	s13 =	simm.s32 $0x2080;
	[sflag:s4] =	ssyncadd.s32 $0xFFFFE000  }
.LBB2_7:
0x3c: {  	[hbm:s16] =	stream.linear.scatter [tilespmem:s13], [sflag:$0x3], $0x400, $0x38;
	[tilespmem:$0x4080] =	vst v63  }
0x3d: {  	s16 =	smov.u32 s14;
	s13 =	smov.u32 s15;
	p0 =	sne.s32 s14, $0x380  }
.Ltmp5:
0x3e: {  	s14 =	sadd.s32 $0x80, s14;
	(pc) =	sbr.rel @p0 .LBB2_7-.Ltmp5, $2  }
0x3f: {  	_ =	sdelay $0x2  }
0x40: {  	s15 =	sadd.s32 $0x400, s15;
	s16 =	sadd.s32 s16, s12  }
.Ltmp6:
0x41: {  	(pc) =	sbr.rel .LBB2_9-.Ltmp6, $2  }
0x42: {  	_ =	sdelay $0x2  }
0x43: {  	[hbm:s16] =	stream.linear.scatter [tilespmem:s13], [sflag:$0x3], $0x400, $0x38;
	[tilespmem:$0x4080] =	vst v63  }
.LBB2_2:
.Ltmp7:
0x44: {  	(pc) =	sbr.rel .LBB2_10-.Ltmp7, $4  }
0x45: {  	_ = 	snop  }
0x46: {  	s12 =	sshrl.u32 s11, $0x3  }
0x47: {  	s13 =	sand.u32 $0x7, s11;
	s12 =	sadd.s32 s3, s12  }
0x48: {  	[tilespmem:s9], [sflag:$0x2] =	stream.linear.gather [hbm4b:s12+s13], $0x40, $0x38;
	[tilespmem:$0x4080] =	vst v63  }
.LBB2_11:
0x49: {  	s2 =	simm.s32 $0x3  }
0x4a: {  	_ =	swait.ge [sflag:s2], $0x2000  }
0x4b: {  	[sflag:s2] =	ssyncset.done $0x0  }
0x4c: {  	[sflag:s2] =	ssyncadd.s32 $0xFFFFE000  }
0x4d: {  	_ =	sfence.sel $0x180000  }
0x4e: {  	s3 =	simm.s32 $0x2;
	[bflag:$0x0] =	sbarrier.arrive $0xFFFF  }
0x4f: {  	[sflag:s3] =	ssyncpa.u1 $0x1  }
0x50: {  	s31 =	simm.s32 $0x1;
	[sflag:s2] =	ssyncpa.u1 $0x1  }
0x51: {  	[sflag:s31] =	ssyncpa.u1 $0x1  }
0x52: {  	p0 =	sne.s32 s1, $0x0;
	_ =	strace $0x90000056  }
0x53: {  	s0 =	sadd.s32 @!p0 $0x100000, s0;
	[bflag:$0x2] =	sbarrier.arrive $0xFFFF  }
0x54: {  	[sflag:s0] =	ssyncadd.tile.s32 @!p0 $0x1;
	_ =	shalt  }
.Lfunc_end2:
_tile_overlayer_lowered:
.L_overlay_start_2:
0x55: {  	(tag) =	ssettag $0x2  }
0x56: {  	s0 =	rddreg [dreg:$0x0];
	s2 =	stileid.u32  }
0x57: {  	s1 =	rddreg [dreg:$0x1];
	p0 =	sne.s32 s2, $0x0  }
0x58: {  	s3 =	rddreg [dreg:$0x2];
	[bflag:$0x3] =	sbarrier.arrive $0xFFFF;
	s2 =	simm.s32 @!p0 $0x1C01  }
0x59: {  	[timem:s3], [sflag:s2] =	dma.local @!p0 [hbm:s0], s1  }
0x5a: {  	s0 =	simm.s32 @!p0 $0x1  }
0x5b: {  	_ =	swait.ge @!p0 [sflag:s0], s1  }
0x5c: {  	s1 =	ssub.s32 @!p0 $0x0, s1;
	[sflag:s0] =	ssyncset.done @!p0 $0x0  }
0x5d: {  	[sflag:s0] =	ssyncadd.s32 @!p0 s1  }
0x5e: {  	[bflag:$0x3] =	sbarrier.arrive $0xFFFF  }
0x5f: {  	_ =	shalt  }

// kernel: scatter_offload_async_start.1
scs
__scs_entry_jumppad:
0x0: {  	(pc) =	sbr.rel $0x88, $3  }
0x1: {  	(tag) =	ssettag $0x0;
	lr =	simm.s32 $0x1  }
0x2: {  	[smem:$0x3F92] =	sst lr;
	_ =	strace $0xD0000000  }
0x3: {  	_ = 	snop  }
0x4: {  	_ = 	snop  }
0x5: {  	_ = 	snop  }
0x6: {  	_ = 	snop  }
0x7: {  	_ = 	snop  }
__scs_overlays_trampoline_lowered:
0x8: {  	[smem:$0x3FA1] =	sst s0  }
0x9: {  	[smem:$0x3FA2] =	sst s1  }
0xa: {  	[smem:$0x3FA3] =	sst s2  }
0xb: {  	[smem:$0x3FA4] =	sst s3  }
0xc: {  	[smem:$0x3FA5] =	sst s4  }
0xd: {  	[smem:$0x3FA6] =	sst s5  }
0xe: {  	[smem:$0x3FA7] =	sst s6  }
0xf: {  	[smem:$0x3FA8] =	sst s7  }
0x10: {  	[smem:$0x3FA9] =	sst s8  }
0x11: {  	[smem:$0x3FAA] =	sst s9;
	s0 =	simm.s32 @!p0 $0x0  }
0x12: {  	s1 =	sld [smem:$0x3F90];
	s0 =	simm.s32 @p0 $0x1  }
0x13: {  	[smem:$0x3FAB] =	sst s0;
	s0 =	simm.s32 @!p1 $0x0  }
0x14: {  	s2 =	sld [smem:$0x3F8F];
	s0 =	simm.s32 @p1 $0x1  }
0x15: {  	[smem:$0x3FAC] =	sst s0;
	s0 =	simm.s32 @!p2 $0x0  }
0x16: {  	s3 =	sld [smem:$0x3FDB];
	s0 =	simm.s32 @p2 $0x1  }
0x17: {  	s4 =	simm.s32 $0x1BF5;
	[smem:$0x3FAE] =	sst s0  }
0x18: {  	s0 =	sld [smem:$0x3F91];
	_ =	swait.ge [sflag:s4], $0x0  }
0x19: {  	s7 =	sld [smem:$0x3F92]  }
0x1a: {  	s8 =	sadd.s32 $0xFFFFE003, lr  }
0x1b: {  	s9 =	sadd.s32 $0xFFFFFEF7, lr;
	s5 =	simm.s32 $0xFFFFFFFF;
	p2 =	slt.u32 s8, $0xFFFFF086  }
0x1c: {  	p1 =	slt.u32 s9, $0xF7A;
	s5 =	simm.s32 @!p2 $0x0  }
0x1d: {  	s5 =	simm.s32 @p1 $0x1;
	p0 =	seq.s32 s7, s2  }
0x1e: {  	s7 =	smul.u32 @!p0 $0xF7A, s2;
	p2 =	seq.s32 @!p0 s5, $0x0  }
0x1f: {  	s9 =	smul.u32 $0xF7A, s1;
	s8 =	simm.s32 @!p0 $0x1BF5;
	p2 =	por !p2, p0  }
0x20: {  	[sflag:s8] =	ssyncset.s32 @!p0 $0xFFFFF086;
	s6 =	sadd.s32 @!p0 s3, s7;
	s7 =	simm.s32 @!p0 $0x108  }
0x21: {  	s3 =	sadd.s32 s3, s9;
	s6 =	sadd.s32 @!p0 $0x88, s6;
	s7 =	simm.s32 @p2 $0x1082  }
0x22: {  	[simem:s7], [sflag:s8] =	dma.local @!p0 [hbm:s6], $0xF7A  }
0x23: {  	s9 =	sor.u32 $0xD0000000, s2;
	s6 =	simm.s32 $0x108;
	_ =	swait.ge @!p0 [sflag:s8], $0x0  }
0x24: {  	s3 =	sadd.s32 $0x88, s3;
	s6 =	simm.s32 @!p1 $0x1082;
	[sflag:s4] =	ssyncset.s32 $0xFFFFF086  }
0x25: {  	[simem:s6], [sflag:s4] =	dma.local [hbm:s3], $0xF7A  }
0x26: {  	[smem:$0x3F92] =	sst s1;
	(tag) =	ssettag s2;
	_ =	strace s9  }
0x27: {  	s1 =	sld [smem:$0x3FA2]  }
0x28: {  	s2 =	sld [smem:$0x3FA3]  }
0x29: {  	s4 =	sld [smem:$0x3FA5]  }
0x2a: {  	p0 =	seq.s32 s5, $0x0;
	s5 =	sld [smem:$0x3FA6]  }
0x2b: {  	s6 =	sld [smem:$0x3FA7]  }
0x2c: {  	s7 =	sld [smem:$0x3FA8]  }
0x2d: {  	s3 =	simm.s32 $0x108;
	s8 =	sld [smem:$0x3FA9]  }
0x2e: {  	s3 =	simm.s32 @!p0 $0x1082;
	s9 =	sld [smem:$0x3FAA]  }
0x2f: {  	lr =	sadd.s32 s0, s3;
	s0 =	sld [smem:$0x3FA1]  }
0x30: {  	s3 =	sld [smem:$0x3FA4]  }
0x31: {  	[smem:$0x3FAD] =	sst s10  }
0x32: {  	s10 =	sld [smem:$0x3FAB];
	_ =	sdelay $0x3  }
0x33: {  	p0 =	seq.s32 s10, $0x1;
	s10 =	sld [smem:$0x3FAD];
	_ =	sdelay $0x3  }
0x34: {  	[smem:$0x3FAD] =	sst s10  }
0x35: {  	s10 =	sld [smem:$0x3FAC];
	_ =	sdelay $0x3  }
0x36: {  	p1 =	seq.s32 s10, $0x1;
	s10 =	sld [smem:$0x3FAD];
	_ =	sdelay $0x3  }
0x37: {  	[smem:$0x3FAD] =	sst s10  }
0x38: {  	s10 =	sld [smem:$0x3FAE]  }
0x39: {  	_ = 	snop;
	(pc) =	sbr.ind lr, $3  }
0x3a: {  	_ = 	snop  }
0x3b: {  	_ = 	snop  }
0x3c: {  	p2 =	seq.s32 s10, $0x1;
	s10 =	sld [smem:$0x3FAD]  }
0x3d: {  	_ =	shalt  }
0x3e: {  	_ =	shalt  }
0x3f: {  	_ =	shalt  }
0x40: {  	_ =	shalt  }
0x41: {  	_ =	shalt  }
0x42: {  	_ =	shalt  }
0x43: {  	_ =	shalt  }
0x44: {  	_ =	shalt  }
0x45: {  	_ =	shalt  }
0x46: {  	_ =	shalt  }
0x47: {  	_ =	shalt  }
0x48: {  	_ =	shalt  }
0x49: {  	_ =	shalt  }
0x4a: {  	_ =	shalt  }
0x4b: {  	_ =	shalt  }
0x4c: {  	_ =	shalt  }
0x4d: {  	_ =	shalt  }
0x4e: {  	_ =	shalt  }
0x4f: {  	_ =	shalt  }
0x50: {  	_ =	shalt  }
0x51: {  	_ =	shalt  }
0x52: {  	_ =	shalt  }
0x53: {  	_ =	shalt  }
0x54: {  	_ =	shalt  }
0x55: {  	_ =	shalt  }
0x56: {  	_ =	shalt  }
0x57: {  	_ =	shalt  }
0x58: {  	_ =	shalt  }
0x59: {  	_ =	shalt  }
0x5a: {  	_ =	shalt  }
0x5b: {  	_ =	shalt  }
0x5c: {  	_ =	shalt  }
0x5d: {  	_ =	shalt  }
0x5e: {  	_ =	shalt  }
0x5f: {  	_ =	shalt  }
0x60: {  	_ =	shalt  }
0x61: {  	_ =	shalt  }
0x62: {  	_ =	shalt  }
0x63: {  	_ =	shalt  }
0x64: {  	_ =	shalt  }
0x65: {  	_ =	shalt  }
0x66: {  	_ =	shalt  }
0x67: {  	_ =	shalt  }
0x68: {  	_ =	shalt  }
0x69: {  	_ =	shalt  }
0x6a: {  	_ =	shalt  }
0x6b: {  	_ =	shalt  }
0x6c: {  	_ =	shalt  }
0x6d: {  	_ =	shalt  }
0x6e: {  	_ =	shalt  }
0x6f: {  	_ =	shalt  }
0x70: {  	_ =	shalt  }
0x71: {  	_ =	shalt  }
0x72: {  	_ =	shalt  }
0x73: {  	_ =	shalt  }
0x74: {  	_ =	shalt  }
0x75: {  	_ =	shalt  }
0x76: {  	_ =	shalt  }
0x77: {  	_ =	shalt  }
0x78: {  	_ =	shalt  }
0x79: {  	_ =	shalt  }
0x7a: {  	_ =	shalt  }
0x7b: {  	_ =	shalt  }
0x7c: {  	_ =	shalt  }
0x7d: {  	_ =	shalt  }
0x7e: {  	_ =	shalt  }
0x7f: {  	_ =	shalt  }
0x80: {  	_ =	shalt  }
0x81: {  	_ =	shalt  }
0x82: {  	_ =	shalt  }
0x83: {  	_ =	shalt  }
0x84: {  	_ =	shalt  }
0x85: {  	_ =	shalt  }
0x86: {  	_ =	shalt  }
0x87: {  	_ =	shalt  }
.Lfunc_end0:
.L_simem_size_0:
called_computation.1_lowered:
.L_overlay_start_0:
0x88: {  	s0 =	sld [smem:$0x3FD9]  }
0x89: {  	s1 =	sld [smem:$0x3FFE];
	_ =	sdelay $0x3  }
0x8a: {  	s0 =	sadd.s32 s1, s0  }
0x8b: {  	[smem:$0x3FB9] =	sst s0  }
0x8c: {  	_ = 	snop  }
0x8d: {  	(tm) =	ssettm $0x1  }
0x8e: {  	s14 =	sld [smem:$0x3FFB];
	_ =	sdelay $0x3  }
0x8f: {  	_ =	strace s14  }
0x90: {  	s0 =	sld [smem:$0x3FFC];
	_ =	sdelay $0x3  }
0x91: {  	_ =	strace s0  }
0x92: {  	s0 =	sld [smem:$0x3FFD];
	_ =	sdelay $0x3  }
0x93: {  	_ =	strace s0  }
0x94: {  	_ =	strace $0x8FFFFFFF  }
0x95: {  	s15 =	sld [smem:$0x3FDB];
	_ =	sdelay $0x1  }
0x96: {  	s16 =	simm.s32 $_scs_section_size  }
0x97: {  	s2 =	simm.s32 $_size__tile_overlayer_lowered;
	s3 =	simm.s32 $_tile_overlayer_lowered  }
0x98: {  	s4 =	simm.s32 $0x1BFF;
	s17 =	sshll.u32 s3, $0x1;
	s1 =	sadd.s32 s16, s15  }
0x99: {  	s18 =	simm.s32 $0x0;
	s2 =	sshll.u32 s2, $0x1;
	s3 =	sadd.s32 s17, s1  }
0x9a: {  	[timem:s18], [sflag:s4] =	dma.local [hbm:s3], s2  }
0x9b: {  	_ =	swait.ge [sflag:s4], s2  }
0x9c: {  	s2 =	ssub.s32 $0x0, s2;
	[sflag:s4] =	ssyncset.done $0x0  }
0x9d: {  	[sflag:s4] =	ssyncadd.s32 s2;
	_ =	sdelay $0x1  }
0x9e: {  	s19 =	simm.s32 $0x1B8B  }
0x9f: {  	_ =	swait.ge [sflag:s19], $0x1  }
0xa0: {  	[sflag:s19] =	ssyncset.done $0x0  }
0xa1: {  	s21 =	simm.s32 $0x1B8E;
	s20 =	sld [smem:$0x3FFE];
	[sflag:s19] =	ssyncadd.s32 $0xFFFFFFFF  }
0xa2: {  	s22 =	simm.s32 $execute0_lowered;
	[smem:$0x3FD2] =	sst s21  }
0xa3: {  	s3 =	sshll.u32 s22, $0x1;
	_ =	strace $0x80000046;
	[dreg:$0x1] =	wrdreg $0xFFFFFFFF  }
0xa4: {  	s23 =	simm.s32 $_size_execute0_lowered;
	s3 =	sadd.s32 s1, s3;
	[dreg:$0x0] =	wrdreg $0x0  }
0xa5: {  	s4 =	sshll.u32 s23, $0x1;
	[dreg:$0x2] =	wrdreg s3  }
0xa6: {  	[dreg:$0x3] =	wrdreg s4  }
0xa7: {  	[dreg:$0x4] =	wrdreg $0xC0  }
0xa8: {  	s24 =	simm.s32 $execute1_lowered;
	_ =	task [dreg:s18], $0x5FFFF  }
0xa9: {  	s3 =	sshll.u32 s24, $0x1;
	[dreg:$0x1] =	wrdreg $0xFFFFFFFF  }
0xaa: {  	s1 =	sadd.s32 s1, s3;
	[dreg:$0x0] =	wrdreg $0x60  }
0xab: {  	[dreg:$0x2] =	wrdreg s1  }
0xac: {  	[dreg:$0x3] =	wrdreg s20  }
0xad: {  	[dreg:$0x4] =	wrdreg $0x9  }
0xae: {  	_ =	task.clear_ibuf [dreg:s18], $0x5FFFF;
	_ =	strace $0x90000046  }
0xaf: {  	s25 =	simm.s32 $0x9;
	_ =	strace $0x80000048  }
0xb0: {  	_ =	swait.ge [sflag:s25], $0x1  }
0xb1: {  	[sflag:s25] =	ssyncadd.s32 $0xFFFFFFFF  }
0xb2: {  	_ =	strace $0x90000048  }
0xb3: {  	_ =	strace $0x80000049;
	[dreg:$0x1] =	wrdreg $0xFFFFFFFF  }
0xb4: {  	[dreg:$0x0] =	wrdreg $0x2030  }
0xb5: {  	[dreg:$0x2] =	wrdreg s20  }
0xb6: {  	[dreg:$0x3] =	wrdreg $0xA  }
0xb7: {  	_ =	task.clear_ibuf [dreg:s18], $0x4FFFF;
	_ =	strace $0x90000049  }
0xb8: {  	s26 =	simm.s32 $0xA;
	_ =	strace $0x8000004B  }
0xb9: {  	_ =	swait.ge [sflag:s26], $0x1  }
0xba: {  	[sflag:s26] =	ssyncadd.s32 $0xFFFFFFFF  }
0xbb: {  	_ =	strace $0x9000004B  }
0xbc: {  	_ =	sfence  }
0xbd: {  	s28 =	sld [smem:$0x0];
	_ =	sdelay $0x1  }
0xbe: {  	s29 =	srdreg.scid  }
0xbf: {  	s30 =	sshll.u32 s29, $0xD;
	s31 =	sshrl.u32 s29, $0x2  }
0xc0: {  	s2 =	sand.u32 $0x1, s29;
	s3 =	sand.u32 $0x4000, s30;
	s1 =	sadd.s32 s31, s28  }
0xc1: {  	s2 =	sor.u32 s3, s2;
	s1 =	sshll.u32 s1, $0x11  }
0xc2: {  	s1 =	sor.u32 s1, s2  }
0xc3: {  	s1 =	sadd.s32 $0x8F2B, s1  }
0xc4: {  	[sflag:s1] =	ssyncadd.remote.s32 $0x1  }
0xc5: {  	_ =	sfence.sel $0xFFFF  }
0xc6: {  	[dreg:$0x0] =	wrdreg $0xFFFFFFFF;
	(pc) =	sbr.abs _section_cstart, $3  }
0xc7: {  	[dreg:$0x1] =	wrdreg $0xFFFFFFFF  }
0xc8: {  	_ =	task.clear_ibuf [dreg:s18], $0x2FFFF;
	_ =	strace $0x9FFFFFFF  }
0xc9: {  	(tm) =	ssettm $0x7FFFFFFF  }
tec
execute0_lowered:
.L_overlay_start_1:
0x0: {  	(tag) =	ssettag $0x1  }
0x1: {  	s2 =	rddreg [dreg:$0x0]  }
0x2: {  	s7 =	rddreg [dreg:$0x1]  }
0x3: {  	s0 =	rddreg [dreg:$0x2];
	s3 =	stileid.u32  }
0x4: {  	[bflag:$0x3] =	sbarrier.arrive $0xFFFF;
	s1 =	simm.s32 $_size_execute1_lowered;
	p0 =	sne.s32 s3, $0x0  }
0x5: {  	s1 =	sshll.u32 s1, $0x1;
	s4 =	simm.s32 @!p0 $0x1C3F;
	s5 =	simm.s32 @!p0 $0x4060  }
0x6: {  	[timem:s5], [sflag:s4] =	dma.local @!p0 [hbm:s2], s1  }
0x7: {  	s4 =	sshll.u32 s3, $0x7  }
0x8: {  	s30 =	ssub.s32 $0x800, s4  }
0x9: {  	s31 =	sand.u32 $0x780, s30  }
0xa: {  	s8 =	simm.s32 $0x1;
	s6 =	sshll.u32 s3, $0x4;
	p1 =	sne.s32 s31, $0x0  }
0xb: {  	s9 =	sadd.s32 s6, s7;
	s5 =	sshrl.u32 s30, $0xB;
	s8 =	simm.s32 @!p1 $0x0  }
0xc: {  	s2 =	simm.s32 $0x1;
	s3 =	simm.s32 $0x2;
	s6 =	sadd.s32 s8, s5  }
0xd: {  	_ =	strace $0x80000047;
	s5 =	simm.s32 $0x0;
	p3 =	sle.u32 s6, $0x0  }
0xe: {  	[sflag:s2] =	ssyncpa.u1 $0x0;
	s8 =	sadd.s32 $0x9A00, s9;
	s9 =	sxor.u32 @!p3 $0xFFFFFFFF, s5  }
0xf: {  	[sflag:s3] =	ssyncpa.u1 $0x0;
	s10 =	simm.s32 @!p3 $0x0;
	s9 =	sand.u32 @!p3 $0x80, s9  }
0x10: {  	[tilespmem:s9], [sflag:$0x1] =	stream.linear.gather @!p3 [hbm4b:s8+s10], $0x80, $0x38;
	[tilespmem:$0x200] =	vst v63  }
0x11: {  	p2 =	sle.u32 s6, $0xFFFFFFFF;
	s9 =	sadd.s32 $0x1, s6  }
0x12: {  	p1 =	por p2, p2;
	p3 =	sne.s32 s9, $0x0  }
.Ltmp0:
0x13: {  	s13 =	simm.s32 @!p1 $0x1;
	(pc) =	sbr.rel @!p3 .LBB2_2-.Ltmp0, $4  }
0x14: {  	_ =	swait.ge @!p1 [sflag:s13], $0x80  }
0x15: {  	s11 =	simm.s32 $0x1;
	[sflag:s13] =	ssyncset.done @!p1 $0x0  }
0x16: {  	s12 =	sand.u32 @!p1 $0x80, s5;
	s10 =	sadd.s32 $0x9C00, s7;
	[sflag:s13] =	ssyncadd.s32 @!p1 $0xFFFFFF80  }
0x17: {  	s14 =	simm.s32 $0x0;
	s7 =	sadd.s32 @!p2 $0x0, s10;
	s13 =	sor.u32 @!p1 $0x100, s12;
	v0 =	vld @!p1 [tilespmem:s12+$0x50]  }
.LBB2_1:
0x18: {  	p2 =	sne.s32 s11, s9  }
0x19: {  	v1 =	vld @!p1 [tilespmem:s12+$0x30];
	s14 =	sadd.s32 $0x80, s14;
	s15 =	smov.u32 s11;
	s11 =	sadd.s32 $0x1, s11  }
0x1a: {  	v2 =	vld @!p1 [tilespmem:s12+$0x70]  }
0x1b: {  	v3 =	vld @!p1 [tilespmem:s12+$0x60]  }
0x1c: {  	v4 =	vld @!p1 [tilespmem:s12+$0x10]  }
0x1d: {  	v5 =	vld @!p1 [tilespmem:s12+$0x0];
	[tilespmem:s12+$0x150] =	vst @!p1 v0  }
0x1e: {  	p3 =	sge.u32 s15, s6;
	[tilespmem:s12+$0x130] =	vst @!p1 v1;
	v0 =	vld @!p1 [tilespmem:s12+$0x40]  }
0x1f: {  	s17 =	sadd.s32 $0xFFFFFFFF, s15;
	s16 =	sxor.u32 @!p3 $0xFFFFFFFF, s14;
	v1 =	vld @!p1 [tilespmem:s12+$0x20];
	[tilespmem:s12+$0x170] =	vst @!p1 v2  }
0x20: {  	p4 =	sge.u32 s17, s6;
	s16 =	sand.u32 @!p3 $0x80, s16;
	[tilespmem:s12+$0x160] =	vst @!p1 v3  }
0x21: {  	s17 =	sshrl.u32 @!p4 s4, $0x3;
	[tilespmem:s12+$0x110] =	vst @!p1 v4  }
0x22: {  	s17 =	sadd.s32 @!p4 s10, s17;
	[tilespmem:s12+$0x100] =	vst @!p1 v5  }
0x23: {  	s18 =	simm.s32 @!p1 $0x0;
	p5 =	slt.u32 s5, $0x2;
	s5 =	smov.u32 s15;
	[tilespmem:s12+$0x140] =	vst @!p1 v0  }
0x24: {  	[tilespmem:s12+$0x120] =	vst @!p1 v1;
	s12 =	simm.s32 @!p5 $0x2  }
0x25: {  	[hbm4b:s7+s18] =	stream.linear.scatter @!p1 [tilespmem:s13], [sflag:$0x2], $0x80, $0x38;
	[tilespmem:$0x200] =	vst v63  }
0x26: {  	s13 =	simm.s32 @!p3 $0x0;
	s7 =	smov.u32 s17;
	_ =	swait.ge @!p5 [sflag:s12], $0x80  }
0x27: {  	p1 =	por p4, p4;
	[sflag:s12] =	ssyncset.done @!p5 $0x0  }
0x28: {  	s15 =	simm.s32 @!p1 $0x1;
	[sflag:s12] =	ssyncadd.s32 @!p5 $0xFFFFFF80  }
0x29: {  	[tilespmem:s16], [sflag:$0x1] =	stream.linear.gather @!p3 [hbm4b:s8+s13], $0x80, $0x38;
	[tilespmem:$0x200] =	vst v63  }
.Ltmp1:
0x2a: {  	_ = 	snop;
	(pc) =	sbr.rel @p2 .LBB2_1-.Ltmp1, $4  }
0x2b: {  	_ =	swait.ge @!p1 [sflag:s15], $0x80  }
0x2c: {  	s12 =	sand.u32 @!p1 $0x80, s14;
	[sflag:s15] =	ssyncset.done @!p1 $0x0  }
0x2d: {  	s13 =	sor.u32 @!p1 $0x100, s12;
	[sflag:s15] =	ssyncadd.s32 @!p1 $0xFFFFFF80  }
0x2e: {  	v0 =	vld @!p1 [tilespmem:s12+$0x50]  }
.LBB2_2:
0x2f: {  	v1 =	vld @!p1 [tilespmem:s12+$0x30]  }
0x30: {  	v2 =	vld @!p1 [tilespmem:s12+$0x70]  }
0x31: {  	v3 =	vld @!p1 [tilespmem:s12+$0x60]  }
0x32: {  	v4 =	vld @!p1 [tilespmem:s12+$0x10]  }
0x33: {  	v5 =	vld @!p1 [tilespmem:s12+$0x0];
	[tilespmem:s12+$0x150] =	vst @!p1 v0  }
0x34: {  	v0 =	vld @!p1 [tilespmem:s12+$0x40];
	[tilespmem:s12+$0x130] =	vst @!p1 v1  }
0x35: {  	v1 =	vld @!p1 [tilespmem:s12+$0x20];
	[tilespmem:s12+$0x170] =	vst @!p1 v2  }
0x36: {  	[tilespmem:s12+$0x160] =	vst @!p1 v3  }
0x37: {  	[tilespmem:s12+$0x110] =	vst @!p1 v4  }
0x38: {  	[tilespmem:s12+$0x100] =	vst @!p1 v5  }
0x39: {  	p2 =	slt.u32 s5, $0x2;
	[tilespmem:s12+$0x140] =	vst @!p1 v0  }
0x3a: {  	s4 =	simm.s32 @!p1 $0x0;
	s5 =	simm.s32 @!p2 $0x2;
	[tilespmem:s12+$0x120] =	vst @!p1 v1  }
0x3b: {  	[hbm4b:s7+s4] =	stream.linear.scatter @!p1 [tilespmem:s13], [sflag:$0x2], $0x80, $0x38;
	[tilespmem:$0x200] =	vst v63  }
0x3c: {  	_ =	swait.ge @!p2 [sflag:s5], $0x80  }
0x3d: {  	[sflag:s5] =	ssyncset.done @!p2 $0x0  }
0x3e: {  	[sflag:s5] =	ssyncadd.s32 @!p2 $0xFFFFFF80  }
0x3f: {  	_ =	sfence.sel $0x180000  }
0x40: {  	[bflag:$0x0] =	sbarrier.arrive $0xFFFF  }
0x41: {  	[sflag:s2] =	ssyncpa.u1 $0x1  }
0x42: {  	[sflag:s3] =	ssyncpa.u1 $0x1  }
0x43: {  	_ =	strace $0x90000047  }
0x44: {  	s0 =	sadd.s32 @!p0 $0x100000, s0;
	[bflag:$0x2] =	sbarrier.arrive $0xFFFF  }
0x45: {  	[sflag:s0] =	ssyncadd.tile.s32 @!p0 $0x1;
	s0 =	simm.s32 @!p0 $0x3F  }
0x46: {  	_ =	swait.ge @!p0 [sflag:s0], s1  }
0x47: {  	s1 =	ssub.s32 @!p0 $0x0, s1;
	[sflag:s0] =	ssyncset.done @!p0 $0x0  }
0x48: {  	[sflag:s0] =	ssyncadd.s32 @!p0 s1  }
0x49: {  	[bflag:$0x3] =	sbarrier.arrive $0xFFFF  }
0x4a: {  	_ =	shalt  }
.Lfunc_end2:
execute1_lowered:
.L_overlay_start_2:
0x4b: {  	(tag) =	ssettag $0x2  }
0x4c: {  	s4 =	rddreg [dreg:$0x0]  }
0x4d: {  	s0 =	rddreg [dreg:$0x1];
	_ =	strace $0x8000004A;
	s5 =	stileid.u32  }
0x4e: {  	s3 =	simm.s32 $0x3E;
	s1 =	sadd.s32 $0x9C00, s4;
	p0 =	sne.s32 s5, $0x0  }
0x4f: {  	[sflag:s3] =	ssyncpa.u1 $0x0;
	s6 =	simm.s32 @!p0 $0x1C3E;
	s2 =	simm.s32 @!p0 $0x0  }
0x50: {  	[spmem:s2], [sflag:s6] =	dma.local @!p0 [hbm:s1], $0x100  }
0x51: {  	s6 =	simm.s32 @!p0 $0x3E  }
0x52: {  	_ =	swait.ge @!p0 [sflag:s6], $0x100  }
0x53: {  	[sflag:s6] =	ssyncset.done @!p0 $0x0  }
0x54: {  	s13 =	simm.s32 $0x1;
	[sflag:s6] =	ssyncadd.s32 @!p0 $0xFFFFFF00  }
0x55: {  	s7 =	simm.s32 $0x2;
	s8 =	simm.s32 $0x0;
	[bflag:$0x0] =	sbarrier.arrive $0xFFFF  }
0x56: {  	s9 =	simm.s32 $0x100;
	s14 =	sadd.s32 $0x400, s4;
	[sflag:s3] =	ssyncpa.u1 $0x1  }
0x57: {  	s4 =	sadd.s32 $0x9800, s4;
	s5 =	sshll.u32 s5, $0x4;
	[sflag:s13] =	ssyncpa.u1 $0x0  }
0x58: {  	s6 =	sadd.s32 s14, s5;
	(ifvalue) =	ssetifvalue $0x800;
	[sflag:s7] =	ssyncpa.u1 $0x0  }
0x59: {  	[tilespmem:s9], [sflag:$0x2] =	stream.linear.gather [hbm4b:s6+s8], $0x80, $0x38;
	[tilespmem:$0x280] =	vst v63  }
0x5a: {  	s15 =	simm.s32 $0x200;
	s4 =	sadd.s32 s4, s5  }
0x5b: {  	[tilespmem:s15], [sflag:$0x2] =	stream.linear.gather [hbm4b:s4+s8], $0x80, $0x38;
	[tilespmem:$0x280] =	vst v63  }
0x5c: {  	_ =	swait.ge [sflag:s7], $0x100  }
0x5d: {  	[sflag:s7] =	ssyncset.done $0x0  }
0x5e: {  	[sflag:s7] =	ssyncadd.s32 $0xFFFFFF00  }
0x5f: {  	v0 =	vld.msk [tilespmem:s9+$0x0 ss:$0x1], $0xffff;
	_ =	sdelay $0x4  }
0x60: {  	v0 =	vmin.u32 v0, $0x800;
	_ =	sdelay $0x3  }
0x61: {  	vm0 =	vmmov $0xffff;
	s16 =	simm.s32 $0x110  }
0x62: {  	[spmem:s8] =	stream.indirect_vreg.scatter.add.s32 [tilespmem:s15], [sflag:$0x1], $0x1, v0, vm0, $0x4038;
	[tilespmem:$0x280] =	vst v63  }
0x63: {  	v0 =	vld.msk [tilespmem:s16+$0x0 ss:$0x1], $0xffff;
	_ =	sdelay $0x4  }
0x64: {  	v0 =	vmin.u32 v0, $0x800;
	_ =	sdelay $0x3  }
0x65: {  	s17 =	simm.s32 $0x210;
	s18 =	simm.s32 $0x120  }
0x66: {  	[spmem:s8] =	stream.indirect_vreg.scatter.add.s32 [tilespmem:s17], [sflag:$0x1], $0x1, v0, vm0, $0x4038;
	[tilespmem:$0x280] =	vst v63  }
0x67: {  	v0 =	vld.msk [tilespmem:s18+$0x0 ss:$0x1], $0xffff;
	_ =	sdelay $0x4  }
0x68: {  	v0 =	vmin.u32 v0, $0x800;
	_ =	sdelay $0x3  }
0x69: {  	s19 =	simm.s32 $0x220;
	s20 =	simm.s32 $0x130  }
0x6a: {  	[spmem:s8] =	stream.indirect_vreg.scatter.add.s32 [tilespmem:s19], [sflag:$0x1], $0x1, v0, vm0, $0x4038;
	[tilespmem:$0x280] =	vst v63  }
0x6b: {  	v0 =	vld.msk [tilespmem:s20+$0x0 ss:$0x1], $0xffff;
	_ =	sdelay $0x4  }
0x6c: {  	v0 =	vmin.u32 v0, $0x800;
	_ =	sdelay $0x3  }
0x6d: {  	s21 =	simm.s32 $0x230;
	s22 =	simm.s32 $0x140  }
0x6e: {  	[spmem:s8] =	stream.indirect_vreg.scatter.add.s32 [tilespmem:s21], [sflag:$0x1], $0x1, v0, vm0, $0x4038;
	[tilespmem:$0x280] =	vst v63  }
0x6f: {  	v0 =	vld.msk [tilespmem:s22+$0x0 ss:$0x1], $0xffff;
	_ =	sdelay $0x4  }
0x70: {  	v0 =	vmin.u32 v0, $0x800;
	_ =	sdelay $0x3  }
0x71: {  	s23 =	simm.s32 $0x240;
	s24 =	simm.s32 $0x150  }
0x72: {  	[spmem:s8] =	stream.indirect_vreg.scatter.add.s32 [tilespmem:s23], [sflag:$0x1], $0x1, v0, vm0, $0x4038;
	[tilespmem:$0x280] =	vst v63  }
0x73: {  	v0 =	vld.msk [tilespmem:s24+$0x0 ss:$0x1], $0xffff;
	_ =	sdelay $0x4  }
0x74: {  	v0 =	vmin.u32 v0, $0x800;
	_ =	sdelay $0x3  }
0x75: {  	s25 =	simm.s32 $0x250;
	s26 =	simm.s32 $0x160  }
0x76: {  	[spmem:s8] =	stream.indirect_vreg.scatter.add.s32 [tilespmem:s25], [sflag:$0x1], $0x1, v0, vm0, $0x4038;
	[tilespmem:$0x280] =	vst v63  }
0x77: {  	v0 =	vld.msk [tilespmem:s26+$0x0 ss:$0x1], $0xffff;
	_ =	sdelay $0x4  }
0x78: {  	v0 =	vmin.u32 v0, $0x800;
	_ =	sdelay $0x3  }
0x79: {  	s28 =	simm.s32 $0x260;
	s29 =	simm.s32 $0x170  }
0x7a: {  	[spmem:s8] =	stream.indirect_vreg.scatter.add.s32 [tilespmem:s28], [sflag:$0x1], $0x1, v0, vm0, $0x4038;
	[tilespmem:$0x280] =	vst v63  }
0x7b: {  	v0 =	vld.msk [tilespmem:s29+$0x0 ss:$0x1], $0xffff;
	_ =	sdelay $0x4  }
0x7c: {  	v0 =	vmin.u32 v0, $0x800;
	_ =	sdelay $0x3  }
0x7d: {  	s30 =	simm.s32 $0x270  }
0x7e: {  	[spmem:s8] =	stream.indirect_vreg.scatter.add.s32 [tilespmem:s30], [sflag:$0x1], $0x1, v0, vm0, $0x4038;
	[tilespmem:$0x280] =	vst v63  }
0x7f: {  	_ =	swait.ge [sflag:s13], $0x80  }
0x80: {  	[sflag:s13] =	ssyncset.done $0x0  }
0x81: {  	[sflag:s13] =	ssyncadd.s32 $0xFFFFFF80  }
0x82: {  	_ =	sfence.sel $0x180000  }
0x83: {  	[bflag:$0x0] =	sbarrier.arrive $0xFFFF  }
0x84: {  	[sflag:s7] =	ssyncpa.u1 $0x1  }
0x85: {  	[sflag:s13] =	ssyncpa.u1 $0x1  }
0x86: {  	_ =	sfence.stream.spmem  }
0x87: {  	s31 =	simm.s32 $0x3D;
	[bflag:$0x0] =	sbarrier.arrive $0xFFFF  }
0x88: {  	s3 =	simm.s32 @p0 $0x3D;
	[sflag:s31] =	ssyncpa.u1 $0x0  }
0x89: {  	[sflag:s3] =	ssyncpa.u1 @p0 $0x1  }
0x8a: {  	[bflag:$0x0] =	sbarrier.arrive @p0 $0xFFFF  }
0x8b: {  	_ =	strace @p0 $0x9000004A  }
0x8c: {  	s3 =	simm.s32 @!p0 $0x1C3D;
	[bflag:$0x2] =	sbarrier.arrive @p0 $0xFFFF  }
0x8d: {  	[hbm:s1], [sflag:s3] =	dma.local @!p0 [spmem:s2], $0x100  }
0x8e: {  	s1 =	simm.s32 @!p0 $0x3D  }
0x8f: {  	_ =	swait.ge @!p0 [sflag:s1], $0x100  }
0x90: {  	[sflag:s1] =	ssyncset.done @!p0 $0x0  }
0x91: {  	[sflag:s1] =	ssyncadd.s32 @!p0 $0xFFFFFF00  }
0x92: {  	[sflag:s1] =	ssyncpa.u1 @!p0 $0x1  }
0x93: {  	[bflag:$0x0] =	sbarrier.arrive @!p0 $0xFFFF  }
0x94: {  	_ =	strace @!p0 $0x9000004A  }
0x95: {  	s0 =	sadd.s32 @!p0 $0x100000, s0;
	[bflag:$0x2] =	sbarrier.arrive @!p0 $0xFFFF  }
0x96: {  	[sflag:s0] =	ssyncadd.tile.s32 @!p0 $0x1;
	_ =	shalt  }
.Lfunc_end3:
_tile_overlayer_lowered:
.L_overlay_start_3:
0x97: {  	(tag) =	ssettag $0x3  }
0x98: {  	s0 =	rddreg [dreg:$0x0];
	s2 =	stileid.u32  }
0x99: {  	s1 =	rddreg [dreg:$0x1];
	p0 =	sne.s32 s2, $0x0  }
0x9a: {  	s3 =	rddreg [dreg:$0x2];
	[bflag:$0x3] =	sbarrier.arrive $0xFFFF;
	s2 =	simm.s32 @!p0 $0x1C01  }
0x9b: {  	[timem:s3], [sflag:s2] =	dma.local @!p0 [hbm:s0], s1  }
0x9c: {  	s0 =	simm.s32 @!p0 $0x1  }
0x9d: {  	_ =	swait.ge @!p0 [sflag:s0], s1  }
0x9e: {  	s1 =	ssub.s32 @!p0 $0x0, s1;
	[sflag:s0] =	ssyncset.done @!p0 $0x0  }
0x9f: {  	[sflag:s0] =	ssyncadd.s32 @!p0 s1  }
0xa0: {  	[bflag:$0x3] =	sbarrier.arrive $0xFFFF  }
0xa1: {  	_ =	shalt  }

// kernel: scatter_offload_async_start
scs
__scs_entry_jumppad:
0x0: {  	(pc) =	sbr.rel $0x88, $3  }
0x1: {  	(tag) =	ssettag $0x0;
	lr =	simm.s32 $0x1  }
0x2: {  	[smem:$0x3F92] =	sst lr;
	_ =	strace $0xD0000000  }
0x3: {  	_ = 	snop  }
0x4: {  	_ = 	snop  }
0x5: {  	_ = 	snop  }
0x6: {  	_ = 	snop  }
0x7: {  	_ = 	snop  }
__scs_overlays_trampoline_lowered:
0x8: {  	[smem:$0x3FA1] =	sst s0  }
0x9: {  	[smem:$0x3FA2] =	sst s1  }
0xa: {  	[smem:$0x3FA3] =	sst s2  }
0xb: {  	[smem:$0x3FA4] =	sst s3  }
0xc: {  	[smem:$0x3FA5] =	sst s4  }
0xd: {  	[smem:$0x3FA6] =	sst s5  }
0xe: {  	[smem:$0x3FA7] =	sst s6  }
0xf: {  	[smem:$0x3FA8] =	sst s7  }
0x10: {  	[smem:$0x3FA9] =	sst s8  }
0x11: {  	[smem:$0x3FAA] =	sst s9;
	s0 =	simm.s32 @!p0 $0x0  }
0x12: {  	s1 =	sld [smem:$0x3F90];
	s0 =	simm.s32 @p0 $0x1  }
0x13: {  	[smem:$0x3FAB] =	sst s0;
	s0 =	simm.s32 @!p1 $0x0  }
0x14: {  	s2 =	sld [smem:$0x3F8F];
	s0 =	simm.s32 @p1 $0x1  }
0x15: {  	[smem:$0x3FAC] =	sst s0;
	s0 =	simm.s32 @!p2 $0x0  }
0x16: {  	s3 =	sld [smem:$0x3FDB];
	s0 =	simm.s32 @p2 $0x1  }
0x17: {  	s4 =	simm.s32 $0x1BF5;
	[smem:$0x3FAE] =	sst s0  }
0x18: {  	s0 =	sld [smem:$0x3F91];
	_ =	swait.ge [sflag:s4], $0x0  }
0x19: {  	s7 =	sld [smem:$0x3F92]  }
0x1a: {  	s8 =	sadd.s32 $0xFFFFE003, lr  }
0x1b: {  	s9 =	sadd.s32 $0xFFFFFEF7, lr;
	s5 =	simm.s32 $0xFFFFFFFF;
	p2 =	slt.u32 s8, $0xFFFFF086  }
0x1c: {  	p1 =	slt.u32 s9, $0xF7A;
	s5 =	simm.s32 @!p2 $0x0  }
0x1d: {  	s5 =	simm.s32 @p1 $0x1;
	p0 =	seq.s32 s7, s2  }
0x1e: {  	s7 =	smul.u32 @!p0 $0xF7A, s2;
	p2 =	seq.s32 @!p0 s5, $0x0  }
0x1f: {  	s9 =	smul.u32 $0xF7A, s1;
	s8 =	simm.s32 @!p0 $0x1BF5;
	p2 =	por !p2, p0  }
0x20: {  	[sflag:s8] =	ssyncset.s32 @!p0 $0xFFFFF086;
	s6 =	sadd.s32 @!p0 s3, s7;
	s7 =	simm.s32 @!p0 $0x108  }
0x21: {  	s3 =	sadd.s32 s3, s9;
	s6 =	sadd.s32 @!p0 $0x88, s6;
	s7 =	simm.s32 @p2 $0x1082  }
0x22: {  	[simem:s7], [sflag:s8] =	dma.local @!p0 [hbm:s6], $0xF7A  }
0x23: {  	s9 =	sor.u32 $0xD0000000, s2;
	s6 =	simm.s32 $0x108;
	_ =	swait.ge @!p0 [sflag:s8], $0x0  }
0x24: {  	s3 =	sadd.s32 $0x88, s3;
	s6 =	simm.s32 @!p1 $0x1082;
	[sflag:s4] =	ssyncset.s32 $0xFFFFF086  }
0x25: {  	[simem:s6], [sflag:s4] =	dma.local [hbm:s3], $0xF7A  }
0x26: {  	[smem:$0x3F92] =	sst s1;
	(tag) =	ssettag s2;
	_ =	strace s9  }
0x27: {  	s1 =	sld [smem:$0x3FA2]  }
0x28: {  	s2 =	sld [smem:$0x3FA3]  }
0x29: {  	s4 =	sld [smem:$0x3FA5]  }
0x2a: {  	p0 =	seq.s32 s5, $0x0;
	s5 =	sld [smem:$0x3FA6]  }
0x2b: {  	s6 =	sld [smem:$0x3FA7]  }
0x2c: {  	s7 =	sld [smem:$0x3FA8]  }
0x2d: {  	s3 =	simm.s32 $0x108;
	s8 =	sld [smem:$0x3FA9]  }
0x2e: {  	s3 =	simm.s32 @!p0 $0x1082;
	s9 =	sld [smem:$0x3FAA]  }
0x2f: {  	lr =	sadd.s32 s0, s3;
	s0 =	sld [smem:$0x3FA1]  }
0x30: {  	s3 =	sld [smem:$0x3FA4]  }
0x31: {  	[smem:$0x3FAD] =	sst s10  }
0x32: {  	s10 =	sld [smem:$0x3FAB];
	_ =	sdelay $0x3  }
0x33: {  	p0 =	seq.s32 s10, $0x1;
	s10 =	sld [smem:$0x3FAD];
	_ =	sdelay $0x3  }
0x34: {  	[smem:$0x3FAD] =	sst s10  }
0x35: {  	s10 =	sld [smem:$0x3FAC];
	_ =	sdelay $0x3  }
0x36: {  	p1 =	seq.s32 s10, $0x1;
	s10 =	sld [smem:$0x3FAD];
	_ =	sdelay $0x3  }
0x37: {  	[smem:$0x3FAD] =	sst s10  }
0x38: {  	s10 =	sld [smem:$0x3FAE]  }
0x39: {  	_ = 	snop;
	(pc) =	sbr.ind lr, $3  }
0x3a: {  	_ = 	snop  }
0x3b: {  	_ = 	snop  }
0x3c: {  	p2 =	seq.s32 s10, $0x1;
	s10 =	sld [smem:$0x3FAD]  }
0x3d: {  	_ =	shalt  }
0x3e: {  	_ =	shalt  }
0x3f: {  	_ =	shalt  }
0x40: {  	_ =	shalt  }
0x41: {  	_ =	shalt  }
0x42: {  	_ =	shalt  }
0x43: {  	_ =	shalt  }
0x44: {  	_ =	shalt  }
0x45: {  	_ =	shalt  }
0x46: {  	_ =	shalt  }
0x47: {  	_ =	shalt  }
0x48: {  	_ =	shalt  }
0x49: {  	_ =	shalt  }
0x4a: {  	_ =	shalt  }
0x4b: {  	_ =	shalt  }
0x4c: {  	_ =	shalt  }
0x4d: {  	_ =	shalt  }
0x4e: {  	_ =	shalt  }
0x4f: {  	_ =	shalt  }
0x50: {  	_ =	shalt  }
0x51: {  	_ =	shalt  }
0x52: {  	_ =	shalt  }
0x53: {  	_ =	shalt  }
0x54: {  	_ =	shalt  }
0x55: {  	_ =	shalt  }
0x56: {  	_ =	shalt  }
0x57: {  	_ =	shalt  }
0x58: {  	_ =	shalt  }
0x59: {  	_ =	shalt  }
0x5a: {  	_ =	shalt  }
0x5b: {  	_ =	shalt  }
0x5c: {  	_ =	shalt  }
0x5d: {  	_ =	shalt  }
0x5e: {  	_ =	shalt  }
0x5f: {  	_ =	shalt  }
0x60: {  	_ =	shalt  }
0x61: {  	_ =	shalt  }
0x62: {  	_ =	shalt  }
0x63: {  	_ =	shalt  }
0x64: {  	_ =	shalt  }
0x65: {  	_ =	shalt  }
0x66: {  	_ =	shalt  }
0x67: {  	_ =	shalt  }
0x68: {  	_ =	shalt  }
0x69: {  	_ =	shalt  }
0x6a: {  	_ =	shalt  }
0x6b: {  	_ =	shalt  }
0x6c: {  	_ =	shalt  }
0x6d: {  	_ =	shalt  }
0x6e: {  	_ =	shalt  }
0x6f: {  	_ =	shalt  }
0x70: {  	_ =	shalt  }
0x71: {  	_ =	shalt  }
0x72: {  	_ =	shalt  }
0x73: {  	_ =	shalt  }
0x74: {  	_ =	shalt  }
0x75: {  	_ =	shalt  }
0x76: {  	_ =	shalt  }
0x77: {  	_ =	shalt  }
0x78: {  	_ =	shalt  }
0x79: {  	_ =	shalt  }
0x7a: {  	_ =	shalt  }
0x7b: {  	_ =	shalt  }
0x7c: {  	_ =	shalt  }
0x7d: {  	_ =	shalt  }
0x7e: {  	_ =	shalt  }
0x7f: {  	_ =	shalt  }
0x80: {  	_ =	shalt  }
0x81: {  	_ =	shalt  }
0x82: {  	_ =	shalt  }
0x83: {  	_ =	shalt  }
0x84: {  	_ =	shalt  }
0x85: {  	_ =	shalt  }
0x86: {  	_ =	shalt  }
0x87: {  	_ =	shalt  }
.Lfunc_end0:
.L_simem_size_0:
called_computation_lowered:
.L_overlay_start_0:
0x88: {  	s0 =	sld [smem:$0x3FD9]  }
0x89: {  	s1 =	sld [smem:$0x3FFE];
	_ =	sdelay $0x3  }
0x8a: {  	s0 =	sadd.s32 s1, s0  }
0x8b: {  	[smem:$0x3FB9] =	sst s0  }
0x8c: {  	_ = 	snop  }
0x8d: {  	(tm) =	ssettm $0x1  }
0x8e: {  	s15 =	sld [smem:$0x3FFB];
	_ =	sdelay $0x3  }
0x8f: {  	_ =	strace s15  }
0x90: {  	s0 =	sld [smem:$0x3FFC];
	_ =	sdelay $0x3  }
0x91: {  	_ =	strace s0  }
0x92: {  	s0 =	sld [smem:$0x3FFD];
	_ =	sdelay $0x3  }
0x93: {  	_ =	strace s0  }
0x94: {  	_ =	strace $0x8FFFFFFF  }
0x95: {  	s16 =	sld [smem:$0x3FDB];
	_ =	sdelay $0x1  }
0x96: {  	s17 =	simm.s32 $_scs_section_size  }
0x97: {  	s2 =	simm.s32 $_size__tile_overlayer_lowered;
	s3 =	simm.s32 $_tile_overlayer_lowered  }
0x98: {  	s20 =	simm.s32 $0x1BFF;
	s19 =	sshll.u32 s3, $0x1;
	s0 =	sadd.s32 s17, s16  }
0x99: {  	s4 =	simm.s32 $0x0;
	s18 =	sshll.u32 s2, $0x1;
	s2 =	sadd.s32 s19, s0  }
0x9a: {  	[timem:s4], [sflag:s20] =	dma.local [hbm:s2], s18  }
0x9b: {  	_ =	swait.ge [sflag:s20], s18  }
0x9c: {  	s1 =	ssub.s32 $0x0, s18;
	[sflag:s20] =	ssyncset.done $0x0  }
0x9d: {  	[sflag:s20] =	ssyncadd.s32 s1;
	_ =	sdelay $0x1  }
0x9e: {  	s21 =	simm.s32 $0x1B8B  }
0x9f: {  	_ =	swait.ge [sflag:s21], $0x1  }
0xa0: {  	[sflag:s21] =	ssyncset.done $0x0  }
0xa1: {  	s23 =	simm.s32 $0x1B8E;
	s22 =	sld [smem:$0x3FFE];
	[sflag:s21] =	ssyncadd.s32 $0xFFFFFFFF  }
0xa2: {  	s24 =	simm.s32 $execute0_lowered;
	[smem:$0x3FD2] =	sst s23  }
0xa3: {  	s2 =	sshll.u32 s24, $0x1;
	_ =	strace $0x8000004C;
	[dreg:$0x1] =	wrdreg $0xFFFFFFFF  }
0xa4: {  	s25 =	simm.s32 $_size_execute0_lowered;
	s0 =	sadd.s32 s0, s2;
	[dreg:$0x0] =	wrdreg $0x0  }
0xa5: {  	s2 =	sshll.u32 s25, $0x1;
	[dreg:$0x2] =	wrdreg s0  }
0xa6: {  	[dreg:$0x3] =	wrdreg s2  }
0xa7: {  	[dreg:$0x4] =	wrdreg $0xC0  }
0xa8: {  	_ =	task [dreg:s4], $0x5FFFF  }
0xa9: {  	[dreg:$0x1] =	wrdreg $0xFFFFFFFF  }
0xaa: {  	[dreg:$0x0] =	wrdreg $0x60  }
0xab: {  	[dreg:$0x2] =	wrdreg s22  }
0xac: {  	[dreg:$0x3] =	wrdreg $0x9  }
0xad: {  	_ =	task.clear_ibuf [dreg:s4], $0x4FFFF;
	_ =	strace $0x9000004C  }
0xae: {  	s26 =	simm.s32 $0x9;
	_ =	strace $0x8000004E  }
0xaf: {  	_ =	swait.ge [sflag:s26], $0x1  }
0xb0: {  	[sflag:s26] =	ssyncadd.s32 $0xFFFFFFFF  }
0xb1: {  	_ =	strace $0x9000004E  }
0xb2: {  	_ =	sfence  }
0xb3: {  	s28 =	sld [smem:$0x0];
	_ =	sdelay $0x1  }
0xb4: {  	s29 =	srdreg.scid  }
0xb5: {  	s30 =	sshll.u32 s29, $0xD;
	s31 =	sshrl.u32 s29, $0x2  }
0xb6: {  	s1 =	sand.u32 $0x1, s29;
	s2 =	sand.u32 $0x4000, s30;
	s0 =	sadd.s32 s31, s28  }
0xb7: {  	s1 =	sor.u32 s2, s1;
	s0 =	sshll.u32 s0, $0x11  }
0xb8: {  	s0 =	sor.u32 s0, s1  }
0xb9: {  	s0 =	sadd.s32 $0x8F2B, s0  }
0xba: {  	[sflag:s0] =	ssyncadd.remote.s32 $0x1  }
0xbb: {  	_ =	sfence.sel $0xFFFF  }
0xbc: {  	[dreg:$0x0] =	wrdreg $0xFFFFFFFF;
	(pc) =	sbr.abs _section_cstart, $3  }
0xbd: {  	[dreg:$0x1] =	wrdreg $0xFFFFFFFF  }
0xbe: {  	_ =	task.clear_ibuf [dreg:s4], $0x2FFFF;
	_ =	strace $0x9FFFFFFF  }
0xbf: {  	(tm) =	ssettm $0x7FFFFFFF  }
tec
execute0_lowered:
.L_overlay_start_1:
0x0: {  	(tag) =	ssettag $0x1  }
0x1: {  	s4 =	rddreg [dreg:$0x0]  }
0x2: {  	s0 =	rddreg [dreg:$0x1];
	_ =	strace $0x8000004D;
	s5 =	stileid.u32  }
0x3: {  	s3 =	simm.s32 $0x3E;
	s1 =	sadd.s32 $0x9A00, s4;
	p0 =	sne.s32 s5, $0x0  }
0x4: {  	[sflag:s3] =	ssyncpa.u1 $0x0;
	s6 =	simm.s32 @!p0 $0x1C3E;
	s2 =	simm.s32 @!p0 $0x0  }
0x5: {  	[spmem:s2], [sflag:s6] =	dma.local @!p0 [hbm:s1], $0x100  }
0x6: {  	s6 =	simm.s32 @!p0 $0x3E  }
0x7: {  	_ =	swait.ge @!p0 [sflag:s6], $0x100  }
0x8: {  	[sflag:s6] =	ssyncset.done @!p0 $0x0  }
0x9: {  	s13 =	simm.s32 $0x1;
	[sflag:s6] =	ssyncadd.s32 @!p0 $0xFFFFFF00  }
0xa: {  	s7 =	simm.s32 $0x2;
	s8 =	simm.s32 $0x0;
	[bflag:$0x0] =	sbarrier.arrive $0xFFFF  }
0xb: {  	s9 =	simm.s32 $0x100;
	s14 =	sadd.s32 $0x600, s4;
	[sflag:s3] =	ssyncpa.u1 $0x1  }
0xc: {  	s4 =	sadd.s32 $0x9800, s4;
	s5 =	sshll.u32 s5, $0x4;
	[sflag:s13] =	ssyncpa.u1 $0x0  }
0xd: {  	s6 =	sadd.s32 s14, s5;
	(ifvalue) =	ssetifvalue $0x800;
	[sflag:s7] =	ssyncpa.u1 $0x0  }
0xe: {  	[tilespmem:s9], [sflag:$0x2] =	stream.linear.gather [hbm4b:s6+s8], $0x80, $0x38;
	[tilespmem:$0x280] =	vst v63  }
0xf: {  	s15 =	simm.s32 $0x200;
	s4 =	sadd.s32 s4, s5  }
0x10: {  	[tilespmem:s15], [sflag:$0x2] =	stream.linear.gather [hbm4b:s4+s8], $0x80, $0x38;
	[tilespmem:$0x280] =	vst v63  }
0x11: {  	_ =	swait.ge [sflag:s7], $0x100  }
0x12: {  	[sflag:s7] =	ssyncset.done $0x0  }
0x13: {  	[sflag:s7] =	ssyncadd.s32 $0xFFFFFF00  }
0x14: {  	v0 =	vld.msk [tilespmem:s9+$0x0 ss:$0x1], $0xffff;
	_ =	sdelay $0x4  }
0x15: {  	v0 =	vmin.u32 v0, $0x800;
	_ =	sdelay $0x3  }
0x16: {  	vm0 =	vmmov $0xffff;
	s16 =	simm.s32 $0x110  }
0x17: {  	[spmem:s8] =	stream.indirect_vreg.scatter.add.s32 [tilespmem:s15], [sflag:$0x1], $0x1, v0, vm0, $0x4038;
	[tilespmem:$0x280] =	vst v63  }
0x18: {  	v0 =	vld.msk [tilespmem:s16+$0x0 ss:$0x1], $0xffff;
	_ =	sdelay $0x4  }
0x19: {  	v0 =	vmin.u32 v0, $0x800;
	_ =	sdelay $0x3  }
0x1a: {  	s17 =	simm.s32 $0x210;
	s18 =	simm.s32 $0x120  }
0x1b: {  	[spmem:s8] =	stream.indirect_vreg.scatter.add.s32 [tilespmem:s17], [sflag:$0x1], $0x1, v0, vm0, $0x4038;
	[tilespmem:$0x280] =	vst v63  }
0x1c: {  	v0 =	vld.msk [tilespmem:s18+$0x0 ss:$0x1], $0xffff;
	_ =	sdelay $0x4  }
0x1d: {  	v0 =	vmin.u32 v0, $0x800;
	_ =	sdelay $0x3  }
0x1e: {  	s19 =	simm.s32 $0x220;
	s20 =	simm.s32 $0x130  }
0x1f: {  	[spmem:s8] =	stream.indirect_vreg.scatter.add.s32 [tilespmem:s19], [sflag:$0x1], $0x1, v0, vm0, $0x4038;
	[tilespmem:$0x280] =	vst v63  }
0x20: {  	v0 =	vld.msk [tilespmem:s20+$0x0 ss:$0x1], $0xffff;
	_ =	sdelay $0x4  }
0x21: {  	v0 =	vmin.u32 v0, $0x800;
	_ =	sdelay $0x3  }
0x22: {  	s21 =	simm.s32 $0x230;
	s22 =	simm.s32 $0x140  }
0x23: {  	[spmem:s8] =	stream.indirect_vreg.scatter.add.s32 [tilespmem:s21], [sflag:$0x1], $0x1, v0, vm0, $0x4038;
	[tilespmem:$0x280] =	vst v63  }
0x24: {  	v0 =	vld.msk [tilespmem:s22+$0x0 ss:$0x1], $0xffff;
	_ =	sdelay $0x4  }
0x25: {  	v0 =	vmin.u32 v0, $0x800;
	_ =	sdelay $0x3  }
0x26: {  	s23 =	simm.s32 $0x240;
	s24 =	simm.s32 $0x150  }
0x27: {  	[spmem:s8] =	stream.indirect_vreg.scatter.add.s32 [tilespmem:s23], [sflag:$0x1], $0x1, v0, vm0, $0x4038;
	[tilespmem:$0x280] =	vst v63  }
0x28: {  	v0 =	vld.msk [tilespmem:s24+$0x0 ss:$0x1], $0xffff;
	_ =	sdelay $0x4  }
0x29: {  	v0 =	vmin.u32 v0, $0x800;
	_ =	sdelay $0x3  }
0x2a: {  	s25 =	simm.s32 $0x250;
	s26 =	simm.s32 $0x160  }
0x2b: {  	[spmem:s8] =	stream.indirect_vreg.scatter.add.s32 [tilespmem:s25], [sflag:$0x1], $0x1, v0, vm0, $0x4038;
	[tilespmem:$0x280] =	vst v63  }
0x2c: {  	v0 =	vld.msk [tilespmem:s26+$0x0 ss:$0x1], $0xffff;
	_ =	sdelay $0x4  }
0x2d: {  	v0 =	vmin.u32 v0, $0x800;
	_ =	sdelay $0x3  }
0x2e: {  	s28 =	simm.s32 $0x260;
	s29 =	simm.s32 $0x170  }
0x2f: {  	[spmem:s8] =	stream.indirect_vreg.scatter.add.s32 [tilespmem:s28], [sflag:$0x1], $0x1, v0, vm0, $0x4038;
	[tilespmem:$0x280] =	vst v63  }
0x30: {  	v0 =	vld.msk [tilespmem:s29+$0x0 ss:$0x1], $0xffff;
	_ =	sdelay $0x4  }
0x31: {  	v0 =	vmin.u32 v0, $0x800;
	_ =	sdelay $0x3  }
0x32: {  	s30 =	simm.s32 $0x270  }
0x33: {  	[spmem:s8] =	stream.indirect_vreg.scatter.add.s32 [tilespmem:s30], [sflag:$0x1], $0x1, v0, vm0, $0x4038;
	[tilespmem:$0x280] =	vst v63  }
0x34: {  	_ =	swait.ge [sflag:s13], $0x80  }
0x35: {  	[sflag:s13] =	ssyncset.done $0x0  }
0x36: {  	[sflag:s13] =	ssyncadd.s32 $0xFFFFFF80  }
0x37: {  	_ =	sfence.sel $0x180000  }
0x38: {  	[bflag:$0x0] =	sbarrier.arrive $0xFFFF  }
0x39: {  	[sflag:s7] =	ssyncpa.u1 $0x1  }
0x3a: {  	[sflag:s13] =	ssyncpa.u1 $0x1  }
0x3b: {  	_ =	sfence.stream.spmem  }
0x3c: {  	s31 =	simm.s32 $0x3D;
	[bflag:$0x0] =	sbarrier.arrive $0xFFFF  }
0x3d: {  	s3 =	simm.s32 @p0 $0x3D;
	[sflag:s31] =	ssyncpa.u1 $0x0  }
0x3e: {  	[sflag:s3] =	ssyncpa.u1 @p0 $0x1  }
0x3f: {  	[bflag:$0x0] =	sbarrier.arrive @p0 $0xFFFF  }
0x40: {  	_ =	strace @p0 $0x9000004D  }
0x41: {  	s3 =	simm.s32 @!p0 $0x1C3D;
	[bflag:$0x2] =	sbarrier.arrive @p0 $0xFFFF  }
0x42: {  	[hbm:s1], [sflag:s3] =	dma.local @!p0 [spmem:s2], $0x100  }
0x43: {  	s1 =	simm.s32 @!p0 $0x3D  }
0x44: {  	_ =	swait.ge @!p0 [sflag:s1], $0x100  }
0x45: {  	[sflag:s1] =	ssyncset.done @!p0 $0x0  }
0x46: {  	[sflag:s1] =	ssyncadd.s32 @!p0 $0xFFFFFF00  }
0x47: {  	[sflag:s1] =	ssyncpa.u1 @!p0 $0x1  }
0x48: {  	[bflag:$0x0] =	sbarrier.arrive @!p0 $0xFFFF  }
0x49: {  	_ =	strace @!p0 $0x9000004D  }
0x4a: {  	s0 =	sadd.s32 @!p0 $0x100000, s0;
	[bflag:$0x2] =	sbarrier.arrive @!p0 $0xFFFF  }
0x4b: {  	[sflag:s0] =	ssyncadd.tile.s32 @!p0 $0x1;
	_ =	shalt  }
.Lfunc_end2:
_tile_overlayer_lowered:
.L_overlay_start_2:
0x4c: {  	(tag) =	ssettag $0x2  }
0x4d: {  	s0 =	rddreg [dreg:$0x0];
	s2 =	stileid.u32  }
0x4e: {  	s1 =	rddreg [dreg:$0x1];
	p0 =	sne.s32 s2, $0x0  }
0x4f: {  	s3 =	rddreg [dreg:$0x2];
	[bflag:$0x3] =	sbarrier.arrive $0xFFFF;
	s2 =	simm.s32 @!p0 $0x1C01  }
0x50: {  	[timem:s3], [sflag:s2] =	dma.local @!p0 [hbm:s0], s1  }
0x51: {  	s0 =	simm.s32 @!p0 $0x1  }
0x52: {  	_ =	swait.ge @!p0 [sflag:s0], s1  }
0x53: {  	s1 =	ssub.s32 @!p0 $0x0, s1;
	[sflag:s0] =	ssyncset.done @!p0 $0x0  }
0x54: {  	[sflag:s0] =	ssyncadd.s32 @!p0 s1  }
0x55: {  	[bflag:$0x3] =	sbarrier.arrive $0xFFFF  }
0x56: {  	_ =	shalt  }

</sc_bundles>
